<compile_context>
chip_gen: v7x
topology: tpu7x:2x2x1
jax: 0.10.2.dev20260603
libtpu: 0.0.44.dev20260713+nightly
codegen_flags: <defaults>
</compile_context>

<pallas_src>
import jax
import jax.numpy as jnp
from jax import lax
from jax.experimental import pallas as pl
from jax.experimental.pallas import tpu as pltpu
from jax.experimental.pallas import tpu_sc as plsc

VOCAB = 1000000
D_MODEL = 64
BATCH = 4096
SEQ = 200

NC = 2
NS = 16
NW = NC * NS
BBLK = BATCH // NW
NG = 8
NWR = 4
JH = D_MODEL // 8
LANES = 16
WPAD = 133


def _embed_kernel(xt_hbm, table_hbm, out_hbm, idx_v, gbufs, wbufs, gsems, wsems):
    wid = lax.axis_index("s") * NC + lax.axis_index("c")

    pltpu.sync_copy(xt_hbm.at[:, pl.ds(wid * BBLK, BBLK)], idx_v)

    lanes = lax.iota(jnp.int32, LANES)

    for b in range(NG):
        pltpu.async_copy(table_hbm.at[idx_v.at[b]], gbufs[b], gsems.at[b])

    jh_c = [(k * LANES + lanes) // 8 for k in range(D_MODEL // LANES)]
    jl_c = [(k * LANES + lanes) % 8 for k in range(D_MODEL // LANES)]

    def transpose_chunk(g, w):
        def bbody(b4, carry):
            for db in range(4):
                b = b4 * 4 + db
                bidx = jnp.full((LANES,), b, jnp.int32)
                vecs = [
                    g[b, pl.ds(k * LANES, LANES)]
                    for k in range(D_MODEL // LANES)
                ]
                for k, vec in enumerate(vecs):
                    plsc.store_scatter(w, [jh_c[k], jl_c[k], bidx], vec)
            return carry

        lax.fori_loop(0, BBLK // 4, bbody, 0)

    def group_body(grp, carry):
        for b in range(NG):
            s = grp * NG + b
            wb = b % NWR
            pltpu.make_async_copy(
                table_hbm.at[idx_v.at[s]], gbufs[b], gsems.at[b]
            ).wait()

            @pl.when(s >= NWR)
            def _():
                pltpu.make_async_copy(
                    wbufs[wb].at[:, :, pl.ds(0, BBLK)],
                    out_hbm.at[s - NWR, :, wid],
                    wsems.at[wb],
                ).wait()

            transpose_chunk(gbufs[b], wbufs[wb])
            pltpu.async_copy(
                wbufs[wb].at[:, :, pl.ds(0, BBLK)],
                out_hbm.at[s, :, wid],
                wsems.at[wb],
            )

            nxt = s + NG

            @pl.when(nxt < SEQ)
            def _():
                pltpu.async_copy(
                    table_hbm.at[idx_v.at[nxt]], gbufs[b], gsems.at[b]
                )

        return carry

    lax.fori_loop(0, SEQ // NG, group_body, 0)

    for wb in range(NWR):
        s = SEQ - NWR + wb
        pltpu.make_async_copy(
            wbufs[wb].at[:, :, pl.ds(0, BBLK)], out_hbm.at[s, :, wid], wsems.at[wb]
        ).wait()


@jax.jit
def kernel(x, table):
    xt = x.T.astype(jnp.int32)
    mesh = plsc.VectorSubcoreMesh(core_axis_name="c", subcore_axis_name="s")
    run = pl.kernel(
        _embed_kernel,
        out_type=jax.ShapeDtypeStruct((SEQ, JH, NW, 8, BBLK), jnp.float32),
        mesh=mesh,
        scratch_types=[
            pltpu.VMEM((SEQ, BBLK), jnp.int32),
            [pltpu.VMEM((BBLK, D_MODEL), jnp.float32) for _ in range(NG)],
            [pltpu.VMEM((JH, 8, WPAD), jnp.float32) for _ in range(NWR)],
            pltpu.SemaphoreType.DMA((NG,)),
            pltpu.SemaphoreType.DMA((NWR,)),
        ],
        compiler_params=pltpu.CompilerParams(
            use_tc_tiling_on_sc=False, needs_layout_passes=False
        ),
    )
    p = run(xt, table)
    return p.transpose(2, 4, 0, 1, 3).reshape(BATCH, SEQ, D_MODEL)

# --- scband reference (transcript-rebuilt; emitter-appended) ---
"""Pipeline reference for scband-token-embed-2791728742556 (READ-ONLY COPY).

The authoritative reference and input builder live on the scoring server;
editing this copy changes nothing except your own understanding.
"""

import jax, jax.numpy as jnp
import numpy as np

VOCAB = 1000000
D_MODEL = 64
BATCH = 4096
SEQ = 200

def setup_inputs(seed: int = 0) -> dict:
    key = jax.random.key(seed)
    k_idx, k_tab = jax.random.split(key)
    x = jax.random.randint(k_idx, (BATCH, SEQ), 0, VOCAB, dtype=jnp.int64 if jax.config.jax_enable_x64 else jnp.int32)
    # flax nn.Embed default init: normal(stddev=1.0) scaled by default embedding_init (variance scaling default is normal with stddev 1/sqrt? flax uses default_embed_init = variance_scaling(1.0, 'fan_in', 'normal', out_axis=0))
    table = jax.random.normal(k_tab, (VOCAB, D_MODEL), dtype=jnp.float32) * (1.0 / np.sqrt(D_MODEL))
    return {"x": x, "table": table}

def reference(x, table):
    # TokenEmbed.__call__: self.shared(x) -> embedding gather
    return jnp.take(table, x, axis=0)

if __name__ == "__main__":
    import jax
    _d = setup_inputs()
    print(jax.jit(kernel)(*tuple(_d.values())))

</pallas_src>

<mosaic_0001>
#map = affine_map<(d0, d1) -> (0, 0)>
#map1 = affine_map<(d0, d1) -> (0, 0, 0, 0, 0)>
module attributes {stable_mosaic.version = 14 : i64} {
  func.func @_embed_kernel(%arg0: i32, %arg1: i32, %arg2: memref<200x4096xi32, #tpu.memory_space<hbm>>, %arg3: memref<1000000x64xf32, #tpu.memory_space<hbm>>, %arg4: memref<200x8x32x8x128xf32, #tpu.memory_space<hbm>>, %arg5: memref<200x128xi32, #tpu.memory_space<vmem>>, %arg6: memref<128x64xf32, #tpu.memory_space<vmem>>, %arg7: memref<128x64xf32, #tpu.memory_space<vmem>>, %arg8: memref<128x64xf32, #tpu.memory_space<vmem>>, %arg9: memref<128x64xf32, #tpu.memory_space<vmem>>, %arg10: memref<128x64xf32, #tpu.memory_space<vmem>>, %arg11: memref<128x64xf32, #tpu.memory_space<vmem>>, %arg12: memref<128x64xf32, #tpu.memory_space<vmem>>, %arg13: memref<128x64xf32, #tpu.memory_space<vmem>>, %arg14: memref<8x8x133xf32, #tpu.memory_space<vmem>>, %arg15: memref<8x8x133xf32, #tpu.memory_space<vmem>>, %arg16: memref<8x8x133xf32, #tpu.memory_space<vmem>>, %arg17: memref<8x8x133xf32, #tpu.memory_space<vmem>>, %arg18: memref<8x!tpu.dma_semaphore, #tpu.memory_space<semaphore_mem>>, %arg19: memref<4x!tpu.dma_semaphore, #tpu.memory_space<semaphore_mem>>) attributes {dimension_semantics = [#tpu.dimension_semantics<core_parallel>, #tpu.dimension_semantics<subcore_parallel>], iteration_bounds = array<i64: 2, 16>, scalar_prefetch = 0 : i64, scratch_operands = 15 : i64, tpu.core_type = #tpu.core_type<sc_vector_subcore>, window_params = [{transform_indices = #map}, {transform_indices = #map}, {transform_indices = #map1}]} {
    %mul3A = arith.constant 2 : i32
    %mul3A_0 = arith.muli %arg1, %mul3A : i32
    %add3A = arith.addi %mul3A_0, %arg0 : i32
    %mul3A_1 = arith.constant 128 : i32
    %mul3A_2 = arith.muli %add3A, %mul3A_1 : i32
    "tpu.region"() ({
      %run_scoped3A = tpu.sem_alloc : memref<!tpu.dma_semaphore, #tpu.memory_space<semaphore_mem>>
      %dma_start3A_400 = arith.constant 0 : i32
      %dma_start3A_401 = tpu.memref_slice %arg2[%dma_start3A_400, %mul3A_2] : memref<200x4096xi32, #tpu.memory_space<hbm>> -> memref<200x128xi32, #tpu.memory_space<hbm>>
      %dma_start3A_402 = arith.constant 0 : i32
      %dma_start3A_403 = tpu.memref_slice %arg2[%dma_start3A_402, %mul3A_2] : memref<200x4096xi32, #tpu.memory_space<hbm>> -> memref<200x128xi32, #tpu.memory_space<hbm>>
      tpu.enqueue_dma source(%dma_start3A_403 : memref<200x128xi32, #tpu.memory_space<hbm>>) target(%arg5 : memref<200x128xi32, #tpu.memory_space<vmem>>) target_semaphore(%run_scoped3A : memref<!tpu.dma_semaphore, #tpu.memory_space<semaphore_mem>>)
      %dma_wait3A_404 = arith.constant 0 : i32
      %dma_wait3A_405 = tpu.memref_slice %arg2[%dma_wait3A_404, %mul3A_2] : memref<200x4096xi32, #tpu.memory_space<hbm>> -> memref<200x128xi32, #tpu.memory_space<hbm>>
      %dma_wait3A_406 = arith.constant 0 : i32
      %dma_wait3A_407 = tpu.memref_slice %arg2[%dma_wait3A_406, %mul3A_2] : memref<200x4096xi32, #tpu.memory_space<hbm>> -> memref<200x128xi32, #tpu.memory_space<hbm>>
      tpu.wait_dma2 semaphore(%run_scoped3A : memref<!tpu.dma_semaphore, #tpu.memory_space<semaphore_mem>>) src(%dma_wait3A_407 : memref<200x128xi32, #tpu.memory_space<hbm>>) dst(%arg5 : memref<200x128xi32, #tpu.memory_space<vmem>>)
      tpu.yield
    }) : () -> ()
    %iota3A = tpu.iota {dimensions = array<i32: 0>} : vector<16xi32>
    %dma_start3A = arith.constant 0 : i32
    %dma_start3A_3 = arith.constant 0 : i32
    %dma_start3A_4 = arith.constant 0 : i32
    %dma_start3A_5 = tpu.memref_slice %arg5[%dma_start3A, %dma_start3A_4] : memref<200x128xi32, #tpu.memory_space<vmem>> -> memref<1x128xi32, #tpu.memory_space<vmem>>
    %dma_start3A_6 = tpu.memref_squeeze %dma_start3A_5 : memref<1x128xi32, #tpu.memory_space<vmem>> -> memref<128xi32, #tpu.memory_space<vmem>>
    %dma_start3A_7 = arith.constant 0 : i32
    %dma_start3A_8 = arith.constant 0 : i32
    %dma_start3A_9 = tpu.memref_slice %arg3[%dma_start3A_7, %dma_start3A_8] : memref<1000000x64xf32, #tpu.memory_space<hbm>> -> memref<1000000x64xf32, #tpu.memory_space<hbm>>
    %dma_start3A_10 = tpu.memref_slice %arg18[%dma_start3A_3] : memref<8x!tpu.dma_semaphore, #tpu.memory_space<semaphore_mem>> -> memref<1x!tpu.dma_semaphore, #tpu.memory_space<semaphore_mem>>
    %dma_start3A_11 = tpu.memref_squeeze %dma_start3A_10 : memref<1x!tpu.dma_semaphore, #tpu.memory_space<semaphore_mem>> -> memref<!tpu.dma_semaphore, #tpu.memory_space<semaphore_mem>>
    tpu.enqueue_indirect_dma source(%dma_start3A_9 : memref<1000000x64xf32, #tpu.memory_space<hbm>>) target(%arg6 : memref<128x64xf32, #tpu.memory_space<vmem>>) offsets(%dma_start3A_6 : memref<128xi32, #tpu.memory_space<vmem>>) semaphore(%dma_start3A_11 : memref<!tpu.dma_semaphore, #tpu.memory_space<semaphore_mem>>)
    %dma_start3A_12 = arith.constant 1 : i32
    %dma_start3A_13 = arith.constant 1 : i32
    %dma_start3A_14 = arith.constant 0 : i32
    %dma_start3A_15 = tpu.memref_slice %arg5[%dma_start3A_12, %dma_start3A_14] : memref<200x128xi32, #tpu.memory_space<vmem>> -> memref<1x128xi32, #tpu.memory_space<vmem>>
    %dma_start3A_16 = tpu.memref_squeeze %dma_start3A_15 : memref<1x128xi32, #tpu.memory_space<vmem>> -> memref<128xi32, #tpu.memory_space<vmem>>
    %dma_start3A_17 = arith.constant 0 : i32
    %dma_start3A_18 = arith.constant 0 : i32
    %dma_start3A_19 = tpu.memref_slice %arg3[%dma_start3A_17, %dma_start3A_18] : memref<1000000x64xf32, #tpu.memory_space<hbm>> -> memref<1000000x64xf32, #tpu.memory_space<hbm>>
    %dma_start3A_20 = tpu.memref_slice %arg18[%dma_start3A_13] : memref<8x!tpu.dma_semaphore, #tpu.memory_space<semaphore_mem>> -> memref<1x!tpu.dma_semaphore, #tpu.memory_space<semaphore_mem>>
    %dma_start3A_21 = tpu.memref_squeeze %dma_start3A_20 : memref<1x!tpu.dma_semaphore, #tpu.memory_space<semaphore_mem>> -> memref<!tpu.dma_semaphore, #tpu.memory_space<semaphore_mem>>
    tpu.enqueue_indirect_dma source(%dma_start3A_19 : memref<1000000x64xf32, #tpu.memory_space<hbm>>) target(%arg7 : memref<128x64xf32, #tpu.memory_space<vmem>>) offsets(%dma_start3A_16 : memref<128xi32, #tpu.memory_space<vmem>>) semaphore(%dma_start3A_21 : memref<!tpu.dma_semaphore, #tpu.memory_space<semaphore_mem>>)
    %dma_start3A_22 = arith.constant 2 : i32
    %dma_start3A_23 = arith.constant 2 : i32
    %dma_start3A_24 = arith.constant 0 : i32
    %dma_start3A_25 = tpu.memref_slice %arg5[%dma_start3A_22, %dma_start3A_24] : memref<200x128xi32, #tpu.memory_space<vmem>> -> memref<1x128xi32, #tpu.memory_space<vmem>>
    %dma_start3A_26 = tpu.memref_squeeze %dma_start3A_25 : memref<1x128xi32, #tpu.memory_space<vmem>> -> memref<128xi32, #tpu.memory_space<vmem>>
    %dma_start3A_27 = arith.constant 0 : i32
    %dma_start3A_28 = arith.constant 0 : i32
    %dma_start3A_29 = tpu.memref_slice %arg3[%dma_start3A_27, %dma_start3A_28] : memref<1000000x64xf32, #tpu.memory_space<hbm>> -> memref<1000000x64xf32, #tpu.memory_space<hbm>>
    %dma_start3A_30 = tpu.memref_slice %arg18[%dma_start3A_23] : memref<8x!tpu.dma_semaphore, #tpu.memory_space<semaphore_mem>> -> memref<1x!tpu.dma_semaphore, #tpu.memory_space<semaphore_mem>>
    %dma_start3A_31 = tpu.memref_squeeze %dma_start3A_30 : memref<1x!tpu.dma_semaphore, #tpu.memory_space<semaphore_mem>> -> memref<!tpu.dma_semaphore, #tpu.memory_space<semaphore_mem>>
    tpu.enqueue_indirect_dma source(%dma_start3A_29 : memref<1000000x64xf32, #tpu.memory_space<hbm>>) target(%arg8 : memref<128x64xf32, #tpu.memory_space<vmem>>) offsets(%dma_start3A_26 : memref<128xi32, #tpu.memory_space<vmem>>) semaphore(%dma_start3A_31 : memref<!tpu.dma_semaphore, #tpu.memory_space<semaphore_mem>>)
    %dma_start3A_32 = arith.constant 3 : i32
    %dma_start3A_33 = arith.constant 3 : i32
    %dma_start3A_34 = arith.constant 0 : i32
    %dma_start3A_35 = tpu.memref_slice %arg5[%dma_start3A_32, %dma_start3A_34] : memref<200x128xi32, #tpu.memory_space<vmem>> -> memref<1x128xi32, #tpu.memory_space<vmem>>
    %dma_start3A_36 = tpu.memref_squeeze %dma_start3A_35 : memref<1x128xi32, #tpu.memory_space<vmem>> -> memref<128xi32, #tpu.memory_space<vmem>>
    %dma_start3A_37 = arith.constant 0 : i32
    %dma_start3A_38 = arith.constant 0 : i32
    %dma_start3A_39 = tpu.memref_slice %arg3[%dma_start3A_37, %dma_start3A_38] : memref<1000000x64xf32, #tpu.memory_space<hbm>> -> memref<1000000x64xf32, #tpu.memory_space<hbm>>
    %dma_start3A_40 = tpu.memref_slice %arg18[%dma_start3A_33] : memref<8x!tpu.dma_semaphore, #tpu.memory_space<semaphore_mem>> -> memref<1x!tpu.dma_semaphore, #tpu.memory_space<semaphore_mem>>
    %dma_start3A_41 = tpu.memref_squeeze %dma_start3A_40 : memref<1x!tpu.dma_semaphore, #tpu.memory_space<semaphore_mem>> -> memref<!tpu.dma_semaphore, #tpu.memory_space<semaphore_mem>>
    tpu.enqueue_indirect_dma source(%dma_start3A_39 : memref<1000000x64xf32, #tpu.memory_space<hbm>>) target(%arg9 : memref<128x64xf32, #tpu.memory_space<vmem>>) offsets(%dma_start3A_36 : memref<128xi32, #tpu.memory_space<vmem>>) semaphore(%dma_start3A_41 : memref<!tpu.dma_semaphore, #tpu.memory_space<semaphore_mem>>)
    %dma_start3A_42 = arith.constant 4 : i32
    %dma_start3A_43 = arith.constant 4 : i32
    %dma_start3A_44 = arith.constant 0 : i32
    %dma_start3A_45 = tpu.memref_slice %arg5[%dma_start3A_42, %dma_start3A_44] : memref<200x128xi32, #tpu.memory_space<vmem>> -> memref<1x128xi32, #tpu.memory_space<vmem>>
    %dma_start3A_46 = tpu.memref_squeeze %dma_start3A_45 : memref<1x128xi32, #tpu.memory_space<vmem>> -> memref<128xi32, #tpu.memory_space<vmem>>
    %dma_start3A_47 = arith.constant 0 : i32
    %dma_start3A_48 = arith.constant 0 : i32
    %dma_start3A_49 = tpu.memref_slice %arg3[%dma_start3A_47, %dma_start3A_48] : memref<1000000x64xf32, #tpu.memory_space<hbm>> -> memref<1000000x64xf32, #tpu.memory_space<hbm>>
    %dma_start3A_50 = tpu.memref_slice %arg18[%dma_start3A_43] : memref<8x!tpu.dma_semaphore, #tpu.memory_space<semaphore_mem>> -> memref<1x!tpu.dma_semaphore, #tpu.memory_space<semaphore_mem>>
    %dma_start3A_51 = tpu.memref_squeeze %dma_start3A_50 : memref<1x!tpu.dma_semaphore, #tpu.memory_space<semaphore_mem>> -> memref<!tpu.dma_semaphore, #tpu.memory_space<semaphore_mem>>
    tpu.enqueue_indirect_dma source(%dma_start3A_49 : memref<1000000x64xf32, #tpu.memory_space<hbm>>) target(%arg10 : memref<128x64xf32, #tpu.memory_space<vmem>>) offsets(%dma_start3A_46 : memref<128xi32, #tpu.memory_space<vmem>>) semaphore(%dma_start3A_51 : memref<!tpu.dma_semaphore, #tpu.memory_space<semaphore_mem>>)
    %dma_start3A_52 = arith.constant 5 : i32
    %dma_start3A_53 = arith.constant 5 : i32
    %dma_start3A_54 = arith.constant 0 : i32
    %dma_start3A_55 = tpu.memref_slice %arg5[%dma_start3A_52, %dma_start3A_54] : memref<200x128xi32, #tpu.memory_space<vmem>> -> memref<1x128xi32, #tpu.memory_space<vmem>>
    %dma_start3A_56 = tpu.memref_squeeze %dma_start3A_55 : memref<1x128xi32, #tpu.memory_space<vmem>> -> memref<128xi32, #tpu.memory_space<vmem>>
    %dma_start3A_57 = arith.constant 0 : i32
    %dma_start3A_58 = arith.constant 0 : i32
    %dma_start3A_59 = tpu.memref_slice %arg3[%dma_start3A_57, %dma_start3A_58] : memref<1000000x64xf32, #tpu.memory_space<hbm>> -> memref<1000000x64xf32, #tpu.memory_space<hbm>>
    %dma_start3A_60 = tpu.memref_slice %arg18[%dma_start3A_53] : memref<8x!tpu.dma_semaphore, #tpu.memory_space<semaphore_mem>> -> memref<1x!tpu.dma_semaphore, #tpu.memory_space<semaphore_mem>>
    %dma_start3A_61 = tpu.memref_squeeze %dma_start3A_60 : memref<1x!tpu.dma_semaphore, #tpu.memory_space<semaphore_mem>> -> memref<!tpu.dma_semaphore, #tpu.memory_space<semaphore_mem>>
    tpu.enqueue_indirect_dma source(%dma_start3A_59 : memref<1000000x64xf32, #tpu.memory_space<hbm>>) target(%arg11 : memref<128x64xf32, #tpu.memory_space<vmem>>) offsets(%dma_start3A_56 : memref<128xi32, #tpu.memory_space<vmem>>) semaphore(%dma_start3A_61 : memref<!tpu.dma_semaphore, #tpu.memory_space<semaphore_mem>>)
    %dma_start3A_62 = arith.constant 6 : i32
    %dma_start3A_63 = arith.constant 6 : i32
    %dma_start3A_64 = arith.constant 0 : i32
    %dma_start3A_65 = tpu.memref_slice %arg5[%dma_start3A_62, %dma_start3A_64] : memref<200x128xi32, #tpu.memory_space<vmem>> -> memref<1x128xi32, #tpu.memory_space<vmem>>
    %dma_start3A_66 = tpu.memref_squeeze %dma_start3A_65 : memref<1x128xi32, #tpu.memory_space<vmem>> -> memref<128xi32, #tpu.memory_space<vmem>>
    %dma_start3A_67 = arith.constant 0 : i32
    %dma_start3A_68 = arith.constant 0 : i32
    %dma_start3A_69 = tpu.memref_slice %arg3[%dma_start3A_67, %dma_start3A_68] : memref<1000000x64xf32, #tpu.memory_space<hbm>> -> memref<1000000x64xf32, #tpu.memory_space<hbm>>
    %dma_start3A_70 = tpu.memref_slice %arg18[%dma_start3A_63] : memref<8x!tpu.dma_semaphore, #tpu.memory_space<semaphore_mem>> -> memref<1x!tpu.dma_semaphore, #tpu.memory_space<semaphore_mem>>
    %dma_start3A_71 = tpu.memref_squeeze %dma_start3A_70 : memref<1x!tpu.dma_semaphore, #tpu.memory_space<semaphore_mem>> -> memref<!tpu.dma_semaphore, #tpu.memory_space<semaphore_mem>>
    tpu.enqueue_indirect_dma source(%dma_start3A_69 : memref<1000000x64xf32, #tpu.memory_space<hbm>>) target(%arg12 : memref<128x64xf32, #tpu.memory_space<vmem>>) offsets(%dma_start3A_66 : memref<128xi32, #tpu.memory_space<vmem>>) semaphore(%dma_start3A_71 : memref<!tpu.dma_semaphore, #tpu.memory_space<semaphore_mem>>)
    %dma_start3A_72 = arith.constant 7 : i32
    %dma_start3A_73 = arith.constant 7 : i32
    %dma_start3A_74 = arith.constant 0 : i32
    %dma_start3A_75 = tpu.memref_slice %arg5[%dma_start3A_72, %dma_start3A_74] : memref<200x128xi32, #tpu.memory_space<vmem>> -> memref<1x128xi32, #tpu.memory_space<vmem>>
    %dma_start3A_76 = tpu.memref_squeeze %dma_start3A_75 : memref<1x128xi32, #tpu.memory_space<vmem>> -> memref<128xi32, #tpu.memory_space<vmem>>
    %dma_start3A_77 = arith.constant 0 : i32
    %dma_start3A_78 = arith.constant 0 : i32
    %dma_start3A_79 = tpu.memref_slice %arg3[%dma_start3A_77, %dma_start3A_78] : memref<1000000x64xf32, #tpu.memory_space<hbm>> -> memref<1000000x64xf32, #tpu.memory_space<hbm>>
    %dma_start3A_80 = tpu.memref_slice %arg18[%dma_start3A_73] : memref<8x!tpu.dma_semaphore, #tpu.memory_space<semaphore_mem>> -> memref<1x!tpu.dma_semaphore, #tpu.memory_space<semaphore_mem>>
    %dma_start3A_81 = tpu.memref_squeeze %dma_start3A_80 : memref<1x!tpu.dma_semaphore, #tpu.memory_space<semaphore_mem>> -> memref<!tpu.dma_semaphore, #tpu.memory_space<semaphore_mem>>
    tpu.enqueue_indirect_dma source(%dma_start3A_79 : memref<1000000x64xf32, #tpu.memory_space<hbm>>) target(%arg13 : memref<128x64xf32, #tpu.memory_space<vmem>>) offsets(%dma_start3A_76 : memref<128xi32, #tpu.memory_space<vmem>>) semaphore(%dma_start3A_81 : memref<!tpu.dma_semaphore, #tpu.memory_space<semaphore_mem>>)
    %add3A_82 = arith.constant 0 : i32
    %add3A_83 = vector.broadcast %add3A_82 : i32 to vector<16xi32>
    %add3A_84 = arith.addi %add3A_83, %iota3A : vector<16xi32>
    %jit3A = arith.constant 8 : i32
    %div3A = vector.broadcast %jit3A : i32 to vector<16xi32>
    %div3A_85 = arith.divsi %add3A_84, %div3A : vector<16xi32>
    %sign3A = arith.constant 0 : i32
    %sign3A_86 = vector.broadcast %sign3A : i32 to vector<16xi32>
    %sign3A_87 = arith.cmpi sgt, %add3A_84, %sign3A_86 : vector<16xi32>
    %sign3A_88 = arith.extui %sign3A_87 : vector<16xi1> to vector<16xi32>
    %sign3A_89 = arith.constant 0 : i32
    %sign3A_90 = vector.broadcast %sign3A_89 : i32 to vector<16xi32>
    %sign3A_91 = arith.cmpi slt, %add3A_84, %sign3A_90 : vector<16xi32>
    %sign3A_92 = arith.extui %sign3A_91 : vector<16xi1> to vector<16xi32>
    %sign3A_93 = arith.subi %sign3A_88, %sign3A_92 : vector<16xi32>
    %sign3A_94 = arith.constant 0 : i32
    %sign3A_95 = arith.cmpi sgt, %jit3A, %sign3A_94 : i32
    %sign3A_96 = arith.extui %sign3A_95 : i1 to i32
    %sign3A_97 = arith.constant 0 : i32
    %sign3A_98 = arith.cmpi slt, %jit3A, %sign3A_97 : i32
    %sign3A_99 = arith.extui %sign3A_98 : i1 to i32
    %sign3A_100 = arith.subi %sign3A_96, %sign3A_99 : i32
    %ne3A = vector.broadcast %sign3A_100 : i32 to vector<16xi32>
    %ne3A_101 = arith.cmpi ne, %sign3A_93, %ne3A : vector<16xi32>
    %rem3A = vector.broadcast %jit3A : i32 to vector<16xi32>
    %rem3A_102 = arith.remsi %add3A_84, %rem3A : vector<16xi32>
    %ne3A_103 = arith.constant 0 : i32
    %ne3A_104 = vector.broadcast %ne3A_103 : i32 to vector<16xi32>
    %ne3A_105 = arith.cmpi ne, %rem3A_102, %ne3A_104 : vector<16xi32>
    %and3A = arith.andi %ne3A_101, %ne3A_105 : vector<16xi1>
    %sub3A = arith.constant 1 : i32
    %sub3A_106 = vector.broadcast %sub3A : i32 to vector<16xi32>
    %sub3A_107 = arith.subi %div3A_85, %sub3A_106 : vector<16xi32>
    %select_n3A = arith.select %and3A, %sub3A_107, %div3A_85 : vector<16xi1>, vector<16xi32>
    %add3A_108 = arith.constant 16 : i32
    %add3A_109 = vector.broadcast %add3A_108 : i32 to vector<16xi32>
    %add3A_110 = arith.addi %add3A_109, %iota3A : vector<16xi32>
    %jit3A_111 = arith.constant 8 : i32
    %div3A_112 = vector.broadcast %jit3A_111 : i32 to vector<16xi32>
    %div3A_113 = arith.divsi %add3A_110, %div3A_112 : vector<16xi32>
    %sign3A_114 = arith.constant 0 : i32
    %sign3A_115 = vector.broadcast %sign3A_114 : i32 to vector<16xi32>
    %sign3A_116 = arith.cmpi sgt, %add3A_110, %sign3A_115 : vector<16xi32>
    %sign3A_117 = arith.extui %sign3A_116 : vector<16xi1> to vector<16xi32>
    %sign3A_118 = arith.constant 0 : i32
    %sign3A_119 = vector.broadcast %sign3A_118 : i32 to vector<16xi32>
    %sign3A_120 = arith.cmpi slt, %add3A_110, %sign3A_119 : vector<16xi32>
    %sign3A_121 = arith.extui %sign3A_120 : vector<16xi1> to vector<16xi32>
    %sign3A_122 = arith.subi %sign3A_117, %sign3A_121 : vector<16xi32>
    %sign3A_123 = arith.constant 0 : i32
    %sign3A_124 = arith.cmpi sgt, %jit3A_111, %sign3A_123 : i32
    %sign3A_125 = arith.extui %sign3A_124 : i1 to i32
    %sign3A_126 = arith.constant 0 : i32
    %sign3A_127 = arith.cmpi slt, %jit3A_111, %sign3A_126 : i32
    %sign3A_128 = arith.extui %sign3A_127 : i1 to i32
    %sign3A_129 = arith.subi %sign3A_125, %sign3A_128 : i32
    %ne3A_130 = vector.broadcast %sign3A_129 : i32 to vector<16xi32>
    %ne3A_131 = arith.cmpi ne, %sign3A_122, %ne3A_130 : vector<16xi32>
    %rem3A_132 = vector.broadcast %jit3A_111 : i32 to vector<16xi32>
    %rem3A_133 = arith.remsi %add3A_110, %rem3A_132 : vector<16xi32>
    %ne3A_134 = arith.constant 0 : i32
    %ne3A_135 = vector.broadcast %ne3A_134 : i32 to vector<16xi32>
    %ne3A_136 = arith.cmpi ne, %rem3A_133, %ne3A_135 : vector<16xi32>
    %and3A_137 = arith.andi %ne3A_131, %ne3A_136 : vector<16xi1>
    %sub3A_138 = arith.constant 1 : i32
    %sub3A_139 = vector.broadcast %sub3A_138 : i32 to vector<16xi32>
    %sub3A_140 = arith.subi %div3A_113, %sub3A_139 : vector<16xi32>
    %select_n3A_141 = arith.select %and3A_137, %sub3A_140, %div3A_113 : vector<16xi1>, vector<16xi32>
    %add3A_142 = arith.constant 32 : i32
    %add3A_143 = vector.broadcast %add3A_142 : i32 to vector<16xi32>
    %add3A_144 = arith.addi %add3A_143, %iota3A : vector<16xi32>
    %jit3A_145 = arith.constant 8 : i32
    %div3A_146 = vector.broadcast %jit3A_145 : i32 to vector<16xi32>
    %div3A_147 = arith.divsi %add3A_144, %div3A_146 : vector<16xi32>
    %sign3A_148 = arith.constant 0 : i32
    %sign3A_149 = vector.broadcast %sign3A_148 : i32 to vector<16xi32>
    %sign3A_150 = arith.cmpi sgt, %add3A_144, %sign3A_149 : vector<16xi32>
    %sign3A_151 = arith.extui %sign3A_150 : vector<16xi1> to vector<16xi32>
    %sign3A_152 = arith.constant 0 : i32
    %sign3A_153 = vector.broadcast %sign3A_152 : i32 to vector<16xi32>
    %sign3A_154 = arith.cmpi slt, %add3A_144, %sign3A_153 : vector<16xi32>
    %sign3A_155 = arith.extui %sign3A_154 : vector<16xi1> to vector<16xi32>
    %sign3A_156 = arith.subi %sign3A_151, %sign3A_155 : vector<16xi32>
    %sign3A_157 = arith.constant 0 : i32
    %sign3A_158 = arith.cmpi sgt, %jit3A_145, %sign3A_157 : i32
    %sign3A_159 = arith.extui %sign3A_158 : i1 to i32
    %sign3A_160 = arith.constant 0 : i32
    %sign3A_161 = arith.cmpi slt, %jit3A_145, %sign3A_160 : i32
    %sign3A_162 = arith.extui %sign3A_161 : i1 to i32
    %sign3A_163 = arith.subi %sign3A_159, %sign3A_162 : i32
    %ne3A_164 = vector.broadcast %sign3A_163 : i32 to vector<16xi32>
    %ne3A_165 = arith.cmpi ne, %sign3A_156, %ne3A_164 : vector<16xi32>
    %rem3A_166 = vector.broadcast %jit3A_145 : i32 to vector<16xi32>
    %rem3A_167 = arith.remsi %add3A_144, %rem3A_166 : vector<16xi32>
    %ne3A_168 = arith.constant 0 : i32
    %ne3A_169 = vector.broadcast %ne3A_168 : i32 to vector<16xi32>
    %ne3A_170 = arith.cmpi ne, %rem3A_167, %ne3A_169 : vector<16xi32>
    %and3A_171 = arith.andi %ne3A_165, %ne3A_170 : vector<16xi1>
    %sub3A_172 = arith.constant 1 : i32
    %sub3A_173 = vector.broadcast %sub3A_172 : i32 to vector<16xi32>
    %sub3A_174 = arith.subi %div3A_147, %sub3A_173 : vector<16xi32>
    %select_n3A_175 = arith.select %and3A_171, %sub3A_174, %div3A_147 : vector<16xi1>, vector<16xi32>
    %add3A_176 = arith.constant 48 : i32
    %add3A_177 = vector.broadcast %add3A_176 : i32 to vector<16xi32>
    %add3A_178 = arith.addi %add3A_177, %iota3A : vector<16xi32>
    %jit3A_179 = arith.constant 8 : i32
    %div3A_180 = vector.broadcast %jit3A_179 : i32 to vector<16xi32>
    %div3A_181 = arith.divsi %add3A_178, %div3A_180 : vector<16xi32>
    %sign3A_182 = arith.constant 0 : i32
    %sign3A_183 = vector.broadcast %sign3A_182 : i32 to vector<16xi32>
    %sign3A_184 = arith.cmpi sgt, %add3A_178, %sign3A_183 : vector<16xi32>
    %sign3A_185 = arith.extui %sign3A_184 : vector<16xi1> to vector<16xi32>
    %sign3A_186 = arith.constant 0 : i32
    %sign3A_187 = vector.broadcast %sign3A_186 : i32 to vector<16xi32>
    %sign3A_188 = arith.cmpi slt, %add3A_178, %sign3A_187 : vector<16xi32>
    %sign3A_189 = arith.extui %sign3A_188 : vector<16xi1> to vector<16xi32>
    %sign3A_190 = arith.subi %sign3A_185, %sign3A_189 : vector<16xi32>
    %sign3A_191 = arith.constant 0 : i32
    %sign3A_192 = arith.cmpi sgt, %jit3A_179, %sign3A_191 : i32
    %sign3A_193 = arith.extui %sign3A_192 : i1 to i32
    %sign3A_194 = arith.constant 0 : i32
    %sign3A_195 = arith.cmpi slt, %jit3A_179, %sign3A_194 : i32
    %sign3A_196 = arith.extui %sign3A_195 : i1 to i32
    %sign3A_197 = arith.subi %sign3A_193, %sign3A_196 : i32
    %ne3A_198 = vector.broadcast %sign3A_197 : i32 to vector<16xi32>
    %ne3A_199 = arith.cmpi ne, %sign3A_190, %ne3A_198 : vector<16xi32>
    %rem3A_200 = vector.broadcast %jit3A_179 : i32 to vector<16xi32>
    %rem3A_201 = arith.remsi %add3A_178, %rem3A_200 : vector<16xi32>
    %ne3A_202 = arith.constant 0 : i32
    %ne3A_203 = vector.broadcast %ne3A_202 : i32 to vector<16xi32>
    %ne3A_204 = arith.cmpi ne, %rem3A_201, %ne3A_203 : vector<16xi32>
    %and3A_205 = arith.andi %ne3A_199, %ne3A_204 : vector<16xi1>
    %sub3A_206 = arith.constant 1 : i32
    %sub3A_207 = vector.broadcast %sub3A_206 : i32 to vector<16xi32>
    %sub3A_208 = arith.subi %div3A_181, %sub3A_207 : vector<16xi32>
    %select_n3A_209 = arith.select %and3A_205, %sub3A_208, %div3A_181 : vector<16xi1>, vector<16xi32>
    %add3A_210 = arith.constant 0 : i32
    %add3A_211 = vector.broadcast %add3A_210 : i32 to vector<16xi32>
    %add3A_212 = arith.addi %add3A_211, %iota3A : vector<16xi32>
    %jit3A_213 = arith.constant 8 : i32
    %eq3A = arith.constant 0 : i32
    %eq3A_214 = arith.cmpi eq, %jit3A_213, %eq3A : i32
    %jit3A_215 = arith.constant 1 : i32
    %select_n3A_216 = arith.select %eq3A_214, %jit3A_215, %jit3A_213 : i32
    %rem3A_217 = vector.broadcast %select_n3A_216 : i32 to vector<16xi32>
    %rem3A_218 = arith.remsi %add3A_212, %rem3A_217 : vector<16xi32>
    %ne3A_219 = arith.constant 0 : i32
    %ne3A_220 = vector.broadcast %ne3A_219 : i32 to vector<16xi32>
    %ne3A_221 = arith.cmpi ne, %rem3A_218, %ne3A_220 : vector<16xi32>
    %lt3A = arith.constant 0 : i32
    %lt3A_222 = vector.broadcast %lt3A : i32 to vector<16xi32>
    %lt3A_223 = arith.cmpi slt, %rem3A_218, %lt3A_222 : vector<16xi32>
    %lt3A_224 = arith.constant 0 : i32
    %lt3A_225 = arith.cmpi slt, %select_n3A_216, %lt3A_224 : i32
    %ne3A_226 = vector.broadcast %lt3A_225 : i1 to vector<16xi1>
    %ne3A_227 = vector.broadcast %ne3A_226 : vector<16xi1> to vector<16xi1>
    %ne3A_228 = arith.xori %lt3A_223, %ne3A_227 : vector<16xi1>
    %and3A_229 = arith.andi %ne3A_228, %ne3A_221 : vector<16xi1>
    %add3A_230 = vector.broadcast %select_n3A_216 : i32 to vector<16xi32>
    %add3A_231 = arith.addi %rem3A_218, %add3A_230 : vector<16xi32>
    %select_n3A_232 = arith.select %and3A_229, %add3A_231, %rem3A_218 : vector<16xi1>, vector<16xi32>
    %add3A_233 = arith.constant 16 : i32
    %add3A_234 = vector.broadcast %add3A_233 : i32 to vector<16xi32>
    %add3A_235 = arith.addi %add3A_234, %iota3A : vector<16xi32>
    %jit3A_236 = arith.constant 8 : i32
    %eq3A_237 = arith.constant 0 : i32
    %eq3A_238 = arith.cmpi eq, %jit3A_236, %eq3A_237 : i32
    %jit3A_239 = arith.constant 1 : i32
    %select_n3A_240 = arith.select %eq3A_238, %jit3A_239, %jit3A_236 : i32
    %rem3A_241 = vector.broadcast %select_n3A_240 : i32 to vector<16xi32>
    %rem3A_242 = arith.remsi %add3A_235, %rem3A_241 : vector<16xi32>
    %ne3A_243 = arith.constant 0 : i32
    %ne3A_244 = vector.broadcast %ne3A_243 : i32 to vector<16xi32>
    %ne3A_245 = arith.cmpi ne, %rem3A_242, %ne3A_244 : vector<16xi32>
    %lt3A_246 = arith.constant 0 : i32
    %lt3A_247 = vector.broadcast %lt3A_246 : i32 to vector<16xi32>
    %lt3A_248 = arith.cmpi slt, %rem3A_242, %lt3A_247 : vector<16xi32>
    %lt3A_249 = arith.constant 0 : i32
    %lt3A_250 = arith.cmpi slt, %select_n3A_240, %lt3A_249 : i32
    %ne3A_251 = vector.broadcast %lt3A_250 : i1 to vector<16xi1>
    %ne3A_252 = vector.broadcast %ne3A_251 : vector<16xi1> to vector<16xi1>
    %ne3A_253 = arith.xori %lt3A_248, %ne3A_252 : vector<16xi1>
    %and3A_254 = arith.andi %ne3A_253, %ne3A_245 : vector<16xi1>
    %add3A_255 = vector.broadcast %select_n3A_240 : i32 to vector<16xi32>
    %add3A_256 = arith.addi %rem3A_242, %add3A_255 : vector<16xi32>
    %select_n3A_257 = arith.select %and3A_254, %add3A_256, %rem3A_242 : vector<16xi1>, vector<16xi32>
    %add3A_258 = arith.constant 32 : i32
    %add3A_259 = vector.broadcast %add3A_258 : i32 to vector<16xi32>
    %add3A_260 = arith.addi %add3A_259, %iota3A : vector<16xi32>
    %jit3A_261 = arith.constant 8 : i32
    %eq3A_262 = arith.constant 0 : i32
    %eq3A_263 = arith.cmpi eq, %jit3A_261, %eq3A_262 : i32
    %jit3A_264 = arith.constant 1 : i32
    %select_n3A_265 = arith.select %eq3A_263, %jit3A_264, %jit3A_261 : i32
    %rem3A_266 = vector.broadcast %select_n3A_265 : i32 to vector<16xi32>
    %rem3A_267 = arith.remsi %add3A_260, %rem3A_266 : vector<16xi32>
    %ne3A_268 = arith.constant 0 : i32
    %ne3A_269 = vector.broadcast %ne3A_268 : i32 to vector<16xi32>
    %ne3A_270 = arith.cmpi ne, %rem3A_267, %ne3A_269 : vector<16xi32>
    %lt3A_271 = arith.constant 0 : i32
    %lt3A_272 = vector.broadcast %lt3A_271 : i32 to vector<16xi32>
    %lt3A_273 = arith.cmpi slt, %rem3A_267, %lt3A_272 : vector<16xi32>
    %lt3A_274 = arith.constant 0 : i32
    %lt3A_275 = arith.cmpi slt, %select_n3A_265, %lt3A_274 : i32
    %ne3A_276 = vector.broadcast %lt3A_275 : i1 to vector<16xi1>
    %ne3A_277 = vector.broadcast %ne3A_276 : vector<16xi1> to vector<16xi1>
    %ne3A_278 = arith.xori %lt3A_273, %ne3A_277 : vector<16xi1>
    %and3A_279 = arith.andi %ne3A_278, %ne3A_270 : vector<16xi1>
    %add3A_280 = vector.broadcast %select_n3A_265 : i32 to vector<16xi32>
    %add3A_281 = arith.addi %rem3A_267, %add3A_280 : vector<16xi32>
    %select_n3A_282 = arith.select %and3A_279, %add3A_281, %rem3A_267 : vector<16xi1>, vector<16xi32>
    %add3A_283 = arith.constant 48 : i32
    %add3A_284 = vector.broadcast %add3A_283 : i32 to vector<16xi32>
    %add3A_285 = arith.addi %add3A_284, %iota3A : vector<16xi32>
    %jit3A_286 = arith.constant 8 : i32
    %eq3A_287 = arith.constant 0 : i32
    %eq3A_288 = arith.cmpi eq, %jit3A_286, %eq3A_287 : i32
    %jit3A_289 = arith.constant 1 : i32
    %select_n3A_290 = arith.select %eq3A_288, %jit3A_289, %jit3A_286 : i32
    %rem3A_291 = vector.broadcast %select_n3A_290 : i32 to vector<16xi32>
    %rem3A_292 = arith.remsi %add3A_285, %rem3A_291 : vector<16xi32>
    %ne3A_293 = arith.constant 0 : i32
    %ne3A_294 = vector.broadcast %ne3A_293 : i32 to vector<16xi32>
    %ne3A_295 = arith.cmpi ne, %rem3A_292, %ne3A_294 : vector<16xi32>
    %lt3A_296 = arith.constant 0 : i32
    %lt3A_297 = vector.broadcast %lt3A_296 : i32 to vector<16xi32>
    %lt3A_298 = arith.cmpi slt, %rem3A_292, %lt3A_297 : vector<16xi32>
    %lt3A_299 = arith.constant 0 : i32
    %lt3A_300 = arith.cmpi slt, %select_n3A_290, %lt3A_299 : i32
    %ne3A_301 = vector.broadcast %lt3A_300 : i1 to vector<16xi1>
    %ne3A_302 = vector.broadcast %ne3A_301 : vector<16xi1> to vector<16xi1>
    %ne3A_303 = arith.xori %lt3A_298, %ne3A_302 : vector<16xi1>
    %and3A_304 = arith.andi %ne3A_303, %ne3A_295 : vector<16xi1>
    %add3A_305 = vector.broadcast %select_n3A_290 : i32 to vector<16xi32>
    %add3A_306 = arith.addi %rem3A_292, %add3A_305 : vector<16xi32>
    %select_n3A_307 = arith.select %and3A_304, %add3A_306, %rem3A_292 : vector<16xi1>, vector<16xi32>
    %scan3A = arith.constant 0 : i32
    %scan3A_308 = arith.constant 0 : i32
    %scan3A_309 = arith.constant 25 : i32
    %scan3A_310 = arith.addi %scan3A_308, %scan3A_309 : i32
    %scan3A_311 = arith.constant 1 : i32
    scf.for %scan3A_400 = %scan3A_308 to %scan3A_310 step %scan3A_311  : i32 {
      %mul3A_401 = arith.constant 8 : i32
      %mul3A_402 = arith.muli %scan3A_400, %mul3A_401 : i32
      %add3A_403 = arith.constant 0 : i32
      %add3A_404 = arith.addi %mul3A_402, %add3A_403 : i32
      %dma_wait3A_405 = arith.constant 0 : i32
      %dma_wait3A_406 = arith.constant 0 : i32
      %dma_wait3A_407 = tpu.memref_slice %arg5[%add3A_404, %dma_wait3A_406] : memref<200x128xi32, #tpu.memory_space<vmem>> -> memref<1x128xi32, #tpu.memory_space<vmem>>
      %dma_wait3A_408 = tpu.memref_squeeze %dma_wait3A_407 : memref<1x128xi32, #tpu.memory_space<vmem>> -> memref<128xi32, #tpu.memory_space<vmem>>
      %dma_wait3A_409 = arith.constant 0 : i32
      %dma_wait3A_410 = arith.constant 0 : i32
      %dma_wait3A_411 = tpu.memref_slice %arg3[%dma_wait3A_409, %dma_wait3A_410] : memref<1000000x64xf32, #tpu.memory_space<hbm>> -> memref<1000000x64xf32, #tpu.memory_space<hbm>>
      %dma_wait3A_412 = tpu.memref_slice %arg18[%dma_wait3A_405] : memref<8x!tpu.dma_semaphore, #tpu.memory_space<semaphore_mem>> -> memref<1x!tpu.dma_semaphore, #tpu.memory_space<semaphore_mem>>
      %dma_wait3A_413 = tpu.memref_squeeze %dma_wait3A_412 : memref<1x!tpu.dma_semaphore, #tpu.memory_space<semaphore_mem>> -> memref<!tpu.dma_semaphore, #tpu.memory_space<semaphore_mem>>
      tpu.wait_indirect_dma semaphore(%dma_wait3A_413 : memref<!tpu.dma_semaphore, #tpu.memory_space<semaphore_mem>>) src(%dma_wait3A_411 : memref<1000000x64xf32, #tpu.memory_space<hbm>>) dst(%arg6 : memref<128x64xf32, #tpu.memory_space<vmem>>)
      %ge3A = arith.constant 4 : i32
      %ge3A_414 = arith.cmpi sge, %add3A_404, %ge3A : i32
      %convert_element_type3A = arith.extui %ge3A_414 : i1 to i32
      %cond3A = arith.constant 0 : i32
      %cond3A_415 = arith.cmpi ne, %convert_element_type3A, %cond3A : i32
      scf.if %cond3A_415 {
        %sub3A_814 = arith.constant 4 : i32
        %sub3A_815 = arith.subi %add3A_404, %sub3A_814 : i32
        %dma_wait3A_816 = arith.constant 0 : i32
        %dma_wait3A_817 = arith.constant 0 : i32
        %dma_wait3A_818 = arith.constant 0 : i32
        %dma_wait3A_819 = arith.constant 0 : i32
        %dma_wait3A_820 = tpu.memref_slice %arg14[%dma_wait3A_817, %dma_wait3A_818, %dma_wait3A_819] : memref<8x8x133xf32, #tpu.memory_space<vmem>> -> memref<8x8x128xf32, #tpu.memory_space<vmem>>
        %dma_wait3A_821 = arith.constant 0 : i32
        %dma_wait3A_822 = arith.constant 0 : i32
        %dma_wait3A_823 = arith.constant 0 : i32
        %dma_wait3A_824 = tpu.memref_slice %arg4[%sub3A_815, %dma_wait3A_821, %add3A, %dma_wait3A_822, %dma_wait3A_823] : memref<200x8x32x8x128xf32, #tpu.memory_space<hbm>> -> memref<1x8x1x8x128xf32, #tpu.memory_space<hbm>>
        %dma_wait3A_825 = tpu.memref_squeeze %dma_wait3A_824 : memref<1x8x1x8x128xf32, #tpu.memory_space<hbm>> -> memref<8x8x128xf32, #tpu.memory_space<hbm>>
        %dma_wait3A_826 = tpu.memref_slice %arg19[%dma_wait3A_816] : memref<4x!tpu.dma_semaphore, #tpu.memory_space<semaphore_mem>> -> memref<1x!tpu.dma_semaphore, #tpu.memory_space<semaphore_mem>>
        %dma_wait3A_827 = tpu.memref_squeeze %dma_wait3A_826 : memref<1x!tpu.dma_semaphore, #tpu.memory_space<semaphore_mem>> -> memref<!tpu.dma_semaphore, #tpu.memory_space<semaphore_mem>>
        %dma_wait3A_828 = arith.constant 0 : i32
        %dma_wait3A_829 = arith.constant 0 : i32
        %dma_wait3A_830 = arith.constant 0 : i32
        %dma_wait3A_831 = tpu.memref_slice %arg4[%sub3A_815, %dma_wait3A_828, %add3A, %dma_wait3A_829, %dma_wait3A_830] : memref<200x8x32x8x128xf32, #tpu.memory_space<hbm>> -> memref<1x8x1x8x128xf32, #tpu.memory_space<hbm>>
        %dma_wait3A_832 = tpu.memref_squeeze %dma_wait3A_831 : memref<1x8x1x8x128xf32, #tpu.memory_space<hbm>> -> memref<8x8x128xf32, #tpu.memory_space<hbm>>
        %dma_wait3A_833 = arith.constant 0 : i32
        %dma_wait3A_834 = arith.constant 0 : i32
        %dma_wait3A_835 = arith.constant 0 : i32
        %dma_wait3A_836 = tpu.memref_slice %arg14[%dma_wait3A_833, %dma_wait3A_834, %dma_wait3A_835] : memref<8x8x133xf32, #tpu.memory_space<vmem>> -> memref<8x8x128xf32, #tpu.memory_space<vmem>>
        tpu.wait_dma2 semaphore(%dma_wait3A_827 : memref<!tpu.dma_semaphore, #tpu.memory_space<semaphore_mem>>) src(%dma_wait3A_836 : memref<8x8x128xf32, #tpu.memory_space<vmem>>) dst(%dma_wait3A_832 : memref<8x8x128xf32, #tpu.memory_space<hbm>>)
      } else {
      }
      %scan3A_416 = arith.constant 0 : i32
      %scan3A_417 = arith.constant 0 : i32
      %scan3A_418 = arith.constant 32 : i32
      %scan3A_419 = arith.addi %scan3A_417, %scan3A_418 : i32
      %scan3A_420 = arith.constant 1 : i32
      scf.for %scan3A_814 = %scan3A_417 to %scan3A_419 step %scan3A_420  : i32 {
        %mul3A_815 = arith.constant 4 : i32
        %mul3A_816 = arith.muli %scan3A_814, %mul3A_815 : i32
        %add3A_817 = arith.constant 0 : i32
        %add3A_818 = arith.addi %mul3A_816, %add3A_817 : i32
        %broadcast_in_dim3A = vector.broadcast %add3A_818 : i32 to vector<16xi32>
        %get3A = arith.index_cast %add3A_818 : i32 to index
        %get3A_819 = arith.constant 0 : index
        %get3A_820 = tpu.vector_load %arg6[%get3A, %get3A_819] {strides = array<i32>} : memref<128x64xf32, #tpu.memory_space<vmem>>, vector<16xf32>,
        %get3A_821 = arith.index_cast %add3A_818 : i32 to index
        %get3A_822 = arith.constant 16 : index
        %get3A_823 = tpu.vector_load %arg6[%get3A_821, %get3A_822] {strides = array<i32>} : memref<128x64xf32, #tpu.memory_space<vmem>>, vector<16xf32>,
        %get3A_824 = arith.index_cast %add3A_818 : i32 to index
        %get3A_825 = arith.constant 32 : index
        %get3A_826 = tpu.vector_load %arg6[%get3A_824, %get3A_825] {strides = array<i32>} : memref<128x64xf32, #tpu.memory_space<vmem>>, vector<16xf32>,
        %get3A_827 = arith.index_cast %add3A_818 : i32 to index
        %get3A_828 = arith.constant 48 : index
        %get3A_829 = tpu.vector_load %arg6[%get3A_827, %get3A_828] {strides = array<i32>} : memref<128x64xf32, #tpu.memory_space<vmem>>, vector<16xf32>,
        tpu.vector_store_idx %arg14[%select_n3A, %select_n3A_232, %broadcast_in_dim3A], %get3A_820 : memref<8x8x133xf32, #tpu.memory_space<vmem>>[vector<16xi32>, vector<16xi32>, vector<16xi32>], vector<16xf32>,
        tpu.vector_store_idx %arg14[%select_n3A_141, %select_n3A_257, %broadcast_in_dim3A], %get3A_823 : memref<8x8x133xf32, #tpu.memory_space<vmem>>[vector<16xi32>, vector<16xi32>, vector<16xi32>], vector<16xf32>,
        tpu.vector_store_idx %arg14[%select_n3A_175, %select_n3A_282, %broadcast_in_dim3A], %get3A_826 : memref<8x8x133xf32, #tpu.memory_space<vmem>>[vector<16xi32>, vector<16xi32>, vector<16xi32>], vector<16xf32>,
        tpu.vector_store_idx %arg14[%select_n3A_209, %select_n3A_307, %broadcast_in_dim3A], %get3A_829 : memref<8x8x133xf32, #tpu.memory_space<vmem>>[vector<16xi32>, vector<16xi32>, vector<16xi32>], vector<16xf32>,
        %mul3A_830 = arith.constant 4 : i32
        %mul3A_831 = arith.muli %scan3A_814, %mul3A_830 : i32
        %add3A_832 = arith.constant 1 : i32
        %add3A_833 = arith.addi %mul3A_831, %add3A_832 : i32
        %broadcast_in_dim3A_834 = vector.broadcast %add3A_833 : i32 to vector<16xi32>
        %get3A_835 = arith.index_cast %add3A_833 : i32 to index
        %get3A_836 = arith.constant 0 : index
        %get3A_837 = tpu.vector_load %arg6[%get3A_835, %get3A_836] {strides = array<i32>} : memref<128x64xf32, #tpu.memory_space<vmem>>, vector<16xf32>,
        %get3A_838 = arith.index_cast %add3A_833 : i32 to index
        %get3A_839 = arith.constant 16 : index
        %get3A_840 = tpu.vector_load %arg6[%get3A_838, %get3A_839] {strides = array<i32>} : memref<128x64xf32, #tpu.memory_space<vmem>>, vector<16xf32>,
        %get3A_841 = arith.index_cast %add3A_833 : i32 to index
        %get3A_842 = arith.constant 32 : index
        %get3A_843 = tpu.vector_load %arg6[%get3A_841, %get3A_842] {strides = array<i32>} : memref<128x64xf32, #tpu.memory_space<vmem>>, vector<16xf32>,
        %get3A_844 = arith.index_cast %add3A_833 : i32 to index
        %get3A_845 = arith.constant 48 : index
        %get3A_846 = tpu.vector_load %arg6[%get3A_844, %get3A_845] {strides = array<i32>} : memref<128x64xf32, #tpu.memory_space<vmem>>, vector<16xf32>,
        tpu.vector_store_idx %arg14[%select_n3A, %select_n3A_232, %broadcast_in_dim3A_834], %get3A_837 : memref<8x8x133xf32, #tpu.memory_space<vmem>>[vector<16xi32>, vector<16xi32>, vector<16xi32>], vector<16xf32>,
        tpu.vector_store_idx %arg14[%select_n3A_141, %select_n3A_257, %broadcast_in_dim3A_834], %get3A_840 : memref<8x8x133xf32, #tpu.memory_space<vmem>>[vector<16xi32>, vector<16xi32>, vector<16xi32>], vector<16xf32>,
        tpu.vector_store_idx %arg14[%select_n3A_175, %select_n3A_282, %broadcast_in_dim3A_834], %get3A_843 : memref<8x8x133xf32, #tpu.memory_space<vmem>>[vector<16xi32>, vector<16xi32>, vector<16xi32>], vector<16xf32>,
        tpu.vector_store_idx %arg14[%select_n3A_209, %select_n3A_307, %broadcast_in_dim3A_834], %get3A_846 : memref<8x8x133xf32, #tpu.memory_space<vmem>>[vector<16xi32>, vector<16xi32>, vector<16xi32>], vector<16xf32>,
        %mul3A_847 = arith.constant 4 : i32
        %mul3A_848 = arith.muli %scan3A_814, %mul3A_847 : i32
        %add3A_849 = arith.constant 2 : i32
        %add3A_850 = arith.addi %mul3A_848, %add3A_849 : i32
        %broadcast_in_dim3A_851 = vector.broadcast %add3A_850 : i32 to vector<16xi32>
        %get3A_852 = arith.index_cast %add3A_850 : i32 to index
        %get3A_853 = arith.constant 0 : index
        %get3A_854 = tpu.vector_load %arg6[%get3A_852, %get3A_853] {strides = array<i32>} : memref<128x64xf32, #tpu.memory_space<vmem>>, vector<16xf32>,
        %get3A_855 = arith.index_cast %add3A_850 : i32 to index
        %get3A_856 = arith.constant 16 : index
        %get3A_857 = tpu.vector_load %arg6[%get3A_855, %get3A_856] {strides = array<i32>} : memref<128x64xf32, #tpu.memory_space<vmem>>, vector<16xf32>,
        %get3A_858 = arith.index_cast %add3A_850 : i32 to index
        %get3A_859 = arith.constant 32 : index
        %get3A_860 = tpu.vector_load %arg6[%get3A_858, %get3A_859] {strides = array<i32>} : memref<128x64xf32, #tpu.memory_space<vmem>>, vector<16xf32>,
        %get3A_861 = arith.index_cast %add3A_850 : i32 to index
        %get3A_862 = arith.constant 48 : index
        %get3A_863 = tpu.vector_load %arg6[%get3A_861, %get3A_862] {strides = array<i32>} : memref<128x64xf32, #tpu.memory_space<vmem>>, vector<16xf32>,
        tpu.vector_store_idx %arg14[%select_n3A, %select_n3A_232, %broadcast_in_dim3A_851], %get3A_854 : memref<8x8x133xf32, #tpu.memory_space<vmem>>[vector<16xi32>, vector<16xi32>, vector<16xi32>], vector<16xf32>,
        tpu.vector_store_idx %arg14[%select_n3A_141, %select_n3A_257, %broadcast_in_dim3A_851], %get3A_857 : memref<8x8x133xf32, #tpu.memory_space<vmem>>[vector<16xi32>, vector<16xi32>, vector<16xi32>], vector<16xf32>,
        tpu.vector_store_idx %arg14[%select_n3A_175, %select_n3A_282, %broadcast_in_dim3A_851], %get3A_860 : memref<8x8x133xf32, #tpu.memory_space<vmem>>[vector<16xi32>, vector<16xi32>, vector<16xi32>], vector<16xf32>,
        tpu.vector_store_idx %arg14[%select_n3A_209, %select_n3A_307, %broadcast_in_dim3A_851], %get3A_863 : memref<8x8x133xf32, #tpu.memory_space<vmem>>[vector<16xi32>, vector<16xi32>, vector<16xi32>], vector<16xf32>,
        %mul3A_864 = arith.constant 4 : i32
        %mul3A_865 = arith.muli %scan3A_814, %mul3A_864 : i32
        %add3A_866 = arith.constant 3 : i32
        %add3A_867 = arith.addi %mul3A_865, %add3A_866 : i32
        %broadcast_in_dim3A_868 = vector.broadcast %add3A_867 : i32 to vector<16xi32>
        %get3A_869 = arith.index_cast %add3A_867 : i32 to index
        %get3A_870 = arith.constant 0 : index
        %get3A_871 = tpu.vector_load %arg6[%get3A_869, %get3A_870] {strides = array<i32>} : memref<128x64xf32, #tpu.memory_space<vmem>>, vector<16xf32>,
        %get3A_872 = arith.index_cast %add3A_867 : i32 to index
        %get3A_873 = arith.constant 16 : index
        %get3A_874 = tpu.vector_load %arg6[%get3A_872, %get3A_873] {strides = array<i32>} : memref<128x64xf32, #tpu.memory_space<vmem>>, vector<16xf32>,
        %get3A_875 = arith.index_cast %add3A_867 : i32 to index
        %get3A_876 = arith.constant 32 : index
        %get3A_877 = tpu.vector_load %arg6[%get3A_875, %get3A_876] {strides = array<i32>} : memref<128x64xf32, #tpu.memory_space<vmem>>, vector<16xf32>,
        %get3A_878 = arith.index_cast %add3A_867 : i32 to index
        %get3A_879 = arith.constant 48 : index
        %get3A_880 = tpu.vector_load %arg6[%get3A_878, %get3A_879] {strides = array<i32>} : memref<128x64xf32, #tpu.memory_space<vmem>>, vector<16xf32>,
        tpu.vector_store_idx %arg14[%select_n3A, %select_n3A_232, %broadcast_in_dim3A_868], %get3A_871 : memref<8x8x133xf32, #tpu.memory_space<vmem>>[vector<16xi32>, vector<16xi32>, vector<16xi32>], vector<16xf32>,
        tpu.vector_store_idx %arg14[%select_n3A_141, %select_n3A_257, %broadcast_in_dim3A_868], %get3A_874 : memref<8x8x133xf32, #tpu.memory_space<vmem>>[vector<16xi32>, vector<16xi32>, vector<16xi32>], vector<16xf32>,
        tpu.vector_store_idx %arg14[%select_n3A_175, %select_n3A_282, %broadcast_in_dim3A_868], %get3A_877 : memref<8x8x133xf32, #tpu.memory_space<vmem>>[vector<16xi32>, vector<16xi32>, vector<16xi32>], vector<16xf32>,
        tpu.vector_store_idx %arg14[%select_n3A_209, %select_n3A_307, %broadcast_in_dim3A_868], %get3A_880 : memref<8x8x133xf32, #tpu.memory_space<vmem>>[vector<16xi32>, vector<16xi32>, vector<16xi32>], vector<16xf32>,
      }
      %scan3A_421 = arith.constant 32 : i32
      %dma_start3A_422 = arith.constant 0 : i32
      %dma_start3A_423 = arith.constant 0 : i32
      %dma_start3A_424 = arith.constant 0 : i32
      %dma_start3A_425 = arith.constant 0 : i32
      %dma_start3A_426 = tpu.memref_slice %arg14[%dma_start3A_423, %dma_start3A_424, %dma_start3A_425] : memref<8x8x133xf32, #tpu.memory_space<vmem>> -> memref<8x8x128xf32, #tpu.memory_space<vmem>>
      %dma_start3A_427 = arith.constant 0 : i32
      %dma_start3A_428 = arith.constant 0 : i32
      %dma_start3A_429 = arith.constant 0 : i32
      %dma_start3A_430 = tpu.memref_slice %arg4[%add3A_404, %dma_start3A_427, %add3A, %dma_start3A_428, %dma_start3A_429] : memref<200x8x32x8x128xf32, #tpu.memory_space<hbm>> -> memref<1x8x1x8x128xf32, #tpu.memory_space<hbm>>
      %dma_start3A_431 = tpu.memref_squeeze %dma_start3A_430 : memref<1x8x1x8x128xf32, #tpu.memory_space<hbm>> -> memref<8x8x128xf32, #tpu.memory_space<hbm>>
      %dma_start3A_432 = tpu.memref_slice %arg19[%dma_start3A_422] : memref<4x!tpu.dma_semaphore, #tpu.memory_space<semaphore_mem>> -> memref<1x!tpu.dma_semaphore, #tpu.memory_space<semaphore_mem>>
      %dma_start3A_433 = tpu.memref_squeeze %dma_start3A_432 : memref<1x!tpu.dma_semaphore, #tpu.memory_space<semaphore_mem>> -> memref<!tpu.dma_semaphore, #tpu.memory_space<semaphore_mem>>
      %dma_start3A_434 = arith.constant 0 : i32
      %dma_start3A_435 = arith.constant 0 : i32
      %dma_start3A_436 = arith.constant 0 : i32
      %dma_start3A_437 = tpu.memref_slice %arg4[%add3A_404, %dma_start3A_434, %add3A, %dma_start3A_435, %dma_start3A_436] : memref<200x8x32x8x128xf32, #tpu.memory_space<hbm>> -> memref<1x8x1x8x128xf32, #tpu.memory_space<hbm>>
      %dma_start3A_438 = tpu.memref_squeeze %dma_start3A_437 : memref<1x8x1x8x128xf32, #tpu.memory_space<hbm>> -> memref<8x8x128xf32, #tpu.memory_space<hbm>>
      %dma_start3A_439 = arith.constant 0 : i32
      %dma_start3A_440 = arith.constant 0 : i32
      %dma_start3A_441 = arith.constant 0 : i32
      %dma_start3A_442 = tpu.memref_slice %arg14[%dma_start3A_439, %dma_start3A_440, %dma_start3A_441] : memref<8x8x133xf32, #tpu.memory_space<vmem>> -> memref<8x8x128xf32, #tpu.memory_space<vmem>>
      tpu.enqueue_dma source(%dma_start3A_442 : memref<8x8x128xf32, #tpu.memory_space<vmem>>) target(%dma_start3A_438 : memref<8x8x128xf32, #tpu.memory_space<hbm>>) target_semaphore(%dma_start3A_433 : memref<!tpu.dma_semaphore, #tpu.memory_space<semaphore_mem>>)
      %add3A_443 = arith.constant 8 : i32
      %add3A_444 = arith.addi %add3A_404, %add3A_443 : i32
      %lt3A_445 = arith.constant 200 : i32
      %lt3A_446 = arith.cmpi slt, %add3A_444, %lt3A_445 : i32
      %convert_element_type3A_447 = arith.extui %lt3A_446 : i1 to i32
      %cond3A_448 = arith.constant 0 : i32
      %cond3A_449 = arith.cmpi ne, %convert_element_type3A_447, %cond3A_448 : i32
      scf.if %cond3A_449 {
        %dma_start3A_814 = arith.constant 0 : i32
        %dma_start3A_815 = arith.constant 0 : i32
        %dma_start3A_816 = tpu.memref_slice %arg5[%add3A_444, %dma_start3A_815] : memref<200x128xi32, #tpu.memory_space<vmem>> -> memref<1x128xi32, #tpu.memory_space<vmem>>
        %dma_start3A_817 = tpu.memref_squeeze %dma_start3A_816 : memref<1x128xi32, #tpu.memory_space<vmem>> -> memref<128xi32, #tpu.memory_space<vmem>>
        %dma_start3A_818 = arith.constant 0 : i32
        %dma_start3A_819 = arith.constant 0 : i32
        %dma_start3A_820 = tpu.memref_slice %arg3[%dma_start3A_818, %dma_start3A_819] : memref<1000000x64xf32, #tpu.memory_space<hbm>> -> memref<1000000x64xf32, #tpu.memory_space<hbm>>
        %dma_start3A_821 = tpu.memref_slice %arg18[%dma_start3A_814] : memref<8x!tpu.dma_semaphore, #tpu.memory_space<semaphore_mem>> -> memref<1x!tpu.dma_semaphore, #tpu.memory_space<semaphore_mem>>
        %dma_start3A_822 = tpu.memref_squeeze %dma_start3A_821 : memref<1x!tpu.dma_semaphore, #tpu.memory_space<semaphore_mem>> -> memref<!tpu.dma_semaphore, #tpu.memory_space<semaphore_mem>>
        tpu.enqueue_indirect_dma source(%dma_start3A_820 : memref<1000000x64xf32, #tpu.memory_space<hbm>>) target(%arg6 : memref<128x64xf32, #tpu.memory_space<vmem>>) offsets(%dma_start3A_817 : memref<128xi32, #tpu.memory_space<vmem>>) semaphore(%dma_start3A_822 : memref<!tpu.dma_semaphore, #tpu.memory_space<semaphore_mem>>)
      } else {
      }
      %mul3A_450 = arith.constant 8 : i32
      %mul3A_451 = arith.muli %scan3A_400, %mul3A_450 : i32
      %add3A_452 = arith.constant 1 : i32
      %add3A_453 = arith.addi %mul3A_451, %add3A_452 : i32
      %dma_wait3A_454 = arith.constant 1 : i32
      %dma_wait3A_455 = arith.constant 0 : i32
      %dma_wait3A_456 = tpu.memref_slice %arg5[%add3A_453, %dma_wait3A_455] : memref<200x128xi32, #tpu.memory_space<vmem>> -> memref<1x128xi32, #tpu.memory_space<vmem>>
      %dma_wait3A_457 = tpu.memref_squeeze %dma_wait3A_456 : memref<1x128xi32, #tpu.memory_space<vmem>> -> memref<128xi32, #tpu.memory_space<vmem>>
      %dma_wait3A_458 = arith.constant 0 : i32
      %dma_wait3A_459 = arith.constant 0 : i32
      %dma_wait3A_460 = tpu.memref_slice %arg3[%dma_wait3A_458, %dma_wait3A_459] : memref<1000000x64xf32, #tpu.memory_space<hbm>> -> memref<1000000x64xf32, #tpu.memory_space<hbm>>
      %dma_wait3A_461 = tpu.memref_slice %arg18[%dma_wait3A_454] : memref<8x!tpu.dma_semaphore, #tpu.memory_space<semaphore_mem>> -> memref<1x!tpu.dma_semaphore, #tpu.memory_space<semaphore_mem>>
      %dma_wait3A_462 = tpu.memref_squeeze %dma_wait3A_461 : memref<1x!tpu.dma_semaphore, #tpu.memory_space<semaphore_mem>> -> memref<!tpu.dma_semaphore, #tpu.memory_space<semaphore_mem>>
      tpu.wait_indirect_dma semaphore(%dma_wait3A_462 : memref<!tpu.dma_semaphore, #tpu.memory_space<semaphore_mem>>) src(%dma_wait3A_460 : memref<1000000x64xf32, #tpu.memory_space<hbm>>) dst(%arg7 : memref<128x64xf32, #tpu.memory_space<vmem>>)
      %ge3A_463 = arith.constant 4 : i32
      %ge3A_464 = arith.cmpi sge, %add3A_453, %ge3A_463 : i32
      %convert_element_type3A_465 = arith.extui %ge3A_464 : i1 to i32
      %cond3A_466 = arith.constant 0 : i32
      %cond3A_467 = arith.cmpi ne, %convert_element_type3A_465, %cond3A_466 : i32
      scf.if %cond3A_467 {
        %sub3A_814 = arith.constant 4 : i32
        %sub3A_815 = arith.subi %add3A_453, %sub3A_814 : i32
        %dma_wait3A_816 = arith.constant 1 : i32
        %dma_wait3A_817 = arith.constant 0 : i32
        %dma_wait3A_818 = arith.constant 0 : i32
        %dma_wait3A_819 = arith.constant 0 : i32
        %dma_wait3A_820 = tpu.memref_slice %arg15[%dma_wait3A_817, %dma_wait3A_818, %dma_wait3A_819] : memref<8x8x133xf32, #tpu.memory_space<vmem>> -> memref<8x8x128xf32, #tpu.memory_space<vmem>>
        %dma_wait3A_821 = arith.constant 0 : i32
        %dma_wait3A_822 = arith.constant 0 : i32
        %dma_wait3A_823 = arith.constant 0 : i32
        %dma_wait3A_824 = tpu.memref_slice %arg4[%sub3A_815, %dma_wait3A_821, %add3A, %dma_wait3A_822, %dma_wait3A_823] : memref<200x8x32x8x128xf32, #tpu.memory_space<hbm>> -> memref<1x8x1x8x128xf32, #tpu.memory_space<hbm>>
        %dma_wait3A_825 = tpu.memref_squeeze %dma_wait3A_824 : memref<1x8x1x8x128xf32, #tpu.memory_space<hbm>> -> memref<8x8x128xf32, #tpu.memory_space<hbm>>
        %dma_wait3A_826 = tpu.memref_slice %arg19[%dma_wait3A_816] : memref<4x!tpu.dma_semaphore, #tpu.memory_space<semaphore_mem>> -> memref<1x!tpu.dma_semaphore, #tpu.memory_space<semaphore_mem>>
        %dma_wait3A_827 = tpu.memref_squeeze %dma_wait3A_826 : memref<1x!tpu.dma_semaphore, #tpu.memory_space<semaphore_mem>> -> memref<!tpu.dma_semaphore, #tpu.memory_space<semaphore_mem>>
        %dma_wait3A_828 = arith.constant 0 : i32
        %dma_wait3A_829 = arith.constant 0 : i32
        %dma_wait3A_830 = arith.constant 0 : i32
        %dma_wait3A_831 = tpu.memref_slice %arg4[%sub3A_815, %dma_wait3A_828, %add3A, %dma_wait3A_829, %dma_wait3A_830] : memref<200x8x32x8x128xf32, #tpu.memory_space<hbm>> -> memref<1x8x1x8x128xf32, #tpu.memory_space<hbm>>
        %dma_wait3A_832 = tpu.memref_squeeze %dma_wait3A_831 : memref<1x8x1x8x128xf32, #tpu.memory_space<hbm>> -> memref<8x8x128xf32, #tpu.memory_space<hbm>>
        %dma_wait3A_833 = arith.constant 0 : i32
        %dma_wait3A_834 = arith.constant 0 : i32
        %dma_wait3A_835 = arith.constant 0 : i32
        %dma_wait3A_836 = tpu.memref_slice %arg15[%dma_wait3A_833, %dma_wait3A_834, %dma_wait3A_835] : memref<8x8x133xf32, #tpu.memory_space<vmem>> -> memref<8x8x128xf32, #tpu.memory_space<vmem>>
        tpu.wait_dma2 semaphore(%dma_wait3A_827 : memref<!tpu.dma_semaphore, #tpu.memory_space<semaphore_mem>>) src(%dma_wait3A_836 : memref<8x8x128xf32, #tpu.memory_space<vmem>>) dst(%dma_wait3A_832 : memref<8x8x128xf32, #tpu.memory_space<hbm>>)
      } else {
      }
      %scan3A_468 = arith.constant 0 : i32
      %scan3A_469 = arith.constant 0 : i32
      %scan3A_470 = arith.constant 32 : i32
      %scan3A_471 = arith.addi %scan3A_469, %scan3A_470 : i32
      %scan3A_472 = arith.constant 1 : i32
      scf.for %scan3A_814 = %scan3A_469 to %scan3A_471 step %scan3A_472  : i32 {
        %mul3A_815 = arith.constant 4 : i32
        %mul3A_816 = arith.muli %scan3A_814, %mul3A_815 : i32
        %add3A_817 = arith.constant 0 : i32
        %add3A_818 = arith.addi %mul3A_816, %add3A_817 : i32
        %broadcast_in_dim3A = vector.broadcast %add3A_818 : i32 to vector<16xi32>
        %get3A = arith.index_cast %add3A_818 : i32 to index
        %get3A_819 = arith.constant 0 : index
        %get3A_820 = tpu.vector_load %arg7[%get3A, %get3A_819] {strides = array<i32>} : memref<128x64xf32, #tpu.memory_space<vmem>>, vector<16xf32>,
        %get3A_821 = arith.index_cast %add3A_818 : i32 to index
        %get3A_822 = arith.constant 16 : index
        %get3A_823 = tpu.vector_load %arg7[%get3A_821, %get3A_822] {strides = array<i32>} : memref<128x64xf32, #tpu.memory_space<vmem>>, vector<16xf32>,
        %get3A_824 = arith.index_cast %add3A_818 : i32 to index
        %get3A_825 = arith.constant 32 : index
        %get3A_826 = tpu.vector_load %arg7[%get3A_824, %get3A_825] {strides = array<i32>} : memref<128x64xf32, #tpu.memory_space<vmem>>, vector<16xf32>,
        %get3A_827 = arith.index_cast %add3A_818 : i32 to index
        %get3A_828 = arith.constant 48 : index
        %get3A_829 = tpu.vector_load %arg7[%get3A_827, %get3A_828] {strides = array<i32>} : memref<128x64xf32, #tpu.memory_space<vmem>>, vector<16xf32>,
        tpu.vector_store_idx %arg15[%select_n3A, %select_n3A_232, %broadcast_in_dim3A], %get3A_820 : memref<8x8x133xf32, #tpu.memory_space<vmem>>[vector<16xi32>, vector<16xi32>, vector<16xi32>], vector<16xf32>,
        tpu.vector_store_idx %arg15[%select_n3A_141, %select_n3A_257, %broadcast_in_dim3A], %get3A_823 : memref<8x8x133xf32, #tpu.memory_space<vmem>>[vector<16xi32>, vector<16xi32>, vector<16xi32>], vector<16xf32>,
        tpu.vector_store_idx %arg15[%select_n3A_175, %select_n3A_282, %broadcast_in_dim3A], %get3A_826 : memref<8x8x133xf32, #tpu.memory_space<vmem>>[vector<16xi32>, vector<16xi32>, vector<16xi32>], vector<16xf32>,
        tpu.vector_store_idx %arg15[%select_n3A_209, %select_n3A_307, %broadcast_in_dim3A], %get3A_829 : memref<8x8x133xf32, #tpu.memory_space<vmem>>[vector<16xi32>, vector<16xi32>, vector<16xi32>], vector<16xf32>,
        %mul3A_830 = arith.constant 4 : i32
        %mul3A_831 = arith.muli %scan3A_814, %mul3A_830 : i32
        %add3A_832 = arith.constant 1 : i32
        %add3A_833 = arith.addi %mul3A_831, %add3A_832 : i32
        %broadcast_in_dim3A_834 = vector.broadcast %add3A_833 : i32 to vector<16xi32>
        %get3A_835 = arith.index_cast %add3A_833 : i32 to index
        %get3A_836 = arith.constant 0 : index
        %get3A_837 = tpu.vector_load %arg7[%get3A_835, %get3A_836] {strides = array<i32>} : memref<128x64xf32, #tpu.memory_space<vmem>>, vector<16xf32>,
        %get3A_838 = arith.index_cast %add3A_833 : i32 to index
        %get3A_839 = arith.constant 16 : index
        %get3A_840 = tpu.vector_load %arg7[%get3A_838, %get3A_839] {strides = array<i32>} : memref<128x64xf32, #tpu.memory_space<vmem>>, vector<16xf32>,
        %get3A_841 = arith.index_cast %add3A_833 : i32 to index
        %get3A_842 = arith.constant 32 : index
        %get3A_843 = tpu.vector_load %arg7[%get3A_841, %get3A_842] {strides = array<i32>} : memref<128x64xf32, #tpu.memory_space<vmem>>, vector<16xf32>,
        %get3A_844 = arith.index_cast %add3A_833 : i32 to index
        %get3A_845 = arith.constant 48 : index
        %get3A_846 = tpu.vector_load %arg7[%get3A_844, %get3A_845] {strides = array<i32>} : memref<128x64xf32, #tpu.memory_space<vmem>>, vector<16xf32>,
        tpu.vector_store_idx %arg15[%select_n3A, %select_n3A_232, %broadcast_in_dim3A_834], %get3A_837 : memref<8x8x133xf32, #tpu.memory_space<vmem>>[vector<16xi32>, vector<16xi32>, vector<16xi32>], vector<16xf32>,
        tpu.vector_store_idx %arg15[%select_n3A_141, %select_n3A_257, %broadcast_in_dim3A_834], %get3A_840 : memref<8x8x133xf32, #tpu.memory_space<vmem>>[vector<16xi32>, vector<16xi32>, vector<16xi32>], vector<16xf32>,
        tpu.vector_store_idx %arg15[%select_n3A_175, %select_n3A_282, %broadcast_in_dim3A_834], %get3A_843 : memref<8x8x133xf32, #tpu.memory_space<vmem>>[vector<16xi32>, vector<16xi32>, vector<16xi32>], vector<16xf32>,
        tpu.vector_store_idx %arg15[%select_n3A_209, %select_n3A_307, %broadcast_in_dim3A_834], %get3A_846 : memref<8x8x133xf32, #tpu.memory_space<vmem>>[vector<16xi32>, vector<16xi32>, vector<16xi32>], vector<16xf32>,
        %mul3A_847 = arith.constant 4 : i32
        %mul3A_848 = arith.muli %scan3A_814, %mul3A_847 : i32
        %add3A_849 = arith.constant 2 : i32
        %add3A_850 = arith.addi %mul3A_848, %add3A_849 : i32
        %broadcast_in_dim3A_851 = vector.broadcast %add3A_850 : i32 to vector<16xi32>
        %get3A_852 = arith.index_cast %add3A_850 : i32 to index
        %get3A_853 = arith.constant 0 : index
        %get3A_854 = tpu.vector_load %arg7[%get3A_852, %get3A_853] {strides = array<i32>} : memref<128x64xf32, #tpu.memory_space<vmem>>, vector<16xf32>,
        %get3A_855 = arith.index_cast %add3A_850 : i32 to index
        %get3A_856 = arith.constant 16 : index
        %get3A_857 = tpu.vector_load %arg7[%get3A_855, %get3A_856] {strides = array<i32>} : memref<128x64xf32, #tpu.memory_space<vmem>>, vector<16xf32>,
        %get3A_858 = arith.index_cast %add3A_850 : i32 to index
        %get3A_859 = arith.constant 32 : index
        %get3A_860 = tpu.vector_load %arg7[%get3A_858, %get3A_859] {strides = array<i32>} : memref<128x64xf32, #tpu.memory_space<vmem>>, vector<16xf32>,
        %get3A_861 = arith.index_cast %add3A_850 : i32 to index
        %get3A_862 = arith.constant 48 : index
        %get3A_863 = tpu.vector_load %arg7[%get3A_861, %get3A_862] {strides = array<i32>} : memref<128x64xf32, #tpu.memory_space<vmem>>, vector<16xf32>,
        tpu.vector_store_idx %arg15[%select_n3A, %select_n3A_232, %broadcast_in_dim3A_851], %get3A_854 : memref<8x8x133xf32, #tpu.memory_space<vmem>>[vector<16xi32>, vector<16xi32>, vector<16xi32>], vector<16xf32>,
        tpu.vector_store_idx %arg15[%select_n3A_141, %select_n3A_257, %broadcast_in_dim3A_851], %get3A_857 : memref<8x8x133xf32, #tpu.memory_space<vmem>>[vector<16xi32>, vector<16xi32>, vector<16xi32>], vector<16xf32>,
        tpu.vector_store_idx %arg15[%select_n3A_175, %select_n3A_282, %broadcast_in_dim3A_851], %get3A_860 : memref<8x8x133xf32, #tpu.memory_space<vmem>>[vector<16xi32>, vector<16xi32>, vector<16xi32>], vector<16xf32>,
        tpu.vector_store_idx %arg15[%select_n3A_209, %select_n3A_307, %broadcast_in_dim3A_851], %get3A_863 : memref<8x8x133xf32, #tpu.memory_space<vmem>>[vector<16xi32>, vector<16xi32>, vector<16xi32>], vector<16xf32>,
        %mul3A_864 = arith.constant 4 : i32
        %mul3A_865 = arith.muli %scan3A_814, %mul3A_864 : i32
        %add3A_866 = arith.constant 3 : i32
        %add3A_867 = arith.addi %mul3A_865, %add3A_866 : i32
        %broadcast_in_dim3A_868 = vector.broadcast %add3A_867 : i32 to vector<16xi32>
        %get3A_869 = arith.index_cast %add3A_867 : i32 to index
        %get3A_870 = arith.constant 0 : index
        %get3A_871 = tpu.vector_load %arg7[%get3A_869, %get3A_870] {strides = array<i32>} : memref<128x64xf32, #tpu.memory_space<vmem>>, vector<16xf32>,
        %get3A_872 = arith.index_cast %add3A_867 : i32 to index
        %get3A_873 = arith.constant 16 : index
        %get3A_874 = tpu.vector_load %arg7[%get3A_872, %get3A_873] {strides = array<i32>} : memref<128x64xf32, #tpu.memory_space<vmem>>, vector<16xf32>,
        %get3A_875 = arith.index_cast %add3A_867 : i32 to index
        %get3A_876 = arith.constant 32 : index
        %get3A_877 = tpu.vector_load %arg7[%get3A_875, %get3A_876] {strides = array<i32>} : memref<128x64xf32, #tpu.memory_space<vmem>>, vector<16xf32>,
        %get3A_878 = arith.index_cast %add3A_867 : i32 to index
        %get3A_879 = arith.constant 48 : index
        %get3A_880 = tpu.vector_load %arg7[%get3A_878, %get3A_879] {strides = array<i32>} : memref<128x64xf32, #tpu.memory_space<vmem>>, vector<16xf32>,
        tpu.vector_store_idx %arg15[%select_n3A, %select_n3A_232, %broadcast_in_dim3A_868], %get3A_871 : memref<8x8x133xf32, #tpu.memory_space<vmem>>[vector<16xi32>, vector<16xi32>, vector<16xi32>], vector<16xf32>,
        tpu.vector_store_idx %arg15[%select_n3A_141, %select_n3A_257, %broadcast_in_dim3A_868], %get3A_874 : memref<8x8x133xf32, #tpu.memory_space<vmem>>[vector<16xi32>, vector<16xi32>, vector<16xi32>], vector<16xf32>,
        tpu.vector_store_idx %arg15[%select_n3A_175, %select_n3A_282, %broadcast_in_dim3A_868], %get3A_877 : memref<8x8x133xf32, #tpu.memory_space<vmem>>[vector<16xi32>, vector<16xi32>, vector<16xi32>], vector<16xf32>,
        tpu.vector_store_idx %arg15[%select_n3A_209, %select_n3A_307, %broadcast_in_dim3A_868], %get3A_880 : memref<8x8x133xf32, #tpu.memory_space<vmem>>[vector<16xi32>, vector<16xi32>, vector<16xi32>], vector<16xf32>,
      }
      %scan3A_473 = arith.constant 32 : i32
      %dma_start3A_474 = arith.constant 1 : i32
      %dma_start3A_475 = arith.constant 0 : i32
      %dma_start3A_476 = arith.constant 0 : i32
      %dma_start3A_477 = arith.constant 0 : i32
      %dma_start3A_478 = tpu.memref_slice %arg15[%dma_start3A_475, %dma_start3A_476, %dma_start3A_477] : memref<8x8x133xf32, #tpu.memory_space<vmem>> -> memref<8x8x128xf32, #tpu.memory_space<vmem>>
      %dma_start3A_479 = arith.constant 0 : i32
      %dma_start3A_480 = arith.constant 0 : i32
      %dma_start3A_481 = arith.constant 0 : i32
      %dma_start3A_482 = tpu.memref_slice %arg4[%add3A_453, %dma_start3A_479, %add3A, %dma_start3A_480, %dma_start3A_481] : memref<200x8x32x8x128xf32, #tpu.memory_space<hbm>> -> memref<1x8x1x8x128xf32, #tpu.memory_space<hbm>>
      %dma_start3A_483 = tpu.memref_squeeze %dma_start3A_482 : memref<1x8x1x8x128xf32, #tpu.memory_space<hbm>> -> memref<8x8x128xf32, #tpu.memory_space<hbm>>
      %dma_start3A_484 = tpu.memref_slice %arg19[%dma_start3A_474] : memref<4x!tpu.dma_semaphore, #tpu.memory_space<semaphore_mem>> -> memref<1x!tpu.dma_semaphore, #tpu.memory_space<semaphore_mem>>
      %dma_start3A_485 = tpu.memref_squeeze %dma_start3A_484 : memref<1x!tpu.dma_semaphore, #tpu.memory_space<semaphore_mem>> -> memref<!tpu.dma_semaphore, #tpu.memory_space<semaphore_mem>>
      %dma_start3A_486 = arith.constant 0 : i32
      %dma_start3A_487 = arith.constant 0 : i32
      %dma_start3A_488 = arith.constant 0 : i32
      %dma_start3A_489 = tpu.memref_slice %arg4[%add3A_453, %dma_start3A_486, %add3A, %dma_start3A_487, %dma_start3A_488] : memref<200x8x32x8x128xf32, #tpu.memory_space<hbm>> -> memref<1x8x1x8x128xf32, #tpu.memory_space<hbm>>
      %dma_start3A_490 = tpu.memref_squeeze %dma_start3A_489 : memref<1x8x1x8x128xf32, #tpu.memory_space<hbm>> -> memref<8x8x128xf32, #tpu.memory_space<hbm>>
      %dma_start3A_491 = arith.constant 0 : i32
      %dma_start3A_492 = arith.constant 0 : i32
      %dma_start3A_493 = arith.constant 0 : i32
      %dma_start3A_494 = tpu.memref_slice %arg15[%dma_start3A_491, %dma_start3A_492, %dma_start3A_493] : memref<8x8x133xf32, #tpu.memory_space<vmem>> -> memref<8x8x128xf32, #tpu.memory_space<vmem>>
      tpu.enqueue_dma source(%dma_start3A_494 : memref<8x8x128xf32, #tpu.memory_space<vmem>>) target(%dma_start3A_490 : memref<8x8x128xf32, #tpu.memory_space<hbm>>) target_semaphore(%dma_start3A_485 : memref<!tpu.dma_semaphore, #tpu.memory_space<semaphore_mem>>)
      %add3A_495 = arith.constant 8 : i32
      %add3A_496 = arith.addi %add3A_453, %add3A_495 : i32
      %lt3A_497 = arith.constant 200 : i32
      %lt3A_498 = arith.cmpi slt, %add3A_496, %lt3A_497 : i32
      %convert_element_type3A_499 = arith.extui %lt3A_498 : i1 to i32
      %cond3A_500 = arith.constant 0 : i32
      %cond3A_501 = arith.cmpi ne, %convert_element_type3A_499, %cond3A_500 : i32
      scf.if %cond3A_501 {
        %dma_start3A_814 = arith.constant 1 : i32
        %dma_start3A_815 = arith.constant 0 : i32
        %dma_start3A_816 = tpu.memref_slice %arg5[%add3A_496, %dma_start3A_815] : memref<200x128xi32, #tpu.memory_space<vmem>> -> memref<1x128xi32, #tpu.memory_space<vmem>>
        %dma_start3A_817 = tpu.memref_squeeze %dma_start3A_816 : memref<1x128xi32, #tpu.memory_space<vmem>> -> memref<128xi32, #tpu.memory_space<vmem>>
        %dma_start3A_818 = arith.constant 0 : i32
        %dma_start3A_819 = arith.constant 0 : i32
        %dma_start3A_820 = tpu.memref_slice %arg3[%dma_start3A_818, %dma_start3A_819] : memref<1000000x64xf32, #tpu.memory_space<hbm>> -> memref<1000000x64xf32, #tpu.memory_space<hbm>>
        %dma_start3A_821 = tpu.memref_slice %arg18[%dma_start3A_814] : memref<8x!tpu.dma_semaphore, #tpu.memory_space<semaphore_mem>> -> memref<1x!tpu.dma_semaphore, #tpu.memory_space<semaphore_mem>>
        %dma_start3A_822 = tpu.memref_squeeze %dma_start3A_821 : memref<1x!tpu.dma_semaphore, #tpu.memory_space<semaphore_mem>> -> memref<!tpu.dma_semaphore, #tpu.memory_space<semaphore_mem>>
        tpu.enqueue_indirect_dma source(%dma_start3A_820 : memref<1000000x64xf32, #tpu.memory_space<hbm>>) target(%arg7 : memref<128x64xf32, #tpu.memory_space<vmem>>) offsets(%dma_start3A_817 : memref<128xi32, #tpu.memory_space<vmem>>) semaphore(%dma_start3A_822 : memref<!tpu.dma_semaphore, #tpu.memory_space<semaphore_mem>>)
      } else {
      }
      %mul3A_502 = arith.constant 8 : i32
      %mul3A_503 = arith.muli %scan3A_400, %mul3A_502 : i32
      %add3A_504 = arith.constant 2 : i32
      %add3A_505 = arith.addi %mul3A_503, %add3A_504 : i32
      %dma_wait3A_506 = arith.constant 2 : i32
      %dma_wait3A_507 = arith.constant 0 : i32
      %dma_wait3A_508 = tpu.memref_slice %arg5[%add3A_505, %dma_wait3A_507] : memref<200x128xi32, #tpu.memory_space<vmem>> -> memref<1x128xi32, #tpu.memory_space<vmem>>
      %dma_wait3A_509 = tpu.memref_squeeze %dma_wait3A_508 : memref<1x128xi32, #tpu.memory_space<vmem>> -> memref<128xi32, #tpu.memory_space<vmem>>
      %dma_wait3A_510 = arith.constant 0 : i32
      %dma_wait3A_511 = arith.constant 0 : i32
      %dma_wait3A_512 = tpu.memref_slice %arg3[%dma_wait3A_510, %dma_wait3A_511] : memref<1000000x64xf32, #tpu.memory_space<hbm>> -> memref<1000000x64xf32, #tpu.memory_space<hbm>>
      %dma_wait3A_513 = tpu.memref_slice %arg18[%dma_wait3A_506] : memref<8x!tpu.dma_semaphore, #tpu.memory_space<semaphore_mem>> -> memref<1x!tpu.dma_semaphore, #tpu.memory_space<semaphore_mem>>
      %dma_wait3A_514 = tpu.memref_squeeze %dma_wait3A_513 : memref<1x!tpu.dma_semaphore, #tpu.memory_space<semaphore_mem>> -> memref<!tpu.dma_semaphore, #tpu.memory_space<semaphore_mem>>
      tpu.wait_indirect_dma semaphore(%dma_wait3A_514 : memref<!tpu.dma_semaphore, #tpu.memory_space<semaphore_mem>>) src(%dma_wait3A_512 : memref<1000000x64xf32, #tpu.memory_space<hbm>>) dst(%arg8 : memref<128x64xf32, #tpu.memory_space<vmem>>)
      %ge3A_515 = arith.constant 4 : i32
      %ge3A_516 = arith.cmpi sge, %add3A_505, %ge3A_515 : i32
      %convert_element_type3A_517 = arith.extui %ge3A_516 : i1 to i32
      %cond3A_518 = arith.constant 0 : i32
      %cond3A_519 = arith.cmpi ne, %convert_element_type3A_517, %cond3A_518 : i32
      scf.if %cond3A_519 {
        %sub3A_814 = arith.constant 4 : i32
        %sub3A_815 = arith.subi %add3A_505, %sub3A_814 : i32
        %dma_wait3A_816 = arith.constant 2 : i32
        %dma_wait3A_817 = arith.constant 0 : i32
        %dma_wait3A_818 = arith.constant 0 : i32
        %dma_wait3A_819 = arith.constant 0 : i32
        %dma_wait3A_820 = tpu.memref_slice %arg16[%dma_wait3A_817, %dma_wait3A_818, %dma_wait3A_819] : memref<8x8x133xf32, #tpu.memory_space<vmem>> -> memref<8x8x128xf32, #tpu.memory_space<vmem>>
        %dma_wait3A_821 = arith.constant 0 : i32
        %dma_wait3A_822 = arith.constant 0 : i32
        %dma_wait3A_823 = arith.constant 0 : i32
        %dma_wait3A_824 = tpu.memref_slice %arg4[%sub3A_815, %dma_wait3A_821, %add3A, %dma_wait3A_822, %dma_wait3A_823] : memref<200x8x32x8x128xf32, #tpu.memory_space<hbm>> -> memref<1x8x1x8x128xf32, #tpu.memory_space<hbm>>
        %dma_wait3A_825 = tpu.memref_squeeze %dma_wait3A_824 : memref<1x8x1x8x128xf32, #tpu.memory_space<hbm>> -> memref<8x8x128xf32, #tpu.memory_space<hbm>>
        %dma_wait3A_826 = tpu.memref_slice %arg19[%dma_wait3A_816] : memref<4x!tpu.dma_semaphore, #tpu.memory_space<semaphore_mem>> -> memref<1x!tpu.dma_semaphore, #tpu.memory_space<semaphore_mem>>
        %dma_wait3A_827 = tpu.memref_squeeze %dma_wait3A_826 : memref<1x!tpu.dma_semaphore, #tpu.memory_space<semaphore_mem>> -> memref<!tpu.dma_semaphore, #tpu.memory_space<semaphore_mem>>
        %dma_wait3A_828 = arith.constant 0 : i32
        %dma_wait3A_829 = arith.constant 0 : i32
        %dma_wait3A_830 = arith.constant 0 : i32
        %dma_wait3A_831 = tpu.memref_slice %arg4[%sub3A_815, %dma_wait3A_828, %add3A, %dma_wait3A_829, %dma_wait3A_830] : memref<200x8x32x8x128xf32, #tpu.memory_space<hbm>> -> memref<1x8x1x8x128xf32, #tpu.memory_space<hbm>>
        %dma_wait3A_832 = tpu.memref_squeeze %dma_wait3A_831 : memref<1x8x1x8x128xf32, #tpu.memory_space<hbm>> -> memref<8x8x128xf32, #tpu.memory_space<hbm>>
        %dma_wait3A_833 = arith.constant 0 : i32
        %dma_wait3A_834 = arith.constant 0 : i32
        %dma_wait3A_835 = arith.constant 0 : i32
        %dma_wait3A_836 = tpu.memref_slice %arg16[%dma_wait3A_833, %dma_wait3A_834, %dma_wait3A_835] : memref<8x8x133xf32, #tpu.memory_space<vmem>> -> memref<8x8x128xf32, #tpu.memory_space<vmem>>
        tpu.wait_dma2 semaphore(%dma_wait3A_827 : memref<!tpu.dma_semaphore, #tpu.memory_space<semaphore_mem>>) src(%dma_wait3A_836 : memref<8x8x128xf32, #tpu.memory_space<vmem>>) dst(%dma_wait3A_832 : memref<8x8x128xf32, #tpu.memory_space<hbm>>)
      } else {
      }
      %scan3A_520 = arith.constant 0 : i32
      %scan3A_521 = arith.constant 0 : i32
      %scan3A_522 = arith.constant 32 : i32
      %scan3A_523 = arith.addi %scan3A_521, %scan3A_522 : i32
      %scan3A_524 = arith.constant 1 : i32
      scf.for %scan3A_814 = %scan3A_521 to %scan3A_523 step %scan3A_524  : i32 {
        %mul3A_815 = arith.constant 4 : i32
        %mul3A_816 = arith.muli %scan3A_814, %mul3A_815 : i32
        %add3A_817 = arith.constant 0 : i32
        %add3A_818 = arith.addi %mul3A_816, %add3A_817 : i32
        %broadcast_in_dim3A = vector.broadcast %add3A_818 : i32 to vector<16xi32>
        %get3A = arith.index_cast %add3A_818 : i32 to index
        %get3A_819 = arith.constant 0 : index
        %get3A_820 = tpu.vector_load %arg8[%get3A, %get3A_819] {strides = array<i32>} : memref<128x64xf32, #tpu.memory_space<vmem>>, vector<16xf32>,
        %get3A_821 = arith.index_cast %add3A_818 : i32 to index
        %get3A_822 = arith.constant 16 : index
        %get3A_823 = tpu.vector_load %arg8[%get3A_821, %get3A_822] {strides = array<i32>} : memref<128x64xf32, #tpu.memory_space<vmem>>, vector<16xf32>,
        %get3A_824 = arith.index_cast %add3A_818 : i32 to index
        %get3A_825 = arith.constant 32 : index
        %get3A_826 = tpu.vector_load %arg8[%get3A_824, %get3A_825] {strides = array<i32>} : memref<128x64xf32, #tpu.memory_space<vmem>>, vector<16xf32>,
        %get3A_827 = arith.index_cast %add3A_818 : i32 to index
        %get3A_828 = arith.constant 48 : index
        %get3A_829 = tpu.vector_load %arg8[%get3A_827, %get3A_828] {strides = array<i32>} : memref<128x64xf32, #tpu.memory_space<vmem>>, vector<16xf32>,
        tpu.vector_store_idx %arg16[%select_n3A, %select_n3A_232, %broadcast_in_dim3A], %get3A_820 : memref<8x8x133xf32, #tpu.memory_space<vmem>>[vector<16xi32>, vector<16xi32>, vector<16xi32>], vector<16xf32>,
        tpu.vector_store_idx %arg16[%select_n3A_141, %select_n3A_257, %broadcast_in_dim3A], %get3A_823 : memref<8x8x133xf32, #tpu.memory_space<vmem>>[vector<16xi32>, vector<16xi32>, vector<16xi32>], vector<16xf32>,
        tpu.vector_store_idx %arg16[%select_n3A_175, %select_n3A_282, %broadcast_in_dim3A], %get3A_826 : memref<8x8x133xf32, #tpu.memory_space<vmem>>[vector<16xi32>, vector<16xi32>, vector<16xi32>], vector<16xf32>,
        tpu.vector_store_idx %arg16[%select_n3A_209, %select_n3A_307, %broadcast_in_dim3A], %get3A_829 : memref<8x8x133xf32, #tpu.memory_space<vmem>>[vector<16xi32>, vector<16xi32>, vector<16xi32>], vector<16xf32>,
        %mul3A_830 = arith.constant 4 : i32
        %mul3A_831 = arith.muli %scan3A_814, %mul3A_830 : i32
        %add3A_832 = arith.constant 1 : i32
        %add3A_833 = arith.addi %mul3A_831, %add3A_832 : i32
        %broadcast_in_dim3A_834 = vector.broadcast %add3A_833 : i32 to vector<16xi32>
        %get3A_835 = arith.index_cast %add3A_833 : i32 to index
        %get3A_836 = arith.constant 0 : index
        %get3A_837 = tpu.vector_load %arg8[%get3A_835, %get3A_836] {strides = array<i32>} : memref<128x64xf32, #tpu.memory_space<vmem>>, vector<16xf32>,
        %get3A_838 = arith.index_cast %add3A_833 : i32 to index
        %get3A_839 = arith.constant 16 : index
        %get3A_840 = tpu.vector_load %arg8[%get3A_838, %get3A_839] {strides = array<i32>} : memref<128x64xf32, #tpu.memory_space<vmem>>, vector<16xf32>,
        %get3A_841 = arith.index_cast %add3A_833 : i32 to index
        %get3A_842 = arith.constant 32 : index
        %get3A_843 = tpu.vector_load %arg8[%get3A_841, %get3A_842] {strides = array<i32>} : memref<128x64xf32, #tpu.memory_space<vmem>>, vector<16xf32>,
        %get3A_844 = arith.index_cast %add3A_833 : i32 to index
        %get3A_845 = arith.constant 48 : index
        %get3A_846 = tpu.vector_load %arg8[%get3A_844, %get3A_845] {strides = array<i32>} : memref<128x64xf32, #tpu.memory_space<vmem>>, vector<16xf32>,
        tpu.vector_store_idx %arg16[%select_n3A, %select_n3A_232, %broadcast_in_dim3A_834], %get3A_837 : memref<8x8x133xf32, #tpu.memory_space<vmem>>[vector<16xi32>, vector<16xi32>, vector<16xi32>], vector<16xf32>,
        tpu.vector_store_idx %arg16[%select_n3A_141, %select_n3A_257, %broadcast_in_dim3A_834], %get3A_840 : memref<8x8x133xf32, #tpu.memory_space<vmem>>[vector<16xi32>, vector<16xi32>, vector<16xi32>], vector<16xf32>,
        tpu.vector_store_idx %arg16[%select_n3A_175, %select_n3A_282, %broadcast_in_dim3A_834], %get3A_843 : memref<8x8x133xf32, #tpu.memory_space<vmem>>[vector<16xi32>, vector<16xi32>, vector<16xi32>], vector<16xf32>,
        tpu.vector_store_idx %arg16[%select_n3A_209, %select_n3A_307, %broadcast_in_dim3A_834], %get3A_846 : memref<8x8x133xf32, #tpu.memory_space<vmem>>[vector<16xi32>, vector<16xi32>, vector<16xi32>], vector<16xf32>,
        %mul3A_847 = arith.constant 4 : i32
        %mul3A_848 = arith.muli %scan3A_814, %mul3A_847 : i32
        %add3A_849 = arith.constant 2 : i32
        %add3A_850 = arith.addi %mul3A_848, %add3A_849 : i32
        %broadcast_in_dim3A_851 = vector.broadcast %add3A_850 : i32 to vector<16xi32>
        %get3A_852 = arith.index_cast %add3A_850 : i32 to index
        %get3A_853 = arith.constant 0 : index
        %get3A_854 = tpu.vector_load %arg8[%get3A_852, %get3A_853] {strides = array<i32>} : memref<128x64xf32, #tpu.memory_space<vmem>>, vector<16xf32>,
        %get3A_855 = arith.index_cast %add3A_850 : i32 to index
        %get3A_856 = arith.constant 16 : index
        %get3A_857 = tpu.vector_load %arg8[%get3A_855, %get3A_856] {strides = array<i32>} : memref<128x64xf32, #tpu.memory_space<vmem>>, vector<16xf32>,
        %get3A_858 = arith.index_cast %add3A_850 : i32 to index
        %get3A_859 = arith.constant 32 : index
        %get3A_860 = tpu.vector_load %arg8[%get3A_858, %get3A_859] {strides = array<i32>} : memref<128x64xf32, #tpu.memory_space<vmem>>, vector<16xf32>,
        %get3A_861 = arith.index_cast %add3A_850 : i32 to index
        %get3A_862 = arith.constant 48 : index
        %get3A_863 = tpu.vector_load %arg8[%get3A_861, %get3A_862] {strides = array<i32>} : memref<128x64xf32, #tpu.memory_space<vmem>>, vector<16xf32>,
        tpu.vector_store_idx %arg16[%select_n3A, %select_n3A_232, %broadcast_in_dim3A_851], %get3A_854 : memref<8x8x133xf32, #tpu.memory_space<vmem>>[vector<16xi32>, vector<16xi32>, vector<16xi32>], vector<16xf32>,
        tpu.vector_store_idx %arg16[%select_n3A_141, %select_n3A_257, %broadcast_in_dim3A_851], %get3A_857 : memref<8x8x133xf32, #tpu.memory_space<vmem>>[vector<16xi32>, vector<16xi32>, vector<16xi32>], vector<16xf32>,
        tpu.vector_store_idx %arg16[%select_n3A_175, %select_n3A_282, %broadcast_in_dim3A_851], %get3A_860 : memref<8x8x133xf32, #tpu.memory_space<vmem>>[vector<16xi32>, vector<16xi32>, vector<16xi32>], vector<16xf32>,
        tpu.vector_store_idx %arg16[%select_n3A_209, %select_n3A_307, %broadcast_in_dim3A_851], %get3A_863 : memref<8x8x133xf32, #tpu.memory_space<vmem>>[vector<16xi32>, vector<16xi32>, vector<16xi32>], vector<16xf32>,
        %mul3A_864 = arith.constant 4 : i32
        %mul3A_865 = arith.muli %scan3A_814, %mul3A_864 : i32
        %add3A_866 = arith.constant 3 : i32
        %add3A_867 = arith.addi %mul3A_865, %add3A_866 : i32
        %broadcast_in_dim3A_868 = vector.broadcast %add3A_867 : i32 to vector<16xi32>
        %get3A_869 = arith.index_cast %add3A_867 : i32 to index
        %get3A_870 = arith.constant 0 : index
        %get3A_871 = tpu.vector_load %arg8[%get3A_869, %get3A_870] {strides = array<i32>} : memref<128x64xf32, #tpu.memory_space<vmem>>, vector<16xf32>,
        %get3A_872 = arith.index_cast %add3A_867 : i32 to index
        %get3A_873 = arith.constant 16 : index
        %get3A_874 = tpu.vector_load %arg8[%get3A_872, %get3A_873] {strides = array<i32>} : memref<128x64xf32, #tpu.memory_space<vmem>>, vector<16xf32>,
        %get3A_875 = arith.index_cast %add3A_867 : i32 to index
        %get3A_876 = arith.constant 32 : index
        %get3A_877 = tpu.vector_load %arg8[%get3A_875, %get3A_876] {strides = array<i32>} : memref<128x64xf32, #tpu.memory_space<vmem>>, vector<16xf32>,
        %get3A_878 = arith.index_cast %add3A_867 : i32 to index
        %get3A_879 = arith.constant 48 : index
        %get3A_880 = tpu.vector_load %arg8[%get3A_878, %get3A_879] {strides = array<i32>} : memref<128x64xf32, #tpu.memory_space<vmem>>, vector<16xf32>,
        tpu.vector_store_idx %arg16[%select_n3A, %select_n3A_232, %broadcast_in_dim3A_868], %get3A_871 : memref<8x8x133xf32, #tpu.memory_space<vmem>>[vector<16xi32>, vector<16xi32>, vector<16xi32>], vector<16xf32>,
        tpu.vector_store_idx %arg16[%select_n3A_141, %select_n3A_257, %broadcast_in_dim3A_868], %get3A_874 : memref<8x8x133xf32, #tpu.memory_space<vmem>>[vector<16xi32>, vector<16xi32>, vector<16xi32>], vector<16xf32>,
        tpu.vector_store_idx %arg16[%select_n3A_175, %select_n3A_282, %broadcast_in_dim3A_868], %get3A_877 : memref<8x8x133xf32, #tpu.memory_space<vmem>>[vector<16xi32>, vector<16xi32>, vector<16xi32>], vector<16xf32>,
        tpu.vector_store_idx %arg16[%select_n3A_209, %select_n3A_307, %broadcast_in_dim3A_868], %get3A_880 : memref<8x8x133xf32, #tpu.memory_space<vmem>>[vector<16xi32>, vector<16xi32>, vector<16xi32>], vector<16xf32>,
      }
      %scan3A_525 = arith.constant 32 : i32
      %dma_start3A_526 = arith.constant 2 : i32
      %dma_start3A_527 = arith.constant 0 : i32
      %dma_start3A_528 = arith.constant 0 : i32
      %dma_start3A_529 = arith.constant 0 : i32
      %dma_start3A_530 = tpu.memref_slice %arg16[%dma_start3A_527, %dma_start3A_528, %dma_start3A_529] : memref<8x8x133xf32, #tpu.memory_space<vmem>> -> memref<8x8x128xf32, #tpu.memory_space<vmem>>
      %dma_start3A_531 = arith.constant 0 : i32
      %dma_start3A_532 = arith.constant 0 : i32
      %dma_start3A_533 = arith.constant 0 : i32
      %dma_start3A_534 = tpu.memref_slice %arg4[%add3A_505, %dma_start3A_531, %add3A, %dma_start3A_532, %dma_start3A_533] : memref<200x8x32x8x128xf32, #tpu.memory_space<hbm>> -> memref<1x8x1x8x128xf32, #tpu.memory_space<hbm>>
      %dma_start3A_535 = tpu.memref_squeeze %dma_start3A_534 : memref<1x8x1x8x128xf32, #tpu.memory_space<hbm>> -> memref<8x8x128xf32, #tpu.memory_space<hbm>>
      %dma_start3A_536 = tpu.memref_slice %arg19[%dma_start3A_526] : memref<4x!tpu.dma_semaphore, #tpu.memory_space<semaphore_mem>> -> memref<1x!tpu.dma_semaphore, #tpu.memory_space<semaphore_mem>>
      %dma_start3A_537 = tpu.memref_squeeze %dma_start3A_536 : memref<1x!tpu.dma_semaphore, #tpu.memory_space<semaphore_mem>> -> memref<!tpu.dma_semaphore, #tpu.memory_space<semaphore_mem>>
      %dma_start3A_538 = arith.constant 0 : i32
      %dma_start3A_539 = arith.constant 0 : i32
      %dma_start3A_540 = arith.constant 0 : i32
      %dma_start3A_541 = tpu.memref_slice %arg4[%add3A_505, %dma_start3A_538, %add3A, %dma_start3A_539, %dma_start3A_540] : memref<200x8x32x8x128xf32, #tpu.memory_space<hbm>> -> memref<1x8x1x8x128xf32, #tpu.memory_space<hbm>>
      %dma_start3A_542 = tpu.memref_squeeze %dma_start3A_541 : memref<1x8x1x8x128xf32, #tpu.memory_space<hbm>> -> memref<8x8x128xf32, #tpu.memory_space<hbm>>
      %dma_start3A_543 = arith.constant 0 : i32
      %dma_start3A_544 = arith.constant 0 : i32
      %dma_start3A_545 = arith.constant 0 : i32
      %dma_start3A_546 = tpu.memref_slice %arg16[%dma_start3A_543, %dma_start3A_544, %dma_start3A_545] : memref<8x8x133xf32, #tpu.memory_space<vmem>> -> memref<8x8x128xf32, #tpu.memory_space<vmem>>
      tpu.enqueue_dma source(%dma_start3A_546 : memref<8x8x128xf32, #tpu.memory_space<vmem>>) target(%dma_start3A_542 : memref<8x8x128xf32, #tpu.memory_space<hbm>>) target_semaphore(%dma_start3A_537 : memref<!tpu.dma_semaphore, #tpu.memory_space<semaphore_mem>>)
      %add3A_547 = arith.constant 8 : i32
      %add3A_548 = arith.addi %add3A_505, %add3A_547 : i32
      %lt3A_549 = arith.constant 200 : i32
      %lt3A_550 = arith.cmpi slt, %add3A_548, %lt3A_549 : i32
      %convert_element_type3A_551 = arith.extui %lt3A_550 : i1 to i32
      %cond3A_552 = arith.constant 0 : i32
      %cond3A_553 = arith.cmpi ne, %convert_element_type3A_551, %cond3A_552 : i32
      scf.if %cond3A_553 {
        %dma_start3A_814 = arith.constant 2 : i32
        %dma_start3A_815 = arith.constant 0 : i32
        %dma_start3A_816 = tpu.memref_slice %arg5[%add3A_548, %dma_start3A_815] : memref<200x128xi32, #tpu.memory_space<vmem>> -> memref<1x128xi32, #tpu.memory_space<vmem>>
        %dma_start3A_817 = tpu.memref_squeeze %dma_start3A_816 : memref<1x128xi32, #tpu.memory_space<vmem>> -> memref<128xi32, #tpu.memory_space<vmem>>
        %dma_start3A_818 = arith.constant 0 : i32
        %dma_start3A_819 = arith.constant 0 : i32
        %dma_start3A_820 = tpu.memref_slice %arg3[%dma_start3A_818, %dma_start3A_819] : memref<1000000x64xf32, #tpu.memory_space<hbm>> -> memref<1000000x64xf32, #tpu.memory_space<hbm>>
        %dma_start3A_821 = tpu.memref_slice %arg18[%dma_start3A_814] : memref<8x!tpu.dma_semaphore, #tpu.memory_space<semaphore_mem>> -> memref<1x!tpu.dma_semaphore, #tpu.memory_space<semaphore_mem>>
        %dma_start3A_822 = tpu.memref_squeeze %dma_start3A_821 : memref<1x!tpu.dma_semaphore, #tpu.memory_space<semaphore_mem>> -> memref<!tpu.dma_semaphore, #tpu.memory_space<semaphore_mem>>
        tpu.enqueue_indirect_dma source(%dma_start3A_820 : memref<1000000x64xf32, #tpu.memory_space<hbm>>) target(%arg8 : memref<128x64xf32, #tpu.memory_space<vmem>>) offsets(%dma_start3A_817 : memref<128xi32, #tpu.memory_space<vmem>>) semaphore(%dma_start3A_822 : memref<!tpu.dma_semaphore, #tpu.memory_space<semaphore_mem>>)
      } else {
      }
      %mul3A_554 = arith.constant 8 : i32
      %mul3A_555 = arith.muli %scan3A_400, %mul3A_554 : i32
      %add3A_556 = arith.constant 3 : i32
      %add3A_557 = arith.addi %mul3A_555, %add3A_556 : i32
      %dma_wait3A_558 = arith.constant 3 : i32
      %dma_wait3A_559 = arith.constant 0 : i32
      %dma_wait3A_560 = tpu.memref_slice %arg5[%add3A_557, %dma_wait3A_559] : memref<200x128xi32, #tpu.memory_space<vmem>> -> memref<1x128xi32, #tpu.memory_space<vmem>>
      %dma_wait3A_561 = tpu.memref_squeeze %dma_wait3A_560 : memref<1x128xi32, #tpu.memory_space<vmem>> -> memref<128xi32, #tpu.memory_space<vmem>>
      %dma_wait3A_562 = arith.constant 0 : i32
      %dma_wait3A_563 = arith.constant 0 : i32
      %dma_wait3A_564 = tpu.memref_slice %arg3[%dma_wait3A_562, %dma_wait3A_563] : memref<1000000x64xf32, #tpu.memory_space<hbm>> -> memref<1000000x64xf32, #tpu.memory_space<hbm>>
      %dma_wait3A_565 = tpu.memref_slice %arg18[%dma_wait3A_558] : memref<8x!tpu.dma_semaphore, #tpu.memory_space<semaphore_mem>> -> memref<1x!tpu.dma_semaphore, #tpu.memory_space<semaphore_mem>>
      %dma_wait3A_566 = tpu.memref_squeeze %dma_wait3A_565 : memref<1x!tpu.dma_semaphore, #tpu.memory_space<semaphore_mem>> -> memref<!tpu.dma_semaphore, #tpu.memory_space<semaphore_mem>>
      tpu.wait_indirect_dma semaphore(%dma_wait3A_566 : memref<!tpu.dma_semaphore, #tpu.memory_space<semaphore_mem>>) src(%dma_wait3A_564 : memref<1000000x64xf32, #tpu.memory_space<hbm>>) dst(%arg9 : memref<128x64xf32, #tpu.memory_space<vmem>>)
      %ge3A_567 = arith.constant 4 : i32
      %ge3A_568 = arith.cmpi sge, %add3A_557, %ge3A_567 : i32
      %convert_element_type3A_569 = arith.extui %ge3A_568 : i1 to i32
      %cond3A_570 = arith.constant 0 : i32
      %cond3A_571 = arith.cmpi ne, %convert_element_type3A_569, %cond3A_570 : i32
      scf.if %cond3A_571 {
        %sub3A_814 = arith.constant 4 : i32
        %sub3A_815 = arith.subi %add3A_557, %sub3A_814 : i32
        %dma_wait3A_816 = arith.constant 3 : i32
        %dma_wait3A_817 = arith.constant 0 : i32
        %dma_wait3A_818 = arith.constant 0 : i32
        %dma_wait3A_819 = arith.constant 0 : i32
        %dma_wait3A_820 = tpu.memref_slice %arg17[%dma_wait3A_817, %dma_wait3A_818, %dma_wait3A_819] : memref<8x8x133xf32, #tpu.memory_space<vmem>> -> memref<8x8x128xf32, #tpu.memory_space<vmem>>
        %dma_wait3A_821 = arith.constant 0 : i32
        %dma_wait3A_822 = arith.constant 0 : i32
        %dma_wait3A_823 = arith.constant 0 : i32
        %dma_wait3A_824 = tpu.memref_slice %arg4[%sub3A_815, %dma_wait3A_821, %add3A, %dma_wait3A_822, %dma_wait3A_823] : memref<200x8x32x8x128xf32, #tpu.memory_space<hbm>> -> memref<1x8x1x8x128xf32, #tpu.memory_space<hbm>>
        %dma_wait3A_825 = tpu.memref_squeeze %dma_wait3A_824 : memref<1x8x1x8x128xf32, #tpu.memory_space<hbm>> -> memref<8x8x128xf32, #tpu.memory_space<hbm>>
        %dma_wait3A_826 = tpu.memref_slice %arg19[%dma_wait3A_816] : memref<4x!tpu.dma_semaphore, #tpu.memory_space<semaphore_mem>> -> memref<1x!tpu.dma_semaphore, #tpu.memory_space<semaphore_mem>>
        %dma_wait3A_827 = tpu.memref_squeeze %dma_wait3A_826 : memref<1x!tpu.dma_semaphore, #tpu.memory_space<semaphore_mem>> -> memref<!tpu.dma_semaphore, #tpu.memory_space<semaphore_mem>>
        %dma_wait3A_828 = arith.constant 0 : i32
        %dma_wait3A_829 = arith.constant 0 : i32
        %dma_wait3A_830 = arith.constant 0 : i32
        %dma_wait3A_831 = tpu.memref_slice %arg4[%sub3A_815, %dma_wait3A_828, %add3A, %dma_wait3A_829, %dma_wait3A_830] : memref<200x8x32x8x128xf32, #tpu.memory_space<hbm>> -> memref<1x8x1x8x128xf32, #tpu.memory_space<hbm>>
        %dma_wait3A_832 = tpu.memref_squeeze %dma_wait3A_831 : memref<1x8x1x8x128xf32, #tpu.memory_space<hbm>> -> memref<8x8x128xf32, #tpu.memory_space<hbm>>
        %dma_wait3A_833 = arith.constant 0 : i32
        %dma_wait3A_834 = arith.constant 0 : i32
        %dma_wait3A_835 = arith.constant 0 : i32
        %dma_wait3A_836 = tpu.memref_slice %arg17[%dma_wait3A_833, %dma_wait3A_834, %dma_wait3A_835] : memref<8x8x133xf32, #tpu.memory_space<vmem>> -> memref<8x8x128xf32, #tpu.memory_space<vmem>>
        tpu.wait_dma2 semaphore(%dma_wait3A_827 : memref<!tpu.dma_semaphore, #tpu.memory_space<semaphore_mem>>) src(%dma_wait3A_836 : memref<8x8x128xf32, #tpu.memory_space<vmem>>) dst(%dma_wait3A_832 : memref<8x8x128xf32, #tpu.memory_space<hbm>>)
      } else {
      }
      %scan3A_572 = arith.constant 0 : i32
      %scan3A_573 = arith.constant 0 : i32
      %scan3A_574 = arith.constant 32 : i32
      %scan3A_575 = arith.addi %scan3A_573, %scan3A_574 : i32
      %scan3A_576 = arith.constant 1 : i32
      scf.for %scan3A_814 = %scan3A_573 to %scan3A_575 step %scan3A_576  : i32 {
        %mul3A_815 = arith.constant 4 : i32
        %mul3A_816 = arith.muli %scan3A_814, %mul3A_815 : i32
        %add3A_817 = arith.constant 0 : i32
        %add3A_818 = arith.addi %mul3A_816, %add3A_817 : i32
        %broadcast_in_dim3A = vector.broadcast %add3A_818 : i32 to vector<16xi32>
        %get3A = arith.index_cast %add3A_818 : i32 to index
        %get3A_819 = arith.constant 0 : index
        %get3A_820 = tpu.vector_load %arg9[%get3A, %get3A_819] {strides = array<i32>} : memref<128x64xf32, #tpu.memory_space<vmem>>, vector<16xf32>,
        %get3A_821 = arith.index_cast %add3A_818 : i32 to index
        %get3A_822 = arith.constant 16 : index
        %get3A_823 = tpu.vector_load %arg9[%get3A_821, %get3A_822] {strides = array<i32>} : memref<128x64xf32, #tpu.memory_space<vmem>>, vector<16xf32>,
        %get3A_824 = arith.index_cast %add3A_818 : i32 to index
        %get3A_825 = arith.constant 32 : index
        %get3A_826 = tpu.vector_load %arg9[%get3A_824, %get3A_825] {strides = array<i32>} : memref<128x64xf32, #tpu.memory_space<vmem>>, vector<16xf32>,
        %get3A_827 = arith.index_cast %add3A_818 : i32 to index
        %get3A_828 = arith.constant 48 : index
        %get3A_829 = tpu.vector_load %arg9[%get3A_827, %get3A_828] {strides = array<i32>} : memref<128x64xf32, #tpu.memory_space<vmem>>, vector<16xf32>,
        tpu.vector_store_idx %arg17[%select_n3A, %select_n3A_232, %broadcast_in_dim3A], %get3A_820 : memref<8x8x133xf32, #tpu.memory_space<vmem>>[vector<16xi32>, vector<16xi32>, vector<16xi32>], vector<16xf32>,
        tpu.vector_store_idx %arg17[%select_n3A_141, %select_n3A_257, %broadcast_in_dim3A], %get3A_823 : memref<8x8x133xf32, #tpu.memory_space<vmem>>[vector<16xi32>, vector<16xi32>, vector<16xi32>], vector<16xf32>,
        tpu.vector_store_idx %arg17[%select_n3A_175, %select_n3A_282, %broadcast_in_dim3A], %get3A_826 : memref<8x8x133xf32, #tpu.memory_space<vmem>>[vector<16xi32>, vector<16xi32>, vector<16xi32>], vector<16xf32>,
        tpu.vector_store_idx %arg17[%select_n3A_209, %select_n3A_307, %broadcast_in_dim3A], %get3A_829 : memref<8x8x133xf32, #tpu.memory_space<vmem>>[vector<16xi32>, vector<16xi32>, vector<16xi32>], vector<16xf32>,
        %mul3A_830 = arith.constant 4 : i32
        %mul3A_831 = arith.muli %scan3A_814, %mul3A_830 : i32
        %add3A_832 = arith.constant 1 : i32
        %add3A_833 = arith.addi %mul3A_831, %add3A_832 : i32
        %broadcast_in_dim3A_834 = vector.broadcast %add3A_833 : i32 to vector<16xi32>
        %get3A_835 = arith.index_cast %add3A_833 : i32 to index
        %get3A_836 = arith.constant 0 : index
        %get3A_837 = tpu.vector_load %arg9[%get3A_835, %get3A_836] {strides = array<i32>} : memref<128x64xf32, #tpu.memory_space<vmem>>, vector<16xf32>,
        %get3A_838 = arith.index_cast %add3A_833 : i32 to index
        %get3A_839 = arith.constant 16 : index
        %get3A_840 = tpu.vector_load %arg9[%get3A_838, %get3A_839] {strides = array<i32>} : memref<128x64xf32, #tpu.memory_space<vmem>>, vector<16xf32>,
        %get3A_841 = arith.index_cast %add3A_833 : i32 to index
        %get3A_842 = arith.constant 32 : index
        %get3A_843 = tpu.vector_load %arg9[%get3A_841, %get3A_842] {strides = array<i32>} : memref<128x64xf32, #tpu.memory_space<vmem>>, vector<16xf32>,
        %get3A_844 = arith.index_cast %add3A_833 : i32 to index
        %get3A_845 = arith.constant 48 : index
        %get3A_846 = tpu.vector_load %arg9[%get3A_844, %get3A_845] {strides = array<i32>} : memref<128x64xf32, #tpu.memory_space<vmem>>, vector<16xf32>,
        tpu.vector_store_idx %arg17[%select_n3A, %select_n3A_232, %broadcast_in_dim3A_834], %get3A_837 : memref<8x8x133xf32, #tpu.memory_space<vmem>>[vector<16xi32>, vector<16xi32>, vector<16xi32>], vector<16xf32>,
        tpu.vector_store_idx %arg17[%select_n3A_141, %select_n3A_257, %broadcast_in_dim3A_834], %get3A_840 : memref<8x8x133xf32, #tpu.memory_space<vmem>>[vector<16xi32>, vector<16xi32>, vector<16xi32>], vector<16xf32>,
        tpu.vector_store_idx %arg17[%select_n3A_175, %select_n3A_282, %broadcast_in_dim3A_834], %get3A_843 : memref<8x8x133xf32, #tpu.memory_space<vmem>>[vector<16xi32>, vector<16xi32>, vector<16xi32>], vector<16xf32>,
        tpu.vector_store_idx %arg17[%select_n3A_209, %select_n3A_307, %broadcast_in_dim3A_834], %get3A_846 : memref<8x8x133xf32, #tpu.memory_space<vmem>>[vector<16xi32>, vector<16xi32>, vector<16xi32>], vector<16xf32>,
        %mul3A_847 = arith.constant 4 : i32
        %mul3A_848 = arith.muli %scan3A_814, %mul3A_847 : i32
        %add3A_849 = arith.constant 2 : i32
        %add3A_850 = arith.addi %mul3A_848, %add3A_849 : i32
        %broadcast_in_dim3A_851 = vector.broadcast %add3A_850 : i32 to vector<16xi32>
        %get3A_852 = arith.index_cast %add3A_850 : i32 to index
        %get3A_853 = arith.constant 0 : index
        %get3A_854 = tpu.vector_load %arg9[%get3A_852, %get3A_853] {strides = array<i32>} : memref<128x64xf32, #tpu.memory_space<vmem>>, vector<16xf32>,
        %get3A_855 = arith.index_cast %add3A_850 : i32 to index
        %get3A_856 = arith.constant 16 : index
        %get3A_857 = tpu.vector_load %arg9[%get3A_855, %get3A_856] {strides = array<i32>} : memref<128x64xf32, #tpu.memory_space<vmem>>, vector<16xf32>,
        %get3A_858 = arith.index_cast %add3A_850 : i32 to index
        %get3A_859 = arith.constant 32 : index
        %get3A_860 = tpu.vector_load %arg9[%get3A_858, %get3A_859] {strides = array<i32>} : memref<128x64xf32, #tpu.memory_space<vmem>>, vector<16xf32>,
        %get3A_861 = arith.index_cast %add3A_850 : i32 to index
        %get3A_862 = arith.constant 48 : index
        %get3A_863 = tpu.vector_load %arg9[%get3A_861, %get3A_862] {strides = array<i32>} : memref<128x64xf32, #tpu.memory_space<vmem>>, vector<16xf32>,
        tpu.vector_store_idx %arg17[%select_n3A, %select_n3A_232, %broadcast_in_dim3A_851], %get3A_854 : memref<8x8x133xf32, #tpu.memory_space<vmem>>[vector<16xi32>, vector<16xi32>, vector<16xi32>], vector<16xf32>,
        tpu.vector_store_idx %arg17[%select_n3A_141, %select_n3A_257, %broadcast_in_dim3A_851], %get3A_857 : memref<8x8x133xf32, #tpu.memory_space<vmem>>[vector<16xi32>, vector<16xi32>, vector<16xi32>], vector<16xf32>,
        tpu.vector_store_idx %arg17[%select_n3A_175, %select_n3A_282, %broadcast_in_dim3A_851], %get3A_860 : memref<8x8x133xf32, #tpu.memory_space<vmem>>[vector<16xi32>, vector<16xi32>, vector<16xi32>], vector<16xf32>,
        tpu.vector_store_idx %arg17[%select_n3A_209, %select_n3A_307, %broadcast_in_dim3A_851], %get3A_863 : memref<8x8x133xf32, #tpu.memory_space<vmem>>[vector<16xi32>, vector<16xi32>, vector<16xi32>], vector<16xf32>,
        %mul3A_864 = arith.constant 4 : i32
        %mul3A_865 = arith.muli %scan3A_814, %mul3A_864 : i32
        %add3A_866 = arith.constant 3 : i32
        %add3A_867 = arith.addi %mul3A_865, %add3A_866 : i32
        %broadcast_in_dim3A_868 = vector.broadcast %add3A_867 : i32 to vector<16xi32>
        %get3A_869 = arith.index_cast %add3A_867 : i32 to index
        %get3A_870 = arith.constant 0 : index
        %get3A_871 = tpu.vector_load %arg9[%get3A_869, %get3A_870] {strides = array<i32>} : memref<128x64xf32, #tpu.memory_space<vmem>>, vector<16xf32>,
        %get3A_872 = arith.index_cast %add3A_867 : i32 to index
        %get3A_873 = arith.constant 16 : index
        %get3A_874 = tpu.vector_load %arg9[%get3A_872, %get3A_873] {strides = array<i32>} : memref<128x64xf32, #tpu.memory_space<vmem>>, vector<16xf32>,
        %get3A_875 = arith.index_cast %add3A_867 : i32 to index
        %get3A_876 = arith.constant 32 : index
        %get3A_877 = tpu.vector_load %arg9[%get3A_875, %get3A_876] {strides = array<i32>} : memref<128x64xf32, #tpu.memory_space<vmem>>, vector<16xf32>,
        %get3A_878 = arith.index_cast %add3A_867 : i32 to index
        %get3A_879 = arith.constant 48 : index
        %get3A_880 = tpu.vector_load %arg9[%get3A_878, %get3A_879] {strides = array<i32>} : memref<128x64xf32, #tpu.memory_space<vmem>>, vector<16xf32>,
        tpu.vector_store_idx %arg17[%select_n3A, %select_n3A_232, %broadcast_in_dim3A_868], %get3A_871 : memref<8x8x133xf32, #tpu.memory_space<vmem>>[vector<16xi32>, vector<16xi32>, vector<16xi32>], vector<16xf32>,
        tpu.vector_store_idx %arg17[%select_n3A_141, %select_n3A_257, %broadcast_in_dim3A_868], %get3A_874 : memref<8x8x133xf32, #tpu.memory_space<vmem>>[vector<16xi32>, vector<16xi32>, vector<16xi32>], vector<16xf32>,
        tpu.vector_store_idx %arg17[%select_n3A_175, %select_n3A_282, %broadcast_in_dim3A_868], %get3A_877 : memref<8x8x133xf32, #tpu.memory_space<vmem>>[vector<16xi32>, vector<16xi32>, vector<16xi32>], vector<16xf32>,
        tpu.vector_store_idx %arg17[%select_n3A_209, %select_n3A_307, %broadcast_in_dim3A_868], %get3A_880 : memref<8x8x133xf32, #tpu.memory_space<vmem>>[vector<16xi32>, vector<16xi32>, vector<16xi32>], vector<16xf32>,
      }
      %scan3A_577 = arith.constant 32 : i32
      %dma_start3A_578 = arith.constant 3 : i32
      %dma_start3A_579 = arith.constant 0 : i32
      %dma_start3A_580 = arith.constant 0 : i32
      %dma_start3A_581 = arith.constant 0 : i32
      %dma_start3A_582 = tpu.memref_slice %arg17[%dma_start3A_579, %dma_start3A_580, %dma_start3A_581] : memref<8x8x133xf32, #tpu.memory_space<vmem>> -> memref<8x8x128xf32, #tpu.memory_space<vmem>>
      %dma_start3A_583 = arith.constant 0 : i32
      %dma_start3A_584 = arith.constant 0 : i32
      %dma_start3A_585 = arith.constant 0 : i32
      %dma_start3A_586 = tpu.memref_slice %arg4[%add3A_557, %dma_start3A_583, %add3A, %dma_start3A_584, %dma_start3A_585] : memref<200x8x32x8x128xf32, #tpu.memory_space<hbm>> -> memref<1x8x1x8x128xf32, #tpu.memory_space<hbm>>
      %dma_start3A_587 = tpu.memref_squeeze %dma_start3A_586 : memref<1x8x1x8x128xf32, #tpu.memory_space<hbm>> -> memref<8x8x128xf32, #tpu.memory_space<hbm>>
      %dma_start3A_588 = tpu.memref_slice %arg19[%dma_start3A_578] : memref<4x!tpu.dma_semaphore, #tpu.memory_space<semaphore_mem>> -> memref<1x!tpu.dma_semaphore, #tpu.memory_space<semaphore_mem>>
      %dma_start3A_589 = tpu.memref_squeeze %dma_start3A_588 : memref<1x!tpu.dma_semaphore, #tpu.memory_space<semaphore_mem>> -> memref<!tpu.dma_semaphore, #tpu.memory_space<semaphore_mem>>
      %dma_start3A_590 = arith.constant 0 : i32
      %dma_start3A_591 = arith.constant 0 : i32
      %dma_start3A_592 = arith.constant 0 : i32
      %dma_start3A_593 = tpu.memref_slice %arg4[%add3A_557, %dma_start3A_590, %add3A, %dma_start3A_591, %dma_start3A_592] : memref<200x8x32x8x128xf32, #tpu.memory_space<hbm>> -> memref<1x8x1x8x128xf32, #tpu.memory_space<hbm>>
      %dma_start3A_594 = tpu.memref_squeeze %dma_start3A_593 : memref<1x8x1x8x128xf32, #tpu.memory_space<hbm>> -> memref<8x8x128xf32, #tpu.memory_space<hbm>>
      %dma_start3A_595 = arith.constant 0 : i32
      %dma_start3A_596 = arith.constant 0 : i32
      %dma_start3A_597 = arith.constant 0 : i32
      %dma_start3A_598 = tpu.memref_slice %arg17[%dma_start3A_595, %dma_start3A_596, %dma_start3A_597] : memref<8x8x133xf32, #tpu.memory_space<vmem>> -> memref<8x8x128xf32, #tpu.memory_space<vmem>>
      tpu.enqueue_dma source(%dma_start3A_598 : memref<8x8x128xf32, #tpu.memory_space<vmem>>) target(%dma_start3A_594 : memref<8x8x128xf32, #tpu.memory_space<hbm>>) target_semaphore(%dma_start3A_589 : memref<!tpu.dma_semaphore, #tpu.memory_space<semaphore_mem>>)
      %add3A_599 = arith.constant 8 : i32
      %add3A_600 = arith.addi %add3A_557, %add3A_599 : i32
      %lt3A_601 = arith.constant 200 : i32
      %lt3A_602 = arith.cmpi slt, %add3A_600, %lt3A_601 : i32
      %convert_element_type3A_603 = arith.extui %lt3A_602 : i1 to i32
      %cond3A_604 = arith.constant 0 : i32
      %cond3A_605 = arith.cmpi ne, %convert_element_type3A_603, %cond3A_604 : i32
      scf.if %cond3A_605 {
        %dma_start3A_814 = arith.constant 3 : i32
        %dma_start3A_815 = arith.constant 0 : i32
        %dma_start3A_816 = tpu.memref_slice %arg5[%add3A_600, %dma_start3A_815] : memref<200x128xi32, #tpu.memory_space<vmem>> -> memref<1x128xi32, #tpu.memory_space<vmem>>
        %dma_start3A_817 = tpu.memref_squeeze %dma_start3A_816 : memref<1x128xi32, #tpu.memory_space<vmem>> -> memref<128xi32, #tpu.memory_space<vmem>>
        %dma_start3A_818 = arith.constant 0 : i32
        %dma_start3A_819 = arith.constant 0 : i32
        %dma_start3A_820 = tpu.memref_slice %arg3[%dma_start3A_818, %dma_start3A_819] : memref<1000000x64xf32, #tpu.memory_space<hbm>> -> memref<1000000x64xf32, #tpu.memory_space<hbm>>
        %dma_start3A_821 = tpu.memref_slice %arg18[%dma_start3A_814] : memref<8x!tpu.dma_semaphore, #tpu.memory_space<semaphore_mem>> -> memref<1x!tpu.dma_semaphore, #tpu.memory_space<semaphore_mem>>
        %dma_start3A_822 = tpu.memref_squeeze %dma_start3A_821 : memref<1x!tpu.dma_semaphore, #tpu.memory_space<semaphore_mem>> -> memref<!tpu.dma_semaphore, #tpu.memory_space<semaphore_mem>>
        tpu.enqueue_indirect_dma source(%dma_start3A_820 : memref<1000000x64xf32, #tpu.memory_space<hbm>>) target(%arg9 : memref<128x64xf32, #tpu.memory_space<vmem>>) offsets(%dma_start3A_817 : memref<128xi32, #tpu.memory_space<vmem>>) semaphore(%dma_start3A_822 : memref<!tpu.dma_semaphore, #tpu.memory_space<semaphore_mem>>)
      } else {
      }
      %mul3A_606 = arith.constant 8 : i32
      %mul3A_607 = arith.muli %scan3A_400, %mul3A_606 : i32
      %add3A_608 = arith.constant 4 : i32
      %add3A_609 = arith.addi %mul3A_607, %add3A_608 : i32
      %dma_wait3A_610 = arith.constant 4 : i32
      %dma_wait3A_611 = arith.constant 0 : i32
      %dma_wait3A_612 = tpu.memref_slice %arg5[%add3A_609, %dma_wait3A_611] : memref<200x128xi32, #tpu.memory_space<vmem>> -> memref<1x128xi32, #tpu.memory_space<vmem>>
      %dma_wait3A_613 = tpu.memref_squeeze %dma_wait3A_612 : memref<1x128xi32, #tpu.memory_space<vmem>> -> memref<128xi32, #tpu.memory_space<vmem>>
      %dma_wait3A_614 = arith.constant 0 : i32
      %dma_wait3A_615 = arith.constant 0 : i32
      %dma_wait3A_616 = tpu.memref_slice %arg3[%dma_wait3A_614, %dma_wait3A_615] : memref<1000000x64xf32, #tpu.memory_space<hbm>> -> memref<1000000x64xf32, #tpu.memory_space<hbm>>
      %dma_wait3A_617 = tpu.memref_slice %arg18[%dma_wait3A_610] : memref<8x!tpu.dma_semaphore, #tpu.memory_space<semaphore_mem>> -> memref<1x!tpu.dma_semaphore, #tpu.memory_space<semaphore_mem>>
      %dma_wait3A_618 = tpu.memref_squeeze %dma_wait3A_617 : memref<1x!tpu.dma_semaphore, #tpu.memory_space<semaphore_mem>> -> memref<!tpu.dma_semaphore, #tpu.memory_space<semaphore_mem>>
      tpu.wait_indirect_dma semaphore(%dma_wait3A_618 : memref<!tpu.dma_semaphore, #tpu.memory_space<semaphore_mem>>) src(%dma_wait3A_616 : memref<1000000x64xf32, #tpu.memory_space<hbm>>) dst(%arg10 : memref<128x64xf32, #tpu.memory_space<vmem>>)
      %ge3A_619 = arith.constant 4 : i32
      %ge3A_620 = arith.cmpi sge, %add3A_609, %ge3A_619 : i32
      %convert_element_type3A_621 = arith.extui %ge3A_620 : i1 to i32
      %cond3A_622 = arith.constant 0 : i32
      %cond3A_623 = arith.cmpi ne, %convert_element_type3A_621, %cond3A_622 : i32
      scf.if %cond3A_623 {
        %sub3A_814 = arith.constant 4 : i32
        %sub3A_815 = arith.subi %add3A_609, %sub3A_814 : i32
        %dma_wait3A_816 = arith.constant 0 : i32
        %dma_wait3A_817 = arith.constant 0 : i32
        %dma_wait3A_818 = arith.constant 0 : i32
        %dma_wait3A_819 = arith.constant 0 : i32
        %dma_wait3A_820 = tpu.memref_slice %arg14[%dma_wait3A_817, %dma_wait3A_818, %dma_wait3A_819] : memref<8x8x133xf32, #tpu.memory_space<vmem>> -> memref<8x8x128xf32, #tpu.memory_space<vmem>>
        %dma_wait3A_821 = arith.constant 0 : i32
        %dma_wait3A_822 = arith.constant 0 : i32
        %dma_wait3A_823 = arith.constant 0 : i32
        %dma_wait3A_824 = tpu.memref_slice %arg4[%sub3A_815, %dma_wait3A_821, %add3A, %dma_wait3A_822, %dma_wait3A_823] : memref<200x8x32x8x128xf32, #tpu.memory_space<hbm>> -> memref<1x8x1x8x128xf32, #tpu.memory_space<hbm>>
        %dma_wait3A_825 = tpu.memref_squeeze %dma_wait3A_824 : memref<1x8x1x8x128xf32, #tpu.memory_space<hbm>> -> memref<8x8x128xf32, #tpu.memory_space<hbm>>
        %dma_wait3A_826 = tpu.memref_slice %arg19[%dma_wait3A_816] : memref<4x!tpu.dma_semaphore, #tpu.memory_space<semaphore_mem>> -> memref<1x!tpu.dma_semaphore, #tpu.memory_space<semaphore_mem>>
        %dma_wait3A_827 = tpu.memref_squeeze %dma_wait3A_826 : memref<1x!tpu.dma_semaphore, #tpu.memory_space<semaphore_mem>> -> memref<!tpu.dma_semaphore, #tpu.memory_space<semaphore_mem>>
        %dma_wait3A_828 = arith.constant 0 : i32
        %dma_wait3A_829 = arith.constant 0 : i32
        %dma_wait3A_830 = arith.constant 0 : i32
        %dma_wait3A_831 = tpu.memref_slice %arg4[%sub3A_815, %dma_wait3A_828, %add3A, %dma_wait3A_829, %dma_wait3A_830] : memref<200x8x32x8x128xf32, #tpu.memory_space<hbm>> -> memref<1x8x1x8x128xf32, #tpu.memory_space<hbm>>
        %dma_wait3A_832 = tpu.memref_squeeze %dma_wait3A_831 : memref<1x8x1x8x128xf32, #tpu.memory_space<hbm>> -> memref<8x8x128xf32, #tpu.memory_space<hbm>>
        %dma_wait3A_833 = arith.constant 0 : i32
        %dma_wait3A_834 = arith.constant 0 : i32
        %dma_wait3A_835 = arith.constant 0 : i32
        %dma_wait3A_836 = tpu.memref_slice %arg14[%dma_wait3A_833, %dma_wait3A_834, %dma_wait3A_835] : memref<8x8x133xf32, #tpu.memory_space<vmem>> -> memref<8x8x128xf32, #tpu.memory_space<vmem>>
        tpu.wait_dma2 semaphore(%dma_wait3A_827 : memref<!tpu.dma_semaphore, #tpu.memory_space<semaphore_mem>>) src(%dma_wait3A_836 : memref<8x8x128xf32, #tpu.memory_space<vmem>>) dst(%dma_wait3A_832 : memref<8x8x128xf32, #tpu.memory_space<hbm>>)
      } else {
      }
      %scan3A_624 = arith.constant 0 : i32
      %scan3A_625 = arith.constant 0 : i32
      %scan3A_626 = arith.constant 32 : i32
      %scan3A_627 = arith.addi %scan3A_625, %scan3A_626 : i32
      %scan3A_628 = arith.constant 1 : i32
      scf.for %scan3A_814 = %scan3A_625 to %scan3A_627 step %scan3A_628  : i32 {
        %mul3A_815 = arith.constant 4 : i32
        %mul3A_816 = arith.muli %scan3A_814, %mul3A_815 : i32
        %add3A_817 = arith.constant 0 : i32
        %add3A_818 = arith.addi %mul3A_816, %add3A_817 : i32
        %broadcast_in_dim3A = vector.broadcast %add3A_818 : i32 to vector<16xi32>
        %get3A = arith.index_cast %add3A_818 : i32 to index
        %get3A_819 = arith.constant 0 : index
        %get3A_820 = tpu.vector_load %arg10[%get3A, %get3A_819] {strides = array<i32>} : memref<128x64xf32, #tpu.memory_space<vmem>>, vector<16xf32>,
        %get3A_821 = arith.index_cast %add3A_818 : i32 to index
        %get3A_822 = arith.constant 16 : index
        %get3A_823 = tpu.vector_load %arg10[%get3A_821, %get3A_822] {strides = array<i32>} : memref<128x64xf32, #tpu.memory_space<vmem>>, vector<16xf32>,
        %get3A_824 = arith.index_cast %add3A_818 : i32 to index
        %get3A_825 = arith.constant 32 : index
        %get3A_826 = tpu.vector_load %arg10[%get3A_824, %get3A_825] {strides = array<i32>} : memref<128x64xf32, #tpu.memory_space<vmem>>, vector<16xf32>,
        %get3A_827 = arith.index_cast %add3A_818 : i32 to index
        %get3A_828 = arith.constant 48 : index
        %get3A_829 = tpu.vector_load %arg10[%get3A_827, %get3A_828] {strides = array<i32>} : memref<128x64xf32, #tpu.memory_space<vmem>>, vector<16xf32>,
        tpu.vector_store_idx %arg14[%select_n3A, %select_n3A_232, %broadcast_in_dim3A], %get3A_820 : memref<8x8x133xf32, #tpu.memory_space<vmem>>[vector<16xi32>, vector<16xi32>, vector<16xi32>], vector<16xf32>,
        tpu.vector_store_idx %arg14[%select_n3A_141, %select_n3A_257, %broadcast_in_dim3A], %get3A_823 : memref<8x8x133xf32, #tpu.memory_space<vmem>>[vector<16xi32>, vector<16xi32>, vector<16xi32>], vector<16xf32>,
        tpu.vector_store_idx %arg14[%select_n3A_175, %select_n3A_282, %broadcast_in_dim3A], %get3A_826 : memref<8x8x133xf32, #tpu.memory_space<vmem>>[vector<16xi32>, vector<16xi32>, vector<16xi32>], vector<16xf32>,
        tpu.vector_store_idx %arg14[%select_n3A_209, %select_n3A_307, %broadcast_in_dim3A], %get3A_829 : memref<8x8x133xf32, #tpu.memory_space<vmem>>[vector<16xi32>, vector<16xi32>, vector<16xi32>], vector<16xf32>,
        %mul3A_830 = arith.constant 4 : i32
        %mul3A_831 = arith.muli %scan3A_814, %mul3A_830 : i32
        %add3A_832 = arith.constant 1 : i32
        %add3A_833 = arith.addi %mul3A_831, %add3A_832 : i32
        %broadcast_in_dim3A_834 = vector.broadcast %add3A_833 : i32 to vector<16xi32>
        %get3A_835 = arith.index_cast %add3A_833 : i32 to index
        %get3A_836 = arith.constant 0 : index
        %get3A_837 = tpu.vector_load %arg10[%get3A_835, %get3A_836] {strides = array<i32>} : memref<128x64xf32, #tpu.memory_space<vmem>>, vector<16xf32>,
        %get3A_838 = arith.index_cast %add3A_833 : i32 to index
        %get3A_839 = arith.constant 16 : index
        %get3A_840 = tpu.vector_load %arg10[%get3A_838, %get3A_839] {strides = array<i32>} : memref<128x64xf32, #tpu.memory_space<vmem>>, vector<16xf32>,
        %get3A_841 = arith.index_cast %add3A_833 : i32 to index
        %get3A_842 = arith.constant 32 : index
        %get3A_843 = tpu.vector_load %arg10[%get3A_841, %get3A_842] {strides = array<i32>} : memref<128x64xf32, #tpu.memory_space<vmem>>, vector<16xf32>,
        %get3A_844 = arith.index_cast %add3A_833 : i32 to index
        %get3A_845 = arith.constant 48 : index
        %get3A_846 = tpu.vector_load %arg10[%get3A_844, %get3A_845] {strides = array<i32>} : memref<128x64xf32, #tpu.memory_space<vmem>>, vector<16xf32>,
        tpu.vector_store_idx %arg14[%select_n3A, %select_n3A_232, %broadcast_in_dim3A_834], %get3A_837 : memref<8x8x133xf32, #tpu.memory_space<vmem>>[vector<16xi32>, vector<16xi32>, vector<16xi32>], vector<16xf32>,
        tpu.vector_store_idx %arg14[%select_n3A_141, %select_n3A_257, %broadcast_in_dim3A_834], %get3A_840 : memref<8x8x133xf32, #tpu.memory_space<vmem>>[vector<16xi32>, vector<16xi32>, vector<16xi32>], vector<16xf32>,
        tpu.vector_store_idx %arg14[%select_n3A_175, %select_n3A_282, %broadcast_in_dim3A_834], %get3A_843 : memref<8x8x133xf32, #tpu.memory_space<vmem>>[vector<16xi32>, vector<16xi32>, vector<16xi32>], vector<16xf32>,
        tpu.vector_store_idx %arg14[%select_n3A_209, %select_n3A_307, %broadcast_in_dim3A_834], %get3A_846 : memref<8x8x133xf32, #tpu.memory_space<vmem>>[vector<16xi32>, vector<16xi32>, vector<16xi32>], vector<16xf32>,
        %mul3A_847 = arith.constant 4 : i32
        %mul3A_848 = arith.muli %scan3A_814, %mul3A_847 : i32
        %add3A_849 = arith.constant 2 : i32
        %add3A_850 = arith.addi %mul3A_848, %add3A_849 : i32
        %broadcast_in_dim3A_851 = vector.broadcast %add3A_850 : i32 to vector<16xi32>
        %get3A_852 = arith.index_cast %add3A_850 : i32 to index
        %get3A_853 = arith.constant 0 : index
        %get3A_854 = tpu.vector_load %arg10[%get3A_852, %get3A_853] {strides = array<i32>} : memref<128x64xf32, #tpu.memory_space<vmem>>, vector<16xf32>,
        %get3A_855 = arith.index_cast %add3A_850 : i32 to index
        %get3A_856 = arith.constant 16 : index
        %get3A_857 = tpu.vector_load %arg10[%get3A_855, %get3A_856] {strides = array<i32>} : memref<128x64xf32, #tpu.memory_space<vmem>>, vector<16xf32>,
        %get3A_858 = arith.index_cast %add3A_850 : i32 to index
        %get3A_859 = arith.constant 32 : index
        %get3A_860 = tpu.vector_load %arg10[%get3A_858, %get3A_859] {strides = array<i32>} : memref<128x64xf32, #tpu.memory_space<vmem>>, vector<16xf32>,
        %get3A_861 = arith.index_cast %add3A_850 : i32 to index
        %get3A_862 = arith.constant 48 : index
        %get3A_863 = tpu.vector_load %arg10[%get3A_861, %get3A_862] {strides = array<i32>} : memref<128x64xf32, #tpu.memory_space<vmem>>, vector<16xf32>,
        tpu.vector_store_idx %arg14[%select_n3A, %select_n3A_232, %broadcast_in_dim3A_851], %get3A_854 : memref<8x8x133xf32, #tpu.memory_space<vmem>>[vector<16xi32>, vector<16xi32>, vector<16xi32>], vector<16xf32>,
        tpu.vector_store_idx %arg14[%select_n3A_141, %select_n3A_257, %broadcast_in_dim3A_851], %get3A_857 : memref<8x8x133xf32, #tpu.memory_space<vmem>>[vector<16xi32>, vector<16xi32>, vector<16xi32>], vector<16xf32>,
        tpu.vector_store_idx %arg14[%select_n3A_175, %select_n3A_282, %broadcast_in_dim3A_851], %get3A_860 : memref<8x8x133xf32, #tpu.memory_space<vmem>>[vector<16xi32>, vector<16xi32>, vector<16xi32>], vector<16xf32>,
        tpu.vector_store_idx %arg14[%select_n3A_209, %select_n3A_307, %broadcast_in_dim3A_851], %get3A_863 : memref<8x8x133xf32, #tpu.memory_space<vmem>>[vector<16xi32>, vector<16xi32>, vector<16xi32>], vector<16xf32>,
        %mul3A_864 = arith.constant 4 : i32
        %mul3A_865 = arith.muli %scan3A_814, %mul3A_864 : i32
        %add3A_866 = arith.constant 3 : i32
        %add3A_867 = arith.addi %mul3A_865, %add3A_866 : i32
        %broadcast_in_dim3A_868 = vector.broadcast %add3A_867 : i32 to vector<16xi32>
        %get3A_869 = arith.index_cast %add3A_867 : i32 to index
        %get3A_870 = arith.constant 0 : index
        %get3A_871 = tpu.vector_load %arg10[%get3A_869, %get3A_870] {strides = array<i32>} : memref<128x64xf32, #tpu.memory_space<vmem>>, vector<16xf32>,
        %get3A_872 = arith.index_cast %add3A_867 : i32 to index
        %get3A_873 = arith.constant 16 : index
        %get3A_874 = tpu.vector_load %arg10[%get3A_872, %get3A_873] {strides = array<i32>} : memref<128x64xf32, #tpu.memory_space<vmem>>, vector<16xf32>,
        %get3A_875 = arith.index_cast %add3A_867 : i32 to index
        %get3A_876 = arith.constant 32 : index
        %get3A_877 = tpu.vector_load %arg10[%get3A_875, %get3A_876] {strides = array<i32>} : memref<128x64xf32, #tpu.memory_space<vmem>>, vector<16xf32>,
        %get3A_878 = arith.index_cast %add3A_867 : i32 to index
        %get3A_879 = arith.constant 48 : index
        %get3A_880 = tpu.vector_load %arg10[%get3A_878, %get3A_879] {strides = array<i32>} : memref<128x64xf32, #tpu.memory_space<vmem>>, vector<16xf32>,
        tpu.vector_store_idx %arg14[%select_n3A, %select_n3A_232, %broadcast_in_dim3A_868], %get3A_871 : memref<8x8x133xf32, #tpu.memory_space<vmem>>[vector<16xi32>, vector<16xi32>, vector<16xi32>], vector<16xf32>,
        tpu.vector_store_idx %arg14[%select_n3A_141, %select_n3A_257, %broadcast_in_dim3A_868], %get3A_874 : memref<8x8x133xf32, #tpu.memory_space<vmem>>[vector<16xi32>, vector<16xi32>, vector<16xi32>], vector<16xf32>,
        tpu.vector_store_idx %arg14[%select_n3A_175, %select_n3A_282, %broadcast_in_dim3A_868], %get3A_877 : memref<8x8x133xf32, #tpu.memory_space<vmem>>[vector<16xi32>, vector<16xi32>, vector<16xi32>], vector<16xf32>,
        tpu.vector_store_idx %arg14[%select_n3A_209, %select_n3A_307, %broadcast_in_dim3A_868], %get3A_880 : memref<8x8x133xf32, #tpu.memory_space<vmem>>[vector<16xi32>, vector<16xi32>, vector<16xi32>], vector<16xf32>,
      }
      %scan3A_629 = arith.constant 32 : i32
      %dma_start3A_630 = arith.constant 0 : i32
      %dma_start3A_631 = arith.constant 0 : i32
      %dma_start3A_632 = arith.constant 0 : i32
      %dma_start3A_633 = arith.constant 0 : i32
      %dma_start3A_634 = tpu.memref_slice %arg14[%dma_start3A_631, %dma_start3A_632, %dma_start3A_633] : memref<8x8x133xf32, #tpu.memory_space<vmem>> -> memref<8x8x128xf32, #tpu.memory_space<vmem>>
      %dma_start3A_635 = arith.constant 0 : i32
      %dma_start3A_636 = arith.constant 0 : i32
      %dma_start3A_637 = arith.constant 0 : i32
      %dma_start3A_638 = tpu.memref_slice %arg4[%add3A_609, %dma_start3A_635, %add3A, %dma_start3A_636, %dma_start3A_637] : memref<200x8x32x8x128xf32, #tpu.memory_space<hbm>> -> memref<1x8x1x8x128xf32, #tpu.memory_space<hbm>>
      %dma_start3A_639 = tpu.memref_squeeze %dma_start3A_638 : memref<1x8x1x8x128xf32, #tpu.memory_space<hbm>> -> memref<8x8x128xf32, #tpu.memory_space<hbm>>
      %dma_start3A_640 = tpu.memref_slice %arg19[%dma_start3A_630] : memref<4x!tpu.dma_semaphore, #tpu.memory_space<semaphore_mem>> -> memref<1x!tpu.dma_semaphore, #tpu.memory_space<semaphore_mem>>
      %dma_start3A_641 = tpu.memref_squeeze %dma_start3A_640 : memref<1x!tpu.dma_semaphore, #tpu.memory_space<semaphore_mem>> -> memref<!tpu.dma_semaphore, #tpu.memory_space<semaphore_mem>>
      %dma_start3A_642 = arith.constant 0 : i32
      %dma_start3A_643 = arith.constant 0 : i32
      %dma_start3A_644 = arith.constant 0 : i32
      %dma_start3A_645 = tpu.memref_slice %arg4[%add3A_609, %dma_start3A_642, %add3A, %dma_start3A_643, %dma_start3A_644] : memref<200x8x32x8x128xf32, #tpu.memory_space<hbm>> -> memref<1x8x1x8x128xf32, #tpu.memory_space<hbm>>
      %dma_start3A_646 = tpu.memref_squeeze %dma_start3A_645 : memref<1x8x1x8x128xf32, #tpu.memory_space<hbm>> -> memref<8x8x128xf32, #tpu.memory_space<hbm>>
      %dma_start3A_647 = arith.constant 0 : i32
      %dma_start3A_648 = arith.constant 0 : i32
      %dma_start3A_649 = arith.constant 0 : i32
      %dma_start3A_650 = tpu.memref_slice %arg14[%dma_start3A_647, %dma_start3A_648, %dma_start3A_649] : memref<8x8x133xf32, #tpu.memory_space<vmem>> -> memref<8x8x128xf32, #tpu.memory_space<vmem>>
      tpu.enqueue_dma source(%dma_start3A_650 : memref<8x8x128xf32, #tpu.memory_space<vmem>>) target(%dma_start3A_646 : memref<8x8x128xf32, #tpu.memory_space<hbm>>) target_semaphore(%dma_start3A_641 : memref<!tpu.dma_semaphore, #tpu.memory_space<semaphore_mem>>)
      %add3A_651 = arith.constant 8 : i32
      %add3A_652 = arith.addi %add3A_609, %add3A_651 : i32
      %lt3A_653 = arith.constant 200 : i32
      %lt3A_654 = arith.cmpi slt, %add3A_652, %lt3A_653 : i32
      %convert_element_type3A_655 = arith.extui %lt3A_654 : i1 to i32
      %cond3A_656 = arith.constant 0 : i32
      %cond3A_657 = arith.cmpi ne, %convert_element_type3A_655, %cond3A_656 : i32
      scf.if %cond3A_657 {
        %dma_start3A_814 = arith.constant 4 : i32
        %dma_start3A_815 = arith.constant 0 : i32
        %dma_start3A_816 = tpu.memref_slice %arg5[%add3A_652, %dma_start3A_815] : memref<200x128xi32, #tpu.memory_space<vmem>> -> memref<1x128xi32, #tpu.memory_space<vmem>>
        %dma_start3A_817 = tpu.memref_squeeze %dma_start3A_816 : memref<1x128xi32, #tpu.memory_space<vmem>> -> memref<128xi32, #tpu.memory_space<vmem>>
        %dma_start3A_818 = arith.constant 0 : i32
        %dma_start3A_819 = arith.constant 0 : i32
        %dma_start3A_820 = tpu.memref_slice %arg3[%dma_start3A_818, %dma_start3A_819] : memref<1000000x64xf32, #tpu.memory_space<hbm>> -> memref<1000000x64xf32, #tpu.memory_space<hbm>>
        %dma_start3A_821 = tpu.memref_slice %arg18[%dma_start3A_814] : memref<8x!tpu.dma_semaphore, #tpu.memory_space<semaphore_mem>> -> memref<1x!tpu.dma_semaphore, #tpu.memory_space<semaphore_mem>>
        %dma_start3A_822 = tpu.memref_squeeze %dma_start3A_821 : memref<1x!tpu.dma_semaphore, #tpu.memory_space<semaphore_mem>> -> memref<!tpu.dma_semaphore, #tpu.memory_space<semaphore_mem>>
        tpu.enqueue_indirect_dma source(%dma_start3A_820 : memref<1000000x64xf32, #tpu.memory_space<hbm>>) target(%arg10 : memref<128x64xf32, #tpu.memory_space<vmem>>) offsets(%dma_start3A_817 : memref<128xi32, #tpu.memory_space<vmem>>) semaphore(%dma_start3A_822 : memref<!tpu.dma_semaphore, #tpu.memory_space<semaphore_mem>>)
      } else {
      }
      %mul3A_658 = arith.constant 8 : i32
      %mul3A_659 = arith.muli %scan3A_400, %mul3A_658 : i32
      %add3A_660 = arith.constant 5 : i32
      %add3A_661 = arith.addi %mul3A_659, %add3A_660 : i32
      %dma_wait3A_662 = arith.constant 5 : i32
      %dma_wait3A_663 = arith.constant 0 : i32
      %dma_wait3A_664 = tpu.memref_slice %arg5[%add3A_661, %dma_wait3A_663] : memref<200x128xi32, #tpu.memory_space<vmem>> -> memref<1x128xi32, #tpu.memory_space<vmem>>
      %dma_wait3A_665 = tpu.memref_squeeze %dma_wait3A_664 : memref<1x128xi32, #tpu.memory_space<vmem>> -> memref<128xi32, #tpu.memory_space<vmem>>
      %dma_wait3A_666 = arith.constant 0 : i32
      %dma_wait3A_667 = arith.constant 0 : i32
      %dma_wait3A_668 = tpu.memref_slice %arg3[%dma_wait3A_666, %dma_wait3A_667] : memref<1000000x64xf32, #tpu.memory_space<hbm>> -> memref<1000000x64xf32, #tpu.memory_space<hbm>>
      %dma_wait3A_669 = tpu.memref_slice %arg18[%dma_wait3A_662] : memref<8x!tpu.dma_semaphore, #tpu.memory_space<semaphore_mem>> -> memref<1x!tpu.dma_semaphore, #tpu.memory_space<semaphore_mem>>
      %dma_wait3A_670 = tpu.memref_squeeze %dma_wait3A_669 : memref<1x!tpu.dma_semaphore, #tpu.memory_space<semaphore_mem>> -> memref<!tpu.dma_semaphore, #tpu.memory_space<semaphore_mem>>
      tpu.wait_indirect_dma semaphore(%dma_wait3A_670 : memref<!tpu.dma_semaphore, #tpu.memory_space<semaphore_mem>>) src(%dma_wait3A_668 : memref<1000000x64xf32, #tpu.memory_space<hbm>>) dst(%arg11 : memref<128x64xf32, #tpu.memory_space<vmem>>)
      %ge3A_671 = arith.constant 4 : i32
      %ge3A_672 = arith.cmpi sge, %add3A_661, %ge3A_671 : i32
      %convert_element_type3A_673 = arith.extui %ge3A_672 : i1 to i32
      %cond3A_674 = arith.constant 0 : i32
      %cond3A_675 = arith.cmpi ne, %convert_element_type3A_673, %cond3A_674 : i32
      scf.if %cond3A_675 {
        %sub3A_814 = arith.constant 4 : i32
        %sub3A_815 = arith.subi %add3A_661, %sub3A_814 : i32
        %dma_wait3A_816 = arith.constant 1 : i32
        %dma_wait3A_817 = arith.constant 0 : i32
        %dma_wait3A_818 = arith.constant 0 : i32
        %dma_wait3A_819 = arith.constant 0 : i32
        %dma_wait3A_820 = tpu.memref_slice %arg15[%dma_wait3A_817, %dma_wait3A_818, %dma_wait3A_819] : memref<8x8x133xf32, #tpu.memory_space<vmem>> -> memref<8x8x128xf32, #tpu.memory_space<vmem>>
        %dma_wait3A_821 = arith.constant 0 : i32
        %dma_wait3A_822 = arith.constant 0 : i32
        %dma_wait3A_823 = arith.constant 0 : i32
        %dma_wait3A_824 = tpu.memref_slice %arg4[%sub3A_815, %dma_wait3A_821, %add3A, %dma_wait3A_822, %dma_wait3A_823] : memref<200x8x32x8x128xf32, #tpu.memory_space<hbm>> -> memref<1x8x1x8x128xf32, #tpu.memory_space<hbm>>
        %dma_wait3A_825 = tpu.memref_squeeze %dma_wait3A_824 : memref<1x8x1x8x128xf32, #tpu.memory_space<hbm>> -> memref<8x8x128xf32, #tpu.memory_space<hbm>>
        %dma_wait3A_826 = tpu.memref_slice %arg19[%dma_wait3A_816] : memref<4x!tpu.dma_semaphore, #tpu.memory_space<semaphore_mem>> -> memref<1x!tpu.dma_semaphore, #tpu.memory_space<semaphore_mem>>
        %dma_wait3A_827 = tpu.memref_squeeze %dma_wait3A_826 : memref<1x!tpu.dma_semaphore, #tpu.memory_space<semaphore_mem>> -> memref<!tpu.dma_semaphore, #tpu.memory_space<semaphore_mem>>
        %dma_wait3A_828 = arith.constant 0 : i32
        %dma_wait3A_829 = arith.constant 0 : i32
        %dma_wait3A_830 = arith.constant 0 : i32
        %dma_wait3A_831 = tpu.memref_slice %arg4[%sub3A_815, %dma_wait3A_828, %add3A, %dma_wait3A_829, %dma_wait3A_830] : memref<200x8x32x8x128xf32, #tpu.memory_space<hbm>> -> memref<1x8x1x8x128xf32, #tpu.memory_space<hbm>>
        %dma_wait3A_832 = tpu.memref_squeeze %dma_wait3A_831 : memref<1x8x1x8x128xf32, #tpu.memory_space<hbm>> -> memref<8x8x128xf32, #tpu.memory_space<hbm>>
        %dma_wait3A_833 = arith.constant 0 : i32
        %dma_wait3A_834 = arith.constant 0 : i32
        %dma_wait3A_835 = arith.constant 0 : i32
        %dma_wait3A_836 = tpu.memref_slice %arg15[%dma_wait3A_833, %dma_wait3A_834, %dma_wait3A_835] : memref<8x8x133xf32, #tpu.memory_space<vmem>> -> memref<8x8x128xf32, #tpu.memory_space<vmem>>
        tpu.wait_dma2 semaphore(%dma_wait3A_827 : memref<!tpu.dma_semaphore, #tpu.memory_space<semaphore_mem>>) src(%dma_wait3A_836 : memref<8x8x128xf32, #tpu.memory_space<vmem>>) dst(%dma_wait3A_832 : memref<8x8x128xf32, #tpu.memory_space<hbm>>)
      } else {
      }
      %scan3A_676 = arith.constant 0 : i32
      %scan3A_677 = arith.constant 0 : i32
      %scan3A_678 = arith.constant 32 : i32
      %scan3A_679 = arith.addi %scan3A_677, %scan3A_678 : i32
      %scan3A_680 = arith.constant 1 : i32
      scf.for %scan3A_814 = %scan3A_677 to %scan3A_679 step %scan3A_680  : i32 {
        %mul3A_815 = arith.constant 4 : i32
        %mul3A_816 = arith.muli %scan3A_814, %mul3A_815 : i32
        %add3A_817 = arith.constant 0 : i32
        %add3A_818 = arith.addi %mul3A_816, %add3A_817 : i32
        %broadcast_in_dim3A = vector.broadcast %add3A_818 : i32 to vector<16xi32>
        %get3A = arith.index_cast %add3A_818 : i32 to index
        %get3A_819 = arith.constant 0 : index
        %get3A_820 = tpu.vector_load %arg11[%get3A, %get3A_819] {strides = array<i32>} : memref<128x64xf32, #tpu.memory_space<vmem>>, vector<16xf32>,
        %get3A_821 = arith.index_cast %add3A_818 : i32 to index
        %get3A_822 = arith.constant 16 : index
        %get3A_823 = tpu.vector_load %arg11[%get3A_821, %get3A_822] {strides = array<i32>} : memref<128x64xf32, #tpu.memory_space<vmem>>, vector<16xf32>,
        %get3A_824 = arith.index_cast %add3A_818 : i32 to index
        %get3A_825 = arith.constant 32 : index
        %get3A_826 = tpu.vector_load %arg11[%get3A_824, %get3A_825] {strides = array<i32>} : memref<128x64xf32, #tpu.memory_space<vmem>>, vector<16xf32>,
        %get3A_827 = arith.index_cast %add3A_818 : i32 to index
        %get3A_828 = arith.constant 48 : index
        %get3A_829 = tpu.vector_load %arg11[%get3A_827, %get3A_828] {strides = array<i32>} : memref<128x64xf32, #tpu.memory_space<vmem>>, vector<16xf32>,
        tpu.vector_store_idx %arg15[%select_n3A, %select_n3A_232, %broadcast_in_dim3A], %get3A_820 : memref<8x8x133xf32, #tpu.memory_space<vmem>>[vector<16xi32>, vector<16xi32>, vector<16xi32>], vector<16xf32>,
        tpu.vector_store_idx %arg15[%select_n3A_141, %select_n3A_257, %broadcast_in_dim3A], %get3A_823 : memref<8x8x133xf32, #tpu.memory_space<vmem>>[vector<16xi32>, vector<16xi32>, vector<16xi32>], vector<16xf32>,
        tpu.vector_store_idx %arg15[%select_n3A_175, %select_n3A_282, %broadcast_in_dim3A], %get3A_826 : memref<8x8x133xf32, #tpu.memory_space<vmem>>[vector<16xi32>, vector<16xi32>, vector<16xi32>], vector<16xf32>,
        tpu.vector_store_idx %arg15[%select_n3A_209, %select_n3A_307, %broadcast_in_dim3A], %get3A_829 : memref<8x8x133xf32, #tpu.memory_space<vmem>>[vector<16xi32>, vector<16xi32>, vector<16xi32>], vector<16xf32>,
        %mul3A_830 = arith.constant 4 : i32
        %mul3A_831 = arith.muli %scan3A_814, %mul3A_830 : i32
        %add3A_832 = arith.constant 1 : i32
        %add3A_833 = arith.addi %mul3A_831, %add3A_832 : i32
        %broadcast_in_dim3A_834 = vector.broadcast %add3A_833 : i32 to vector<16xi32>
        %get3A_835 = arith.index_cast %add3A_833 : i32 to index
        %get3A_836 = arith.constant 0 : index
        %get3A_837 = tpu.vector_load %arg11[%get3A_835, %get3A_836] {strides = array<i32>} : memref<128x64xf32, #tpu.memory_space<vmem>>, vector<16xf32>,
        %get3A_838 = arith.index_cast %add3A_833 : i32 to index
        %get3A_839 = arith.constant 16 : index
        %get3A_840 = tpu.vector_load %arg11[%get3A_838, %get3A_839] {strides = array<i32>} : memref<128x64xf32, #tpu.memory_space<vmem>>, vector<16xf32>,
        %get3A_841 = arith.index_cast %add3A_833 : i32 to index
        %get3A_842 = arith.constant 32 : index
        %get3A_843 = tpu.vector_load %arg11[%get3A_841, %get3A_842] {strides = array<i32>} : memref<128x64xf32, #tpu.memory_space<vmem>>, vector<16xf32>,
        %get3A_844 = arith.index_cast %add3A_833 : i32 to index
        %get3A_845 = arith.constant 48 : index
        %get3A_846 = tpu.vector_load %arg11[%get3A_844, %get3A_845] {strides = array<i32>} : memref<128x64xf32, #tpu.memory_space<vmem>>, vector<16xf32>,
        tpu.vector_store_idx %arg15[%select_n3A, %select_n3A_232, %broadcast_in_dim3A_834], %get3A_837 : memref<8x8x133xf32, #tpu.memory_space<vmem>>[vector<16xi32>, vector<16xi32>, vector<16xi32>], vector<16xf32>,
        tpu.vector_store_idx %arg15[%select_n3A_141, %select_n3A_257, %broadcast_in_dim3A_834], %get3A_840 : memref<8x8x133xf32, #tpu.memory_space<vmem>>[vector<16xi32>, vector<16xi32>, vector<16xi32>], vector<16xf32>,
        tpu.vector_store_idx %arg15[%select_n3A_175, %select_n3A_282, %broadcast_in_dim3A_834], %get3A_843 : memref<8x8x133xf32, #tpu.memory_space<vmem>>[vector<16xi32>, vector<16xi32>, vector<16xi32>], vector<16xf32>,
        tpu.vector_store_idx %arg15[%select_n3A_209, %select_n3A_307, %broadcast_in_dim3A_834], %get3A_846 : memref<8x8x133xf32, #tpu.memory_space<vmem>>[vector<16xi32>, vector<16xi32>, vector<16xi32>], vector<16xf32>,
        %mul3A_847 = arith.constant 4 : i32
        %mul3A_848 = arith.muli %scan3A_814, %mul3A_847 : i32
        %add3A_849 = arith.constant 2 : i32
        %add3A_850 = arith.addi %mul3A_848, %add3A_849 : i32
        %broadcast_in_dim3A_851 = vector.broadcast %add3A_850 : i32 to vector<16xi32>
        %get3A_852 = arith.index_cast %add3A_850 : i32 to index
        %get3A_853 = arith.constant 0 : index
        %get3A_854 = tpu.vector_load %arg11[%get3A_852, %get3A_853] {strides = array<i32>} : memref<128x64xf32, #tpu.memory_space<vmem>>, vector<16xf32>,
        %get3A_855 = arith.index_cast %add3A_850 : i32 to index
        %get3A_856 = arith.constant 16 : index
        %get3A_857 = tpu.vector_load %arg11[%get3A_855, %get3A_856] {strides = array<i32>} : memref<128x64xf32, #tpu.memory_space<vmem>>, vector<16xf32>,
        %get3A_858 = arith.index_cast %add3A_850 : i32 to index
        %get3A_859 = arith.constant 32 : index
        %get3A_860 = tpu.vector_load %arg11[%get3A_858, %get3A_859] {strides = array<i32>} : memref<128x64xf32, #tpu.memory_space<vmem>>, vector<16xf32>,
        %get3A_861 = arith.index_cast %add3A_850 : i32 to index
        %get3A_862 = arith.constant 48 : index
        %get3A_863 = tpu.vector_load %arg11[%get3A_861, %get3A_862] {strides = array<i32>} : memref<128x64xf32, #tpu.memory_space<vmem>>, vector<16xf32>,
        tpu.vector_store_idx %arg15[%select_n3A, %select_n3A_232, %broadcast_in_dim3A_851], %get3A_854 : memref<8x8x133xf32, #tpu.memory_space<vmem>>[vector<16xi32>, vector<16xi32>, vector<16xi32>], vector<16xf32>,
        tpu.vector_store_idx %arg15[%select_n3A_141, %select_n3A_257, %broadcast_in_dim3A_851], %get3A_857 : memref<8x8x133xf32, #tpu.memory_space<vmem>>[vector<16xi32>, vector<16xi32>, vector<16xi32>], vector<16xf32>,
        tpu.vector_store_idx %arg15[%select_n3A_175, %select_n3A_282, %broadcast_in_dim3A_851], %get3A_860 : memref<8x8x133xf32, #tpu.memory_space<vmem>>[vector<16xi32>, vector<16xi32>, vector<16xi32>], vector<16xf32>,
        tpu.vector_store_idx %arg15[%select_n3A_209, %select_n3A_307, %broadcast_in_dim3A_851], %get3A_863 : memref<8x8x133xf32, #tpu.memory_space<vmem>>[vector<16xi32>, vector<16xi32>, vector<16xi32>], vector<16xf32>,
        %mul3A_864 = arith.constant 4 : i32
        %mul3A_865 = arith.muli %scan3A_814, %mul3A_864 : i32
        %add3A_866 = arith.constant 3 : i32
        %add3A_867 = arith.addi %mul3A_865, %add3A_866 : i32
        %broadcast_in_dim3A_868 = vector.broadcast %add3A_867 : i32 to vector<16xi32>
        %get3A_869 = arith.index_cast %add3A_867 : i32 to index
        %get3A_870 = arith.constant 0 : index
        %get3A_871 = tpu.vector_load %arg11[%get3A_869, %get3A_870] {strides = array<i32>} : memref<128x64xf32, #tpu.memory_space<vmem>>, vector<16xf32>,
        %get3A_872 = arith.index_cast %add3A_867 : i32 to index
        %get3A_873 = arith.constant 16 : index
        %get3A_874 = tpu.vector_load %arg11[%get3A_872, %get3A_873] {strides = array<i32>} : memref<128x64xf32, #tpu.memory_space<vmem>>, vector<16xf32>,
        %get3A_875 = arith.index_cast %add3A_867 : i32 to index
        %get3A_876 = arith.constant 32 : index
        %get3A_877 = tpu.vector_load %arg11[%get3A_875, %get3A_876] {strides = array<i32>} : memref<128x64xf32, #tpu.memory_space<vmem>>, vector<16xf32>,
        %get3A_878 = arith.index_cast %add3A_867 : i32 to index
        %get3A_879 = arith.constant 48 : index
        %get3A_880 = tpu.vector_load %arg11[%get3A_878, %get3A_879] {strides = array<i32>} : memref<128x64xf32, #tpu.memory_space<vmem>>, vector<16xf32>,
        tpu.vector_store_idx %arg15[%select_n3A, %select_n3A_232, %broadcast_in_dim3A_868], %get3A_871 : memref<8x8x133xf32, #tpu.memory_space<vmem>>[vector<16xi32>, vector<16xi32>, vector<16xi32>], vector<16xf32>,
        tpu.vector_store_idx %arg15[%select_n3A_141, %select_n3A_257, %broadcast_in_dim3A_868], %get3A_874 : memref<8x8x133xf32, #tpu.memory_space<vmem>>[vector<16xi32>, vector<16xi32>, vector<16xi32>], vector<16xf32>,
        tpu.vector_store_idx %arg15[%select_n3A_175, %select_n3A_282, %broadcast_in_dim3A_868], %get3A_877 : memref<8x8x133xf32, #tpu.memory_space<vmem>>[vector<16xi32>, vector<16xi32>, vector<16xi32>], vector<16xf32>,
        tpu.vector_store_idx %arg15[%select_n3A_209, %select_n3A_307, %broadcast_in_dim3A_868], %get3A_880 : memref<8x8x133xf32, #tpu.memory_space<vmem>>[vector<16xi32>, vector<16xi32>, vector<16xi32>], vector<16xf32>,
      }
      %scan3A_681 = arith.constant 32 : i32
      %dma_start3A_682 = arith.constant 1 : i32
      %dma_start3A_683 = arith.constant 0 : i32
      %dma_start3A_684 = arith.constant 0 : i32
      %dma_start3A_685 = arith.constant 0 : i32
      %dma_start3A_686 = tpu.memref_slice %arg15[%dma_start3A_683, %dma_start3A_684, %dma_start3A_685] : memref<8x8x133xf32, #tpu.memory_space<vmem>> -> memref<8x8x128xf32, #tpu.memory_space<vmem>>
      %dma_start3A_687 = arith.constant 0 : i32
      %dma_start3A_688 = arith.constant 0 : i32
      %dma_start3A_689 = arith.constant 0 : i32
      %dma_start3A_690 = tpu.memref_slice %arg4[%add3A_661, %dma_start3A_687, %add3A, %dma_start3A_688, %dma_start3A_689] : memref<200x8x32x8x128xf32, #tpu.memory_space<hbm>> -> memref<1x8x1x8x128xf32, #tpu.memory_space<hbm>>
      %dma_start3A_691 = tpu.memref_squeeze %dma_start3A_690 : memref<1x8x1x8x128xf32, #tpu.memory_space<hbm>> -> memref<8x8x128xf32, #tpu.memory_space<hbm>>
      %dma_start3A_692 = tpu.memref_slice %arg19[%dma_start3A_682] : memref<4x!tpu.dma_semaphore, #tpu.memory_space<semaphore_mem>> -> memref<1x!tpu.dma_semaphore, #tpu.memory_space<semaphore_mem>>
      %dma_start3A_693 = tpu.memref_squeeze %dma_start3A_692 : memref<1x!tpu.dma_semaphore, #tpu.memory_space<semaphore_mem>> -> memref<!tpu.dma_semaphore, #tpu.memory_space<semaphore_mem>>
      %dma_start3A_694 = arith.constant 0 : i32
      %dma_start3A_695 = arith.constant 0 : i32
      %dma_start3A_696 = arith.constant 0 : i32
      %dma_start3A_697 = tpu.memref_slice %arg4[%add3A_661, %dma_start3A_694, %add3A, %dma_start3A_695, %dma_start3A_696] : memref<200x8x32x8x128xf32, #tpu.memory_space<hbm>> -> memref<1x8x1x8x128xf32, #tpu.memory_space<hbm>>
      %dma_start3A_698 = tpu.memref_squeeze %dma_start3A_697 : memref<1x8x1x8x128xf32, #tpu.memory_space<hbm>> -> memref<8x8x128xf32, #tpu.memory_space<hbm>>
      %dma_start3A_699 = arith.constant 0 : i32
      %dma_start3A_700 = arith.constant 0 : i32
      %dma_start3A_701 = arith.constant 0 : i32
      %dma_start3A_702 = tpu.memref_slice %arg15[%dma_start3A_699, %dma_start3A_700, %dma_start3A_701] : memref<8x8x133xf32, #tpu.memory_space<vmem>> -> memref<8x8x128xf32, #tpu.memory_space<vmem>>
      tpu.enqueue_dma source(%dma_start3A_702 : memref<8x8x128xf32, #tpu.memory_space<vmem>>) target(%dma_start3A_698 : memref<8x8x128xf32, #tpu.memory_space<hbm>>) target_semaphore(%dma_start3A_693 : memref<!tpu.dma_semaphore, #tpu.memory_space<semaphore_mem>>)
      %add3A_703 = arith.constant 8 : i32
      %add3A_704 = arith.addi %add3A_661, %add3A_703 : i32
      %lt3A_705 = arith.constant 200 : i32
      %lt3A_706 = arith.cmpi slt, %add3A_704, %lt3A_705 : i32
      %convert_element_type3A_707 = arith.extui %lt3A_706 : i1 to i32
      %cond3A_708 = arith.constant 0 : i32
      %cond3A_709 = arith.cmpi ne, %convert_element_type3A_707, %cond3A_708 : i32
      scf.if %cond3A_709 {
        %dma_start3A_814 = arith.constant 5 : i32
        %dma_start3A_815 = arith.constant 0 : i32
        %dma_start3A_816 = tpu.memref_slice %arg5[%add3A_704, %dma_start3A_815] : memref<200x128xi32, #tpu.memory_space<vmem>> -> memref<1x128xi32, #tpu.memory_space<vmem>>
        %dma_start3A_817 = tpu.memref_squeeze %dma_start3A_816 : memref<1x128xi32, #tpu.memory_space<vmem>> -> memref<128xi32, #tpu.memory_space<vmem>>
        %dma_start3A_818 = arith.constant 0 : i32
        %dma_start3A_819 = arith.constant 0 : i32
        %dma_start3A_820 = tpu.memref_slice %arg3[%dma_start3A_818, %dma_start3A_819] : memref<1000000x64xf32, #tpu.memory_space<hbm>> -> memref<1000000x64xf32, #tpu.memory_space<hbm>>
        %dma_start3A_821 = tpu.memref_slice %arg18[%dma_start3A_814] : memref<8x!tpu.dma_semaphore, #tpu.memory_space<semaphore_mem>> -> memref<1x!tpu.dma_semaphore, #tpu.memory_space<semaphore_mem>>
        %dma_start3A_822 = tpu.memref_squeeze %dma_start3A_821 : memref<1x!tpu.dma_semaphore, #tpu.memory_space<semaphore_mem>> -> memref<!tpu.dma_semaphore, #tpu.memory_space<semaphore_mem>>
        tpu.enqueue_indirect_dma source(%dma_start3A_820 : memref<1000000x64xf32, #tpu.memory_space<hbm>>) target(%arg11 : memref<128x64xf32, #tpu.memory_space<vmem>>) offsets(%dma_start3A_817 : memref<128xi32, #tpu.memory_space<vmem>>) semaphore(%dma_start3A_822 : memref<!tpu.dma_semaphore, #tpu.memory_space<semaphore_mem>>)
      } else {
      }
      %mul3A_710 = arith.constant 8 : i32
      %mul3A_711 = arith.muli %scan3A_400, %mul3A_710 : i32
      %add3A_712 = arith.constant 6 : i32
      %add3A_713 = arith.addi %mul3A_711, %add3A_712 : i32
      %dma_wait3A_714 = arith.constant 6 : i32
      %dma_wait3A_715 = arith.constant 0 : i32
      %dma_wait3A_716 = tpu.memref_slice %arg5[%add3A_713, %dma_wait3A_715] : memref<200x128xi32, #tpu.memory_space<vmem>> -> memref<1x128xi32, #tpu.memory_space<vmem>>
      %dma_wait3A_717 = tpu.memref_squeeze %dma_wait3A_716 : memref<1x128xi32, #tpu.memory_space<vmem>> -> memref<128xi32, #tpu.memory_space<vmem>>
      %dma_wait3A_718 = arith.constant 0 : i32
      %dma_wait3A_719 = arith.constant 0 : i32
      %dma_wait3A_720 = tpu.memref_slice %arg3[%dma_wait3A_718, %dma_wait3A_719] : memref<1000000x64xf32, #tpu.memory_space<hbm>> -> memref<1000000x64xf32, #tpu.memory_space<hbm>>
      %dma_wait3A_721 = tpu.memref_slice %arg18[%dma_wait3A_714] : memref<8x!tpu.dma_semaphore, #tpu.memory_space<semaphore_mem>> -> memref<1x!tpu.dma_semaphore, #tpu.memory_space<semaphore_mem>>
      %dma_wait3A_722 = tpu.memref_squeeze %dma_wait3A_721 : memref<1x!tpu.dma_semaphore, #tpu.memory_space<semaphore_mem>> -> memref<!tpu.dma_semaphore, #tpu.memory_space<semaphore_mem>>
      tpu.wait_indirect_dma semaphore(%dma_wait3A_722 : memref<!tpu.dma_semaphore, #tpu.memory_space<semaphore_mem>>) src(%dma_wait3A_720 : memref<1000000x64xf32, #tpu.memory_space<hbm>>) dst(%arg12 : memref<128x64xf32, #tpu.memory_space<vmem>>)
      %ge3A_723 = arith.constant 4 : i32
      %ge3A_724 = arith.cmpi sge, %add3A_713, %ge3A_723 : i32
      %convert_element_type3A_725 = arith.extui %ge3A_724 : i1 to i32
      %cond3A_726 = arith.constant 0 : i32
      %cond3A_727 = arith.cmpi ne, %convert_element_type3A_725, %cond3A_726 : i32
      scf.if %cond3A_727 {
        %sub3A_814 = arith.constant 4 : i32
        %sub3A_815 = arith.subi %add3A_713, %sub3A_814 : i32
        %dma_wait3A_816 = arith.constant 2 : i32
        %dma_wait3A_817 = arith.constant 0 : i32
        %dma_wait3A_818 = arith.constant 0 : i32
        %dma_wait3A_819 = arith.constant 0 : i32
        %dma_wait3A_820 = tpu.memref_slice %arg16[%dma_wait3A_817, %dma_wait3A_818, %dma_wait3A_819] : memref<8x8x133xf32, #tpu.memory_space<vmem>> -> memref<8x8x128xf32, #tpu.memory_space<vmem>>
        %dma_wait3A_821 = arith.constant 0 : i32
        %dma_wait3A_822 = arith.constant 0 : i32
        %dma_wait3A_823 = arith.constant 0 : i32
        %dma_wait3A_824 = tpu.memref_slice %arg4[%sub3A_815, %dma_wait3A_821, %add3A, %dma_wait3A_822, %dma_wait3A_823] : memref<200x8x32x8x128xf32, #tpu.memory_space<hbm>> -> memref<1x8x1x8x128xf32, #tpu.memory_space<hbm>>
        %dma_wait3A_825 = tpu.memref_squeeze %dma_wait3A_824 : memref<1x8x1x8x128xf32, #tpu.memory_space<hbm>> -> memref<8x8x128xf32, #tpu.memory_space<hbm>>
        %dma_wait3A_826 = tpu.memref_slice %arg19[%dma_wait3A_816] : memref<4x!tpu.dma_semaphore, #tpu.memory_space<semaphore_mem>> -> memref<1x!tpu.dma_semaphore, #tpu.memory_space<semaphore_mem>>
        %dma_wait3A_827 = tpu.memref_squeeze %dma_wait3A_826 : memref<1x!tpu.dma_semaphore, #tpu.memory_space<semaphore_mem>> -> memref<!tpu.dma_semaphore, #tpu.memory_space<semaphore_mem>>
        %dma_wait3A_828 = arith.constant 0 : i32
        %dma_wait3A_829 = arith.constant 0 : i32
        %dma_wait3A_830 = arith.constant 0 : i32
        %dma_wait3A_831 = tpu.memref_slice %arg4[%sub3A_815, %dma_wait3A_828, %add3A, %dma_wait3A_829, %dma_wait3A_830] : memref<200x8x32x8x128xf32, #tpu.memory_space<hbm>> -> memref<1x8x1x8x128xf32, #tpu.memory_space<hbm>>
        %dma_wait3A_832 = tpu.memref_squeeze %dma_wait3A_831 : memref<1x8x1x8x128xf32, #tpu.memory_space<hbm>> -> memref<8x8x128xf32, #tpu.memory_space<hbm>>
        %dma_wait3A_833 = arith.constant 0 : i32
        %dma_wait3A_834 = arith.constant 0 : i32
        %dma_wait3A_835 = arith.constant 0 : i32
        %dma_wait3A_836 = tpu.memref_slice %arg16[%dma_wait3A_833, %dma_wait3A_834, %dma_wait3A_835] : memref<8x8x133xf32, #tpu.memory_space<vmem>> -> memref<8x8x128xf32, #tpu.memory_space<vmem>>
        tpu.wait_dma2 semaphore(%dma_wait3A_827 : memref<!tpu.dma_semaphore, #tpu.memory_space<semaphore_mem>>) src(%dma_wait3A_836 : memref<8x8x128xf32, #tpu.memory_space<vmem>>) dst(%dma_wait3A_832 : memref<8x8x128xf32, #tpu.memory_space<hbm>>)
      } else {
      }
      %scan3A_728 = arith.constant 0 : i32
      %scan3A_729 = arith.constant 0 : i32
      %scan3A_730 = arith.constant 32 : i32
      %scan3A_731 = arith.addi %scan3A_729, %scan3A_730 : i32
      %scan3A_732 = arith.constant 1 : i32
      scf.for %scan3A_814 = %scan3A_729 to %scan3A_731 step %scan3A_732  : i32 {
        %mul3A_815 = arith.constant 4 : i32
        %mul3A_816 = arith.muli %scan3A_814, %mul3A_815 : i32
        %add3A_817 = arith.constant 0 : i32
        %add3A_818 = arith.addi %mul3A_816, %add3A_817 : i32
        %broadcast_in_dim3A = vector.broadcast %add3A_818 : i32 to vector<16xi32>
        %get3A = arith.index_cast %add3A_818 : i32 to index
        %get3A_819 = arith.constant 0 : index
        %get3A_820 = tpu.vector_load %arg12[%get3A, %get3A_819] {strides = array<i32>} : memref<128x64xf32, #tpu.memory_space<vmem>>, vector<16xf32>,
        %get3A_821 = arith.index_cast %add3A_818 : i32 to index
        %get3A_822 = arith.constant 16 : index
        %get3A_823 = tpu.vector_load %arg12[%get3A_821, %get3A_822] {strides = array<i32>} : memref<128x64xf32, #tpu.memory_space<vmem>>, vector<16xf32>,
        %get3A_824 = arith.index_cast %add3A_818 : i32 to index
        %get3A_825 = arith.constant 32 : index
        %get3A_826 = tpu.vector_load %arg12[%get3A_824, %get3A_825] {strides = array<i32>} : memref<128x64xf32, #tpu.memory_space<vmem>>, vector<16xf32>,
        %get3A_827 = arith.index_cast %add3A_818 : i32 to index
        %get3A_828 = arith.constant 48 : index
        %get3A_829 = tpu.vector_load %arg12[%get3A_827, %get3A_828] {strides = array<i32>} : memref<128x64xf32, #tpu.memory_space<vmem>>, vector<16xf32>,
        tpu.vector_store_idx %arg16[%select_n3A, %select_n3A_232, %broadcast_in_dim3A], %get3A_820 : memref<8x8x133xf32, #tpu.memory_space<vmem>>[vector<16xi32>, vector<16xi32>, vector<16xi32>], vector<16xf32>,
        tpu.vector_store_idx %arg16[%select_n3A_141, %select_n3A_257, %broadcast_in_dim3A], %get3A_823 : memref<8x8x133xf32, #tpu.memory_space<vmem>>[vector<16xi32>, vector<16xi32>, vector<16xi32>], vector<16xf32>,
        tpu.vector_store_idx %arg16[%select_n3A_175, %select_n3A_282, %broadcast_in_dim3A], %get3A_826 : memref<8x8x133xf32, #tpu.memory_space<vmem>>[vector<16xi32>, vector<16xi32>, vector<16xi32>], vector<16xf32>,
        tpu.vector_store_idx %arg16[%select_n3A_209, %select_n3A_307, %broadcast_in_dim3A], %get3A_829 : memref<8x8x133xf32, #tpu.memory_space<vmem>>[vector<16xi32>, vector<16xi32>, vector<16xi32>], vector<16xf32>,
        %mul3A_830 = arith.constant 4 : i32
        %mul3A_831 = arith.muli %scan3A_814, %mul3A_830 : i32
        %add3A_832 = arith.constant 1 : i32
        %add3A_833 = arith.addi %mul3A_831, %add3A_832 : i32
        %broadcast_in_dim3A_834 = vector.broadcast %add3A_833 : i32 to vector<16xi32>
        %get3A_835 = arith.index_cast %add3A_833 : i32 to index
        %get3A_836 = arith.constant 0 : index
        %get3A_837 = tpu.vector_load %arg12[%get3A_835, %get3A_836] {strides = array<i32>} : memref<128x64xf32, #tpu.memory_space<vmem>>, vector<16xf32>,
        %get3A_838 = arith.index_cast %add3A_833 : i32 to index
        %get3A_839 = arith.constant 16 : index
        %get3A_840 = tpu.vector_load %arg12[%get3A_838, %get3A_839] {strides = array<i32>} : memref<128x64xf32, #tpu.memory_space<vmem>>, vector<16xf32>,
        %get3A_841 = arith.index_cast %add3A_833 : i32 to index
        %get3A_842 = arith.constant 32 : index
        %get3A_843 = tpu.vector_load %arg12[%get3A_841, %get3A_842] {strides = array<i32>} : memref<128x64xf32, #tpu.memory_space<vmem>>, vector<16xf32>,
        %get3A_844 = arith.index_cast %add3A_833 : i32 to index
        %get3A_845 = arith.constant 48 : index
        %get3A_846 = tpu.vector_load %arg12[%get3A_844, %get3A_845] {strides = array<i32>} : memref<128x64xf32, #tpu.memory_space<vmem>>, vector<16xf32>,
        tpu.vector_store_idx %arg16[%select_n3A, %select_n3A_232, %broadcast_in_dim3A_834], %get3A_837 : memref<8x8x133xf32, #tpu.memory_space<vmem>>[vector<16xi32>, vector<16xi32>, vector<16xi32>], vector<16xf32>,
        tpu.vector_store_idx %arg16[%select_n3A_141, %select_n3A_257, %broadcast_in_dim3A_834], %get3A_840 : memref<8x8x133xf32, #tpu.memory_space<vmem>>[vector<16xi32>, vector<16xi32>, vector<16xi32>], vector<16xf32>,
        tpu.vector_store_idx %arg16[%select_n3A_175, %select_n3A_282, %broadcast_in_dim3A_834], %get3A_843 : memref<8x8x133xf32, #tpu.memory_space<vmem>>[vector<16xi32>, vector<16xi32>, vector<16xi32>], vector<16xf32>,
        tpu.vector_store_idx %arg16[%select_n3A_209, %select_n3A_307, %broadcast_in_dim3A_834], %get3A_846 : memref<8x8x133xf32, #tpu.memory_space<vmem>>[vector<16xi32>, vector<16xi32>, vector<16xi32>], vector<16xf32>,
        %mul3A_847 = arith.constant 4 : i32
        %mul3A_848 = arith.muli %scan3A_814, %mul3A_847 : i32
        %add3A_849 = arith.constant 2 : i32
        %add3A_850 = arith.addi %mul3A_848, %add3A_849 : i32
        %broadcast_in_dim3A_851 = vector.broadcast %add3A_850 : i32 to vector<16xi32>
        %get3A_852 = arith.index_cast %add3A_850 : i32 to index
        %get3A_853 = arith.constant 0 : index
        %get3A_854 = tpu.vector_load %arg12[%get3A_852, %get3A_853] {strides = array<i32>} : memref<128x64xf32, #tpu.memory_space<vmem>>, vector<16xf32>,
        %get3A_855 = arith.index_cast %add3A_850 : i32 to index
        %get3A_856 = arith.constant 16 : index
        %get3A_857 = tpu.vector_load %arg12[%get3A_855, %get3A_856] {strides = array<i32>} : memref<128x64xf32, #tpu.memory_space<vmem>>, vector<16xf32>,
        %get3A_858 = arith.index_cast %add3A_850 : i32 to index
        %get3A_859 = arith.constant 32 : index
        %get3A_860 = tpu.vector_load %arg12[%get3A_858, %get3A_859] {strides = array<i32>} : memref<128x64xf32, #tpu.memory_space<vmem>>, vector<16xf32>,
        %get3A_861 = arith.index_cast %add3A_850 : i32 to index
        %get3A_862 = arith.constant 48 : index
        %get3A_863 = tpu.vector_load %arg12[%get3A_861, %get3A_862] {strides = array<i32>} : memref<128x64xf32, #tpu.memory_space<vmem>>, vector<16xf32>,
        tpu.vector_store_idx %arg16[%select_n3A, %select_n3A_232, %broadcast_in_dim3A_851], %get3A_854 : memref<8x8x133xf32, #tpu.memory_space<vmem>>[vector<16xi32>, vector<16xi32>, vector<16xi32>], vector<16xf32>,
        tpu.vector_store_idx %arg16[%select_n3A_141, %select_n3A_257, %broadcast_in_dim3A_851], %get3A_857 : memref<8x8x133xf32, #tpu.memory_space<vmem>>[vector<16xi32>, vector<16xi32>, vector<16xi32>], vector<16xf32>,
        tpu.vector_store_idx %arg16[%select_n3A_175, %select_n3A_282, %broadcast_in_dim3A_851], %get3A_860 : memref<8x8x133xf32, #tpu.memory_space<vmem>>[vector<16xi32>, vector<16xi32>, vector<16xi32>], vector<16xf32>,
        tpu.vector_store_idx %arg16[%select_n3A_209, %select_n3A_307, %broadcast_in_dim3A_851], %get3A_863 : memref<8x8x133xf32, #tpu.memory_space<vmem>>[vector<16xi32>, vector<16xi32>, vector<16xi32>], vector<16xf32>,
        %mul3A_864 = arith.constant 4 : i32
        %mul3A_865 = arith.muli %scan3A_814, %mul3A_864 : i32
        %add3A_866 = arith.constant 3 : i32
        %add3A_867 = arith.addi %mul3A_865, %add3A_866 : i32
        %broadcast_in_dim3A_868 = vector.broadcast %add3A_867 : i32 to vector<16xi32>
        %get3A_869 = arith.index_cast %add3A_867 : i32 to index
        %get3A_870 = arith.constant 0 : index
        %get3A_871 = tpu.vector_load %arg12[%get3A_869, %get3A_870] {strides = array<i32>} : memref<128x64xf32, #tpu.memory_space<vmem>>, vector<16xf32>,
        %get3A_872 = arith.index_cast %add3A_867 : i32 to index
        %get3A_873 = arith.constant 16 : index
        %get3A_874 = tpu.vector_load %arg12[%get3A_872, %get3A_873] {strides = array<i32>} : memref<128x64xf32, #tpu.memory_space<vmem>>, vector<16xf32>,
        %get3A_875 = arith.index_cast %add3A_867 : i32 to index
        %get3A_876 = arith.constant 32 : index
        %get3A_877 = tpu.vector_load %arg12[%get3A_875, %get3A_876] {strides = array<i32>} : memref<128x64xf32, #tpu.memory_space<vmem>>, vector<16xf32>,
        %get3A_878 = arith.index_cast %add3A_867 : i32 to index
        %get3A_879 = arith.constant 48 : index
        %get3A_880 = tpu.vector_load %arg12[%get3A_878, %get3A_879] {strides = array<i32>} : memref<128x64xf32, #tpu.memory_space<vmem>>, vector<16xf32>,
        tpu.vector_store_idx %arg16[%select_n3A, %select_n3A_232, %broadcast_in_dim3A_868], %get3A_871 : memref<8x8x133xf32, #tpu.memory_space<vmem>>[vector<16xi32>, vector<16xi32>, vector<16xi32>], vector<16xf32>,
        tpu.vector_store_idx %arg16[%select_n3A_141, %select_n3A_257, %broadcast_in_dim3A_868], %get3A_874 : memref<8x8x133xf32, #tpu.memory_space<vmem>>[vector<16xi32>, vector<16xi32>, vector<16xi32>], vector<16xf32>,
        tpu.vector_store_idx %arg16[%select_n3A_175, %select_n3A_282, %broadcast_in_dim3A_868], %get3A_877 : memref<8x8x133xf32, #tpu.memory_space<vmem>>[vector<16xi32>, vector<16xi32>, vector<16xi32>], vector<16xf32>,
        tpu.vector_store_idx %arg16[%select_n3A_209, %select_n3A_307, %broadcast_in_dim3A_868], %get3A_880 : memref<8x8x133xf32, #tpu.memory_space<vmem>>[vector<16xi32>, vector<16xi32>, vector<16xi32>], vector<16xf32>,
      }
      %scan3A_733 = arith.constant 32 : i32
      %dma_start3A_734 = arith.constant 2 : i32
      %dma_start3A_735 = arith.constant 0 : i32
      %dma_start3A_736 = arith.constant 0 : i32
      %dma_start3A_737 = arith.constant 0 : i32
      %dma_start3A_738 = tpu.memref_slice %arg16[%dma_start3A_735, %dma_start3A_736, %dma_start3A_737] : memref<8x8x133xf32, #tpu.memory_space<vmem>> -> memref<8x8x128xf32, #tpu.memory_space<vmem>>
      %dma_start3A_739 = arith.constant 0 : i32
      %dma_start3A_740 = arith.constant 0 : i32
      %dma_start3A_741 = arith.constant 0 : i32
      %dma_start3A_742 = tpu.memref_slice %arg4[%add3A_713, %dma_start3A_739, %add3A, %dma_start3A_740, %dma_start3A_741] : memref<200x8x32x8x128xf32, #tpu.memory_space<hbm>> -> memref<1x8x1x8x128xf32, #tpu.memory_space<hbm>>
      %dma_start3A_743 = tpu.memref_squeeze %dma_start3A_742 : memref<1x8x1x8x128xf32, #tpu.memory_space<hbm>> -> memref<8x8x128xf32, #tpu.memory_space<hbm>>
      %dma_start3A_744 = tpu.memref_slice %arg19[%dma_start3A_734] : memref<4x!tpu.dma_semaphore, #tpu.memory_space<semaphore_mem>> -> memref<1x!tpu.dma_semaphore, #tpu.memory_space<semaphore_mem>>
      %dma_start3A_745 = tpu.memref_squeeze %dma_start3A_744 : memref<1x!tpu.dma_semaphore, #tpu.memory_space<semaphore_mem>> -> memref<!tpu.dma_semaphore, #tpu.memory_space<semaphore_mem>>
      %dma_start3A_746 = arith.constant 0 : i32
      %dma_start3A_747 = arith.constant 0 : i32
      %dma_start3A_748 = arith.constant 0 : i32
      %dma_start3A_749 = tpu.memref_slice %arg4[%add3A_713, %dma_start3A_746, %add3A, %dma_start3A_747, %dma_start3A_748] : memref<200x8x32x8x128xf32, #tpu.memory_space<hbm>> -> memref<1x8x1x8x128xf32, #tpu.memory_space<hbm>>
      %dma_start3A_750 = tpu.memref_squeeze %dma_start3A_749 : memref<1x8x1x8x128xf32, #tpu.memory_space<hbm>> -> memref<8x8x128xf32, #tpu.memory_space<hbm>>
      %dma_start3A_751 = arith.constant 0 : i32
      %dma_start3A_752 = arith.constant 0 : i32
      %dma_start3A_753 = arith.constant 0 : i32
      %dma_start3A_754 = tpu.memref_slice %arg16[%dma_start3A_751, %dma_start3A_752, %dma_start3A_753] : memref<8x8x133xf32, #tpu.memory_space<vmem>> -> memref<8x8x128xf32, #tpu.memory_space<vmem>>
      tpu.enqueue_dma source(%dma_start3A_754 : memref<8x8x128xf32, #tpu.memory_space<vmem>>) target(%dma_start3A_750 : memref<8x8x128xf32, #tpu.memory_space<hbm>>) target_semaphore(%dma_start3A_745 : memref<!tpu.dma_semaphore, #tpu.memory_space<semaphore_mem>>)
      %add3A_755 = arith.constant 8 : i32
      %add3A_756 = arith.addi %add3A_713, %add3A_755 : i32
      %lt3A_757 = arith.constant 200 : i32
      %lt3A_758 = arith.cmpi slt, %add3A_756, %lt3A_757 : i32
      %convert_element_type3A_759 = arith.extui %lt3A_758 : i1 to i32
      %cond3A_760 = arith.constant 0 : i32
      %cond3A_761 = arith.cmpi ne, %convert_element_type3A_759, %cond3A_760 : i32
      scf.if %cond3A_761 {
        %dma_start3A_814 = arith.constant 6 : i32
        %dma_start3A_815 = arith.constant 0 : i32
        %dma_start3A_816 = tpu.memref_slice %arg5[%add3A_756, %dma_start3A_815] : memref<200x128xi32, #tpu.memory_space<vmem>> -> memref<1x128xi32, #tpu.memory_space<vmem>>
        %dma_start3A_817 = tpu.memref_squeeze %dma_start3A_816 : memref<1x128xi32, #tpu.memory_space<vmem>> -> memref<128xi32, #tpu.memory_space<vmem>>
        %dma_start3A_818 = arith.constant 0 : i32
        %dma_start3A_819 = arith.constant 0 : i32
        %dma_start3A_820 = tpu.memref_slice %arg3[%dma_start3A_818, %dma_start3A_819] : memref<1000000x64xf32, #tpu.memory_space<hbm>> -> memref<1000000x64xf32, #tpu.memory_space<hbm>>
        %dma_start3A_821 = tpu.memref_slice %arg18[%dma_start3A_814] : memref<8x!tpu.dma_semaphore, #tpu.memory_space<semaphore_mem>> -> memref<1x!tpu.dma_semaphore, #tpu.memory_space<semaphore_mem>>
        %dma_start3A_822 = tpu.memref_squeeze %dma_start3A_821 : memref<1x!tpu.dma_semaphore, #tpu.memory_space<semaphore_mem>> -> memref<!tpu.dma_semaphore, #tpu.memory_space<semaphore_mem>>
        tpu.enqueue_indirect_dma source(%dma_start3A_820 : memref<1000000x64xf32, #tpu.memory_space<hbm>>) target(%arg12 : memref<128x64xf32, #tpu.memory_space<vmem>>) offsets(%dma_start3A_817 : memref<128xi32, #tpu.memory_space<vmem>>) semaphore(%dma_start3A_822 : memref<!tpu.dma_semaphore, #tpu.memory_space<semaphore_mem>>)
      } else {
      }
      %mul3A_762 = arith.constant 8 : i32
      %mul3A_763 = arith.muli %scan3A_400, %mul3A_762 : i32
      %add3A_764 = arith.constant 7 : i32
      %add3A_765 = arith.addi %mul3A_763, %add3A_764 : i32
      %dma_wait3A_766 = arith.constant 7 : i32
      %dma_wait3A_767 = arith.constant 0 : i32
      %dma_wait3A_768 = tpu.memref_slice %arg5[%add3A_765, %dma_wait3A_767] : memref<200x128xi32, #tpu.memory_space<vmem>> -> memref<1x128xi32, #tpu.memory_space<vmem>>
      %dma_wait3A_769 = tpu.memref_squeeze %dma_wait3A_768 : memref<1x128xi32, #tpu.memory_space<vmem>> -> memref<128xi32, #tpu.memory_space<vmem>>
      %dma_wait3A_770 = arith.constant 0 : i32
      %dma_wait3A_771 = arith.constant 0 : i32
      %dma_wait3A_772 = tpu.memref_slice %arg3[%dma_wait3A_770, %dma_wait3A_771] : memref<1000000x64xf32, #tpu.memory_space<hbm>> -> memref<1000000x64xf32, #tpu.memory_space<hbm>>
      %dma_wait3A_773 = tpu.memref_slice %arg18[%dma_wait3A_766] : memref<8x!tpu.dma_semaphore, #tpu.memory_space<semaphore_mem>> -> memref<1x!tpu.dma_semaphore, #tpu.memory_space<semaphore_mem>>
      %dma_wait3A_774 = tpu.memref_squeeze %dma_wait3A_773 : memref<1x!tpu.dma_semaphore, #tpu.memory_space<semaphore_mem>> -> memref<!tpu.dma_semaphore, #tpu.memory_space<semaphore_mem>>
      tpu.wait_indirect_dma semaphore(%dma_wait3A_774 : memref<!tpu.dma_semaphore, #tpu.memory_space<semaphore_mem>>) src(%dma_wait3A_772 : memref<1000000x64xf32, #tpu.memory_space<hbm>>) dst(%arg13 : memref<128x64xf32, #tpu.memory_space<vmem>>)
      %ge3A_775 = arith.constant 4 : i32
      %ge3A_776 = arith.cmpi sge, %add3A_765, %ge3A_775 : i32
      %convert_element_type3A_777 = arith.extui %ge3A_776 : i1 to i32
      %cond3A_778 = arith.constant 0 : i32
      %cond3A_779 = arith.cmpi ne, %convert_element_type3A_777, %cond3A_778 : i32
      scf.if %cond3A_779 {
        %sub3A_814 = arith.constant 4 : i32
        %sub3A_815 = arith.subi %add3A_765, %sub3A_814 : i32
        %dma_wait3A_816 = arith.constant 3 : i32
        %dma_wait3A_817 = arith.constant 0 : i32
        %dma_wait3A_818 = arith.constant 0 : i32
        %dma_wait3A_819 = arith.constant 0 : i32
        %dma_wait3A_820 = tpu.memref_slice %arg17[%dma_wait3A_817, %dma_wait3A_818, %dma_wait3A_819] : memref<8x8x133xf32, #tpu.memory_space<vmem>> -> memref<8x8x128xf32, #tpu.memory_space<vmem>>
        %dma_wait3A_821 = arith.constant 0 : i32
        %dma_wait3A_822 = arith.constant 0 : i32
        %dma_wait3A_823 = arith.constant 0 : i32
        %dma_wait3A_824 = tpu.memref_slice %arg4[%sub3A_815, %dma_wait3A_821, %add3A, %dma_wait3A_822, %dma_wait3A_823] : memref<200x8x32x8x128xf32, #tpu.memory_space<hbm>> -> memref<1x8x1x8x128xf32, #tpu.memory_space<hbm>>
        %dma_wait3A_825 = tpu.memref_squeeze %dma_wait3A_824 : memref<1x8x1x8x128xf32, #tpu.memory_space<hbm>> -> memref<8x8x128xf32, #tpu.memory_space<hbm>>
        %dma_wait3A_826 = tpu.memref_slice %arg19[%dma_wait3A_816] : memref<4x!tpu.dma_semaphore, #tpu.memory_space<semaphore_mem>> -> memref<1x!tpu.dma_semaphore, #tpu.memory_space<semaphore_mem>>
        %dma_wait3A_827 = tpu.memref_squeeze %dma_wait3A_826 : memref<1x!tpu.dma_semaphore, #tpu.memory_space<semaphore_mem>> -> memref<!tpu.dma_semaphore, #tpu.memory_space<semaphore_mem>>
        %dma_wait3A_828 = arith.constant 0 : i32
        %dma_wait3A_829 = arith.constant 0 : i32
        %dma_wait3A_830 = arith.constant 0 : i32
        %dma_wait3A_831 = tpu.memref_slice %arg4[%sub3A_815, %dma_wait3A_828, %add3A, %dma_wait3A_829, %dma_wait3A_830] : memref<200x8x32x8x128xf32, #tpu.memory_space<hbm>> -> memref<1x8x1x8x128xf32, #tpu.memory_space<hbm>>
        %dma_wait3A_832 = tpu.memref_squeeze %dma_wait3A_831 : memref<1x8x1x8x128xf32, #tpu.memory_space<hbm>> -> memref<8x8x128xf32, #tpu.memory_space<hbm>>
        %dma_wait3A_833 = arith.constant 0 : i32
        %dma_wait3A_834 = arith.constant 0 : i32
        %dma_wait3A_835 = arith.constant 0 : i32
        %dma_wait3A_836 = tpu.memref_slice %arg17[%dma_wait3A_833, %dma_wait3A_834, %dma_wait3A_835] : memref<8x8x133xf32, #tpu.memory_space<vmem>> -> memref<8x8x128xf32, #tpu.memory_space<vmem>>
        tpu.wait_dma2 semaphore(%dma_wait3A_827 : memref<!tpu.dma_semaphore, #tpu.memory_space<semaphore_mem>>) src(%dma_wait3A_836 : memref<8x8x128xf32, #tpu.memory_space<vmem>>) dst(%dma_wait3A_832 : memref<8x8x128xf32, #tpu.memory_space<hbm>>)
      } else {
      }
      %scan3A_780 = arith.constant 0 : i32
      %scan3A_781 = arith.constant 0 : i32
      %scan3A_782 = arith.constant 32 : i32
      %scan3A_783 = arith.addi %scan3A_781, %scan3A_782 : i32
      %scan3A_784 = arith.constant 1 : i32
      scf.for %scan3A_814 = %scan3A_781 to %scan3A_783 step %scan3A_784  : i32 {
        %mul3A_815 = arith.constant 4 : i32
        %mul3A_816 = arith.muli %scan3A_814, %mul3A_815 : i32
        %add3A_817 = arith.constant 0 : i32
        %add3A_818 = arith.addi %mul3A_816, %add3A_817 : i32
        %broadcast_in_dim3A = vector.broadcast %add3A_818 : i32 to vector<16xi32>
        %get3A = arith.index_cast %add3A_818 : i32 to index
        %get3A_819 = arith.constant 0 : index
        %get3A_820 = tpu.vector_load %arg13[%get3A, %get3A_819] {strides = array<i32>} : memref<128x64xf32, #tpu.memory_space<vmem>>, vector<16xf32>,
        %get3A_821 = arith.index_cast %add3A_818 : i32 to index
        %get3A_822 = arith.constant 16 : index
        %get3A_823 = tpu.vector_load %arg13[%get3A_821, %get3A_822] {strides = array<i32>} : memref<128x64xf32, #tpu.memory_space<vmem>>, vector<16xf32>,
        %get3A_824 = arith.index_cast %add3A_818 : i32 to index
        %get3A_825 = arith.constant 32 : index
        %get3A_826 = tpu.vector_load %arg13[%get3A_824, %get3A_825] {strides = array<i32>} : memref<128x64xf32, #tpu.memory_space<vmem>>, vector<16xf32>,
        %get3A_827 = arith.index_cast %add3A_818 : i32 to index
        %get3A_828 = arith.constant 48 : index
        %get3A_829 = tpu.vector_load %arg13[%get3A_827, %get3A_828] {strides = array<i32>} : memref<128x64xf32, #tpu.memory_space<vmem>>, vector<16xf32>,
        tpu.vector_store_idx %arg17[%select_n3A, %select_n3A_232, %broadcast_in_dim3A], %get3A_820 : memref<8x8x133xf32, #tpu.memory_space<vmem>>[vector<16xi32>, vector<16xi32>, vector<16xi32>], vector<16xf32>,
        tpu.vector_store_idx %arg17[%select_n3A_141, %select_n3A_257, %broadcast_in_dim3A], %get3A_823 : memref<8x8x133xf32, #tpu.memory_space<vmem>>[vector<16xi32>, vector<16xi32>, vector<16xi32>], vector<16xf32>,
        tpu.vector_store_idx %arg17[%select_n3A_175, %select_n3A_282, %broadcast_in_dim3A], %get3A_826 : memref<8x8x133xf32, #tpu.memory_space<vmem>>[vector<16xi32>, vector<16xi32>, vector<16xi32>], vector<16xf32>,
        tpu.vector_store_idx %arg17[%select_n3A_209, %select_n3A_307, %broadcast_in_dim3A], %get3A_829 : memref<8x8x133xf32, #tpu.memory_space<vmem>>[vector<16xi32>, vector<16xi32>, vector<16xi32>], vector<16xf32>,
        %mul3A_830 = arith.constant 4 : i32
        %mul3A_831 = arith.muli %scan3A_814, %mul3A_830 : i32
        %add3A_832 = arith.constant 1 : i32
        %add3A_833 = arith.addi %mul3A_831, %add3A_832 : i32
        %broadcast_in_dim3A_834 = vector.broadcast %add3A_833 : i32 to vector<16xi32>
        %get3A_835 = arith.index_cast %add3A_833 : i32 to index
        %get3A_836 = arith.constant 0 : index
        %get3A_837 = tpu.vector_load %arg13[%get3A_835, %get3A_836] {strides = array<i32>} : memref<128x64xf32, #tpu.memory_space<vmem>>, vector<16xf32>,
        %get3A_838 = arith.index_cast %add3A_833 : i32 to index
        %get3A_839 = arith.constant 16 : index
        %get3A_840 = tpu.vector_load %arg13[%get3A_838, %get3A_839] {strides = array<i32>} : memref<128x64xf32, #tpu.memory_space<vmem>>, vector<16xf32>,
        %get3A_841 = arith.index_cast %add3A_833 : i32 to index
        %get3A_842 = arith.constant 32 : index
        %get3A_843 = tpu.vector_load %arg13[%get3A_841, %get3A_842] {strides = array<i32>} : memref<128x64xf32, #tpu.memory_space<vmem>>, vector<16xf32>,
        %get3A_844 = arith.index_cast %add3A_833 : i32 to index
        %get3A_845 = arith.constant 48 : index
        %get3A_846 = tpu.vector_load %arg13[%get3A_844, %get3A_845] {strides = array<i32>} : memref<128x64xf32, #tpu.memory_space<vmem>>, vector<16xf32>,
        tpu.vector_store_idx %arg17[%select_n3A, %select_n3A_232, %broadcast_in_dim3A_834], %get3A_837 : memref<8x8x133xf32, #tpu.memory_space<vmem>>[vector<16xi32>, vector<16xi32>, vector<16xi32>], vector<16xf32>,
        tpu.vector_store_idx %arg17[%select_n3A_141, %select_n3A_257, %broadcast_in_dim3A_834], %get3A_840 : memref<8x8x133xf32, #tpu.memory_space<vmem>>[vector<16xi32>, vector<16xi32>, vector<16xi32>], vector<16xf32>,
        tpu.vector_store_idx %arg17[%select_n3A_175, %select_n3A_282, %broadcast_in_dim3A_834], %get3A_843 : memref<8x8x133xf32, #tpu.memory_space<vmem>>[vector<16xi32>, vector<16xi32>, vector<16xi32>], vector<16xf32>,
        tpu.vector_store_idx %arg17[%select_n3A_209, %select_n3A_307, %broadcast_in_dim3A_834], %get3A_846 : memref<8x8x133xf32, #tpu.memory_space<vmem>>[vector<16xi32>, vector<16xi32>, vector<16xi32>], vector<16xf32>,
        %mul3A_847 = arith.constant 4 : i32
        %mul3A_848 = arith.muli %scan3A_814, %mul3A_847 : i32
        %add3A_849 = arith.constant 2 : i32
        %add3A_850 = arith.addi %mul3A_848, %add3A_849 : i32
        %broadcast_in_dim3A_851 = vector.broadcast %add3A_850 : i32 to vector<16xi32>
        %get3A_852 = arith.index_cast %add3A_850 : i32 to index
        %get3A_853 = arith.constant 0 : index
        %get3A_854 = tpu.vector_load %arg13[%get3A_852, %get3A_853] {strides = array<i32>} : memref<128x64xf32, #tpu.memory_space<vmem>>, vector<16xf32>,
        %get3A_855 = arith.index_cast %add3A_850 : i32 to index
        %get3A_856 = arith.constant 16 : index
        %get3A_857 = tpu.vector_load %arg13[%get3A_855, %get3A_856] {strides = array<i32>} : memref<128x64xf32, #tpu.memory_space<vmem>>, vector<16xf32>,
        %get3A_858 = arith.index_cast %add3A_850 : i32 to index
        %get3A_859 = arith.constant 32 : index
        %get3A_860 = tpu.vector_load %arg13[%get3A_858, %get3A_859] {strides = array<i32>} : memref<128x64xf32, #tpu.memory_space<vmem>>, vector<16xf32>,
        %get3A_861 = arith.index_cast %add3A_850 : i32 to index
        %get3A_862 = arith.constant 48 : index
        %get3A_863 = tpu.vector_load %arg13[%get3A_861, %get3A_862] {strides = array<i32>} : memref<128x64xf32, #tpu.memory_space<vmem>>, vector<16xf32>,
        tpu.vector_store_idx %arg17[%select_n3A, %select_n3A_232, %broadcast_in_dim3A_851], %get3A_854 : memref<8x8x133xf32, #tpu.memory_space<vmem>>[vector<16xi32>, vector<16xi32>, vector<16xi32>], vector<16xf32>,
        tpu.vector_store_idx %arg17[%select_n3A_141, %select_n3A_257, %broadcast_in_dim3A_851], %get3A_857 : memref<8x8x133xf32, #tpu.memory_space<vmem>>[vector<16xi32>, vector<16xi32>, vector<16xi32>], vector<16xf32>,
        tpu.vector_store_idx %arg17[%select_n3A_175, %select_n3A_282, %broadcast_in_dim3A_851], %get3A_860 : memref<8x8x133xf32, #tpu.memory_space<vmem>>[vector<16xi32>, vector<16xi32>, vector<16xi32>], vector<16xf32>,
        tpu.vector_store_idx %arg17[%select_n3A_209, %select_n3A_307, %broadcast_in_dim3A_851], %get3A_863 : memref<8x8x133xf32, #tpu.memory_space<vmem>>[vector<16xi32>, vector<16xi32>, vector<16xi32>], vector<16xf32>,
        %mul3A_864 = arith.constant 4 : i32
        %mul3A_865 = arith.muli %scan3A_814, %mul3A_864 : i32
        %add3A_866 = arith.constant 3 : i32
        %add3A_867 = arith.addi %mul3A_865, %add3A_866 : i32
        %broadcast_in_dim3A_868 = vector.broadcast %add3A_867 : i32 to vector<16xi32>
        %get3A_869 = arith.index_cast %add3A_867 : i32 to index
        %get3A_870 = arith.constant 0 : index
        %get3A_871 = tpu.vector_load %arg13[%get3A_869, %get3A_870] {strides = array<i32>} : memref<128x64xf32, #tpu.memory_space<vmem>>, vector<16xf32>,
        %get3A_872 = arith.index_cast %add3A_867 : i32 to index
        %get3A_873 = arith.constant 16 : index
        %get3A_874 = tpu.vector_load %arg13[%get3A_872, %get3A_873] {strides = array<i32>} : memref<128x64xf32, #tpu.memory_space<vmem>>, vector<16xf32>,
        %get3A_875 = arith.index_cast %add3A_867 : i32 to index
        %get3A_876 = arith.constant 32 : index
        %get3A_877 = tpu.vector_load %arg13[%get3A_875, %get3A_876] {strides = array<i32>} : memref<128x64xf32, #tpu.memory_space<vmem>>, vector<16xf32>,
        %get3A_878 = arith.index_cast %add3A_867 : i32 to index
        %get3A_879 = arith.constant 48 : index
        %get3A_880 = tpu.vector_load %arg13[%get3A_878, %get3A_879] {strides = array<i32>} : memref<128x64xf32, #tpu.memory_space<vmem>>, vector<16xf32>,
        tpu.vector_store_idx %arg17[%select_n3A, %select_n3A_232, %broadcast_in_dim3A_868], %get3A_871 : memref<8x8x133xf32, #tpu.memory_space<vmem>>[vector<16xi32>, vector<16xi32>, vector<16xi32>], vector<16xf32>,
        tpu.vector_store_idx %arg17[%select_n3A_141, %select_n3A_257, %broadcast_in_dim3A_868], %get3A_874 : memref<8x8x133xf32, #tpu.memory_space<vmem>>[vector<16xi32>, vector<16xi32>, vector<16xi32>], vector<16xf32>,
        tpu.vector_store_idx %arg17[%select_n3A_175, %select_n3A_282, %broadcast_in_dim3A_868], %get3A_877 : memref<8x8x133xf32, #tpu.memory_space<vmem>>[vector<16xi32>, vector<16xi32>, vector<16xi32>], vector<16xf32>,
        tpu.vector_store_idx %arg17[%select_n3A_209, %select_n3A_307, %broadcast_in_dim3A_868], %get3A_880 : memref<8x8x133xf32, #tpu.memory_space<vmem>>[vector<16xi32>, vector<16xi32>, vector<16xi32>], vector<16xf32>,
      }
      %scan3A_785 = arith.constant 32 : i32
      %dma_start3A_786 = arith.constant 3 : i32
      %dma_start3A_787 = arith.constant 0 : i32
      %dma_start3A_788 = arith.constant 0 : i32
      %dma_start3A_789 = arith.constant 0 : i32
      %dma_start3A_790 = tpu.memref_slice %arg17[%dma_start3A_787, %dma_start3A_788, %dma_start3A_789] : memref<8x8x133xf32, #tpu.memory_space<vmem>> -> memref<8x8x128xf32, #tpu.memory_space<vmem>>
      %dma_start3A_791 = arith.constant 0 : i32
      %dma_start3A_792 = arith.constant 0 : i32
      %dma_start3A_793 = arith.constant 0 : i32
      %dma_start3A_794 = tpu.memref_slice %arg4[%add3A_765, %dma_start3A_791, %add3A, %dma_start3A_792, %dma_start3A_793] : memref<200x8x32x8x128xf32, #tpu.memory_space<hbm>> -> memref<1x8x1x8x128xf32, #tpu.memory_space<hbm>>
      %dma_start3A_795 = tpu.memref_squeeze %dma_start3A_794 : memref<1x8x1x8x128xf32, #tpu.memory_space<hbm>> -> memref<8x8x128xf32, #tpu.memory_space<hbm>>
      %dma_start3A_796 = tpu.memref_slice %arg19[%dma_start3A_786] : memref<4x!tpu.dma_semaphore, #tpu.memory_space<semaphore_mem>> -> memref<1x!tpu.dma_semaphore, #tpu.memory_space<semaphore_mem>>
      %dma_start3A_797 = tpu.memref_squeeze %dma_start3A_796 : memref<1x!tpu.dma_semaphore, #tpu.memory_space<semaphore_mem>> -> memref<!tpu.dma_semaphore, #tpu.memory_space<semaphore_mem>>
      %dma_start3A_798 = arith.constant 0 : i32
      %dma_start3A_799 = arith.constant 0 : i32
      %dma_start3A_800 = arith.constant 0 : i32
      %dma_start3A_801 = tpu.memref_slice %arg4[%add3A_765, %dma_start3A_798, %add3A, %dma_start3A_799, %dma_start3A_800] : memref<200x8x32x8x128xf32, #tpu.memory_space<hbm>> -> memref<1x8x1x8x128xf32, #tpu.memory_space<hbm>>
      %dma_start3A_802 = tpu.memref_squeeze %dma_start3A_801 : memref<1x8x1x8x128xf32, #tpu.memory_space<hbm>> -> memref<8x8x128xf32, #tpu.memory_space<hbm>>
      %dma_start3A_803 = arith.constant 0 : i32
      %dma_start3A_804 = arith.constant 0 : i32
      %dma_start3A_805 = arith.constant 0 : i32
      %dma_start3A_806 = tpu.memref_slice %arg17[%dma_start3A_803, %dma_start3A_804, %dma_start3A_805] : memref<8x8x133xf32, #tpu.memory_space<vmem>> -> memref<8x8x128xf32, #tpu.memory_space<vmem>>
      tpu.enqueue_dma source(%dma_start3A_806 : memref<8x8x128xf32, #tpu.memory_space<vmem>>) target(%dma_start3A_802 : memref<8x8x128xf32, #tpu.memory_space<hbm>>) target_semaphore(%dma_start3A_797 : memref<!tpu.dma_semaphore, #tpu.memory_space<semaphore_mem>>)
      %add3A_807 = arith.constant 8 : i32
      %add3A_808 = arith.addi %add3A_765, %add3A_807 : i32
      %lt3A_809 = arith.constant 200 : i32
      %lt3A_810 = arith.cmpi slt, %add3A_808, %lt3A_809 : i32
      %convert_element_type3A_811 = arith.extui %lt3A_810 : i1 to i32
      %cond3A_812 = arith.constant 0 : i32
      %cond3A_813 = arith.cmpi ne, %convert_element_type3A_811, %cond3A_812 : i32
      scf.if %cond3A_813 {
        %dma_start3A_814 = arith.constant 7 : i32
        %dma_start3A_815 = arith.constant 0 : i32
        %dma_start3A_816 = tpu.memref_slice %arg5[%add3A_808, %dma_start3A_815] : memref<200x128xi32, #tpu.memory_space<vmem>> -> memref<1x128xi32, #tpu.memory_space<vmem>>
        %dma_start3A_817 = tpu.memref_squeeze %dma_start3A_816 : memref<1x128xi32, #tpu.memory_space<vmem>> -> memref<128xi32, #tpu.memory_space<vmem>>
        %dma_start3A_818 = arith.constant 0 : i32
        %dma_start3A_819 = arith.constant 0 : i32
        %dma_start3A_820 = tpu.memref_slice %arg3[%dma_start3A_818, %dma_start3A_819] : memref<1000000x64xf32, #tpu.memory_space<hbm>> -> memref<1000000x64xf32, #tpu.memory_space<hbm>>
        %dma_start3A_821 = tpu.memref_slice %arg18[%dma_start3A_814] : memref<8x!tpu.dma_semaphore, #tpu.memory_space<semaphore_mem>> -> memref<1x!tpu.dma_semaphore, #tpu.memory_space<semaphore_mem>>
        %dma_start3A_822 = tpu.memref_squeeze %dma_start3A_821 : memref<1x!tpu.dma_semaphore, #tpu.memory_space<semaphore_mem>> -> memref<!tpu.dma_semaphore, #tpu.memory_space<semaphore_mem>>
        tpu.enqueue_indirect_dma source(%dma_start3A_820 : memref<1000000x64xf32, #tpu.memory_space<hbm>>) target(%arg13 : memref<128x64xf32, #tpu.memory_space<vmem>>) offsets(%dma_start3A_817 : memref<128xi32, #tpu.memory_space<vmem>>) semaphore(%dma_start3A_822 : memref<!tpu.dma_semaphore, #tpu.memory_space<semaphore_mem>>)
      } else {
      }
    }
    %scan3A_312 = arith.constant 25 : i32
    %dma_wait3A = arith.constant 196 : i32
    %dma_wait3A_313 = arith.constant 0 : i32
    %dma_wait3A_314 = arith.constant 0 : i32
    %dma_wait3A_315 = arith.constant 0 : i32
    %dma_wait3A_316 = arith.constant 0 : i32
    %dma_wait3A_317 = tpu.memref_slice %arg14[%dma_wait3A_314, %dma_wait3A_315, %dma_wait3A_316] : memref<8x8x133xf32, #tpu.memory_space<vmem>> -> memref<8x8x128xf32, #tpu.memory_space<vmem>>
    %dma_wait3A_318 = arith.constant 0 : i32
    %dma_wait3A_319 = arith.constant 0 : i32
    %dma_wait3A_320 = arith.constant 0 : i32
    %dma_wait3A_321 = tpu.memref_slice %arg4[%dma_wait3A, %dma_wait3A_318, %add3A, %dma_wait3A_319, %dma_wait3A_320] : memref<200x8x32x8x128xf32, #tpu.memory_space<hbm>> -> memref<1x8x1x8x128xf32, #tpu.memory_space<hbm>>
    %dma_wait3A_322 = tpu.memref_squeeze %dma_wait3A_321 : memref<1x8x1x8x128xf32, #tpu.memory_space<hbm>> -> memref<8x8x128xf32, #tpu.memory_space<hbm>>
    %dma_wait3A_323 = tpu.memref_slice %arg19[%dma_wait3A_313] : memref<4x!tpu.dma_semaphore, #tpu.memory_space<semaphore_mem>> -> memref<1x!tpu.dma_semaphore, #tpu.memory_space<semaphore_mem>>
    %dma_wait3A_324 = tpu.memref_squeeze %dma_wait3A_323 : memref<1x!tpu.dma_semaphore, #tpu.memory_space<semaphore_mem>> -> memref<!tpu.dma_semaphore, #tpu.memory_space<semaphore_mem>>
    %dma_wait3A_325 = arith.constant 0 : i32
    %dma_wait3A_326 = arith.constant 0 : i32
    %dma_wait3A_327 = arith.constant 0 : i32
    %dma_wait3A_328 = tpu.memref_slice %arg4[%dma_wait3A, %dma_wait3A_325, %add3A, %dma_wait3A_326, %dma_wait3A_327] : memref<200x8x32x8x128xf32, #tpu.memory_space<hbm>> -> memref<1x8x1x8x128xf32, #tpu.memory_space<hbm>>
    %dma_wait3A_329 = tpu.memref_squeeze %dma_wait3A_328 : memref<1x8x1x8x128xf32, #tpu.memory_space<hbm>> -> memref<8x8x128xf32, #tpu.memory_space<hbm>>
    %dma_wait3A_330 = arith.constant 0 : i32
    %dma_wait3A_331 = arith.constant 0 : i32
    %dma_wait3A_332 = arith.constant 0 : i32
    %dma_wait3A_333 = tpu.memref_slice %arg14[%dma_wait3A_330, %dma_wait3A_331, %dma_wait3A_332] : memref<8x8x133xf32, #tpu.memory_space<vmem>> -> memref<8x8x128xf32, #tpu.memory_space<vmem>>
    tpu.wait_dma2 semaphore(%dma_wait3A_324 : memref<!tpu.dma_semaphore, #tpu.memory_space<semaphore_mem>>) src(%dma_wait3A_333 : memref<8x8x128xf32, #tpu.memory_space<vmem>>) dst(%dma_wait3A_329 : memref<8x8x128xf32, #tpu.memory_space<hbm>>)
    %dma_wait3A_334 = arith.constant 197 : i32
    %dma_wait3A_335 = arith.constant 1 : i32
    %dma_wait3A_336 = arith.constant 0 : i32
    %dma_wait3A_337 = arith.constant 0 : i32
    %dma_wait3A_338 = arith.constant 0 : i32
    %dma_wait3A_339 = tpu.memref_slice %arg15[%dma_wait3A_336, %dma_wait3A_337, %dma_wait3A_338] : memref<8x8x133xf32, #tpu.memory_space<vmem>> -> memref<8x8x128xf32, #tpu.memory_space<vmem>>
    %dma_wait3A_340 = arith.constant 0 : i32
    %dma_wait3A_341 = arith.constant 0 : i32
    %dma_wait3A_342 = arith.constant 0 : i32
    %dma_wait3A_343 = tpu.memref_slice %arg4[%dma_wait3A_334, %dma_wait3A_340, %add3A, %dma_wait3A_341, %dma_wait3A_342] : memref<200x8x32x8x128xf32, #tpu.memory_space<hbm>> -> memref<1x8x1x8x128xf32, #tpu.memory_space<hbm>>
    %dma_wait3A_344 = tpu.memref_squeeze %dma_wait3A_343 : memref<1x8x1x8x128xf32, #tpu.memory_space<hbm>> -> memref<8x8x128xf32, #tpu.memory_space<hbm>>
    %dma_wait3A_345 = tpu.memref_slice %arg19[%dma_wait3A_335] : memref<4x!tpu.dma_semaphore, #tpu.memory_space<semaphore_mem>> -> memref<1x!tpu.dma_semaphore, #tpu.memory_space<semaphore_mem>>
    %dma_wait3A_346 = tpu.memref_squeeze %dma_wait3A_345 : memref<1x!tpu.dma_semaphore, #tpu.memory_space<semaphore_mem>> -> memref<!tpu.dma_semaphore, #tpu.memory_space<semaphore_mem>>
    %dma_wait3A_347 = arith.constant 0 : i32
    %dma_wait3A_348 = arith.constant 0 : i32
    %dma_wait3A_349 = arith.constant 0 : i32
    %dma_wait3A_350 = tpu.memref_slice %arg4[%dma_wait3A_334, %dma_wait3A_347, %add3A, %dma_wait3A_348, %dma_wait3A_349] : memref<200x8x32x8x128xf32, #tpu.memory_space<hbm>> -> memref<1x8x1x8x128xf32, #tpu.memory_space<hbm>>
    %dma_wait3A_351 = tpu.memref_squeeze %dma_wait3A_350 : memref<1x8x1x8x128xf32, #tpu.memory_space<hbm>> -> memref<8x8x128xf32, #tpu.memory_space<hbm>>
    %dma_wait3A_352 = arith.constant 0 : i32
    %dma_wait3A_353 = arith.constant 0 : i32
    %dma_wait3A_354 = arith.constant 0 : i32
    %dma_wait3A_355 = tpu.memref_slice %arg15[%dma_wait3A_352, %dma_wait3A_353, %dma_wait3A_354] : memref<8x8x133xf32, #tpu.memory_space<vmem>> -> memref<8x8x128xf32, #tpu.memory_space<vmem>>
    tpu.wait_dma2 semaphore(%dma_wait3A_346 : memref<!tpu.dma_semaphore, #tpu.memory_space<semaphore_mem>>) src(%dma_wait3A_355 : memref<8x8x128xf32, #tpu.memory_space<vmem>>) dst(%dma_wait3A_351 : memref<8x8x128xf32, #tpu.memory_space<hbm>>)
    %dma_wait3A_356 = arith.constant 198 : i32
    %dma_wait3A_357 = arith.constant 2 : i32
    %dma_wait3A_358 = arith.constant 0 : i32
    %dma_wait3A_359 = arith.constant 0 : i32
    %dma_wait3A_360 = arith.constant 0 : i32
    %dma_wait3A_361 = tpu.memref_slice %arg16[%dma_wait3A_358, %dma_wait3A_359, %dma_wait3A_360] : memref<8x8x133xf32, #tpu.memory_space<vmem>> -> memref<8x8x128xf32, #tpu.memory_space<vmem>>
    %dma_wait3A_362 = arith.constant 0 : i32
    %dma_wait3A_363 = arith.constant 0 : i32
    %dma_wait3A_364 = arith.constant 0 : i32
    %dma_wait3A_365 = tpu.memref_slice %arg4[%dma_wait3A_356, %dma_wait3A_362, %add3A, %dma_wait3A_363, %dma_wait3A_364] : memref<200x8x32x8x128xf32, #tpu.memory_space<hbm>> -> memref<1x8x1x8x128xf32, #tpu.memory_space<hbm>>
    %dma_wait3A_366 = tpu.memref_squeeze %dma_wait3A_365 : memref<1x8x1x8x128xf32, #tpu.memory_space<hbm>> -> memref<8x8x128xf32, #tpu.memory_space<hbm>>
    %dma_wait3A_367 = tpu.memref_slice %arg19[%dma_wait3A_357] : memref<4x!tpu.dma_semaphore, #tpu.memory_space<semaphore_mem>> -> memref<1x!tpu.dma_semaphore, #tpu.memory_space<semaphore_mem>>
    %dma_wait3A_368 = tpu.memref_squeeze %dma_wait3A_367 : memref<1x!tpu.dma_semaphore, #tpu.memory_space<semaphore_mem>> -> memref<!tpu.dma_semaphore, #tpu.memory_space<semaphore_mem>>
    %dma_wait3A_369 = arith.constant 0 : i32
    %dma_wait3A_370 = arith.constant 0 : i32
    %dma_wait3A_371 = arith.constant 0 : i32
    %dma_wait3A_372 = tpu.memref_slice %arg4[%dma_wait3A_356, %dma_wait3A_369, %add3A, %dma_wait3A_370, %dma_wait3A_371] : memref<200x8x32x8x128xf32, #tpu.memory_space<hbm>> -> memref<1x8x1x8x128xf32, #tpu.memory_space<hbm>>
    %dma_wait3A_373 = tpu.memref_squeeze %dma_wait3A_372 : memref<1x8x1x8x128xf32, #tpu.memory_space<hbm>> -> memref<8x8x128xf32, #tpu.memory_space<hbm>>
    %dma_wait3A_374 = arith.constant 0 : i32
    %dma_wait3A_375 = arith.constant 0 : i32
    %dma_wait3A_376 = arith.constant 0 : i32
    %dma_wait3A_377 = tpu.memref_slice %arg16[%dma_wait3A_374, %dma_wait3A_375, %dma_wait3A_376] : memref<8x8x133xf32, #tpu.memory_space<vmem>> -> memref<8x8x128xf32, #tpu.memory_space<vmem>>
    tpu.wait_dma2 semaphore(%dma_wait3A_368 : memref<!tpu.dma_semaphore, #tpu.memory_space<semaphore_mem>>) src(%dma_wait3A_377 : memref<8x8x128xf32, #tpu.memory_space<vmem>>) dst(%dma_wait3A_373 : memref<8x8x128xf32, #tpu.memory_space<hbm>>)
    %dma_wait3A_378 = arith.constant 199 : i32
    %dma_wait3A_379 = arith.constant 3 : i32
    %dma_wait3A_380 = arith.constant 0 : i32
    %dma_wait3A_381 = arith.constant 0 : i32
    %dma_wait3A_382 = arith.constant 0 : i32
    %dma_wait3A_383 = tpu.memref_slice %arg17[%dma_wait3A_380, %dma_wait3A_381, %dma_wait3A_382] : memref<8x8x133xf32, #tpu.memory_space<vmem>> -> memref<8x8x128xf32, #tpu.memory_space<vmem>>
    %dma_wait3A_384 = arith.constant 0 : i32
    %dma_wait3A_385 = arith.constant 0 : i32
    %dma_wait3A_386 = arith.constant 0 : i32
    %dma_wait3A_387 = tpu.memref_slice %arg4[%dma_wait3A_378, %dma_wait3A_384, %add3A, %dma_wait3A_385, %dma_wait3A_386] : memref<200x8x32x8x128xf32, #tpu.memory_space<hbm>> -> memref<1x8x1x8x128xf32, #tpu.memory_space<hbm>>
    %dma_wait3A_388 = tpu.memref_squeeze %dma_wait3A_387 : memref<1x8x1x8x128xf32, #tpu.memory_space<hbm>> -> memref<8x8x128xf32, #tpu.memory_space<hbm>>
    %dma_wait3A_389 = tpu.memref_slice %arg19[%dma_wait3A_379] : memref<4x!tpu.dma_semaphore, #tpu.memory_space<semaphore_mem>> -> memref<1x!tpu.dma_semaphore, #tpu.memory_space<semaphore_mem>>
    %dma_wait3A_390 = tpu.memref_squeeze %dma_wait3A_389 : memref<1x!tpu.dma_semaphore, #tpu.memory_space<semaphore_mem>> -> memref<!tpu.dma_semaphore, #tpu.memory_space<semaphore_mem>>
    %dma_wait3A_391 = arith.constant 0 : i32
    %dma_wait3A_392 = arith.constant 0 : i32
    %dma_wait3A_393 = arith.constant 0 : i32
    %dma_wait3A_394 = tpu.memref_slice %arg4[%dma_wait3A_378, %dma_wait3A_391, %add3A, %dma_wait3A_392, %dma_wait3A_393] : memref<200x8x32x8x128xf32, #tpu.memory_space<hbm>> -> memref<1x8x1x8x128xf32, #tpu.memory_space<hbm>>
    %dma_wait3A_395 = tpu.memref_squeeze %dma_wait3A_394 : memref<1x8x1x8x128xf32, #tpu.memory_space<hbm>> -> memref<8x8x128xf32, #tpu.memory_space<hbm>>
    %dma_wait3A_396 = arith.constant 0 : i32
    %dma_wait3A_397 = arith.constant 0 : i32
    %dma_wait3A_398 = arith.constant 0 : i32
    %dma_wait3A_399 = tpu.memref_slice %arg17[%dma_wait3A_396, %dma_wait3A_397, %dma_wait3A_398] : memref<8x8x133xf32, #tpu.memory_space<vmem>> -> memref<8x8x128xf32, #tpu.memory_space<vmem>>
    tpu.wait_dma2 semaphore(%dma_wait3A_390 : memref<!tpu.dma_semaphore, #tpu.memory_space<semaphore_mem>>) src(%dma_wait3A_399 : memref<8x8x128xf32, #tpu.memory_space<vmem>>) dst(%dma_wait3A_395 : memref<8x8x128xf32, #tpu.memory_space<hbm>>)
    return
  }
}

</mosaic_0001>

<sc_bundles>
// kernel: kernel.3.cloned.1.call-start
scs
__scs_entry_jumppad:
0x0: {  	(pc) =	sbr.rel $0x88, $3  }
0x1: {  	(tag) =	ssettag $0x0;
	lr =	simm.s32 $0x1  }
0x2: {  	[smem:$0x3F9F] =	sst lr;
	_ =	strace $0xD0000000  }
0x3: {  	_ = 	snop  }
0x4: {  	_ = 	snop  }
0x5: {  	_ = 	snop  }
0x6: {  	_ = 	snop  }
0x7: {  	_ = 	snop  }
__scs_overlays_trampoline_lowered:
0x8: {  	[smem:$0x3FAE] =	sst s0  }
0x9: {  	[smem:$0x3FAF] =	sst s1  }
0xa: {  	[smem:$0x3FB0] =	sst s2  }
0xb: {  	[smem:$0x3FB1] =	sst s3  }
0xc: {  	[smem:$0x3FB2] =	sst s4  }
0xd: {  	[smem:$0x3FB3] =	sst s5  }
0xe: {  	[smem:$0x3FB4] =	sst s6  }
0xf: {  	[smem:$0x3FB5] =	sst s7  }
0x10: {  	[smem:$0x3FB6] =	sst s8  }
0x11: {  	[smem:$0x3FB7] =	sst s9;
	s0 =	simm.s32 @!p0 $0x0  }
0x12: {  	s1 =	sld [smem:$0x3F9D];
	s0 =	simm.s32 @p0 $0x1  }
0x13: {  	[smem:$0x3FB8] =	sst s0;
	s0 =	simm.s32 @!p1 $0x0  }
0x14: {  	s2 =	sld [smem:$0x3F9C];
	s0 =	simm.s32 @p1 $0x1  }
0x15: {  	[smem:$0x3FB9] =	sst s0;
	s0 =	simm.s32 @!p2 $0x0  }
0x16: {  	s3 =	sld [smem:$0x3FDB];
	s0 =	simm.s32 @p2 $0x1  }
0x17: {  	s4 =	simm.s32 $0x1BF5;
	[smem:$0x3FBB] =	sst s0  }
0x18: {  	s0 =	sld [smem:$0x3F9E];
	_ =	swait.ge [sflag:s4], $0x0  }
0x19: {  	s7 =	sld [smem:$0x3F9F]  }
0x1a: {  	s8 =	sadd.s32 $0xFFFFE003, lr  }
0x1b: {  	s9 =	sadd.s32 $0xFFFFFEF7, lr;
	s5 =	simm.s32 $0xFFFFFFFF;
	p2 =	slt.u32 s8, $0xFFFFF086  }
0x1c: {  	p1 =	slt.u32 s9, $0xF7A;
	s5 =	simm.s32 @!p2 $0x0  }
0x1d: {  	s5 =	simm.s32 @p1 $0x1;
	p0 =	seq.s32 s7, s2  }
0x1e: {  	s7 =	smul.u32 @!p0 $0xF7A, s2;
	p2 =	seq.s32 @!p0 s5, $0x0  }
0x1f: {  	s9 =	smul.u32 $0xF7A, s1;
	s8 =	simm.s32 @!p0 $0x1BF5;
	p2 =	por !p2, p0  }
0x20: {  	[sflag:s8] =	ssyncset.s32 @!p0 $0xFFFFF086;
	s6 =	sadd.s32 @!p0 s3, s7;
	s7 =	simm.s32 @!p0 $0x108  }
0x21: {  	s3 =	sadd.s32 s3, s9;
	s6 =	sadd.s32 @!p0 $0x88, s6;
	s7 =	simm.s32 @p2 $0x1082  }
0x22: {  	[simem:s7], [sflag:s8] =	dma.local @!p0 [hbm:s6], $0xF7A  }
0x23: {  	s9 =	sor.u32 $0xD0000000, s2;
	s6 =	simm.s32 $0x108;
	_ =	swait.ge @!p0 [sflag:s8], $0x0  }
0x24: {  	s3 =	sadd.s32 $0x88, s3;
	s6 =	simm.s32 @!p1 $0x1082;
	[sflag:s4] =	ssyncset.s32 $0xFFFFF086  }
0x25: {  	[simem:s6], [sflag:s4] =	dma.local [hbm:s3], $0xF7A  }
0x26: {  	[smem:$0x3F9F] =	sst s1;
	(tag) =	ssettag s2;
	_ =	strace s9  }
0x27: {  	s1 =	sld [smem:$0x3FAF]  }
0x28: {  	s2 =	sld [smem:$0x3FB0]  }
0x29: {  	s4 =	sld [smem:$0x3FB2]  }
0x2a: {  	p0 =	seq.s32 s5, $0x0;
	s5 =	sld [smem:$0x3FB3]  }
0x2b: {  	s6 =	sld [smem:$0x3FB4]  }
0x2c: {  	s7 =	sld [smem:$0x3FB5]  }
0x2d: {  	s3 =	simm.s32 $0x108;
	s8 =	sld [smem:$0x3FB6]  }
0x2e: {  	s3 =	simm.s32 @!p0 $0x1082;
	s9 =	sld [smem:$0x3FB7]  }
0x2f: {  	lr =	sadd.s32 s0, s3;
	s0 =	sld [smem:$0x3FAE]  }
0x30: {  	s3 =	sld [smem:$0x3FB1]  }
0x31: {  	[smem:$0x3FBA] =	sst s10  }
0x32: {  	s10 =	sld [smem:$0x3FB8];
	_ =	sdelay $0x3  }
0x33: {  	p0 =	seq.s32 s10, $0x1;
	s10 =	sld [smem:$0x3FBA];
	_ =	sdelay $0x3  }
0x34: {  	[smem:$0x3FBA] =	sst s10  }
0x35: {  	s10 =	sld [smem:$0x3FB9];
	_ =	sdelay $0x3  }
0x36: {  	p1 =	seq.s32 s10, $0x1;
	s10 =	sld [smem:$0x3FBA];
	_ =	sdelay $0x3  }
0x37: {  	[smem:$0x3FBA] =	sst s10  }
0x38: {  	s10 =	sld [smem:$0x3FBB]  }
0x39: {  	_ = 	snop;
	(pc) =	sbr.ind lr, $3  }
0x3a: {  	_ = 	snop  }
0x3b: {  	_ = 	snop  }
0x3c: {  	p2 =	seq.s32 s10, $0x1;
	s10 =	sld [smem:$0x3FBA]  }
0x3d: {  	_ =	shalt  }
0x3e: {  	_ =	shalt  }
0x3f: {  	_ =	shalt  }
0x40: {  	_ =	shalt  }
0x41: {  	_ =	shalt  }
0x42: {  	_ =	shalt  }
0x43: {  	_ =	shalt  }
0x44: {  	_ =	shalt  }
0x45: {  	_ =	shalt  }
0x46: {  	_ =	shalt  }
0x47: {  	_ =	shalt  }
0x48: {  	_ =	shalt  }
0x49: {  	_ =	shalt  }
0x4a: {  	_ =	shalt  }
0x4b: {  	_ =	shalt  }
0x4c: {  	_ =	shalt  }
0x4d: {  	_ =	shalt  }
0x4e: {  	_ =	shalt  }
0x4f: {  	_ =	shalt  }
0x50: {  	_ =	shalt  }
0x51: {  	_ =	shalt  }
0x52: {  	_ =	shalt  }
0x53: {  	_ =	shalt  }
0x54: {  	_ =	shalt  }
0x55: {  	_ =	shalt  }
0x56: {  	_ =	shalt  }
0x57: {  	_ =	shalt  }
0x58: {  	_ =	shalt  }
0x59: {  	_ =	shalt  }
0x5a: {  	_ =	shalt  }
0x5b: {  	_ =	shalt  }
0x5c: {  	_ =	shalt  }
0x5d: {  	_ =	shalt  }
0x5e: {  	_ =	shalt  }
0x5f: {  	_ =	shalt  }
0x60: {  	_ =	shalt  }
0x61: {  	_ =	shalt  }
0x62: {  	_ =	shalt  }
0x63: {  	_ =	shalt  }
0x64: {  	_ =	shalt  }
0x65: {  	_ =	shalt  }
0x66: {  	_ =	shalt  }
0x67: {  	_ =	shalt  }
0x68: {  	_ =	shalt  }
0x69: {  	_ =	shalt  }
0x6a: {  	_ =	shalt  }
0x6b: {  	_ =	shalt  }
0x6c: {  	_ =	shalt  }
0x6d: {  	_ =	shalt  }
0x6e: {  	_ =	shalt  }
0x6f: {  	_ =	shalt  }
0x70: {  	_ =	shalt  }
0x71: {  	_ =	shalt  }
0x72: {  	_ =	shalt  }
0x73: {  	_ =	shalt  }
0x74: {  	_ =	shalt  }
0x75: {  	_ =	shalt  }
0x76: {  	_ =	shalt  }
0x77: {  	_ =	shalt  }
0x78: {  	_ =	shalt  }
0x79: {  	_ =	shalt  }
0x7a: {  	_ =	shalt  }
0x7b: {  	_ =	shalt  }
0x7c: {  	_ =	shalt  }
0x7d: {  	_ =	shalt  }
0x7e: {  	_ =	shalt  }
0x7f: {  	_ =	shalt  }
0x80: {  	_ =	shalt  }
0x81: {  	_ =	shalt  }
0x82: {  	_ =	shalt  }
0x83: {  	_ =	shalt  }
0x84: {  	_ =	shalt  }
0x85: {  	_ =	shalt  }
0x86: {  	_ =	shalt  }
0x87: {  	_ =	shalt  }
.Lfunc_end0:
.L_simem_size_0:
called_computation_lowered:
.L_overlay_start_0:
0x88: {  	s2 =	sld [smem:$0x3FD9]  }
0x89: {  	s3 =	sld [smem:$0x3FFE];
	_ =	sdelay $0x1  }
0x8a: {  	s1 =	srdreg.scid  }
0x8b: {  	s0 =	sand.u32 $0x1, s1  }
0x8c: {  	s17 =	sshll.u32 s0, $0xA;
	s2 =	sadd.s32 s3, s2  }
0x8d: {  	s2 =	sadd.s32 s2, s17  }
0x8e: {  	[smem:$0x3FC6] =	sst s2  }
0x8f: {  	_ = 	snop  }
0x90: {  	s2 =	sld [smem:$0x3FD0];
	(tm) =	ssettm $0x1  }
0x91: {  	s18 =	sld [smem:$0x3FFB];
	_ =	sdelay $0x3  }
0x92: {  	_ =	strace s18  }
0x93: {  	s3 =	sld [smem:$0x3FFC];
	_ =	sdelay $0x3  }
0x94: {  	_ =	strace s3  }
0x95: {  	s3 =	sld [smem:$0x3FFD];
	_ =	sdelay $0x3  }
0x96: {  	_ =	strace s3  }
0x97: {  	_ =	strace $0x8FFFFFFF  }
0x98: {  	s19 =	sld [smem:$0x3FDB];
	_ =	sdelay $0x1  }
0x99: {  	s4 =	simm.s32 $_scs_section_size  }
0x9a: {  	s5 =	simm.s32 $_size__tile_overlayer_lowered;
	s6 =	simm.s32 $_tile_overlayer_lowered  }
0x9b: {  	s22 =	simm.s32 $0x1BFF;
	s21 =	sshll.u32 s6, $0x1;
	s3 =	sadd.s32 s4, s19  }
0x9c: {  	s7 =	simm.s32 $0x0;
	s20 =	sshll.u32 s5, $0x1;
	s5 =	sadd.s32 s21, s3  }
0x9d: {  	[timem:s7], [sflag:s22] =	dma.local [hbm:s5], s20  }
0x9e: {  	_ =	swait.ge [sflag:s22], s20  }
0x9f: {  	s4 =	ssub.s32 $0x0, s20;
	[sflag:s22] =	ssyncset.done $0x0  }
0xa0: {  	[sflag:s22] =	ssyncadd.s32 s4;
	_ =	sdelay $0x1  }
0xa1: {  	s23 =	simm.s32 $0x1B8B  }
0xa2: {  	_ =	swait.ge [sflag:s23], $0x1  }
0xa3: {  	[sflag:s23] =	ssyncset.done $0x0  }
0xa4: {  	s25 =	simm.s32 $0x1B8E;
	s24 =	sld [smem:$0x3FFE];
	[sflag:s23] =	ssyncadd.s32 $0xFFFFFFFF  }
0xa5: {  	s26 =	simm.s32 $execute0_lowered;
	[smem:$0x3FD2] =	sst s25  }
0xa6: {  	s5 =	sshll.u32 s26, $0x1;
	_ =	strace $0x80000046;
	[dreg:$0x1] =	wrdreg $0xFFFFFFFF  }
0xa7: {  	s28 =	simm.s32 $_size_execute0_lowered;
	s3 =	sadd.s32 s3, s5;
	[dreg:$0x0] =	wrdreg $0x0  }
0xa8: {  	s5 =	sshll.u32 s28, $0x1;
	[dreg:$0x2] =	wrdreg s3  }
0xa9: {  	[dreg:$0x3] =	wrdreg s5  }
0xaa: {  	[dreg:$0x4] =	wrdreg $0xC0  }
0xab: {  	_ =	task [dreg:s7], $0x5FFFF  }
0xac: {  	[dreg:$0x1] =	wrdreg $0xFFFFFFFF  }
0xad: {  	[dreg:$0x0] =	wrdreg $0x60  }
0xae: {  	[dreg:$0x2] =	wrdreg s24  }
0xaf: {  	[dreg:$0x3] =	wrdreg s2  }
0xb0: {  	[dreg:$0x4] =	wrdreg $0x9  }
0xb1: {  	_ =	task.clear_ibuf [dreg:s7], $0x5FFFF;
	_ =	strace $0x90000046  }
0xb2: {  	s29 =	simm.s32 $0x9;
	_ =	strace $0x80000048  }
0xb3: {  	_ =	swait.ge [sflag:s29], $0x1  }
0xb4: {  	[sflag:s29] =	ssyncadd.s32 $0xFFFFFFFF  }
0xb5: {  	_ =	strace $0x90000048  }
0xb6: {  	_ =	sfence  }
0xb7: {  	s30 =	sld [smem:$0x0];
	_ =	sdelay $0x2  }
0xb8: {  	s31 =	sshll.u32 s1, $0xD;
	s1 =	sshrl.u32 s1, $0x2  }
0xb9: {  	s3 =	sand.u32 $0x4000, s31;
	s1 =	sadd.s32 s1, s30  }
0xba: {  	s0 =	sor.u32 s3, s0;
	s1 =	sshll.u32 s1, $0x11  }
0xbb: {  	s0 =	sor.u32 s1, s0  }
0xbc: {  	s0 =	sadd.s32 $0x8F2B, s0  }
0xbd: {  	[sflag:s0] =	ssyncadd.remote.s32 $0x1  }
0xbe: {  	_ =	sfence.sel $0xFFFF  }
0xbf: {  	[dreg:$0x0] =	wrdreg $0xFFFFFFFF;
	(pc) =	sbr.abs _section_cstart, $3  }
0xc0: {  	[dreg:$0x1] =	wrdreg $0xFFFFFFFF  }
0xc1: {  	_ =	task.clear_ibuf [dreg:s7], $0x2FFFF;
	_ =	strace $0x9FFFFFFF  }
0xc2: {  	(tm) =	ssettm $0x7FFFFFFF  }
0xc3: {  	_ =	shalt  }
tec
execute0_lowered:
.L_overlay_start_1:
0x0: {  	(tag) =	ssettag $0x1  }
0x1: {  	s0 =	rddreg [dreg:$0x0]  }
0x2: {  	s6 =	rddreg [dreg:$0x1]  }
0x3: {  	s1 =	srdreg.scid;
	s2 =	stileid.u32;
	s3 =	simm.s32 $0x0  }
0x4: {  	s15 =	simm.s32 $0x80;
	s16 =	simm.s32 $0x16400;
	s28 =	simm.s32 $0x4  }
0x5: {  	s29 =	simm.s32 $0xC;
	s30 =	simm.s32 $0x1CA00;
	s31 =	simm.s32 $0x5  }
0x6: {  	s14 =	simm.s32 $0x6;
	s17 =	simm.s32 $0x7;
	s18 =	simm.s32 $0x8  }
0x7: {  	s1 =	sand.u32 $0x1, s1;
	[smem:$0x7FF] =	sst s3;
	s22 =	sadd.s32 $0x8000, s6  }
0x8: {  	s23 =	sadd.s32 $0x10000, s6;
	_ =	strace $0x80000047;
	[dreg:$0x5] =	wrdreg s22  }
0x9: {  	s2 =	sshll.u32 s2, $0x1;
	s24 =	sadd.s32 $0x18000, s6;
	[dreg:$0x6] =	wrdreg s23  }
0xa: {  	s25 =	sadd.s32 $0x20000, s6;
	s26 =	sadd.s32 $0x28000, s6;
	[dreg:$0x7] =	wrdreg s24  }
0xb: {  	s12 =	sadd.s32 $0x30000, s6;
	s13 =	sadd.s32 $0x38000, s6;
	[dreg:$0x8] =	wrdreg s25  }
0xc: {  	s2 =	sor.u32 s1, s2;
	s1 =	ssub.s32 $0x2, s1;
	[dreg:$0x9] =	wrdreg s26  }
0xd: {  	s22 =	simm.s32 $0xA;
	s23 =	simm.s32 $0x18600;
	s24 =	simm.s32 $0x3  }
0xe: {  	s25 =	simm.s32 $0xB;
	s26 =	simm.s32 $0x1A800;
	s4 =	sshll.u32 s2, $0x4  }
.Ltmp0:
0xf: {  	s19 =	sshrl.u32 s1, $0x1;
	s21 =	sshll.u32 s2, $0x7;
	(pc) =	sbr.rel .LBB2_1-.Ltmp0, $4  }
0x10: {  	v0 =	vlaneseq.u32;
	s2 =	simm.s32 $0x0;
	s5 =	sadd.s32 s4, s0;
	s4 =	sadd.s32 $0xF42A00, s0  }
0x11: {  	v0 =	vmul.u32 $0x88, v0;
	s0 =	ssub.s32 s1, s19;
	[dreg:$0x4] =	wrdreg s21;
	s20 =	sadd.s32 $0x600, s5  }
0x12: {  	s1 =	simm.s32 $0x1;
	s0 =	smax.u32 s0, $0x1;
	[dreg:$0x3] =	wrdreg s20  }
0x13: {  	v1 =	vadd.s32 $0x880, v0;
	v2 =	vadd.s32 $0x1100, v0;
	v3 =	vadd.s32 $0x1980, v0;
	s5 =	simm.s32 $0x9;
	[dreg:$0xa] =	wrdreg s0;
	s20 =	simm.s32 $0x2  }
.LBB2_48:
0x14: {  	_ =	swait.ge [sflag:s5], $0x2000  }
0x15: {  	[sflag:s5] =	ssyncset.done $0x0  }
0x16: {  	[sflag:s5] =	ssyncadd.s32 $0xFFFFE000  }
0x17: {  	_ =	swait.ge [sflag:s22], $0x2000  }
0x18: {  	[sflag:s22] =	ssyncset.done $0x0  }
0x19: {  	[sflag:s22] =	ssyncadd.s32 $0xFFFFE000  }
0x1a: {  	_ =	swait.ge [sflag:s25], $0x2000  }
0x1b: {  	[sflag:s25] =	ssyncset.done $0x0  }
0x1c: {  	[sflag:s25] =	ssyncadd.s32 $0xFFFFE000  }
0x1d: {  	_ =	swait.ge [sflag:s29], $0x2000  }
0x1e: {  	s2 =	rddreg [dreg:$0xb]  }
0x1f: {  	s0 =	rddreg [dreg:$0xa];
	s2 =	sadd.s32 $0x1, s2  }
0x20: {  	p0 =	sne.s32 s2, s0  }
.Ltmp1:
0x21: {  	_ = 	snop;
	(pc) =	sbr.rel @!p0 .LBB2_49-.Ltmp1, $3  }
0x22: {  	_ =	sdelay $0x1  }
0x23: {  	[sflag:s29] =	ssyncset.done $0x0  }
0x24: {  	[sflag:s29] =	ssyncadd.s32 $0xFFFFE000  }
.LBB2_1:
0x25: {  	[dreg:$0xb] =	wrdreg s2  }
0x26: {  	s0 =	rddreg [dreg:$0x3];
	s6 =	simm.s32 $0x1000;
	s7 =	simm.s32 $0xD  }
0x27: {  	[tilespmem:s3], [sflag:$0xD] =	stream.strided.gather [hbm4b:s0+s15], $0x6400, s6, s15, $0x38;
	[tilespmem:$0x1EC00] =	vst v63  }
0x28: {  	_ =	swait.ge [sflag:s7], $0x6400  }
0x29: {  	[sflag:s7] =	ssyncset.done $0x0  }
0x2a: {  	s8 =	simm.s32 $0x6400;
	[sflag:s7] =	ssyncadd.s32 $0xFFFF9C00  }
0x2b: {  	[tilespmem:s8], [sflag:$0x1] =	stream.indirect.gather [hbm4b:s4+s15], $0x40, s3, s15, $0xb8;
	[tilespmem:$0x1EC00] =	vst v63  }
0x2c: {  	s9 =	simm.s32 $0x8400  }
0x2d: {  	[tilespmem:s9], [sflag:$0x2] =	stream.indirect.gather [hbm4b:s4+s15], $0x40, s15, s15, $0xb8;
	[tilespmem:$0x1EC00] =	vst v63  }
0x2e: {  	s10 =	simm.s32 $0x100;
	s11 =	simm.s32 $0xA400  }
0x2f: {  	[tilespmem:s11], [sflag:$0x3] =	stream.indirect.gather [hbm4b:s4+s15], $0x40, s10, s15, $0xb8;
	[tilespmem:$0x1EC00] =	vst v63  }
0x30: {  	s19 =	simm.s32 $0x180;
	s21 =	simm.s32 $0xC400  }
0x31: {  	[tilespmem:s21], [sflag:$0x4] =	stream.indirect.gather [hbm4b:s4+s15], $0x40, s19, s15, $0xb8;
	[tilespmem:$0x1EC00] =	vst v63  }
0x32: {  	s6 =	simm.s32 $0x200;
	s7 =	simm.s32 $0xE400  }
0x33: {  	[tilespmem:s7], [sflag:$0x5] =	stream.indirect.gather [hbm4b:s4+s15], $0x40, s6, s15, $0xb8;
	[tilespmem:$0x1EC00] =	vst v63  }
0x34: {  	s8 =	simm.s32 $0x280;
	s9 =	simm.s32 $0x10400  }
0x35: {  	[tilespmem:s9], [sflag:$0x6] =	stream.indirect.gather [hbm4b:s4+s15], $0x40, s8, s15, $0xb8;
	[tilespmem:$0x1EC00] =	vst v63  }
0x36: {  	s10 =	simm.s32 $0x300;
	s11 =	simm.s32 $0x12400  }
0x37: {  	[tilespmem:s11], [sflag:$0x7] =	stream.indirect.gather [hbm4b:s4+s15], $0x40, s10, s15, $0xb8;
	[tilespmem:$0x1EC00] =	vst v63  }
0x38: {  	s19 =	simm.s32 $0x380;
	s21 =	simm.s32 $0x14400  }
0x39: {  	[tilespmem:s21], [sflag:$0x8] =	stream.indirect.gather [hbm4b:s4+s15], $0x40, s19, s15, $0xb8;
	[tilespmem:$0x1EC00] =	vst v63  }
0x3a: {  	s19 =	simm.s32 $0x0  }
.LBB2_2:
0x3b: {  	_ =	swait.ge [sflag:s1], $0x2000  }
0x3c: {  	p0 =	seq.s32 s19, $0x0;
	[sflag:s1] =	ssyncset.done $0x0  }
0x3d: {  	s0 =	simm.s32 @!p0 $0x9;
	[sflag:s1] =	ssyncadd.s32 $0xFFFFE000  }
0x3e: {  	s2 =	simm.s32 $0x0;
	_ =	swait.ge @!p0 [sflag:s0], $0x2000  }
0x3f: {  	v4 =	vmov s2;
	[sflag:s0] =	ssyncset.done @!p0 $0x0  }
0x40: {  	v4 =	vand.u32 $0x7C, v4;
	[sflag:s0] =	ssyncadd.s32 @!p0 $0xFFFFE000;
	s0 =	simm.s32 $0x6480  }
0x41: {  	v6 =	vadd.s32 v0, v4;
	v5 =	vld [tilespmem:s0+$0xFFFFFF80]  }
0x42: {  	v8 =	vadd.s32 v1, v4;
	v7 =	vld [tilespmem:s0+$0xFFFFFF90]  }
0x43: {  	v10 =	vadd.s32 v2, v4;
	v9 =	vld [tilespmem:s0+$0xFFFFFFA0]  }
0x44: {  	v4 =	vadd.s32 v3, v4;
	v11 =	vld [tilespmem:s0+$0xFFFFFFB0];
	_ =	sdelay $0x1  }
0x45: {  	[tilespmem:v6+s16+$0x0] =	vst.idx.msk $0xffff, v5  }
0x46: {  	s10 =	simm.s32 $0x1;
	[tilespmem:v8+s16+$0x0] =	vst.idx.msk $0xffff, v7  }
0x47: {  	v5 =	vmov s10;
	[tilespmem:v10+s16+$0x0] =	vst.idx.msk $0xffff, v9  }
0x48: {  	[tilespmem:v4+s16+$0x0] =	vst.idx.msk $0xffff, v11;
	v4 =	vand.u32 $0x7D, v5  }
0x49: {  	v5 =	vld [tilespmem:s0+$0xFFFFFFC0];
	v6 =	vadd.s32 v0, v4  }
0x4a: {  	v7 =	vld [tilespmem:s0+$0xFFFFFFD0];
	v8 =	vadd.s32 v1, v4  }
0x4b: {  	v9 =	vld [tilespmem:s0+$0xFFFFFFE0];
	v60 =	vadd.s32 v2, v4  }
0x4c: {  	v11 =	vld [tilespmem:s0+$0xFFFFFFF0];
	v4 =	vadd.s32 v3, v4;
	_ =	sdelay $0x1  }
0x4d: {  	[tilespmem:v6+s16+$0x0] =	vst.idx.msk $0xffff, v5  }
0x4e: {  	s11 =	simm.s32 $0x2;
	[tilespmem:v8+s16+$0x0] =	vst.idx.msk $0xffff, v7  }
0x4f: {  	v5 =	vmov s11;
	[tilespmem:v60+s16+$0x0] =	vst.idx.msk $0xffff, v9  }
0x50: {  	[tilespmem:v4+s16+$0x0] =	vst.idx.msk $0xffff, v11;
	v4 =	vand.u32 $0x7E, v5  }
0x51: {  	v5 =	vld [tilespmem:s0+$0x0];
	v6 =	vadd.s32 v0, v4  }
0x52: {  	v7 =	vld [tilespmem:s0+$0x10];
	v8 =	vadd.s32 v1, v4  }
0x53: {  	v9 =	vld [tilespmem:s0+$0x20];
	v61 =	vadd.s32 v2, v4  }
0x54: {  	v11 =	vld [tilespmem:s0+$0x30];
	v4 =	vadd.s32 v3, v4;
	_ =	sdelay $0x1  }
0x55: {  	[tilespmem:v6+s16+$0x0] =	vst.idx.msk $0xffff, v5  }
0x56: {  	s21 =	simm.s32 $0x3;
	[tilespmem:v8+s16+$0x0] =	vst.idx.msk $0xffff, v7  }
0x57: {  	v5 =	vmov s21;
	[tilespmem:v61+s16+$0x0] =	vst.idx.msk $0xffff, v9  }
0x58: {  	v5 =	vand.u32 $0x7F, v5;
	[tilespmem:v4+s16+$0x0] =	vst.idx.msk $0xffff, v11  }
0x59: {  	v7 =	vadd.s32 v0, v5;
	v6 =	vld [tilespmem:s0+$0x40]  }
0x5a: {  	v62 =	vadd.s32 v1, v5;
	v8 =	vld [tilespmem:s0+$0x50]  }
0x5b: {  	v63 =	vadd.s32 v2, v5;
	v10 =	vld [tilespmem:s0+$0x60];
	_ =	sdelay $0x1  }
0x5c: {  	v5 =	vadd.s32 v3, v5;
	v4 =	vld [tilespmem:s0+$0x70]  }
0x5d: {  	[tilespmem:v7+s16+$0x0] =	vst.idx.msk $0xffff, v6  }
0x5e: {  	s2 =	simm.s32 $0x4;
	[tilespmem:v62+s16+$0x0] =	vst.idx.msk $0xffff, v8  }
0x5f: {  	s6 =	simm.s32 $0x8;
	s21 =	sshll.u32 s19, $0xC;
	v6 =	vmov s2;
	[tilespmem:v63+s16+$0x0] =	vst.idx.msk $0xffff, v10  }
.LBB2_3:
0x60: {  	p1 =	sne.s32 s6, $0x7C  }
0x61: {  	v6 =	vand.u32 $0x7C, v6;
	[tilespmem:v5+s16+$0x0] =	vst.idx.msk $0xffff, v4;
	s0 =	sadd.s32 $0x100, s0;
	s7 =	smov.u32 s6;
	s6 =	sadd.s32 $0x4, s6  }
0x62: {  	v4 =	vld [tilespmem:s0+$0xFFFFFF80];
	v5 =	vadd.s32 v0, v6  }
0x63: {  	v8 =	vadd.s32 v1, v6;
	v7 =	vld [tilespmem:s0+$0xFFFFFF90]  }
0x64: {  	v10 =	vadd.s32 v2, v6;
	v9 =	vld [tilespmem:s0+$0xFFFFFFA0]  }
0x65: {  	v6 =	vadd.s32 v3, v6;
	v11 =	vld [tilespmem:s0+$0xFFFFFFB0];
	_ =	sdelay $0x1  }
0x66: {  	[tilespmem:v5+s16+$0x0] =	vst.idx.msk $0xffff, v4  }
0x67: {  	s8 =	sadd.s32 $0x1, s2;
	[tilespmem:v8+s16+$0x0] =	vst.idx.msk $0xffff, v7  }
0x68: {  	v4 =	vmov s8;
	[tilespmem:v10+s16+$0x0] =	vst.idx.msk $0xffff, v9  }
0x69: {  	v4 =	vand.u32 $0x7D, v4;
	[tilespmem:v6+s16+$0x0] =	vst.idx.msk $0xffff, v11  }
0x6a: {  	v6 =	vadd.s32 v0, v4;
	v5 =	vld [tilespmem:s0+$0xFFFFFFC0]  }
0x6b: {  	v8 =	vadd.s32 v1, v4;
	v7 =	vld [tilespmem:s0+$0xFFFFFFD0]  }
0x6c: {  	v10 =	vadd.s32 v2, v4;
	v9 =	vld [tilespmem:s0+$0xFFFFFFE0]  }
0x6d: {  	v4 =	vadd.s32 v3, v4;
	v11 =	vld [tilespmem:s0+$0xFFFFFFF0];
	_ =	sdelay $0x1  }
0x6e: {  	[tilespmem:v6+s16+$0x0] =	vst.idx.msk $0xffff, v5  }
0x6f: {  	s8 =	sadd.s32 $0x2, s2;
	[tilespmem:v8+s16+$0x0] =	vst.idx.msk $0xffff, v7  }
0x70: {  	v5 =	vmov s8;
	[tilespmem:v10+s16+$0x0] =	vst.idx.msk $0xffff, v9  }
0x71: {  	[tilespmem:v4+s16+$0x0] =	vst.idx.msk $0xffff, v11;
	v4 =	vand.u32 $0x7E, v5  }
0x72: {  	v5 =	vld [tilespmem:s0+$0x0];
	v6 =	vadd.s32 v0, v4  }
0x73: {  	v8 =	vadd.s32 v1, v4;
	v7 =	vld [tilespmem:s0+$0x10]  }
0x74: {  	v10 =	vadd.s32 v2, v4;
	v9 =	vld [tilespmem:s0+$0x20]  }
0x75: {  	v4 =	vadd.s32 v3, v4;
	v11 =	vld [tilespmem:s0+$0x30];
	_ =	sdelay $0x1  }
0x76: {  	[tilespmem:v6+s16+$0x0] =	vst.idx.msk $0xffff, v5  }
0x77: {  	s8 =	sadd.s32 $0x3, s2;
	s2 =	smov.u32 s7;
	[tilespmem:v8+s16+$0x0] =	vst.idx.msk $0xffff, v7  }
0x78: {  	v5 =	vmov s8;
	[tilespmem:v10+s16+$0x0] =	vst.idx.msk $0xffff, v9  }
0x79: {  	v5 =	vand.u32 $0x7F, v5;
	[tilespmem:v4+s16+$0x0] =	vst.idx.msk $0xffff, v11  }
0x7a: {  	v7 =	vadd.s32 v0, v5;
	v6 =	vld [tilespmem:s0+$0x40]  }
0x7b: {  	v9 =	vadd.s32 v1, v5;
	v8 =	vld [tilespmem:s0+$0x50]  }
0x7c: {  	v11 =	vadd.s32 v2, v5;
	v10 =	vld [tilespmem:s0+$0x60]  }
.Ltmp2:
0x7d: {  	v5 =	vadd.s32 v3, v5;
	v4 =	vld [tilespmem:s0+$0x70];
	(pc) =	sbr.rel @p1 .LBB2_3-.Ltmp2, $4  }
0x7e: {  	_ = 	snop  }
0x7f: {  	[tilespmem:v7+s16+$0x0] =	vst.idx.msk $0xffff, v6  }
0x80: {  	[tilespmem:v9+s16+$0x0] =	vst.idx.msk $0xffff, v8  }
0x81: {  	v6 =	vmov s2;
	[tilespmem:v11+s16+$0x0] =	vst.idx.msk $0xffff, v10  }
0x82: {  	_ =	sdelay $0x3  }
0x83: {  	v6 =	vand.u32 $0x7C, v6;
	[tilespmem:v5+s16+$0x0] =	vst.idx.msk $0xffff, v4;
	s0 =	sadd.s32 $0x100, s0  }
0x84: {  	v4 =	vld [tilespmem:s0+$0xFFFFFF80];
	v5 =	vadd.s32 v0, v6  }
0x85: {  	v7 =	vld [tilespmem:s0+$0xFFFFFF90];
	v8 =	vadd.s32 v1, v6  }
0x86: {  	v9 =	vld [tilespmem:s0+$0xFFFFFFA0];
	v10 =	vadd.s32 v2, v6  }
0x87: {  	v11 =	vld [tilespmem:s0+$0xFFFFFFB0];
	v6 =	vadd.s32 v3, v6;
	_ =	sdelay $0x1  }
0x88: {  	[tilespmem:v5+s16+$0x0] =	vst.idx.msk $0xffff, v4  }
0x89: {  	s6 =	sadd.s32 $0x1, s2;
	[tilespmem:v8+s16+$0x0] =	vst.idx.msk $0xffff, v7  }
0x8a: {  	v4 =	vmov s6;
	[tilespmem:v10+s16+$0x0] =	vst.idx.msk $0xffff, v9  }
0x8b: {  	v4 =	vand.u32 $0x7D, v4;
	[tilespmem:v6+s16+$0x0] =	vst.idx.msk $0xffff, v11  }
0x8c: {  	v55 =	vadd.s32 v0, v4;
	v5 =	vld [tilespmem:s0+$0xFFFFFFC0]  }
0x8d: {  	v56 =	vadd.s32 v1, v4;
	v7 =	vld [tilespmem:s0+$0xFFFFFFD0]  }
0x8e: {  	v57 =	vadd.s32 v2, v4;
	v9 =	vld [tilespmem:s0+$0xFFFFFFE0]  }
0x8f: {  	v4 =	vadd.s32 v3, v4;
	v11 =	vld [tilespmem:s0+$0xFFFFFFF0];
	_ =	sdelay $0x1  }
0x90: {  	[tilespmem:v55+s16+$0x0] =	vst.idx.msk $0xffff, v5  }
0x91: {  	s10 =	sadd.s32 $0x2, s2;
	[tilespmem:v56+s16+$0x0] =	vst.idx.msk $0xffff, v7  }
0x92: {  	v5 =	vmov s10;
	[tilespmem:v57+s16+$0x0] =	vst.idx.msk $0xffff, v9  }
0x93: {  	[tilespmem:v4+s16+$0x0] =	vst.idx.msk $0xffff, v11;
	v4 =	vand.u32 $0x7E, v5  }
0x94: {  	v5 =	vld [tilespmem:s0+$0x0];
	v58 =	vadd.s32 v0, v4  }
0x95: {  	v7 =	vld [tilespmem:s0+$0x10];
	v59 =	vadd.s32 v1, v4  }
0x96: {  	v9 =	vld [tilespmem:s0+$0x20];
	v60 =	vadd.s32 v2, v4  }
0x97: {  	v11 =	vld [tilespmem:s0+$0x30];
	v4 =	vadd.s32 v3, v4;
	_ =	sdelay $0x1  }
0x98: {  	[tilespmem:v58+s16+$0x0] =	vst.idx.msk $0xffff, v5  }
0x99: {  	s11 =	sadd.s32 $0x3, s2;
	[tilespmem:v59+s16+$0x0] =	vst.idx.msk $0xffff, v7  }
0x9a: {  	v5 =	vmov s11;
	[tilespmem:v60+s16+$0x0] =	vst.idx.msk $0xffff, v9  }
0x9b: {  	[tilespmem:v4+s16+$0x0] =	vst.idx.msk $0xffff, v11;
	v4 =	vand.u32 $0x7F, v5  }
0x9c: {  	v5 =	vld [tilespmem:s0+$0x40];
	v61 =	vadd.s32 v0, v4  }
0x9d: {  	v7 =	vld [tilespmem:s0+$0x50];
	v62 =	vadd.s32 v1, v4  }
0x9e: {  	v9 =	vld [tilespmem:s0+$0x60];
	v63 =	vadd.s32 v2, v4  }
0x9f: {  	v11 =	vld [tilespmem:s0+$0x70];
	v4 =	vadd.s32 v3, v4;
	_ =	sdelay $0x1  }
0xa0: {  	[tilespmem:v61+s16+$0x0] =	vst.idx.msk $0xffff, v5  }
0xa1: {  	s2 =	sshll.u32 s19, $0x12;
	s6 =	rddreg [dreg:$0x4];
	[tilespmem:v62+s16+$0x0] =	vst.idx.msk $0xffff, v7  }
0xa2: {  	s7 =	rddreg [dreg:$0x1];
	s2 =	sor.u32 s6, s2;
	[tilespmem:v63+s16+$0x0] =	vst.idx.msk $0xffff, v9  }
0xa3: {  	s8 =	simm.s32 $0x16400;
	s6 =	sadd.s32 s7, s2;
	[tilespmem:v4+s16+$0x0] =	vst.idx.msk $0xffff, v11  }
0xa4: {  	[hbm4b:s6+s3] =	stream.linear.scatter [tilespmem:s8], [sflag:$0x9], $0x80, $0x38;
	[tilespmem:$0x1EC00] =	vst v63  }
0xa5: {  	s9 =	simm.s32 $0x16488;
	s7 =	sadd.s32 $0x10, s6  }
0xa6: {  	[hbm4b:s7+s3] =	stream.linear.scatter [tilespmem:s9], [sflag:$0x9], $0x80, $0x38;
	[tilespmem:$0x1EC00] =	vst v63  }
0xa7: {  	s10 =	simm.s32 $0x16510;
	s11 =	sadd.s32 $0x20, s6;
	s0 =	simm.s32 $0x440  }
0xa8: {  	[hbm4b:s11+s3] =	stream.linear.scatter [tilespmem:s10], [sflag:$0x9], $0x80, $0x38;
	[tilespmem:$0x1EC00] =	vst v63  }
0xa9: {  	s8 =	simm.s32 $0x16598;
	s9 =	sadd.s32 $0x30, s6;
	s7 =	simm.s32 $0x2200  }
0xaa: {  	[hbm4b:s9+s3] =	stream.linear.scatter [tilespmem:s8], [sflag:$0x9], $0x80, $0x38;
	[tilespmem:$0x1EC00] =	vst v63  }
0xab: {  	s10 =	simm.s32 $0x16620;
	s11 =	sadd.s32 $0x40, s6;
	s8 =	simm.s32 $0x166A8  }
0xac: {  	[hbm4b:s11+s3] =	stream.linear.scatter [tilespmem:s10], [sflag:$0x9], $0x80, $0x38;
	[tilespmem:$0x1EC00] =	vst v63  }
0xad: {  	s9 =	sadd.s32 $0x50, s6;
	s10 =	simm.s32 $0x16730;
	s11 =	sadd.s32 $0x60, s6  }
0xae: {  	[hbm4b:s9+s3] =	stream.linear.scatter [tilespmem:s8], [sflag:$0x9], $0x80, $0x38;
	[tilespmem:$0x1EC00] =	vst v63  }
0xaf: {  	s8 =	simm.s32 $0x167B8;
	s9 =	sadd.s32 $0x70, s6;
	s6 =	sadd.s32 $0x1000, s6  }
0xb0: {  	[hbm4b:s11+s3] =	stream.linear.scatter [tilespmem:s10], [sflag:$0x9], $0x80, $0x38;
	[tilespmem:$0x1EC00] =	vst v63  }
.LBB2_5:
0xb1: {  	[hbm4b:s9+s3] =	stream.linear.scatter [tilespmem:s8], [sflag:$0x9], $0x80, $0x38;
	[tilespmem:$0x1EC00] =	vst v63  }
0xb2: {  	s8 =	smov.u32 s0;
	s0 =	smov.u32 s7  }
0xb3: {  	s10 =	sadd.s32 $0x1100, s7;
	s0 =	sshra.s32 s0, $0x2;
	s9 =	sadd.s32 $0x16400, s8  }
0xb4: {  	[hbm4b:s6+s3] =	stream.linear.scatter [tilespmem:s9], [sflag:$0x9], $0x80, $0x38;
	[tilespmem:$0x1EC00] =	vst v63  }
0xb5: {  	p1 =	sne.s32 s7, $0x7700;
	s7 =	sadd.s32 $0x16488, s8;
	s9 =	sadd.s32 $0x10, s6  }
0xb6: {  	[hbm4b:s9+s3] =	stream.linear.scatter [tilespmem:s7], [sflag:$0x9], $0x80, $0x38;
	[tilespmem:$0x1EC00] =	vst v63  }
0xb7: {  	s7 =	sadd.s32 $0x16510, s8;
	s9 =	sadd.s32 $0x20, s6  }
0xb8: {  	[hbm4b:s9+s3] =	stream.linear.scatter [tilespmem:s7], [sflag:$0x9], $0x80, $0x38;
	[tilespmem:$0x1EC00] =	vst v63  }
0xb9: {  	s7 =	sadd.s32 $0x16598, s8;
	s9 =	sadd.s32 $0x30, s6  }
0xba: {  	[hbm4b:s9+s3] =	stream.linear.scatter [tilespmem:s7], [sflag:$0x9], $0x80, $0x38;
	[tilespmem:$0x1EC00] =	vst v63  }
0xbb: {  	s7 =	sadd.s32 $0x16620, s8;
	s9 =	sadd.s32 $0x40, s6  }
0xbc: {  	[hbm4b:s9+s3] =	stream.linear.scatter [tilespmem:s7], [sflag:$0x9], $0x80, $0x38;
	[tilespmem:$0x1EC00] =	vst v63  }
.Ltmp3:
0xbd: {  	s7 =	sadd.s32 $0x166A8, s8;
	s9 =	sadd.s32 $0x50, s6;
	(pc) =	sbr.rel @p1 .LBB2_5-.Ltmp3, $4  }
0xbe: {  	[hbm4b:s9+s3] =	stream.linear.scatter [tilespmem:s7], [sflag:$0x9], $0x80, $0x38;
	[tilespmem:$0x1EC00] =	vst v63  }
0xbf: {  	s7 =	sadd.s32 $0x16730, s8;
	s9 =	sadd.s32 $0x60, s6;
	s8 =	sadd.s32 $0x167B8, s8  }
0xc0: {  	[hbm4b:s9+s3] =	stream.linear.scatter [tilespmem:s7], [sflag:$0x9], $0x80, $0x38;
	[tilespmem:$0x1EC00] =	vst v63  }
0xc1: {  	s9 =	sadd.s32 $0x70, s6;
	s6 =	sadd.s32 $0x1000, s6;
	s7 =	smov.u32 s10  }
0xc2: {  	[hbm4b:s9+s3] =	stream.linear.scatter [tilespmem:s8], [sflag:$0x9], $0x80, $0x38;
	[tilespmem:$0x1EC00] =	vst v63  }
0xc3: {  	s7 =	sadd.s32 $0x16400, s0  }
0xc4: {  	[hbm4b:s6+s3] =	stream.linear.scatter [tilespmem:s7], [sflag:$0x9], $0x80, $0x38;
	[tilespmem:$0x1EC00] =	vst v63  }
0xc5: {  	s10 =	sadd.s32 $0x16488, s0;
	s11 =	sadd.s32 $0x10, s6  }
0xc6: {  	[hbm4b:s11+s3] =	stream.linear.scatter [tilespmem:s10], [sflag:$0x9], $0x80, $0x38;
	[tilespmem:$0x1EC00] =	vst v63  }
0xc7: {  	s8 =	sadd.s32 $0x16510, s0;
	s9 =	sadd.s32 $0x20, s6  }
0xc8: {  	[hbm4b:s9+s3] =	stream.linear.scatter [tilespmem:s8], [sflag:$0x9], $0x80, $0x38;
	[tilespmem:$0x1EC00] =	vst v63  }
0xc9: {  	s10 =	sadd.s32 $0x16598, s0;
	s11 =	sadd.s32 $0x30, s6  }
0xca: {  	[hbm4b:s11+s3] =	stream.linear.scatter [tilespmem:s10], [sflag:$0x9], $0x80, $0x38;
	[tilespmem:$0x1EC00] =	vst v63  }
0xcb: {  	s8 =	sadd.s32 $0x16620, s0;
	s9 =	sadd.s32 $0x40, s6  }
0xcc: {  	[hbm4b:s9+s3] =	stream.linear.scatter [tilespmem:s8], [sflag:$0x9], $0x80, $0x38;
	[tilespmem:$0x1EC00] =	vst v63  }
0xcd: {  	p1 =	sne.s32 s19, $0x18;
	s10 =	sadd.s32 $0x166A8, s0;
	s11 =	sadd.s32 $0x50, s6  }
0xce: {  	[hbm4b:s11+s3] =	stream.linear.scatter [tilespmem:s10], [sflag:$0x9], $0x80, $0x38;
	[tilespmem:$0x1EC00] =	vst v63  }
.Ltmp4:
0xcf: {  	_ = 	snop;
	(pc) =	sbr.rel @p1 .LBB2_8-.Ltmp4, $4  }
0xd0: {  	s8 =	sadd.s32 $0x16730, s0;
	s9 =	sadd.s32 $0x60, s6  }
0xd1: {  	[hbm4b:s9+s3] =	stream.linear.scatter [tilespmem:s8], [sflag:$0x9], $0x80, $0x38;
	[tilespmem:$0x1EC00] =	vst v63  }
0xd2: {  	s10 =	sadd.s32 $0x167B8, s0;
	s11 =	sadd.s32 $0x70, s6  }
0xd3: {  	[hbm4b:s11+s3] =	stream.linear.scatter [tilespmem:s10], [sflag:$0x9], $0x80, $0x38;
	[tilespmem:$0x1EC00] =	vst v63  }
.Ltmp5:
0xd4: {  	(pc) =	sbr.rel .LBB2_9-.Ltmp5, $4  }
0xd5: {  	_ = 	snop  }
0xd6: {  	_ =	swait.ge [sflag:s20], $0x2000  }
0xd7: {  	[sflag:s20] =	ssyncset.done $0x0  }
0xd8: {  	[sflag:s20] =	ssyncadd.s32 $0xFFFFE000  }
.LBB2_8:
0xd9: {  	s0 =	sshrl.u32 s21, $0x2  }
.Ltmp6:
0xda: {  	s6 =	simm.s32 $0x6400;
	s0 =	sadd.s32 $0x400, s0;
	(pc) =	sbr.rel @p0 .LBB2_10-.Ltmp6, $4  }
0xdb: {  	[tilespmem:s6], [sflag:$0x1] =	stream.indirect.gather [hbm4b:s4+s15], $0x40, s0, s15, $0xb8;
	[tilespmem:$0x1EC00] =	vst v63  }
0xdc: {  	_ =	swait.ge [sflag:s20], $0x2000  }
0xdd: {  	[sflag:s20] =	ssyncset.done $0x0  }
0xde: {  	[sflag:s20] =	ssyncadd.s32 $0xFFFFE000  }
.LBB2_9:
0xdf: {  	_ =	swait.ge [sflag:s22], $0x2000  }
0xe0: {  	[sflag:s22] =	ssyncset.done $0x0  }
0xe1: {  	[sflag:s22] =	ssyncadd.s32 $0xFFFFE000  }
.LBB2_10:
0xe2: {  	s0 =	simm.s32 $0x0  }
0xe3: {  	v4 =	vmov s0  }
0xe4: {  	s0 =	simm.s32 $0x8480;
	v4 =	vand.u32 $0x7C, v4  }
0xe5: {  	v5 =	vld [tilespmem:s0+$0xFFFFFF80];
	v6 =	vadd.s32 v0, v4  }
0xe6: {  	v7 =	vld [tilespmem:s0+$0xFFFFFF90];
	v8 =	vadd.s32 v1, v4  }
0xe7: {  	v9 =	vld [tilespmem:s0+$0xFFFFFFA0];
	v10 =	vadd.s32 v2, v4  }
0xe8: {  	v11 =	vld [tilespmem:s0+$0xFFFFFFB0];
	v4 =	vadd.s32 v3, v4;
	_ =	sdelay $0x1  }
0xe9: {  	[tilespmem:v6+s23+$0x0] =	vst.idx.msk $0xffff, v5  }
0xea: {  	s6 =	simm.s32 $0x1;
	[tilespmem:v8+s23+$0x0] =	vst.idx.msk $0xffff, v7  }
0xeb: {  	v5 =	vmov s6;
	[tilespmem:v10+s23+$0x0] =	vst.idx.msk $0xffff, v9  }
0xec: {  	[tilespmem:v4+s23+$0x0] =	vst.idx.msk $0xffff, v11;
	v4 =	vand.u32 $0x7D, v5  }
0xed: {  	v5 =	vld [tilespmem:s0+$0xFFFFFFC0];
	v6 =	vadd.s32 v0, v4  }
0xee: {  	v7 =	vld [tilespmem:s0+$0xFFFFFFD0];
	v8 =	vadd.s32 v1, v4  }
0xef: {  	v9 =	vld [tilespmem:s0+$0xFFFFFFE0];
	v60 =	vadd.s32 v2, v4  }
0xf0: {  	v11 =	vld [tilespmem:s0+$0xFFFFFFF0];
	v4 =	vadd.s32 v3, v4;
	_ =	sdelay $0x1  }
0xf1: {  	[tilespmem:v6+s23+$0x0] =	vst.idx.msk $0xffff, v5  }
0xf2: {  	s10 =	simm.s32 $0x2;
	[tilespmem:v8+s23+$0x0] =	vst.idx.msk $0xffff, v7  }
0xf3: {  	v5 =	vmov s10;
	[tilespmem:v60+s23+$0x0] =	vst.idx.msk $0xffff, v9  }
0xf4: {  	[tilespmem:v4+s23+$0x0] =	vst.idx.msk $0xffff, v11;
	v4 =	vand.u32 $0x7E, v5  }
0xf5: {  	v5 =	vld [tilespmem:s0+$0x0];
	v6 =	vadd.s32 v0, v4  }
0xf6: {  	v7 =	vld [tilespmem:s0+$0x10];
	v8 =	vadd.s32 v1, v4  }
0xf7: {  	v9 =	vld [tilespmem:s0+$0x20];
	v61 =	vadd.s32 v2, v4  }
0xf8: {  	v11 =	vld [tilespmem:s0+$0x30];
	v4 =	vadd.s32 v3, v4;
	_ =	sdelay $0x1  }
0xf9: {  	[tilespmem:v6+s23+$0x0] =	vst.idx.msk $0xffff, v5  }
0xfa: {  	s11 =	simm.s32 $0x3;
	[tilespmem:v8+s23+$0x0] =	vst.idx.msk $0xffff, v7  }
0xfb: {  	v5 =	vmov s11;
	[tilespmem:v61+s23+$0x0] =	vst.idx.msk $0xffff, v9  }
0xfc: {  	v5 =	vand.u32 $0x7F, v5;
	[tilespmem:v4+s23+$0x0] =	vst.idx.msk $0xffff, v11  }
0xfd: {  	v7 =	vadd.s32 v0, v5;
	v6 =	vld [tilespmem:s0+$0x40]  }
0xfe: {  	v62 =	vadd.s32 v1, v5;
	v8 =	vld [tilespmem:s0+$0x50]  }
0xff: {  	v63 =	vadd.s32 v2, v5;
	v10 =	vld [tilespmem:s0+$0x60];
	_ =	sdelay $0x1  }
0x100: {  	v5 =	vadd.s32 v3, v5;
	v4 =	vld [tilespmem:s0+$0x70]  }
0x101: {  	[tilespmem:v7+s23+$0x0] =	vst.idx.msk $0xffff, v6  }
0x102: {  	s6 =	simm.s32 $0x4;
	[tilespmem:v62+s23+$0x0] =	vst.idx.msk $0xffff, v8  }
0x103: {  	s7 =	simm.s32 $0x8;
	v6 =	vmov s6;
	[tilespmem:v63+s23+$0x0] =	vst.idx.msk $0xffff, v10  }
.LBB2_11:
0x104: {  	p2 =	sne.s32 s7, $0x7C  }
0x105: {  	v6 =	vand.u32 $0x7C, v6;
	[tilespmem:v5+s23+$0x0] =	vst.idx.msk $0xffff, v4;
	s0 =	sadd.s32 $0x100, s0;
	s8 =	smov.u32 s7;
	s7 =	sadd.s32 $0x4, s7  }
0x106: {  	v4 =	vld [tilespmem:s0+$0xFFFFFF80];
	v5 =	vadd.s32 v0, v6  }
0x107: {  	v8 =	vadd.s32 v1, v6;
	v7 =	vld [tilespmem:s0+$0xFFFFFF90]  }
0x108: {  	v10 =	vadd.s32 v2, v6;
	v9 =	vld [tilespmem:s0+$0xFFFFFFA0]  }
0x109: {  	v6 =	vadd.s32 v3, v6;
	v11 =	vld [tilespmem:s0+$0xFFFFFFB0];
	_ =	sdelay $0x1  }
0x10a: {  	[tilespmem:v5+s23+$0x0] =	vst.idx.msk $0xffff, v4  }
0x10b: {  	s9 =	sadd.s32 $0x1, s6;
	[tilespmem:v8+s23+$0x0] =	vst.idx.msk $0xffff, v7  }
0x10c: {  	v4 =	vmov s9;
	[tilespmem:v10+s23+$0x0] =	vst.idx.msk $0xffff, v9  }
0x10d: {  	v4 =	vand.u32 $0x7D, v4;
	[tilespmem:v6+s23+$0x0] =	vst.idx.msk $0xffff, v11  }
0x10e: {  	v6 =	vadd.s32 v0, v4;
	v5 =	vld [tilespmem:s0+$0xFFFFFFC0]  }
0x10f: {  	v8 =	vadd.s32 v1, v4;
	v7 =	vld [tilespmem:s0+$0xFFFFFFD0]  }
0x110: {  	v10 =	vadd.s32 v2, v4;
	v9 =	vld [tilespmem:s0+$0xFFFFFFE0]  }
0x111: {  	v4 =	vadd.s32 v3, v4;
	v11 =	vld [tilespmem:s0+$0xFFFFFFF0];
	_ =	sdelay $0x1  }
0x112: {  	[tilespmem:v6+s23+$0x0] =	vst.idx.msk $0xffff, v5  }
0x113: {  	s9 =	sadd.s32 $0x2, s6;
	[tilespmem:v8+s23+$0x0] =	vst.idx.msk $0xffff, v7  }
0x114: {  	v5 =	vmov s9;
	[tilespmem:v10+s23+$0x0] =	vst.idx.msk $0xffff, v9  }
0x115: {  	[tilespmem:v4+s23+$0x0] =	vst.idx.msk $0xffff, v11;
	v4 =	vand.u32 $0x7E, v5  }
0x116: {  	v5 =	vld [tilespmem:s0+$0x0];
	v6 =	vadd.s32 v0, v4  }
0x117: {  	v8 =	vadd.s32 v1, v4;
	v7 =	vld [tilespmem:s0+$0x10]  }
0x118: {  	v10 =	vadd.s32 v2, v4;
	v9 =	vld [tilespmem:s0+$0x20]  }
0x119: {  	v4 =	vadd.s32 v3, v4;
	v11 =	vld [tilespmem:s0+$0x30];
	_ =	sdelay $0x1  }
0x11a: {  	[tilespmem:v6+s23+$0x0] =	vst.idx.msk $0xffff, v5  }
0x11b: {  	s9 =	sadd.s32 $0x3, s6;
	s6 =	smov.u32 s8;
	[tilespmem:v8+s23+$0x0] =	vst.idx.msk $0xffff, v7  }
0x11c: {  	v5 =	vmov s9;
	[tilespmem:v10+s23+$0x0] =	vst.idx.msk $0xffff, v9  }
0x11d: {  	v5 =	vand.u32 $0x7F, v5;
	[tilespmem:v4+s23+$0x0] =	vst.idx.msk $0xffff, v11  }
0x11e: {  	v7 =	vadd.s32 v0, v5;
	v6 =	vld [tilespmem:s0+$0x40]  }
0x11f: {  	v9 =	vadd.s32 v1, v5;
	v8 =	vld [tilespmem:s0+$0x50]  }
0x120: {  	v11 =	vadd.s32 v2, v5;
	v10 =	vld [tilespmem:s0+$0x60]  }
.Ltmp7:
0x121: {  	v5 =	vadd.s32 v3, v5;
	v4 =	vld [tilespmem:s0+$0x70];
	(pc) =	sbr.rel @p2 .LBB2_11-.Ltmp7, $4  }
0x122: {  	_ = 	snop  }
0x123: {  	[tilespmem:v7+s23+$0x0] =	vst.idx.msk $0xffff, v6  }
0x124: {  	[tilespmem:v9+s23+$0x0] =	vst.idx.msk $0xffff, v8  }
0x125: {  	v6 =	vmov s6;
	[tilespmem:v11+s23+$0x0] =	vst.idx.msk $0xffff, v10  }
0x126: {  	_ =	sdelay $0x3  }
0x127: {  	v6 =	vand.u32 $0x7C, v6;
	[tilespmem:v5+s23+$0x0] =	vst.idx.msk $0xffff, v4;
	s0 =	sadd.s32 $0x100, s0  }
0x128: {  	v4 =	vld [tilespmem:s0+$0xFFFFFF80];
	v5 =	vadd.s32 v0, v6  }
0x129: {  	v7 =	vld [tilespmem:s0+$0xFFFFFF90];
	v8 =	vadd.s32 v1, v6  }
0x12a: {  	v9 =	vld [tilespmem:s0+$0xFFFFFFA0];
	v10 =	vadd.s32 v2, v6  }
0x12b: {  	v11 =	vld [tilespmem:s0+$0xFFFFFFB0];
	v6 =	vadd.s32 v3, v6;
	_ =	sdelay $0x1  }
0x12c: {  	[tilespmem:v5+s23+$0x0] =	vst.idx.msk $0xffff, v4  }
0x12d: {  	s7 =	sadd.s32 $0x1, s6;
	[tilespmem:v8+s23+$0x0] =	vst.idx.msk $0xffff, v7  }
0x12e: {  	v4 =	vmov s7;
	[tilespmem:v10+s23+$0x0] =	vst.idx.msk $0xffff, v9  }
0x12f: {  	v4 =	vand.u32 $0x7D, v4;
	[tilespmem:v6+s23+$0x0] =	vst.idx.msk $0xffff, v11  }
0x130: {  	v55 =	vadd.s32 v0, v4;
	v5 =	vld [tilespmem:s0+$0xFFFFFFC0]  }
0x131: {  	v56 =	vadd.s32 v1, v4;
	v7 =	vld [tilespmem:s0+$0xFFFFFFD0]  }
0x132: {  	v57 =	vadd.s32 v2, v4;
	v9 =	vld [tilespmem:s0+$0xFFFFFFE0]  }
0x133: {  	v4 =	vadd.s32 v3, v4;
	v11 =	vld [tilespmem:s0+$0xFFFFFFF0];
	_ =	sdelay $0x1  }
0x134: {  	[tilespmem:v55+s23+$0x0] =	vst.idx.msk $0xffff, v5  }
0x135: {  	s10 =	sadd.s32 $0x2, s6;
	[tilespmem:v56+s23+$0x0] =	vst.idx.msk $0xffff, v7  }
0x136: {  	v5 =	vmov s10;
	[tilespmem:v57+s23+$0x0] =	vst.idx.msk $0xffff, v9  }
0x137: {  	[tilespmem:v4+s23+$0x0] =	vst.idx.msk $0xffff, v11;
	v4 =	vand.u32 $0x7E, v5  }
0x138: {  	v5 =	vld [tilespmem:s0+$0x0];
	v58 =	vadd.s32 v0, v4  }
0x139: {  	v7 =	vld [tilespmem:s0+$0x10];
	v59 =	vadd.s32 v1, v4  }
0x13a: {  	v9 =	vld [tilespmem:s0+$0x20];
	v60 =	vadd.s32 v2, v4  }
0x13b: {  	v11 =	vld [tilespmem:s0+$0x30];
	v4 =	vadd.s32 v3, v4;
	_ =	sdelay $0x1  }
0x13c: {  	[tilespmem:v58+s23+$0x0] =	vst.idx.msk $0xffff, v5  }
0x13d: {  	s11 =	sadd.s32 $0x3, s6;
	[tilespmem:v59+s23+$0x0] =	vst.idx.msk $0xffff, v7  }
0x13e: {  	v5 =	vmov s11;
	[tilespmem:v60+s23+$0x0] =	vst.idx.msk $0xffff, v9  }
0x13f: {  	[tilespmem:v4+s23+$0x0] =	vst.idx.msk $0xffff, v11;
	v4 =	vand.u32 $0x7F, v5  }
0x140: {  	v5 =	vld [tilespmem:s0+$0x40];
	v61 =	vadd.s32 v0, v4  }
0x141: {  	v7 =	vld [tilespmem:s0+$0x50];
	v62 =	vadd.s32 v1, v4  }
0x142: {  	v9 =	vld [tilespmem:s0+$0x60];
	v63 =	vadd.s32 v2, v4  }
0x143: {  	v11 =	vld [tilespmem:s0+$0x70];
	v4 =	vadd.s32 v3, v4;
	_ =	sdelay $0x1  }
0x144: {  	[tilespmem:v61+s23+$0x0] =	vst.idx.msk $0xffff, v5  }
0x145: {  	[tilespmem:v62+s23+$0x0] =	vst.idx.msk $0xffff, v7  }
0x146: {  	s6 =	rddreg [dreg:$0x5];
	[tilespmem:v63+s23+$0x0] =	vst.idx.msk $0xffff, v9  }
0x147: {  	s6 =	sadd.s32 s2, s6;
	s7 =	simm.s32 $0x18600;
	[tilespmem:v4+s23+$0x0] =	vst.idx.msk $0xffff, v11  }
0x148: {  	[hbm4b:s6+s3] =	stream.linear.scatter [tilespmem:s7], [sflag:$0xA], $0x80, $0x38;
	[tilespmem:$0x1EC00] =	vst v63  }
0x149: {  	s8 =	simm.s32 $0x18688;
	s9 =	sadd.s32 $0x10, s6  }
0x14a: {  	[hbm4b:s9+s3] =	stream.linear.scatter [tilespmem:s8], [sflag:$0xA], $0x80, $0x38;
	[tilespmem:$0x1EC00] =	vst v63  }
0x14b: {  	s10 =	simm.s32 $0x18710;
	s11 =	sadd.s32 $0x20, s6;
	s0 =	simm.s32 $0x440  }
0x14c: {  	[hbm4b:s11+s3] =	stream.linear.scatter [tilespmem:s10], [sflag:$0xA], $0x80, $0x38;
	[tilespmem:$0x1EC00] =	vst v63  }
0x14d: {  	s7 =	simm.s32 $0x2200;
	s8 =	simm.s32 $0x18798;
	s9 =	sadd.s32 $0x30, s6  }
0x14e: {  	[hbm4b:s9+s3] =	stream.linear.scatter [tilespmem:s8], [sflag:$0xA], $0x80, $0x38;
	[tilespmem:$0x1EC00] =	vst v63  }
0x14f: {  	s10 =	simm.s32 $0x18820;
	s11 =	sadd.s32 $0x40, s6;
	s8 =	simm.s32 $0x188A8  }
0x150: {  	[hbm4b:s11+s3] =	stream.linear.scatter [tilespmem:s10], [sflag:$0xA], $0x80, $0x38;
	[tilespmem:$0x1EC00] =	vst v63  }
0x151: {  	s9 =	sadd.s32 $0x50, s6;
	s10 =	simm.s32 $0x18930;
	s11 =	sadd.s32 $0x60, s6  }
0x152: {  	[hbm4b:s9+s3] =	stream.linear.scatter [tilespmem:s8], [sflag:$0xA], $0x80, $0x38;
	[tilespmem:$0x1EC00] =	vst v63  }
0x153: {  	s8 =	simm.s32 $0x189B8;
	s9 =	sadd.s32 $0x70, s6;
	s6 =	sadd.s32 $0x1000, s6  }
0x154: {  	[hbm4b:s11+s3] =	stream.linear.scatter [tilespmem:s10], [sflag:$0xA], $0x80, $0x38;
	[tilespmem:$0x1EC00] =	vst v63  }
.LBB2_13:
0x155: {  	[hbm4b:s9+s3] =	stream.linear.scatter [tilespmem:s8], [sflag:$0xA], $0x80, $0x38;
	[tilespmem:$0x1EC00] =	vst v63  }
0x156: {  	s8 =	smov.u32 s0;
	s0 =	smov.u32 s7  }
0x157: {  	s10 =	sadd.s32 $0x1100, s7;
	s0 =	sshra.s32 s0, $0x2;
	s9 =	sadd.s32 $0x18600, s8  }
0x158: {  	[hbm4b:s6+s3] =	stream.linear.scatter [tilespmem:s9], [sflag:$0xA], $0x80, $0x38;
	[tilespmem:$0x1EC00] =	vst v63  }
0x159: {  	p2 =	sne.s32 s7, $0x7700;
	s7 =	sadd.s32 $0x18688, s8;
	s9 =	sadd.s32 $0x10, s6  }
0x15a: {  	[hbm4b:s9+s3] =	stream.linear.scatter [tilespmem:s7], [sflag:$0xA], $0x80, $0x38;
	[tilespmem:$0x1EC00] =	vst v63  }
0x15b: {  	s7 =	sadd.s32 $0x18710, s8;
	s9 =	sadd.s32 $0x20, s6  }
0x15c: {  	[hbm4b:s9+s3] =	stream.linear.scatter [tilespmem:s7], [sflag:$0xA], $0x80, $0x38;
	[tilespmem:$0x1EC00] =	vst v63  }
0x15d: {  	s7 =	sadd.s32 $0x18798, s8;
	s9 =	sadd.s32 $0x30, s6  }
0x15e: {  	[hbm4b:s9+s3] =	stream.linear.scatter [tilespmem:s7], [sflag:$0xA], $0x80, $0x38;
	[tilespmem:$0x1EC00] =	vst v63  }
0x15f: {  	s7 =	sadd.s32 $0x18820, s8;
	s9 =	sadd.s32 $0x40, s6  }
0x160: {  	[hbm4b:s9+s3] =	stream.linear.scatter [tilespmem:s7], [sflag:$0xA], $0x80, $0x38;
	[tilespmem:$0x1EC00] =	vst v63  }
.Ltmp8:
0x161: {  	s7 =	sadd.s32 $0x188A8, s8;
	s9 =	sadd.s32 $0x50, s6;
	(pc) =	sbr.rel @p2 .LBB2_13-.Ltmp8, $4  }
0x162: {  	[hbm4b:s9+s3] =	stream.linear.scatter [tilespmem:s7], [sflag:$0xA], $0x80, $0x38;
	[tilespmem:$0x1EC00] =	vst v63  }
0x163: {  	s7 =	sadd.s32 $0x18930, s8;
	s9 =	sadd.s32 $0x60, s6;
	s8 =	sadd.s32 $0x189B8, s8  }
0x164: {  	[hbm4b:s9+s3] =	stream.linear.scatter [tilespmem:s7], [sflag:$0xA], $0x80, $0x38;
	[tilespmem:$0x1EC00] =	vst v63  }
0x165: {  	s9 =	sadd.s32 $0x70, s6;
	s6 =	sadd.s32 $0x1000, s6;
	s7 =	smov.u32 s10  }
0x166: {  	[hbm4b:s9+s3] =	stream.linear.scatter [tilespmem:s8], [sflag:$0xA], $0x80, $0x38;
	[tilespmem:$0x1EC00] =	vst v63  }
0x167: {  	s7 =	sadd.s32 $0x18600, s0  }
0x168: {  	[hbm4b:s6+s3] =	stream.linear.scatter [tilespmem:s7], [sflag:$0xA], $0x80, $0x38;
	[tilespmem:$0x1EC00] =	vst v63  }
0x169: {  	s10 =	sadd.s32 $0x18688, s0;
	s11 =	sadd.s32 $0x10, s6  }
0x16a: {  	[hbm4b:s11+s3] =	stream.linear.scatter [tilespmem:s10], [sflag:$0xA], $0x80, $0x38;
	[tilespmem:$0x1EC00] =	vst v63  }
0x16b: {  	s8 =	sadd.s32 $0x18710, s0;
	s9 =	sadd.s32 $0x20, s6  }
0x16c: {  	[hbm4b:s9+s3] =	stream.linear.scatter [tilespmem:s8], [sflag:$0xA], $0x80, $0x38;
	[tilespmem:$0x1EC00] =	vst v63  }
0x16d: {  	s10 =	sadd.s32 $0x18798, s0;
	s11 =	sadd.s32 $0x30, s6  }
0x16e: {  	[hbm4b:s11+s3] =	stream.linear.scatter [tilespmem:s10], [sflag:$0xA], $0x80, $0x38;
	[tilespmem:$0x1EC00] =	vst v63  }
0x16f: {  	s8 =	sadd.s32 $0x18820, s0;
	s9 =	sadd.s32 $0x40, s6  }
0x170: {  	[hbm4b:s9+s3] =	stream.linear.scatter [tilespmem:s8], [sflag:$0xA], $0x80, $0x38;
	[tilespmem:$0x1EC00] =	vst v63  }
0x171: {  	s10 =	sadd.s32 $0x188A8, s0;
	s11 =	sadd.s32 $0x50, s6  }
0x172: {  	[hbm4b:s11+s3] =	stream.linear.scatter [tilespmem:s10], [sflag:$0xA], $0x80, $0x38;
	[tilespmem:$0x1EC00] =	vst v63  }
.Ltmp9:
0x173: {  	_ = 	snop;
	(pc) =	sbr.rel @p1 .LBB2_16-.Ltmp9, $4  }
0x174: {  	s8 =	sadd.s32 $0x18930, s0;
	s9 =	sadd.s32 $0x60, s6  }
0x175: {  	[hbm4b:s9+s3] =	stream.linear.scatter [tilespmem:s8], [sflag:$0xA], $0x80, $0x38;
	[tilespmem:$0x1EC00] =	vst v63  }
0x176: {  	s10 =	sadd.s32 $0x189B8, s0;
	s11 =	sadd.s32 $0x70, s6  }
0x177: {  	[hbm4b:s11+s3] =	stream.linear.scatter [tilespmem:s10], [sflag:$0xA], $0x80, $0x38;
	[tilespmem:$0x1EC00] =	vst v63  }
.Ltmp10:
0x178: {  	(pc) =	sbr.rel .LBB2_17-.Ltmp10, $4  }
0x179: {  	_ = 	snop  }
0x17a: {  	_ =	swait.ge [sflag:s24], $0x2000  }
0x17b: {  	[sflag:s24] =	ssyncset.done $0x0  }
0x17c: {  	[sflag:s24] =	ssyncadd.s32 $0xFFFFE000  }
.LBB2_16:
0x17d: {  	s0 =	sshrl.u32 s21, $0x2  }
.Ltmp11:
0x17e: {  	s6 =	simm.s32 $0x8400;
	s0 =	sadd.s32 $0x480, s0;
	(pc) =	sbr.rel @p0 .LBB2_18-.Ltmp11, $4  }
0x17f: {  	[tilespmem:s6], [sflag:$0x2] =	stream.indirect.gather [hbm4b:s4+s15], $0x40, s0, s15, $0xb8;
	[tilespmem:$0x1EC00] =	vst v63  }
0x180: {  	_ =	swait.ge [sflag:s24], $0x2000  }
0x181: {  	[sflag:s24] =	ssyncset.done $0x0  }
0x182: {  	[sflag:s24] =	ssyncadd.s32 $0xFFFFE000  }
.LBB2_17:
0x183: {  	_ =	swait.ge [sflag:s25], $0x2000  }
0x184: {  	[sflag:s25] =	ssyncset.done $0x0  }
0x185: {  	[sflag:s25] =	ssyncadd.s32 $0xFFFFE000  }
.LBB2_18:
0x186: {  	s0 =	simm.s32 $0x0  }
0x187: {  	v4 =	vmov s0  }
0x188: {  	s0 =	simm.s32 $0xA480;
	v4 =	vand.u32 $0x7C, v4  }
0x189: {  	v5 =	vld [tilespmem:s0+$0xFFFFFF80];
	v6 =	vadd.s32 v0, v4  }
0x18a: {  	v7 =	vld [tilespmem:s0+$0xFFFFFF90];
	v8 =	vadd.s32 v1, v4  }
0x18b: {  	v9 =	vld [tilespmem:s0+$0xFFFFFFA0];
	v10 =	vadd.s32 v2, v4  }
0x18c: {  	v11 =	vld [tilespmem:s0+$0xFFFFFFB0];
	v4 =	vadd.s32 v3, v4;
	_ =	sdelay $0x1  }
0x18d: {  	[tilespmem:v6+s26+$0x0] =	vst.idx.msk $0xffff, v5  }
0x18e: {  	s6 =	simm.s32 $0x1;
	[tilespmem:v8+s26+$0x0] =	vst.idx.msk $0xffff, v7  }
0x18f: {  	v5 =	vmov s6;
	[tilespmem:v10+s26+$0x0] =	vst.idx.msk $0xffff, v9  }
0x190: {  	[tilespmem:v4+s26+$0x0] =	vst.idx.msk $0xffff, v11;
	v4 =	vand.u32 $0x7D, v5  }
0x191: {  	v5 =	vld [tilespmem:s0+$0xFFFFFFC0];
	v6 =	vadd.s32 v0, v4  }
0x192: {  	v7 =	vld [tilespmem:s0+$0xFFFFFFD0];
	v8 =	vadd.s32 v1, v4  }
0x193: {  	v9 =	vld [tilespmem:s0+$0xFFFFFFE0];
	v60 =	vadd.s32 v2, v4  }
0x194: {  	v11 =	vld [tilespmem:s0+$0xFFFFFFF0];
	v4 =	vadd.s32 v3, v4;
	_ =	sdelay $0x1  }
0x195: {  	[tilespmem:v6+s26+$0x0] =	vst.idx.msk $0xffff, v5  }
0x196: {  	s10 =	simm.s32 $0x2;
	[tilespmem:v8+s26+$0x0] =	vst.idx.msk $0xffff, v7  }
0x197: {  	v5 =	vmov s10;
	[tilespmem:v60+s26+$0x0] =	vst.idx.msk $0xffff, v9  }
0x198: {  	[tilespmem:v4+s26+$0x0] =	vst.idx.msk $0xffff, v11;
	v4 =	vand.u32 $0x7E, v5  }
0x199: {  	v5 =	vld [tilespmem:s0+$0x0];
	v6 =	vadd.s32 v0, v4  }
0x19a: {  	v7 =	vld [tilespmem:s0+$0x10];
	v8 =	vadd.s32 v1, v4  }
0x19b: {  	v9 =	vld [tilespmem:s0+$0x20];
	v61 =	vadd.s32 v2, v4  }
0x19c: {  	v11 =	vld [tilespmem:s0+$0x30];
	v4 =	vadd.s32 v3, v4;
	_ =	sdelay $0x1  }
0x19d: {  	[tilespmem:v6+s26+$0x0] =	vst.idx.msk $0xffff, v5  }
0x19e: {  	s11 =	simm.s32 $0x3;
	[tilespmem:v8+s26+$0x0] =	vst.idx.msk $0xffff, v7  }
0x19f: {  	v5 =	vmov s11;
	[tilespmem:v61+s26+$0x0] =	vst.idx.msk $0xffff, v9  }
0x1a0: {  	v5 =	vand.u32 $0x7F, v5;
	[tilespmem:v4+s26+$0x0] =	vst.idx.msk $0xffff, v11  }
0x1a1: {  	v7 =	vadd.s32 v0, v5;
	v6 =	vld [tilespmem:s0+$0x40]  }
0x1a2: {  	v62 =	vadd.s32 v1, v5;
	v8 =	vld [tilespmem:s0+$0x50]  }
0x1a3: {  	v63 =	vadd.s32 v2, v5;
	v10 =	vld [tilespmem:s0+$0x60];
	_ =	sdelay $0x1  }
0x1a4: {  	v5 =	vadd.s32 v3, v5;
	v4 =	vld [tilespmem:s0+$0x70]  }
0x1a5: {  	[tilespmem:v7+s26+$0x0] =	vst.idx.msk $0xffff, v6  }
0x1a6: {  	s6 =	simm.s32 $0x4;
	[tilespmem:v62+s26+$0x0] =	vst.idx.msk $0xffff, v8  }
0x1a7: {  	s7 =	simm.s32 $0x8;
	v6 =	vmov s6;
	[tilespmem:v63+s26+$0x0] =	vst.idx.msk $0xffff, v10  }
.LBB2_19:
0x1a8: {  	p2 =	sne.s32 s7, $0x7C  }
0x1a9: {  	v6 =	vand.u32 $0x7C, v6;
	[tilespmem:v5+s26+$0x0] =	vst.idx.msk $0xffff, v4;
	s0 =	sadd.s32 $0x100, s0;
	s8 =	smov.u32 s7;
	s7 =	sadd.s32 $0x4, s7  }
0x1aa: {  	v4 =	vld [tilespmem:s0+$0xFFFFFF80];
	v5 =	vadd.s32 v0, v6  }
0x1ab: {  	v8 =	vadd.s32 v1, v6;
	v7 =	vld [tilespmem:s0+$0xFFFFFF90]  }
0x1ac: {  	v10 =	vadd.s32 v2, v6;
	v9 =	vld [tilespmem:s0+$0xFFFFFFA0]  }
0x1ad: {  	v6 =	vadd.s32 v3, v6;
	v11 =	vld [tilespmem:s0+$0xFFFFFFB0];
	_ =	sdelay $0x1  }
0x1ae: {  	[tilespmem:v5+s26+$0x0] =	vst.idx.msk $0xffff, v4  }
0x1af: {  	s9 =	sadd.s32 $0x1, s6;
	[tilespmem:v8+s26+$0x0] =	vst.idx.msk $0xffff, v7  }
0x1b0: {  	v4 =	vmov s9;
	[tilespmem:v10+s26+$0x0] =	vst.idx.msk $0xffff, v9  }
0x1b1: {  	v4 =	vand.u32 $0x7D, v4;
	[tilespmem:v6+s26+$0x0] =	vst.idx.msk $0xffff, v11  }
0x1b2: {  	v6 =	vadd.s32 v0, v4;
	v5 =	vld [tilespmem:s0+$0xFFFFFFC0]  }
0x1b3: {  	v8 =	vadd.s32 v1, v4;
	v7 =	vld [tilespmem:s0+$0xFFFFFFD0]  }
0x1b4: {  	v10 =	vadd.s32 v2, v4;
	v9 =	vld [tilespmem:s0+$0xFFFFFFE0]  }
0x1b5: {  	v4 =	vadd.s32 v3, v4;
	v11 =	vld [tilespmem:s0+$0xFFFFFFF0];
	_ =	sdelay $0x1  }
0x1b6: {  	[tilespmem:v6+s26+$0x0] =	vst.idx.msk $0xffff, v5  }
0x1b7: {  	s9 =	sadd.s32 $0x2, s6;
	[tilespmem:v8+s26+$0x0] =	vst.idx.msk $0xffff, v7  }
0x1b8: {  	v5 =	vmov s9;
	[tilespmem:v10+s26+$0x0] =	vst.idx.msk $0xffff, v9  }
0x1b9: {  	[tilespmem:v4+s26+$0x0] =	vst.idx.msk $0xffff, v11;
	v4 =	vand.u32 $0x7E, v5  }
0x1ba: {  	v5 =	vld [tilespmem:s0+$0x0];
	v6 =	vadd.s32 v0, v4  }
0x1bb: {  	v8 =	vadd.s32 v1, v4;
	v7 =	vld [tilespmem:s0+$0x10]  }
0x1bc: {  	v10 =	vadd.s32 v2, v4;
	v9 =	vld [tilespmem:s0+$0x20]  }
0x1bd: {  	v4 =	vadd.s32 v3, v4;
	v11 =	vld [tilespmem:s0+$0x30];
	_ =	sdelay $0x1  }
0x1be: {  	[tilespmem:v6+s26+$0x0] =	vst.idx.msk $0xffff, v5  }
0x1bf: {  	s9 =	sadd.s32 $0x3, s6;
	s6 =	smov.u32 s8;
	[tilespmem:v8+s26+$0x0] =	vst.idx.msk $0xffff, v7  }
0x1c0: {  	v5 =	vmov s9;
	[tilespmem:v10+s26+$0x0] =	vst.idx.msk $0xffff, v9  }
0x1c1: {  	v5 =	vand.u32 $0x7F, v5;
	[tilespmem:v4+s26+$0x0] =	vst.idx.msk $0xffff, v11  }
0x1c2: {  	v7 =	vadd.s32 v0, v5;
	v6 =	vld [tilespmem:s0+$0x40]  }
0x1c3: {  	v9 =	vadd.s32 v1, v5;
	v8 =	vld [tilespmem:s0+$0x50]  }
0x1c4: {  	v11 =	vadd.s32 v2, v5;
	v10 =	vld [tilespmem:s0+$0x60]  }
.Ltmp12:
0x1c5: {  	v5 =	vadd.s32 v3, v5;
	v4 =	vld [tilespmem:s0+$0x70];
	(pc) =	sbr.rel @p2 .LBB2_19-.Ltmp12, $4  }
0x1c6: {  	_ = 	snop  }
0x1c7: {  	[tilespmem:v7+s26+$0x0] =	vst.idx.msk $0xffff, v6  }
0x1c8: {  	[tilespmem:v9+s26+$0x0] =	vst.idx.msk $0xffff, v8  }
0x1c9: {  	v6 =	vmov s6;
	[tilespmem:v11+s26+$0x0] =	vst.idx.msk $0xffff, v10  }
0x1ca: {  	_ =	sdelay $0x3  }
0x1cb: {  	v6 =	vand.u32 $0x7C, v6;
	[tilespmem:v5+s26+$0x0] =	vst.idx.msk $0xffff, v4;
	s0 =	sadd.s32 $0x100, s0  }
0x1cc: {  	v4 =	vld [tilespmem:s0+$0xFFFFFF80];
	v5 =	vadd.s32 v0, v6  }
0x1cd: {  	v7 =	vld [tilespmem:s0+$0xFFFFFF90];
	v8 =	vadd.s32 v1, v6  }
0x1ce: {  	v9 =	vld [tilespmem:s0+$0xFFFFFFA0];
	v10 =	vadd.s32 v2, v6  }
0x1cf: {  	v11 =	vld [tilespmem:s0+$0xFFFFFFB0];
	v6 =	vadd.s32 v3, v6;
	_ =	sdelay $0x1  }
0x1d0: {  	[tilespmem:v5+s26+$0x0] =	vst.idx.msk $0xffff, v4  }
0x1d1: {  	s7 =	sadd.s32 $0x1, s6;
	[tilespmem:v8+s26+$0x0] =	vst.idx.msk $0xffff, v7  }
0x1d2: {  	v4 =	vmov s7;
	[tilespmem:v10+s26+$0x0] =	vst.idx.msk $0xffff, v9  }
0x1d3: {  	v4 =	vand.u32 $0x7D, v4;
	[tilespmem:v6+s26+$0x0] =	vst.idx.msk $0xffff, v11  }
0x1d4: {  	v55 =	vadd.s32 v0, v4;
	v5 =	vld [tilespmem:s0+$0xFFFFFFC0]  }
0x1d5: {  	v56 =	vadd.s32 v1, v4;
	v7 =	vld [tilespmem:s0+$0xFFFFFFD0]  }
0x1d6: {  	v57 =	vadd.s32 v2, v4;
	v9 =	vld [tilespmem:s0+$0xFFFFFFE0]  }
0x1d7: {  	v4 =	vadd.s32 v3, v4;
	v11 =	vld [tilespmem:s0+$0xFFFFFFF0];
	_ =	sdelay $0x1  }
0x1d8: {  	[tilespmem:v55+s26+$0x0] =	vst.idx.msk $0xffff, v5  }
0x1d9: {  	s10 =	sadd.s32 $0x2, s6;
	[tilespmem:v56+s26+$0x0] =	vst.idx.msk $0xffff, v7  }
0x1da: {  	v5 =	vmov s10;
	[tilespmem:v57+s26+$0x0] =	vst.idx.msk $0xffff, v9  }
0x1db: {  	[tilespmem:v4+s26+$0x0] =	vst.idx.msk $0xffff, v11;
	v4 =	vand.u32 $0x7E, v5  }
0x1dc: {  	v5 =	vld [tilespmem:s0+$0x0];
	v58 =	vadd.s32 v0, v4  }
0x1dd: {  	v7 =	vld [tilespmem:s0+$0x10];
	v59 =	vadd.s32 v1, v4  }
0x1de: {  	v9 =	vld [tilespmem:s0+$0x20];
	v60 =	vadd.s32 v2, v4  }
0x1df: {  	v11 =	vld [tilespmem:s0+$0x30];
	v4 =	vadd.s32 v3, v4;
	_ =	sdelay $0x1  }
0x1e0: {  	[tilespmem:v58+s26+$0x0] =	vst.idx.msk $0xffff, v5  }
0x1e1: {  	s11 =	sadd.s32 $0x3, s6;
	[tilespmem:v59+s26+$0x0] =	vst.idx.msk $0xffff, v7  }
0x1e2: {  	v5 =	vmov s11;
	[tilespmem:v60+s26+$0x0] =	vst.idx.msk $0xffff, v9  }
0x1e3: {  	[tilespmem:v4+s26+$0x0] =	vst.idx.msk $0xffff, v11;
	v4 =	vand.u32 $0x7F, v5  }
0x1e4: {  	v5 =	vld [tilespmem:s0+$0x40];
	v61 =	vadd.s32 v0, v4  }
0x1e5: {  	v7 =	vld [tilespmem:s0+$0x50];
	v62 =	vadd.s32 v1, v4  }
0x1e6: {  	v9 =	vld [tilespmem:s0+$0x60];
	v63 =	vadd.s32 v2, v4  }
0x1e7: {  	v11 =	vld [tilespmem:s0+$0x70];
	v4 =	vadd.s32 v3, v4;
	_ =	sdelay $0x1  }
0x1e8: {  	[tilespmem:v61+s26+$0x0] =	vst.idx.msk $0xffff, v5  }
0x1e9: {  	[tilespmem:v62+s26+$0x0] =	vst.idx.msk $0xffff, v7  }
0x1ea: {  	s6 =	rddreg [dreg:$0x6];
	[tilespmem:v63+s26+$0x0] =	vst.idx.msk $0xffff, v9  }
0x1eb: {  	s6 =	sadd.s32 s2, s6;
	s7 =	simm.s32 $0x1A800;
	[tilespmem:v4+s26+$0x0] =	vst.idx.msk $0xffff, v11  }
0x1ec: {  	[hbm4b:s6+s3] =	stream.linear.scatter [tilespmem:s7], [sflag:$0xB], $0x80, $0x38;
	[tilespmem:$0x1EC00] =	vst v63  }
0x1ed: {  	s8 =	simm.s32 $0x1A888;
	s9 =	sadd.s32 $0x10, s6  }
0x1ee: {  	[hbm4b:s9+s3] =	stream.linear.scatter [tilespmem:s8], [sflag:$0xB], $0x80, $0x38;
	[tilespmem:$0x1EC00] =	vst v63  }
0x1ef: {  	s10 =	simm.s32 $0x1A910;
	s11 =	sadd.s32 $0x20, s6;
	s0 =	simm.s32 $0x440  }
0x1f0: {  	[hbm4b:s11+s3] =	stream.linear.scatter [tilespmem:s10], [sflag:$0xB], $0x80, $0x38;
	[tilespmem:$0x1EC00] =	vst v63  }
0x1f1: {  	s7 =	simm.s32 $0x2200;
	s8 =	simm.s32 $0x1A998;
	s9 =	sadd.s32 $0x30, s6  }
0x1f2: {  	[hbm4b:s9+s3] =	stream.linear.scatter [tilespmem:s8], [sflag:$0xB], $0x80, $0x38;
	[tilespmem:$0x1EC00] =	vst v63  }
0x1f3: {  	s10 =	simm.s32 $0x1AA20;
	s11 =	sadd.s32 $0x40, s6;
	s8 =	simm.s32 $0x1AAA8  }
0x1f4: {  	[hbm4b:s11+s3] =	stream.linear.scatter [tilespmem:s10], [sflag:$0xB], $0x80, $0x38;
	[tilespmem:$0x1EC00] =	vst v63  }
0x1f5: {  	s9 =	sadd.s32 $0x50, s6;
	s10 =	simm.s32 $0x1AB30;
	s11 =	sadd.s32 $0x60, s6  }
0x1f6: {  	[hbm4b:s9+s3] =	stream.linear.scatter [tilespmem:s8], [sflag:$0xB], $0x80, $0x38;
	[tilespmem:$0x1EC00] =	vst v63  }
0x1f7: {  	s8 =	simm.s32 $0x1ABB8;
	s9 =	sadd.s32 $0x70, s6;
	s6 =	sadd.s32 $0x1000, s6  }
0x1f8: {  	[hbm4b:s11+s3] =	stream.linear.scatter [tilespmem:s10], [sflag:$0xB], $0x80, $0x38;
	[tilespmem:$0x1EC00] =	vst v63  }
.LBB2_21:
0x1f9: {  	[hbm4b:s9+s3] =	stream.linear.scatter [tilespmem:s8], [sflag:$0xB], $0x80, $0x38;
	[tilespmem:$0x1EC00] =	vst v63  }
0x1fa: {  	s8 =	smov.u32 s0;
	s0 =	smov.u32 s7  }
0x1fb: {  	s10 =	sadd.s32 $0x1100, s7;
	s0 =	sshra.s32 s0, $0x2;
	s9 =	sadd.s32 $0x1A800, s8  }
0x1fc: {  	[hbm4b:s6+s3] =	stream.linear.scatter [tilespmem:s9], [sflag:$0xB], $0x80, $0x38;
	[tilespmem:$0x1EC00] =	vst v63  }
0x1fd: {  	p2 =	sne.s32 s7, $0x7700;
	s7 =	sadd.s32 $0x1A888, s8;
	s9 =	sadd.s32 $0x10, s6  }
0x1fe: {  	[hbm4b:s9+s3] =	stream.linear.scatter [tilespmem:s7], [sflag:$0xB], $0x80, $0x38;
	[tilespmem:$0x1EC00] =	vst v63  }
0x1ff: {  	s7 =	sadd.s32 $0x1A910, s8;
	s9 =	sadd.s32 $0x20, s6  }
0x200: {  	[hbm4b:s9+s3] =	stream.linear.scatter [tilespmem:s7], [sflag:$0xB], $0x80, $0x38;
	[tilespmem:$0x1EC00] =	vst v63  }
0x201: {  	s7 =	sadd.s32 $0x1A998, s8;
	s9 =	sadd.s32 $0x30, s6  }
0x202: {  	[hbm4b:s9+s3] =	stream.linear.scatter [tilespmem:s7], [sflag:$0xB], $0x80, $0x38;
	[tilespmem:$0x1EC00] =	vst v63  }
0x203: {  	s7 =	sadd.s32 $0x1AA20, s8;
	s9 =	sadd.s32 $0x40, s6  }
0x204: {  	[hbm4b:s9+s3] =	stream.linear.scatter [tilespmem:s7], [sflag:$0xB], $0x80, $0x38;
	[tilespmem:$0x1EC00] =	vst v63  }
.Ltmp13:
0x205: {  	s7 =	sadd.s32 $0x1AAA8, s8;
	s9 =	sadd.s32 $0x50, s6;
	(pc) =	sbr.rel @p2 .LBB2_21-.Ltmp13, $4  }
0x206: {  	[hbm4b:s9+s3] =	stream.linear.scatter [tilespmem:s7], [sflag:$0xB], $0x80, $0x38;
	[tilespmem:$0x1EC00] =	vst v63  }
0x207: {  	s7 =	sadd.s32 $0x1AB30, s8;
	s9 =	sadd.s32 $0x60, s6;
	s8 =	sadd.s32 $0x1ABB8, s8  }
0x208: {  	[hbm4b:s9+s3] =	stream.linear.scatter [tilespmem:s7], [sflag:$0xB], $0x80, $0x38;
	[tilespmem:$0x1EC00] =	vst v63  }
0x209: {  	s9 =	sadd.s32 $0x70, s6;
	s6 =	sadd.s32 $0x1000, s6;
	s7 =	smov.u32 s10  }
0x20a: {  	[hbm4b:s9+s3] =	stream.linear.scatter [tilespmem:s8], [sflag:$0xB], $0x80, $0x38;
	[tilespmem:$0x1EC00] =	vst v63  }
0x20b: {  	s7 =	sadd.s32 $0x1A800, s0  }
0x20c: {  	[hbm4b:s6+s3] =	stream.linear.scatter [tilespmem:s7], [sflag:$0xB], $0x80, $0x38;
	[tilespmem:$0x1EC00] =	vst v63  }
0x20d: {  	s10 =	sadd.s32 $0x1A888, s0;
	s11 =	sadd.s32 $0x10, s6  }
0x20e: {  	[hbm4b:s11+s3] =	stream.linear.scatter [tilespmem:s10], [sflag:$0xB], $0x80, $0x38;
	[tilespmem:$0x1EC00] =	vst v63  }
0x20f: {  	s8 =	sadd.s32 $0x1A910, s0;
	s9 =	sadd.s32 $0x20, s6  }
0x210: {  	[hbm4b:s9+s3] =	stream.linear.scatter [tilespmem:s8], [sflag:$0xB], $0x80, $0x38;
	[tilespmem:$0x1EC00] =	vst v63  }
0x211: {  	s10 =	sadd.s32 $0x1A998, s0;
	s11 =	sadd.s32 $0x30, s6  }
0x212: {  	[hbm4b:s11+s3] =	stream.linear.scatter [tilespmem:s10], [sflag:$0xB], $0x80, $0x38;
	[tilespmem:$0x1EC00] =	vst v63  }
0x213: {  	s8 =	sadd.s32 $0x1AA20, s0;
	s9 =	sadd.s32 $0x40, s6  }
0x214: {  	[hbm4b:s9+s3] =	stream.linear.scatter [tilespmem:s8], [sflag:$0xB], $0x80, $0x38;
	[tilespmem:$0x1EC00] =	vst v63  }
0x215: {  	s10 =	sadd.s32 $0x1AAA8, s0;
	s11 =	sadd.s32 $0x50, s6  }
0x216: {  	[hbm4b:s11+s3] =	stream.linear.scatter [tilespmem:s10], [sflag:$0xB], $0x80, $0x38;
	[tilespmem:$0x1EC00] =	vst v63  }
.Ltmp14:
0x217: {  	_ = 	snop;
	(pc) =	sbr.rel @p1 .LBB2_24-.Ltmp14, $4  }
0x218: {  	s8 =	sadd.s32 $0x1AB30, s0;
	s9 =	sadd.s32 $0x60, s6  }
0x219: {  	[hbm4b:s9+s3] =	stream.linear.scatter [tilespmem:s8], [sflag:$0xB], $0x80, $0x38;
	[tilespmem:$0x1EC00] =	vst v63  }
0x21a: {  	s10 =	sadd.s32 $0x1ABB8, s0;
	s11 =	sadd.s32 $0x70, s6  }
0x21b: {  	[hbm4b:s11+s3] =	stream.linear.scatter [tilespmem:s10], [sflag:$0xB], $0x80, $0x38;
	[tilespmem:$0x1EC00] =	vst v63  }
.Ltmp15:
0x21c: {  	(pc) =	sbr.rel .LBB2_25-.Ltmp15, $4  }
0x21d: {  	_ = 	snop  }
0x21e: {  	_ =	swait.ge [sflag:s28], $0x2000  }
0x21f: {  	[sflag:s28] =	ssyncset.done $0x0  }
0x220: {  	[sflag:s28] =	ssyncadd.s32 $0xFFFFE000  }
.LBB2_24:
0x221: {  	s0 =	sshrl.u32 s21, $0x2  }
.Ltmp16:
0x222: {  	s6 =	simm.s32 $0xA400;
	s0 =	sadd.s32 $0x500, s0;
	(pc) =	sbr.rel @p0 .LBB2_26-.Ltmp16, $4  }
0x223: {  	[tilespmem:s6], [sflag:$0x3] =	stream.indirect.gather [hbm4b:s4+s15], $0x40, s0, s15, $0xb8;
	[tilespmem:$0x1EC00] =	vst v63  }
0x224: {  	_ =	swait.ge [sflag:s28], $0x2000  }
0x225: {  	[sflag:s28] =	ssyncset.done $0x0  }
0x226: {  	[sflag:s28] =	ssyncadd.s32 $0xFFFFE000  }
.LBB2_25:
0x227: {  	_ =	swait.ge [sflag:s29], $0x2000  }
0x228: {  	[sflag:s29] =	ssyncset.done $0x0  }
0x229: {  	[sflag:s29] =	ssyncadd.s32 $0xFFFFE000  }
.LBB2_26:
0x22a: {  	s0 =	simm.s32 $0x0  }
0x22b: {  	v4 =	vmov s0  }
0x22c: {  	s0 =	simm.s32 $0xC480;
	v4 =	vand.u32 $0x7C, v4  }
0x22d: {  	v5 =	vld [tilespmem:s0+$0xFFFFFF80];
	v6 =	vadd.s32 v0, v4  }
0x22e: {  	v7 =	vld [tilespmem:s0+$0xFFFFFF90];
	v8 =	vadd.s32 v1, v4  }
0x22f: {  	v9 =	vld [tilespmem:s0+$0xFFFFFFA0];
	v10 =	vadd.s32 v2, v4  }
0x230: {  	v11 =	vld [tilespmem:s0+$0xFFFFFFB0];
	v4 =	vadd.s32 v3, v4;
	_ =	sdelay $0x1  }
0x231: {  	[tilespmem:v6+s30+$0x0] =	vst.idx.msk $0xffff, v5  }
0x232: {  	s6 =	simm.s32 $0x1;
	[tilespmem:v8+s30+$0x0] =	vst.idx.msk $0xffff, v7  }
0x233: {  	v5 =	vmov s6;
	[tilespmem:v10+s30+$0x0] =	vst.idx.msk $0xffff, v9  }
0x234: {  	[tilespmem:v4+s30+$0x0] =	vst.idx.msk $0xffff, v11;
	v4 =	vand.u32 $0x7D, v5  }
0x235: {  	v5 =	vld [tilespmem:s0+$0xFFFFFFC0];
	v6 =	vadd.s32 v0, v4  }
0x236: {  	v7 =	vld [tilespmem:s0+$0xFFFFFFD0];
	v8 =	vadd.s32 v1, v4  }
0x237: {  	v9 =	vld [tilespmem:s0+$0xFFFFFFE0];
	v60 =	vadd.s32 v2, v4  }
0x238: {  	v11 =	vld [tilespmem:s0+$0xFFFFFFF0];
	v4 =	vadd.s32 v3, v4;
	_ =	sdelay $0x1  }
0x239: {  	[tilespmem:v6+s30+$0x0] =	vst.idx.msk $0xffff, v5  }
0x23a: {  	s10 =	simm.s32 $0x2;
	[tilespmem:v8+s30+$0x0] =	vst.idx.msk $0xffff, v7  }
0x23b: {  	v5 =	vmov s10;
	[tilespmem:v60+s30+$0x0] =	vst.idx.msk $0xffff, v9  }
0x23c: {  	[tilespmem:v4+s30+$0x0] =	vst.idx.msk $0xffff, v11;
	v4 =	vand.u32 $0x7E, v5  }
0x23d: {  	v5 =	vld [tilespmem:s0+$0x0];
	v6 =	vadd.s32 v0, v4  }
0x23e: {  	v7 =	vld [tilespmem:s0+$0x10];
	v8 =	vadd.s32 v1, v4  }
0x23f: {  	v9 =	vld [tilespmem:s0+$0x20];
	v61 =	vadd.s32 v2, v4  }
0x240: {  	v11 =	vld [tilespmem:s0+$0x30];
	v4 =	vadd.s32 v3, v4;
	_ =	sdelay $0x1  }
0x241: {  	[tilespmem:v6+s30+$0x0] =	vst.idx.msk $0xffff, v5  }
0x242: {  	s11 =	simm.s32 $0x3;
	[tilespmem:v8+s30+$0x0] =	vst.idx.msk $0xffff, v7  }
0x243: {  	v5 =	vmov s11;
	[tilespmem:v61+s30+$0x0] =	vst.idx.msk $0xffff, v9  }
0x244: {  	v5 =	vand.u32 $0x7F, v5;
	[tilespmem:v4+s30+$0x0] =	vst.idx.msk $0xffff, v11  }
0x245: {  	v7 =	vadd.s32 v0, v5;
	v6 =	vld [tilespmem:s0+$0x40]  }
0x246: {  	v62 =	vadd.s32 v1, v5;
	v8 =	vld [tilespmem:s0+$0x50]  }
0x247: {  	v63 =	vadd.s32 v2, v5;
	v10 =	vld [tilespmem:s0+$0x60];
	_ =	sdelay $0x1  }
0x248: {  	v5 =	vadd.s32 v3, v5;
	v4 =	vld [tilespmem:s0+$0x70]  }
0x249: {  	[tilespmem:v7+s30+$0x0] =	vst.idx.msk $0xffff, v6  }
0x24a: {  	s6 =	simm.s32 $0x4;
	[tilespmem:v62+s30+$0x0] =	vst.idx.msk $0xffff, v8  }
0x24b: {  	s7 =	simm.s32 $0x8;
	v6 =	vmov s6;
	[tilespmem:v63+s30+$0x0] =	vst.idx.msk $0xffff, v10  }
.LBB2_27:
0x24c: {  	p0 =	sne.s32 s7, $0x7C  }
0x24d: {  	v6 =	vand.u32 $0x7C, v6;
	[tilespmem:v5+s30+$0x0] =	vst.idx.msk $0xffff, v4;
	s0 =	sadd.s32 $0x100, s0;
	s8 =	smov.u32 s7;
	s7 =	sadd.s32 $0x4, s7  }
0x24e: {  	v4 =	vld [tilespmem:s0+$0xFFFFFF80];
	v5 =	vadd.s32 v0, v6  }
0x24f: {  	v8 =	vadd.s32 v1, v6;
	v7 =	vld [tilespmem:s0+$0xFFFFFF90]  }
0x250: {  	v10 =	vadd.s32 v2, v6;
	v9 =	vld [tilespmem:s0+$0xFFFFFFA0]  }
0x251: {  	v6 =	vadd.s32 v3, v6;
	v11 =	vld [tilespmem:s0+$0xFFFFFFB0];
	_ =	sdelay $0x1  }
0x252: {  	[tilespmem:v5+s30+$0x0] =	vst.idx.msk $0xffff, v4  }
0x253: {  	s9 =	sadd.s32 $0x1, s6;
	[tilespmem:v8+s30+$0x0] =	vst.idx.msk $0xffff, v7  }
0x254: {  	v4 =	vmov s9;
	[tilespmem:v10+s30+$0x0] =	vst.idx.msk $0xffff, v9  }
0x255: {  	v4 =	vand.u32 $0x7D, v4;
	[tilespmem:v6+s30+$0x0] =	vst.idx.msk $0xffff, v11  }
0x256: {  	v6 =	vadd.s32 v0, v4;
	v5 =	vld [tilespmem:s0+$0xFFFFFFC0]  }
0x257: {  	v8 =	vadd.s32 v1, v4;
	v7 =	vld [tilespmem:s0+$0xFFFFFFD0]  }
0x258: {  	v10 =	vadd.s32 v2, v4;
	v9 =	vld [tilespmem:s0+$0xFFFFFFE0]  }
0x259: {  	v4 =	vadd.s32 v3, v4;
	v11 =	vld [tilespmem:s0+$0xFFFFFFF0];
	_ =	sdelay $0x1  }
0x25a: {  	[tilespmem:v6+s30+$0x0] =	vst.idx.msk $0xffff, v5  }
0x25b: {  	s9 =	sadd.s32 $0x2, s6;
	[tilespmem:v8+s30+$0x0] =	vst.idx.msk $0xffff, v7  }
0x25c: {  	v5 =	vmov s9;
	[tilespmem:v10+s30+$0x0] =	vst.idx.msk $0xffff, v9  }
0x25d: {  	[tilespmem:v4+s30+$0x0] =	vst.idx.msk $0xffff, v11;
	v4 =	vand.u32 $0x7E, v5  }
0x25e: {  	v5 =	vld [tilespmem:s0+$0x0];
	v6 =	vadd.s32 v0, v4  }
0x25f: {  	v8 =	vadd.s32 v1, v4;
	v7 =	vld [tilespmem:s0+$0x10]  }
0x260: {  	v10 =	vadd.s32 v2, v4;
	v9 =	vld [tilespmem:s0+$0x20]  }
0x261: {  	v4 =	vadd.s32 v3, v4;
	v11 =	vld [tilespmem:s0+$0x30];
	_ =	sdelay $0x1  }
0x262: {  	[tilespmem:v6+s30+$0x0] =	vst.idx.msk $0xffff, v5  }
0x263: {  	s9 =	sadd.s32 $0x3, s6;
	s6 =	smov.u32 s8;
	[tilespmem:v8+s30+$0x0] =	vst.idx.msk $0xffff, v7  }
0x264: {  	v5 =	vmov s9;
	[tilespmem:v10+s30+$0x0] =	vst.idx.msk $0xffff, v9  }
0x265: {  	v5 =	vand.u32 $0x7F, v5;
	[tilespmem:v4+s30+$0x0] =	vst.idx.msk $0xffff, v11  }
0x266: {  	v7 =	vadd.s32 v0, v5;
	v6 =	vld [tilespmem:s0+$0x40]  }
0x267: {  	v9 =	vadd.s32 v1, v5;
	v8 =	vld [tilespmem:s0+$0x50]  }
0x268: {  	v11 =	vadd.s32 v2, v5;
	v10 =	vld [tilespmem:s0+$0x60]  }
.Ltmp17:
0x269: {  	v5 =	vadd.s32 v3, v5;
	v4 =	vld [tilespmem:s0+$0x70];
	(pc) =	sbr.rel @p0 .LBB2_27-.Ltmp17, $4  }
0x26a: {  	_ = 	snop  }
0x26b: {  	[tilespmem:v7+s30+$0x0] =	vst.idx.msk $0xffff, v6  }
0x26c: {  	[tilespmem:v9+s30+$0x0] =	vst.idx.msk $0xffff, v8  }
0x26d: {  	v6 =	vmov s6;
	[tilespmem:v11+s30+$0x0] =	vst.idx.msk $0xffff, v10  }
0x26e: {  	_ =	sdelay $0x3  }
0x26f: {  	v6 =	vand.u32 $0x7C, v6;
	[tilespmem:v5+s30+$0x0] =	vst.idx.msk $0xffff, v4;
	s0 =	sadd.s32 $0x100, s0  }
0x270: {  	v4 =	vld [tilespmem:s0+$0xFFFFFF80];
	v5 =	vadd.s32 v0, v6  }
0x271: {  	v7 =	vld [tilespmem:s0+$0xFFFFFF90];
	v8 =	vadd.s32 v1, v6  }
0x272: {  	v9 =	vld [tilespmem:s0+$0xFFFFFFA0];
	v10 =	vadd.s32 v2, v6  }
0x273: {  	v11 =	vld [tilespmem:s0+$0xFFFFFFB0];
	v6 =	vadd.s32 v3, v6;
	_ =	sdelay $0x1  }
0x274: {  	[tilespmem:v5+s30+$0x0] =	vst.idx.msk $0xffff, v4  }
0x275: {  	s7 =	sadd.s32 $0x1, s6;
	[tilespmem:v8+s30+$0x0] =	vst.idx.msk $0xffff, v7  }
0x276: {  	v4 =	vmov s7;
	[tilespmem:v10+s30+$0x0] =	vst.idx.msk $0xffff, v9  }
0x277: {  	v4 =	vand.u32 $0x7D, v4;
	[tilespmem:v6+s30+$0x0] =	vst.idx.msk $0xffff, v11  }
0x278: {  	v55 =	vadd.s32 v0, v4;
	v5 =	vld [tilespmem:s0+$0xFFFFFFC0]  }
0x279: {  	v56 =	vadd.s32 v1, v4;
	v7 =	vld [tilespmem:s0+$0xFFFFFFD0]  }
0x27a: {  	v57 =	vadd.s32 v2, v4;
	v9 =	vld [tilespmem:s0+$0xFFFFFFE0]  }
0x27b: {  	v4 =	vadd.s32 v3, v4;
	v11 =	vld [tilespmem:s0+$0xFFFFFFF0];
	_ =	sdelay $0x1  }
0x27c: {  	[tilespmem:v55+s30+$0x0] =	vst.idx.msk $0xffff, v5  }
0x27d: {  	s10 =	sadd.s32 $0x2, s6;
	[tilespmem:v56+s30+$0x0] =	vst.idx.msk $0xffff, v7  }
0x27e: {  	v5 =	vmov s10;
	[tilespmem:v57+s30+$0x0] =	vst.idx.msk $0xffff, v9  }
0x27f: {  	[tilespmem:v4+s30+$0x0] =	vst.idx.msk $0xffff, v11;
	v4 =	vand.u32 $0x7E, v5  }
0x280: {  	v5 =	vld [tilespmem:s0+$0x0];
	v58 =	vadd.s32 v0, v4  }
0x281: {  	v7 =	vld [tilespmem:s0+$0x10];
	v59 =	vadd.s32 v1, v4  }
0x282: {  	v9 =	vld [tilespmem:s0+$0x20];
	v60 =	vadd.s32 v2, v4  }
0x283: {  	v11 =	vld [tilespmem:s0+$0x30];
	v4 =	vadd.s32 v3, v4;
	_ =	sdelay $0x1  }
0x284: {  	[tilespmem:v58+s30+$0x0] =	vst.idx.msk $0xffff, v5  }
0x285: {  	s11 =	sadd.s32 $0x3, s6;
	[tilespmem:v59+s30+$0x0] =	vst.idx.msk $0xffff, v7  }
0x286: {  	v5 =	vmov s11;
	[tilespmem:v60+s30+$0x0] =	vst.idx.msk $0xffff, v9  }
0x287: {  	[tilespmem:v4+s30+$0x0] =	vst.idx.msk $0xffff, v11;
	v4 =	vand.u32 $0x7F, v5  }
0x288: {  	v5 =	vld [tilespmem:s0+$0x40];
	v61 =	vadd.s32 v0, v4  }
0x289: {  	v7 =	vld [tilespmem:s0+$0x50];
	v62 =	vadd.s32 v1, v4  }
0x28a: {  	v9 =	vld [tilespmem:s0+$0x60];
	v63 =	vadd.s32 v2, v4  }
0x28b: {  	v11 =	vld [tilespmem:s0+$0x70];
	v4 =	vadd.s32 v3, v4;
	_ =	sdelay $0x1  }
0x28c: {  	[tilespmem:v61+s30+$0x0] =	vst.idx.msk $0xffff, v5  }
0x28d: {  	[tilespmem:v62+s30+$0x0] =	vst.idx.msk $0xffff, v7  }
0x28e: {  	s6 =	rddreg [dreg:$0x7];
	[tilespmem:v63+s30+$0x0] =	vst.idx.msk $0xffff, v9  }
0x28f: {  	s6 =	sadd.s32 s2, s6;
	s7 =	simm.s32 $0x1CA00;
	[tilespmem:v4+s30+$0x0] =	vst.idx.msk $0xffff, v11  }
0x290: {  	[hbm4b:s6+s3] =	stream.linear.scatter [tilespmem:s7], [sflag:$0xC], $0x80, $0x38;
	[tilespmem:$0x1EC00] =	vst v63  }
0x291: {  	s8 =	simm.s32 $0x1CA88;
	s9 =	sadd.s32 $0x10, s6  }
0x292: {  	[hbm4b:s9+s3] =	stream.linear.scatter [tilespmem:s8], [sflag:$0xC], $0x80, $0x38;
	[tilespmem:$0x1EC00] =	vst v63  }
0x293: {  	s10 =	simm.s32 $0x1CB10;
	s11 =	sadd.s32 $0x20, s6;
	s0 =	simm.s32 $0x440  }
0x294: {  	[hbm4b:s11+s3] =	stream.linear.scatter [tilespmem:s10], [sflag:$0xC], $0x80, $0x38;
	[tilespmem:$0x1EC00] =	vst v63  }
0x295: {  	s7 =	simm.s32 $0x2200;
	s8 =	simm.s32 $0x1CB98;
	s9 =	sadd.s32 $0x30, s6  }
0x296: {  	[hbm4b:s9+s3] =	stream.linear.scatter [tilespmem:s8], [sflag:$0xC], $0x80, $0x38;
	[tilespmem:$0x1EC00] =	vst v63  }
0x297: {  	s10 =	simm.s32 $0x1CC20;
	s11 =	sadd.s32 $0x40, s6;
	s8 =	simm.s32 $0x1CCA8  }
0x298: {  	[hbm4b:s11+s3] =	stream.linear.scatter [tilespmem:s10], [sflag:$0xC], $0x80, $0x38;
	[tilespmem:$0x1EC00] =	vst v63  }
0x299: {  	s9 =	sadd.s32 $0x50, s6;
	s10 =	simm.s32 $0x1CD30;
	s11 =	sadd.s32 $0x60, s6  }
0x29a: {  	[hbm4b:s9+s3] =	stream.linear.scatter [tilespmem:s8], [sflag:$0xC], $0x80, $0x38;
	[tilespmem:$0x1EC00] =	vst v63  }
0x29b: {  	s8 =	simm.s32 $0x1CDB8;
	s9 =	sadd.s32 $0x70, s6;
	s6 =	sadd.s32 $0x1000, s6  }
0x29c: {  	[hbm4b:s11+s3] =	stream.linear.scatter [tilespmem:s10], [sflag:$0xC], $0x80, $0x38;
	[tilespmem:$0x1EC00] =	vst v63  }
.LBB2_29:
0x29d: {  	[hbm4b:s9+s3] =	stream.linear.scatter [tilespmem:s8], [sflag:$0xC], $0x80, $0x38;
	[tilespmem:$0x1EC00] =	vst v63  }
0x29e: {  	s8 =	smov.u32 s0;
	s0 =	smov.u32 s7  }
0x29f: {  	s10 =	sadd.s32 $0x1100, s7;
	s0 =	sshra.s32 s0, $0x2;
	s9 =	sadd.s32 $0x1CA00, s8  }
0x2a0: {  	[hbm4b:s6+s3] =	stream.linear.scatter [tilespmem:s9], [sflag:$0xC], $0x80, $0x38;
	[tilespmem:$0x1EC00] =	vst v63  }
0x2a1: {  	p0 =	sne.s32 s7, $0x7700;
	s7 =	sadd.s32 $0x1CA88, s8;
	s9 =	sadd.s32 $0x10, s6  }
0x2a2: {  	[hbm4b:s9+s3] =	stream.linear.scatter [tilespmem:s7], [sflag:$0xC], $0x80, $0x38;
	[tilespmem:$0x1EC00] =	vst v63  }
0x2a3: {  	s7 =	sadd.s32 $0x1CB10, s8;
	s9 =	sadd.s32 $0x20, s6  }
0x2a4: {  	[hbm4b:s9+s3] =	stream.linear.scatter [tilespmem:s7], [sflag:$0xC], $0x80, $0x38;
	[tilespmem:$0x1EC00] =	vst v63  }
0x2a5: {  	s7 =	sadd.s32 $0x1CB98, s8;
	s9 =	sadd.s32 $0x30, s6  }
0x2a6: {  	[hbm4b:s9+s3] =	stream.linear.scatter [tilespmem:s7], [sflag:$0xC], $0x80, $0x38;
	[tilespmem:$0x1EC00] =	vst v63  }
0x2a7: {  	s7 =	sadd.s32 $0x1CC20, s8;
	s9 =	sadd.s32 $0x40, s6  }
0x2a8: {  	[hbm4b:s9+s3] =	stream.linear.scatter [tilespmem:s7], [sflag:$0xC], $0x80, $0x38;
	[tilespmem:$0x1EC00] =	vst v63  }
.Ltmp18:
0x2a9: {  	s7 =	sadd.s32 $0x1CCA8, s8;
	s9 =	sadd.s32 $0x50, s6;
	(pc) =	sbr.rel @p0 .LBB2_29-.Ltmp18, $4  }
0x2aa: {  	[hbm4b:s9+s3] =	stream.linear.scatter [tilespmem:s7], [sflag:$0xC], $0x80, $0x38;
	[tilespmem:$0x1EC00] =	vst v63  }
0x2ab: {  	s7 =	sadd.s32 $0x1CD30, s8;
	s9 =	sadd.s32 $0x60, s6;
	s8 =	sadd.s32 $0x1CDB8, s8  }
0x2ac: {  	[hbm4b:s9+s3] =	stream.linear.scatter [tilespmem:s7], [sflag:$0xC], $0x80, $0x38;
	[tilespmem:$0x1EC00] =	vst v63  }
0x2ad: {  	s9 =	sadd.s32 $0x70, s6;
	s6 =	sadd.s32 $0x1000, s6;
	s7 =	smov.u32 s10  }
0x2ae: {  	[hbm4b:s9+s3] =	stream.linear.scatter [tilespmem:s8], [sflag:$0xC], $0x80, $0x38;
	[tilespmem:$0x1EC00] =	vst v63  }
0x2af: {  	s7 =	sadd.s32 $0x1CA00, s0  }
0x2b0: {  	[hbm4b:s6+s3] =	stream.linear.scatter [tilespmem:s7], [sflag:$0xC], $0x80, $0x38;
	[tilespmem:$0x1EC00] =	vst v63  }
0x2b1: {  	s10 =	sadd.s32 $0x1CA88, s0;
	s11 =	sadd.s32 $0x10, s6  }
0x2b2: {  	[hbm4b:s11+s3] =	stream.linear.scatter [tilespmem:s10], [sflag:$0xC], $0x80, $0x38;
	[tilespmem:$0x1EC00] =	vst v63  }
0x2b3: {  	s8 =	sadd.s32 $0x1CB10, s0;
	s9 =	sadd.s32 $0x20, s6  }
0x2b4: {  	[hbm4b:s9+s3] =	stream.linear.scatter [tilespmem:s8], [sflag:$0xC], $0x80, $0x38;
	[tilespmem:$0x1EC00] =	vst v63  }
0x2b5: {  	s10 =	sadd.s32 $0x1CB98, s0;
	s11 =	sadd.s32 $0x30, s6  }
0x2b6: {  	[hbm4b:s11+s3] =	stream.linear.scatter [tilespmem:s10], [sflag:$0xC], $0x80, $0x38;
	[tilespmem:$0x1EC00] =	vst v63  }
0x2b7: {  	s8 =	sadd.s32 $0x1CC20, s0;
	s9 =	sadd.s32 $0x40, s6  }
0x2b8: {  	[hbm4b:s9+s3] =	stream.linear.scatter [tilespmem:s8], [sflag:$0xC], $0x80, $0x38;
	[tilespmem:$0x1EC00] =	vst v63  }
0x2b9: {  	s10 =	sadd.s32 $0x1CCA8, s0;
	s11 =	sadd.s32 $0x50, s6  }
0x2ba: {  	[hbm4b:s11+s3] =	stream.linear.scatter [tilespmem:s10], [sflag:$0xC], $0x80, $0x38;
	[tilespmem:$0x1EC00] =	vst v63  }
0x2bb: {  	p0 =	seq.s32 s19, $0x18;
	s9 =	sadd.s32 $0x1CD30, s0;
	s10 =	sadd.s32 $0x60, s6  }
0x2bc: {  	[hbm4b:s10+s3] =	stream.linear.scatter [tilespmem:s9], [sflag:$0xC], $0x80, $0x38;
	[tilespmem:$0x1EC00] =	vst v63  }
0x2bd: {  	s7 =	sadd.s32 $0x70, s6;
	s11 =	sadd.s32 $0x1CDB8, s0;
	s0 =	sshrl.u32 @!p0 s21, $0x2  }
0x2be: {  	[hbm4b:s7+s3] =	stream.linear.scatter [tilespmem:s11], [sflag:$0xC], $0x80, $0x38;
	[tilespmem:$0x1EC00] =	vst v63  }
0x2bf: {  	s8 =	simm.s32 @!p0 $0xC400;
	s6 =	sadd.s32 @!p0 $0x580, s0;
	s7 =	simm.s32 @!p0 $0x80  }
0x2c0: {  	[tilespmem:s8], [sflag:$0x4] =	stream.indirect.gather @!p0 [hbm4b:s4+s7], $0x40, s6, s7, $0xb8;
	[tilespmem:$0x1EC00] =	vst v63  }
0x2c1: {  	_ =	swait.ge [sflag:s31], $0x2000  }
0x2c2: {  	[sflag:s31] =	ssyncset.done $0x0  }
0x2c3: {  	[sflag:s31] =	ssyncadd.s32 $0xFFFFE000  }
0x2c4: {  	s8 =	simm.s32 $0x0;
	_ =	swait.ge [sflag:s5], $0x2000  }
0x2c5: {  	v4 =	vmov s8;
	[sflag:s5] =	ssyncset.done $0x0  }
0x2c6: {  	s6 =	simm.s32 $0xE480;
	v4 =	vand.u32 $0x7C, v4;
	[sflag:s5] =	ssyncadd.s32 $0xFFFFE000  }
0x2c7: {  	v6 =	vadd.s32 v0, v4;
	v5 =	vld [tilespmem:s6+$0xFFFFFF80]  }
0x2c8: {  	v8 =	vadd.s32 v1, v4;
	v7 =	vld [tilespmem:s6+$0xFFFFFF90]  }
0x2c9: {  	v10 =	vadd.s32 v2, v4;
	v9 =	vld [tilespmem:s6+$0xFFFFFFA0]  }
0x2ca: {  	v4 =	vadd.s32 v3, v4;
	v11 =	vld [tilespmem:s6+$0xFFFFFFB0];
	_ =	sdelay $0x1  }
0x2cb: {  	[tilespmem:v6+s16+$0x0] =	vst.idx.msk $0xffff, v5  }
0x2cc: {  	s9 =	simm.s32 $0x1;
	[tilespmem:v8+s16+$0x0] =	vst.idx.msk $0xffff, v7  }
0x2cd: {  	v5 =	vmov s9;
	[tilespmem:v10+s16+$0x0] =	vst.idx.msk $0xffff, v9  }
0x2ce: {  	[tilespmem:v4+s16+$0x0] =	vst.idx.msk $0xffff, v11;
	v4 =	vand.u32 $0x7D, v5  }
0x2cf: {  	v5 =	vld [tilespmem:s6+$0xFFFFFFC0];
	v6 =	vadd.s32 v0, v4  }
0x2d0: {  	v7 =	vld [tilespmem:s6+$0xFFFFFFD0];
	v8 =	vadd.s32 v1, v4  }
0x2d1: {  	v9 =	vld [tilespmem:s6+$0xFFFFFFE0];
	v60 =	vadd.s32 v2, v4  }
0x2d2: {  	v11 =	vld [tilespmem:s6+$0xFFFFFFF0];
	v4 =	vadd.s32 v3, v4;
	_ =	sdelay $0x1  }
0x2d3: {  	[tilespmem:v6+s16+$0x0] =	vst.idx.msk $0xffff, v5  }
0x2d4: {  	s10 =	simm.s32 $0x2;
	[tilespmem:v8+s16+$0x0] =	vst.idx.msk $0xffff, v7  }
0x2d5: {  	v5 =	vmov s10;
	[tilespmem:v60+s16+$0x0] =	vst.idx.msk $0xffff, v9  }
0x2d6: {  	[tilespmem:v4+s16+$0x0] =	vst.idx.msk $0xffff, v11;
	v4 =	vand.u32 $0x7E, v5  }
0x2d7: {  	v5 =	vld [tilespmem:s6+$0x0];
	v6 =	vadd.s32 v0, v4  }
0x2d8: {  	v7 =	vld [tilespmem:s6+$0x10];
	v8 =	vadd.s32 v1, v4  }
0x2d9: {  	v9 =	vld [tilespmem:s6+$0x20];
	v61 =	vadd.s32 v2, v4  }
0x2da: {  	v11 =	vld [tilespmem:s6+$0x30];
	v4 =	vadd.s32 v3, v4;
	_ =	sdelay $0x1  }
0x2db: {  	[tilespmem:v6+s16+$0x0] =	vst.idx.msk $0xffff, v5  }
0x2dc: {  	s11 =	simm.s32 $0x3;
	[tilespmem:v8+s16+$0x0] =	vst.idx.msk $0xffff, v7  }
0x2dd: {  	v5 =	vmov s11;
	[tilespmem:v61+s16+$0x0] =	vst.idx.msk $0xffff, v9  }
0x2de: {  	v5 =	vand.u32 $0x7F, v5;
	[tilespmem:v4+s16+$0x0] =	vst.idx.msk $0xffff, v11  }
0x2df: {  	v7 =	vadd.s32 v0, v5;
	v6 =	vld [tilespmem:s6+$0x40]  }
0x2e0: {  	v62 =	vadd.s32 v1, v5;
	v8 =	vld [tilespmem:s6+$0x50]  }
0x2e1: {  	v63 =	vadd.s32 v2, v5;
	v10 =	vld [tilespmem:s6+$0x60];
	_ =	sdelay $0x1  }
0x2e2: {  	v5 =	vadd.s32 v3, v5;
	v4 =	vld [tilespmem:s6+$0x70]  }
0x2e3: {  	[tilespmem:v7+s16+$0x0] =	vst.idx.msk $0xffff, v6  }
0x2e4: {  	s7 =	simm.s32 $0x4;
	[tilespmem:v62+s16+$0x0] =	vst.idx.msk $0xffff, v8  }
0x2e5: {  	s8 =	simm.s32 $0x8;
	v6 =	vmov s7;
	[tilespmem:v63+s16+$0x0] =	vst.idx.msk $0xffff, v10  }
.LBB2_31:
0x2e6: {  	p1 =	sne.s32 s8, $0x7C  }
0x2e7: {  	v6 =	vand.u32 $0x7C, v6;
	[tilespmem:v5+s16+$0x0] =	vst.idx.msk $0xffff, v4;
	s6 =	sadd.s32 $0x100, s6;
	s9 =	smov.u32 s8;
	s8 =	sadd.s32 $0x4, s8  }
0x2e8: {  	v4 =	vld [tilespmem:s6+$0xFFFFFF80];
	v5 =	vadd.s32 v0, v6  }
0x2e9: {  	v8 =	vadd.s32 v1, v6;
	v7 =	vld [tilespmem:s6+$0xFFFFFF90]  }
0x2ea: {  	v10 =	vadd.s32 v2, v6;
	v9 =	vld [tilespmem:s6+$0xFFFFFFA0]  }
0x2eb: {  	v6 =	vadd.s32 v3, v6;
	v11 =	vld [tilespmem:s6+$0xFFFFFFB0];
	_ =	sdelay $0x1  }
0x2ec: {  	[tilespmem:v5+s16+$0x0] =	vst.idx.msk $0xffff, v4  }
0x2ed: {  	s10 =	sadd.s32 $0x1, s7;
	[tilespmem:v8+s16+$0x0] =	vst.idx.msk $0xffff, v7  }
0x2ee: {  	v4 =	vmov s10;
	[tilespmem:v10+s16+$0x0] =	vst.idx.msk $0xffff, v9  }
0x2ef: {  	v4 =	vand.u32 $0x7D, v4;
	[tilespmem:v6+s16+$0x0] =	vst.idx.msk $0xffff, v11  }
0x2f0: {  	v6 =	vadd.s32 v0, v4;
	v5 =	vld [tilespmem:s6+$0xFFFFFFC0]  }
0x2f1: {  	v8 =	vadd.s32 v1, v4;
	v7 =	vld [tilespmem:s6+$0xFFFFFFD0]  }
0x2f2: {  	v10 =	vadd.s32 v2, v4;
	v9 =	vld [tilespmem:s6+$0xFFFFFFE0]  }
0x2f3: {  	v4 =	vadd.s32 v3, v4;
	v11 =	vld [tilespmem:s6+$0xFFFFFFF0];
	_ =	sdelay $0x1  }
0x2f4: {  	[tilespmem:v6+s16+$0x0] =	vst.idx.msk $0xffff, v5  }
0x2f5: {  	s10 =	sadd.s32 $0x2, s7;
	[tilespmem:v8+s16+$0x0] =	vst.idx.msk $0xffff, v7  }
0x2f6: {  	v5 =	vmov s10;
	[tilespmem:v10+s16+$0x0] =	vst.idx.msk $0xffff, v9  }
0x2f7: {  	[tilespmem:v4+s16+$0x0] =	vst.idx.msk $0xffff, v11;
	v4 =	vand.u32 $0x7E, v5  }
0x2f8: {  	v5 =	vld [tilespmem:s6+$0x0];
	v6 =	vadd.s32 v0, v4  }
0x2f9: {  	v8 =	vadd.s32 v1, v4;
	v7 =	vld [tilespmem:s6+$0x10]  }
0x2fa: {  	v10 =	vadd.s32 v2, v4;
	v9 =	vld [tilespmem:s6+$0x20]  }
0x2fb: {  	v4 =	vadd.s32 v3, v4;
	v11 =	vld [tilespmem:s6+$0x30];
	_ =	sdelay $0x1  }
0x2fc: {  	[tilespmem:v6+s16+$0x0] =	vst.idx.msk $0xffff, v5  }
0x2fd: {  	s10 =	sadd.s32 $0x3, s7;
	s7 =	smov.u32 s9;
	[tilespmem:v8+s16+$0x0] =	vst.idx.msk $0xffff, v7  }
0x2fe: {  	v5 =	vmov s10;
	[tilespmem:v10+s16+$0x0] =	vst.idx.msk $0xffff, v9  }
0x2ff: {  	v5 =	vand.u32 $0x7F, v5;
	[tilespmem:v4+s16+$0x0] =	vst.idx.msk $0xffff, v11  }
0x300: {  	v7 =	vadd.s32 v0, v5;
	v6 =	vld [tilespmem:s6+$0x40]  }
0x301: {  	v9 =	vadd.s32 v1, v5;
	v8 =	vld [tilespmem:s6+$0x50]  }
0x302: {  	v11 =	vadd.s32 v2, v5;
	v10 =	vld [tilespmem:s6+$0x60]  }
.Ltmp19:
0x303: {  	v5 =	vadd.s32 v3, v5;
	v4 =	vld [tilespmem:s6+$0x70];
	(pc) =	sbr.rel @p1 .LBB2_31-.Ltmp19, $4  }
0x304: {  	_ = 	snop  }
0x305: {  	[tilespmem:v7+s16+$0x0] =	vst.idx.msk $0xffff, v6  }
0x306: {  	[tilespmem:v9+s16+$0x0] =	vst.idx.msk $0xffff, v8  }
0x307: {  	v6 =	vmov s7;
	[tilespmem:v11+s16+$0x0] =	vst.idx.msk $0xffff, v10  }
0x308: {  	_ =	sdelay $0x3  }
0x309: {  	v6 =	vand.u32 $0x7C, v6;
	[tilespmem:v5+s16+$0x0] =	vst.idx.msk $0xffff, v4;
	s6 =	sadd.s32 $0x100, s6  }
0x30a: {  	v4 =	vld [tilespmem:s6+$0xFFFFFF80];
	v5 =	vadd.s32 v0, v6  }
0x30b: {  	v7 =	vld [tilespmem:s6+$0xFFFFFF90];
	v8 =	vadd.s32 v1, v6  }
0x30c: {  	v9 =	vld [tilespmem:s6+$0xFFFFFFA0];
	v10 =	vadd.s32 v2, v6  }
0x30d: {  	v11 =	vld [tilespmem:s6+$0xFFFFFFB0];
	v6 =	vadd.s32 v3, v6;
	_ =	sdelay $0x1  }
0x30e: {  	[tilespmem:v5+s16+$0x0] =	vst.idx.msk $0xffff, v4  }
0x30f: {  	s8 =	sadd.s32 $0x1, s7;
	[tilespmem:v8+s16+$0x0] =	vst.idx.msk $0xffff, v7  }
0x310: {  	v4 =	vmov s8;
	[tilespmem:v10+s16+$0x0] =	vst.idx.msk $0xffff, v9  }
0x311: {  	v4 =	vand.u32 $0x7D, v4;
	[tilespmem:v6+s16+$0x0] =	vst.idx.msk $0xffff, v11  }
0x312: {  	v55 =	vadd.s32 v0, v4;
	v5 =	vld [tilespmem:s6+$0xFFFFFFC0]  }
0x313: {  	v56 =	vadd.s32 v1, v4;
	v7 =	vld [tilespmem:s6+$0xFFFFFFD0]  }
0x314: {  	v57 =	vadd.s32 v2, v4;
	v9 =	vld [tilespmem:s6+$0xFFFFFFE0]  }
0x315: {  	v4 =	vadd.s32 v3, v4;
	v11 =	vld [tilespmem:s6+$0xFFFFFFF0];
	_ =	sdelay $0x1  }
0x316: {  	[tilespmem:v55+s16+$0x0] =	vst.idx.msk $0xffff, v5  }
0x317: {  	s11 =	sadd.s32 $0x2, s7;
	[tilespmem:v56+s16+$0x0] =	vst.idx.msk $0xffff, v7  }
0x318: {  	v5 =	vmov s11;
	[tilespmem:v57+s16+$0x0] =	vst.idx.msk $0xffff, v9  }
0x319: {  	[tilespmem:v4+s16+$0x0] =	vst.idx.msk $0xffff, v11;
	v4 =	vand.u32 $0x7E, v5  }
0x31a: {  	v5 =	vld [tilespmem:s6+$0x0];
	v58 =	vadd.s32 v0, v4  }
0x31b: {  	v7 =	vld [tilespmem:s6+$0x10];
	v59 =	vadd.s32 v1, v4  }
0x31c: {  	v9 =	vld [tilespmem:s6+$0x20];
	v60 =	vadd.s32 v2, v4  }
0x31d: {  	v11 =	vld [tilespmem:s6+$0x30];
	v4 =	vadd.s32 v3, v4;
	_ =	sdelay $0x1  }
0x31e: {  	[tilespmem:v58+s16+$0x0] =	vst.idx.msk $0xffff, v5  }
0x31f: {  	s9 =	sadd.s32 $0x3, s7;
	[tilespmem:v59+s16+$0x0] =	vst.idx.msk $0xffff, v7  }
0x320: {  	v5 =	vmov s9;
	[tilespmem:v60+s16+$0x0] =	vst.idx.msk $0xffff, v9  }
0x321: {  	[tilespmem:v4+s16+$0x0] =	vst.idx.msk $0xffff, v11;
	v4 =	vand.u32 $0x7F, v5  }
0x322: {  	v5 =	vld [tilespmem:s6+$0x40];
	v61 =	vadd.s32 v0, v4  }
0x323: {  	v7 =	vld [tilespmem:s6+$0x50];
	v62 =	vadd.s32 v1, v4  }
0x324: {  	v9 =	vld [tilespmem:s6+$0x60];
	v63 =	vadd.s32 v2, v4  }
0x325: {  	v11 =	vld [tilespmem:s6+$0x70];
	v4 =	vadd.s32 v3, v4;
	_ =	sdelay $0x1  }
0x326: {  	[tilespmem:v61+s16+$0x0] =	vst.idx.msk $0xffff, v5  }
0x327: {  	[tilespmem:v62+s16+$0x0] =	vst.idx.msk $0xffff, v7  }
0x328: {  	s10 =	rddreg [dreg:$0x8];
	[tilespmem:v63+s16+$0x0] =	vst.idx.msk $0xffff, v9  }
0x329: {  	s7 =	sadd.s32 s2, s10;
	s11 =	simm.s32 $0x16400;
	[tilespmem:v4+s16+$0x0] =	vst.idx.msk $0xffff, v11  }
0x32a: {  	[hbm4b:s7+s3] =	stream.linear.scatter [tilespmem:s11], [sflag:$0x9], $0x80, $0x38;
	[tilespmem:$0x1EC00] =	vst v63  }
0x32b: {  	s8 =	simm.s32 $0x16488;
	s9 =	sadd.s32 $0x10, s7  }
0x32c: {  	[hbm4b:s9+s3] =	stream.linear.scatter [tilespmem:s8], [sflag:$0x9], $0x80, $0x38;
	[tilespmem:$0x1EC00] =	vst v63  }
0x32d: {  	s10 =	simm.s32 $0x16510;
	s11 =	sadd.s32 $0x20, s7  }
0x32e: {  	[hbm4b:s11+s3] =	stream.linear.scatter [tilespmem:s10], [sflag:$0x9], $0x80, $0x38;
	[tilespmem:$0x1EC00] =	vst v63  }
0x32f: {  	s8 =	simm.s32 $0x16598;
	s9 =	sadd.s32 $0x30, s7  }
0x330: {  	[hbm4b:s9+s3] =	stream.linear.scatter [tilespmem:s8], [sflag:$0x9], $0x80, $0x38;
	[tilespmem:$0x1EC00] =	vst v63  }
0x331: {  	s10 =	simm.s32 $0x16620;
	s11 =	sadd.s32 $0x40, s7  }
0x332: {  	[hbm4b:s11+s3] =	stream.linear.scatter [tilespmem:s10], [sflag:$0x9], $0x80, $0x38;
	[tilespmem:$0x1EC00] =	vst v63  }
0x333: {  	s6 =	simm.s32 $0x440;
	s8 =	simm.s32 $0x166A8;
	s9 =	sadd.s32 $0x50, s7  }
0x334: {  	[hbm4b:s9+s3] =	stream.linear.scatter [tilespmem:s8], [sflag:$0x9], $0x80, $0x38;
	[tilespmem:$0x1EC00] =	vst v63  }
0x335: {  	s10 =	simm.s32 $0x16730;
	s11 =	sadd.s32 $0x60, s7;
	s8 =	simm.s32 $0x2200  }
0x336: {  	[hbm4b:s11+s3] =	stream.linear.scatter [tilespmem:s10], [sflag:$0x9], $0x80, $0x38;
	[tilespmem:$0x1EC00] =	vst v63  }
0x337: {  	s9 =	simm.s32 $0x167B8;
	s10 =	sadd.s32 $0x70, s7;
	s7 =	sadd.s32 $0x1000, s7  }
.LBB2_33:
0x338: {  	[hbm4b:s10+s3] =	stream.linear.scatter [tilespmem:s9], [sflag:$0x9], $0x80, $0x38;
	[tilespmem:$0x1EC00] =	vst v63  }
0x339: {  	s9 =	smov.u32 s6;
	s6 =	smov.u32 s8  }
0x33a: {  	s11 =	sadd.s32 $0x1100, s8;
	s6 =	sshra.s32 s6, $0x2;
	s10 =	sadd.s32 $0x16400, s9  }
0x33b: {  	[hbm4b:s7+s3] =	stream.linear.scatter [tilespmem:s10], [sflag:$0x9], $0x80, $0x38;
	[tilespmem:$0x1EC00] =	vst v63  }
0x33c: {  	p1 =	sne.s32 s8, $0x7700;
	s8 =	sadd.s32 $0x16488, s9;
	s10 =	sadd.s32 $0x10, s7  }
0x33d: {  	[hbm4b:s10+s3] =	stream.linear.scatter [tilespmem:s8], [sflag:$0x9], $0x80, $0x38;
	[tilespmem:$0x1EC00] =	vst v63  }
0x33e: {  	s8 =	sadd.s32 $0x16510, s9;
	s10 =	sadd.s32 $0x20, s7  }
0x33f: {  	[hbm4b:s10+s3] =	stream.linear.scatter [tilespmem:s8], [sflag:$0x9], $0x80, $0x38;
	[tilespmem:$0x1EC00] =	vst v63  }
0x340: {  	s8 =	sadd.s32 $0x16598, s9;
	s10 =	sadd.s32 $0x30, s7  }
0x341: {  	[hbm4b:s10+s3] =	stream.linear.scatter [tilespmem:s8], [sflag:$0x9], $0x80, $0x38;
	[tilespmem:$0x1EC00] =	vst v63  }
0x342: {  	s8 =	sadd.s32 $0x16620, s9;
	s10 =	sadd.s32 $0x40, s7  }
0x343: {  	[hbm4b:s10+s3] =	stream.linear.scatter [tilespmem:s8], [sflag:$0x9], $0x80, $0x38;
	[tilespmem:$0x1EC00] =	vst v63  }
.Ltmp20:
0x344: {  	s8 =	sadd.s32 $0x166A8, s9;
	s10 =	sadd.s32 $0x50, s7;
	(pc) =	sbr.rel @p1 .LBB2_33-.Ltmp20, $4  }
0x345: {  	[hbm4b:s10+s3] =	stream.linear.scatter [tilespmem:s8], [sflag:$0x9], $0x80, $0x38;
	[tilespmem:$0x1EC00] =	vst v63  }
0x346: {  	s8 =	sadd.s32 $0x16730, s9;
	s10 =	sadd.s32 $0x60, s7;
	s9 =	sadd.s32 $0x167B8, s9  }
0x347: {  	[hbm4b:s10+s3] =	stream.linear.scatter [tilespmem:s8], [sflag:$0x9], $0x80, $0x38;
	[tilespmem:$0x1EC00] =	vst v63  }
0x348: {  	s10 =	sadd.s32 $0x70, s7;
	s7 =	sadd.s32 $0x1000, s7;
	s8 =	smov.u32 s11  }
0x349: {  	[hbm4b:s10+s3] =	stream.linear.scatter [tilespmem:s9], [sflag:$0x9], $0x80, $0x38;
	[tilespmem:$0x1EC00] =	vst v63  }
0x34a: {  	s8 =	sadd.s32 $0x16400, s6  }
0x34b: {  	[hbm4b:s7+s3] =	stream.linear.scatter [tilespmem:s8], [sflag:$0x9], $0x80, $0x38;
	[tilespmem:$0x1EC00] =	vst v63  }
0x34c: {  	s10 =	sadd.s32 $0x16488, s6;
	s11 =	sadd.s32 $0x10, s7  }
0x34d: {  	[hbm4b:s11+s3] =	stream.linear.scatter [tilespmem:s10], [sflag:$0x9], $0x80, $0x38;
	[tilespmem:$0x1EC00] =	vst v63  }
0x34e: {  	s10 =	sadd.s32 $0x16510, s6;
	s11 =	sadd.s32 $0x20, s7  }
0x34f: {  	[hbm4b:s11+s3] =	stream.linear.scatter [tilespmem:s10], [sflag:$0x9], $0x80, $0x38;
	[tilespmem:$0x1EC00] =	vst v63  }
0x350: {  	s10 =	sadd.s32 $0x16598, s6;
	s11 =	sadd.s32 $0x30, s7  }
0x351: {  	[hbm4b:s11+s3] =	stream.linear.scatter [tilespmem:s10], [sflag:$0x9], $0x80, $0x38;
	[tilespmem:$0x1EC00] =	vst v63  }
0x352: {  	s10 =	sadd.s32 $0x16620, s6;
	s11 =	sadd.s32 $0x40, s7  }
0x353: {  	[hbm4b:s11+s3] =	stream.linear.scatter [tilespmem:s10], [sflag:$0x9], $0x80, $0x38;
	[tilespmem:$0x1EC00] =	vst v63  }
0x354: {  	s10 =	sadd.s32 $0x166A8, s6;
	s11 =	sadd.s32 $0x50, s7  }
0x355: {  	[hbm4b:s11+s3] =	stream.linear.scatter [tilespmem:s10], [sflag:$0x9], $0x80, $0x38;
	[tilespmem:$0x1EC00] =	vst v63  }
0x356: {  	s10 =	sadd.s32 $0x16730, s6;
	s11 =	sadd.s32 $0x60, s7  }
0x357: {  	[hbm4b:s11+s3] =	stream.linear.scatter [tilespmem:s10], [sflag:$0x9], $0x80, $0x38;
	[tilespmem:$0x1EC00] =	vst v63  }
0x358: {  	s10 =	sadd.s32 $0x167B8, s6;
	s11 =	sadd.s32 $0x70, s7  }
0x359: {  	[hbm4b:s11+s3] =	stream.linear.scatter [tilespmem:s10], [sflag:$0x9], $0x80, $0x38;
	[tilespmem:$0x1EC00] =	vst v63  }
0x35a: {  	s8 =	simm.s32 @!p0 $0xE400;
	s6 =	sadd.s32 @!p0 $0x600, s0;
	s7 =	simm.s32 @!p0 $0x80  }
0x35b: {  	[tilespmem:s8], [sflag:$0x5] =	stream.indirect.gather @!p0 [hbm4b:s4+s7], $0x40, s6, s7, $0xb8;
	[tilespmem:$0x1EC00] =	vst v63  }
0x35c: {  	_ =	swait.ge [sflag:s14], $0x2000  }
0x35d: {  	[sflag:s14] =	ssyncset.done $0x0  }
0x35e: {  	[sflag:s14] =	ssyncadd.s32 $0xFFFFE000  }
0x35f: {  	s8 =	simm.s32 $0x0;
	_ =	swait.ge [sflag:s22], $0x2000  }
0x360: {  	v4 =	vmov s8;
	[sflag:s22] =	ssyncset.done $0x0  }
0x361: {  	s6 =	simm.s32 $0x10480;
	v4 =	vand.u32 $0x7C, v4;
	[sflag:s22] =	ssyncadd.s32 $0xFFFFE000  }
0x362: {  	v6 =	vadd.s32 v0, v4;
	v5 =	vld [tilespmem:s6+$0xFFFFFF80]  }
0x363: {  	v8 =	vadd.s32 v1, v4;
	v7 =	vld [tilespmem:s6+$0xFFFFFF90]  }
0x364: {  	v10 =	vadd.s32 v2, v4;
	v9 =	vld [tilespmem:s6+$0xFFFFFFA0]  }
0x365: {  	v4 =	vadd.s32 v3, v4;
	v11 =	vld [tilespmem:s6+$0xFFFFFFB0];
	_ =	sdelay $0x1  }
0x366: {  	[tilespmem:v6+s23+$0x0] =	vst.idx.msk $0xffff, v5  }
0x367: {  	s9 =	simm.s32 $0x1;
	[tilespmem:v8+s23+$0x0] =	vst.idx.msk $0xffff, v7  }
0x368: {  	v5 =	vmov s9;
	[tilespmem:v10+s23+$0x0] =	vst.idx.msk $0xffff, v9  }
0x369: {  	[tilespmem:v4+s23+$0x0] =	vst.idx.msk $0xffff, v11;
	v4 =	vand.u32 $0x7D, v5  }
0x36a: {  	v5 =	vld [tilespmem:s6+$0xFFFFFFC0];
	v6 =	vadd.s32 v0, v4  }
0x36b: {  	v7 =	vld [tilespmem:s6+$0xFFFFFFD0];
	v8 =	vadd.s32 v1, v4  }
0x36c: {  	v9 =	vld [tilespmem:s6+$0xFFFFFFE0];
	v60 =	vadd.s32 v2, v4  }
0x36d: {  	v11 =	vld [tilespmem:s6+$0xFFFFFFF0];
	v4 =	vadd.s32 v3, v4;
	_ =	sdelay $0x1  }
0x36e: {  	[tilespmem:v6+s23+$0x0] =	vst.idx.msk $0xffff, v5  }
0x36f: {  	s10 =	simm.s32 $0x2;
	[tilespmem:v8+s23+$0x0] =	vst.idx.msk $0xffff, v7  }
0x370: {  	v5 =	vmov s10;
	[tilespmem:v60+s23+$0x0] =	vst.idx.msk $0xffff, v9  }
0x371: {  	[tilespmem:v4+s23+$0x0] =	vst.idx.msk $0xffff, v11;
	v4 =	vand.u32 $0x7E, v5  }
0x372: {  	v5 =	vld [tilespmem:s6+$0x0];
	v6 =	vadd.s32 v0, v4  }
0x373: {  	v7 =	vld [tilespmem:s6+$0x10];
	v8 =	vadd.s32 v1, v4  }
0x374: {  	v9 =	vld [tilespmem:s6+$0x20];
	v61 =	vadd.s32 v2, v4  }
0x375: {  	v11 =	vld [tilespmem:s6+$0x30];
	v4 =	vadd.s32 v3, v4;
	_ =	sdelay $0x1  }
0x376: {  	[tilespmem:v6+s23+$0x0] =	vst.idx.msk $0xffff, v5  }
0x377: {  	s11 =	simm.s32 $0x3;
	[tilespmem:v8+s23+$0x0] =	vst.idx.msk $0xffff, v7  }
0x378: {  	v5 =	vmov s11;
	[tilespmem:v61+s23+$0x0] =	vst.idx.msk $0xffff, v9  }
0x379: {  	v5 =	vand.u32 $0x7F, v5;
	[tilespmem:v4+s23+$0x0] =	vst.idx.msk $0xffff, v11  }
0x37a: {  	v7 =	vadd.s32 v0, v5;
	v6 =	vld [tilespmem:s6+$0x40]  }
0x37b: {  	v62 =	vadd.s32 v1, v5;
	v8 =	vld [tilespmem:s6+$0x50]  }
0x37c: {  	v63 =	vadd.s32 v2, v5;
	v10 =	vld [tilespmem:s6+$0x60];
	_ =	sdelay $0x1  }
0x37d: {  	v5 =	vadd.s32 v3, v5;
	v4 =	vld [tilespmem:s6+$0x70]  }
0x37e: {  	[tilespmem:v7+s23+$0x0] =	vst.idx.msk $0xffff, v6  }
0x37f: {  	s7 =	simm.s32 $0x4;
	[tilespmem:v62+s23+$0x0] =	vst.idx.msk $0xffff, v8  }
0x380: {  	s8 =	simm.s32 $0x8;
	v6 =	vmov s7;
	[tilespmem:v63+s23+$0x0] =	vst.idx.msk $0xffff, v10  }
.LBB2_35:
0x381: {  	p1 =	sne.s32 s8, $0x7C  }
0x382: {  	v6 =	vand.u32 $0x7C, v6;
	[tilespmem:v5+s23+$0x0] =	vst.idx.msk $0xffff, v4;
	s6 =	sadd.s32 $0x100, s6;
	s9 =	smov.u32 s8;
	s8 =	sadd.s32 $0x4, s8  }
0x383: {  	v4 =	vld [tilespmem:s6+$0xFFFFFF80];
	v5 =	vadd.s32 v0, v6  }
0x384: {  	v8 =	vadd.s32 v1, v6;
	v7 =	vld [tilespmem:s6+$0xFFFFFF90]  }
0x385: {  	v10 =	vadd.s32 v2, v6;
	v9 =	vld [tilespmem:s6+$0xFFFFFFA0]  }
0x386: {  	v6 =	vadd.s32 v3, v6;
	v11 =	vld [tilespmem:s6+$0xFFFFFFB0];
	_ =	sdelay $0x1  }
0x387: {  	[tilespmem:v5+s23+$0x0] =	vst.idx.msk $0xffff, v4  }
0x388: {  	s10 =	sadd.s32 $0x1, s7;
	[tilespmem:v8+s23+$0x0] =	vst.idx.msk $0xffff, v7  }
0x389: {  	v4 =	vmov s10;
	[tilespmem:v10+s23+$0x0] =	vst.idx.msk $0xffff, v9  }
0x38a: {  	v4 =	vand.u32 $0x7D, v4;
	[tilespmem:v6+s23+$0x0] =	vst.idx.msk $0xffff, v11  }
0x38b: {  	v6 =	vadd.s32 v0, v4;
	v5 =	vld [tilespmem:s6+$0xFFFFFFC0]  }
0x38c: {  	v8 =	vadd.s32 v1, v4;
	v7 =	vld [tilespmem:s6+$0xFFFFFFD0]  }
0x38d: {  	v10 =	vadd.s32 v2, v4;
	v9 =	vld [tilespmem:s6+$0xFFFFFFE0]  }
0x38e: {  	v4 =	vadd.s32 v3, v4;
	v11 =	vld [tilespmem:s6+$0xFFFFFFF0];
	_ =	sdelay $0x1  }
0x38f: {  	[tilespmem:v6+s23+$0x0] =	vst.idx.msk $0xffff, v5  }
0x390: {  	s10 =	sadd.s32 $0x2, s7;
	[tilespmem:v8+s23+$0x0] =	vst.idx.msk $0xffff, v7  }
0x391: {  	v5 =	vmov s10;
	[tilespmem:v10+s23+$0x0] =	vst.idx.msk $0xffff, v9  }
0x392: {  	[tilespmem:v4+s23+$0x0] =	vst.idx.msk $0xffff, v11;
	v4 =	vand.u32 $0x7E, v5  }
0x393: {  	v5 =	vld [tilespmem:s6+$0x0];
	v6 =	vadd.s32 v0, v4  }
0x394: {  	v8 =	vadd.s32 v1, v4;
	v7 =	vld [tilespmem:s6+$0x10]  }
0x395: {  	v10 =	vadd.s32 v2, v4;
	v9 =	vld [tilespmem:s6+$0x20]  }
0x396: {  	v4 =	vadd.s32 v3, v4;
	v11 =	vld [tilespmem:s6+$0x30];
	_ =	sdelay $0x1  }
0x397: {  	[tilespmem:v6+s23+$0x0] =	vst.idx.msk $0xffff, v5  }
0x398: {  	s10 =	sadd.s32 $0x3, s7;
	s7 =	smov.u32 s9;
	[tilespmem:v8+s23+$0x0] =	vst.idx.msk $0xffff, v7  }
0x399: {  	v5 =	vmov s10;
	[tilespmem:v10+s23+$0x0] =	vst.idx.msk $0xffff, v9  }
0x39a: {  	v5 =	vand.u32 $0x7F, v5;
	[tilespmem:v4+s23+$0x0] =	vst.idx.msk $0xffff, v11  }
0x39b: {  	v7 =	vadd.s32 v0, v5;
	v6 =	vld [tilespmem:s6+$0x40]  }
0x39c: {  	v9 =	vadd.s32 v1, v5;
	v8 =	vld [tilespmem:s6+$0x50]  }
0x39d: {  	v11 =	vadd.s32 v2, v5;
	v10 =	vld [tilespmem:s6+$0x60]  }
.Ltmp21:
0x39e: {  	v5 =	vadd.s32 v3, v5;
	v4 =	vld [tilespmem:s6+$0x70];
	(pc) =	sbr.rel @p1 .LBB2_35-.Ltmp21, $4  }
0x39f: {  	_ = 	snop  }
0x3a0: {  	[tilespmem:v7+s23+$0x0] =	vst.idx.msk $0xffff, v6  }
0x3a1: {  	[tilespmem:v9+s23+$0x0] =	vst.idx.msk $0xffff, v8  }
0x3a2: {  	v6 =	vmov s7;
	[tilespmem:v11+s23+$0x0] =	vst.idx.msk $0xffff, v10  }
0x3a3: {  	_ =	sdelay $0x3  }
0x3a4: {  	v6 =	vand.u32 $0x7C, v6;
	[tilespmem:v5+s23+$0x0] =	vst.idx.msk $0xffff, v4;
	s6 =	sadd.s32 $0x100, s6  }
0x3a5: {  	v4 =	vld [tilespmem:s6+$0xFFFFFF80];
	v5 =	vadd.s32 v0, v6  }
0x3a6: {  	v7 =	vld [tilespmem:s6+$0xFFFFFF90];
	v8 =	vadd.s32 v1, v6  }
0x3a7: {  	v9 =	vld [tilespmem:s6+$0xFFFFFFA0];
	v10 =	vadd.s32 v2, v6  }
0x3a8: {  	v11 =	vld [tilespmem:s6+$0xFFFFFFB0];
	v6 =	vadd.s32 v3, v6;
	_ =	sdelay $0x1  }
0x3a9: {  	[tilespmem:v5+s23+$0x0] =	vst.idx.msk $0xffff, v4  }
0x3aa: {  	s8 =	sadd.s32 $0x1, s7;
	[tilespmem:v8+s23+$0x0] =	vst.idx.msk $0xffff, v7  }
0x3ab: {  	v4 =	vmov s8;
	[tilespmem:v10+s23+$0x0] =	vst.idx.msk $0xffff, v9  }
0x3ac: {  	v4 =	vand.u32 $0x7D, v4;
	[tilespmem:v6+s23+$0x0] =	vst.idx.msk $0xffff, v11  }
0x3ad: {  	v55 =	vadd.s32 v0, v4;
	v5 =	vld [tilespmem:s6+$0xFFFFFFC0]  }
0x3ae: {  	v56 =	vadd.s32 v1, v4;
	v7 =	vld [tilespmem:s6+$0xFFFFFFD0]  }
0x3af: {  	v57 =	vadd.s32 v2, v4;
	v9 =	vld [tilespmem:s6+$0xFFFFFFE0]  }
0x3b0: {  	v4 =	vadd.s32 v3, v4;
	v11 =	vld [tilespmem:s6+$0xFFFFFFF0];
	_ =	sdelay $0x1  }
0x3b1: {  	[tilespmem:v55+s23+$0x0] =	vst.idx.msk $0xffff, v5  }
0x3b2: {  	s11 =	sadd.s32 $0x2, s7;
	[tilespmem:v56+s23+$0x0] =	vst.idx.msk $0xffff, v7  }
0x3b3: {  	v5 =	vmov s11;
	[tilespmem:v57+s23+$0x0] =	vst.idx.msk $0xffff, v9  }
0x3b4: {  	[tilespmem:v4+s23+$0x0] =	vst.idx.msk $0xffff, v11;
	v4 =	vand.u32 $0x7E, v5  }
0x3b5: {  	v5 =	vld [tilespmem:s6+$0x0];
	v58 =	vadd.s32 v0, v4  }
0x3b6: {  	v7 =	vld [tilespmem:s6+$0x10];
	v59 =	vadd.s32 v1, v4  }
0x3b7: {  	v9 =	vld [tilespmem:s6+$0x20];
	v60 =	vadd.s32 v2, v4  }
0x3b8: {  	v11 =	vld [tilespmem:s6+$0x30];
	v4 =	vadd.s32 v3, v4;
	_ =	sdelay $0x1  }
0x3b9: {  	[tilespmem:v58+s23+$0x0] =	vst.idx.msk $0xffff, v5  }
0x3ba: {  	s9 =	sadd.s32 $0x3, s7;
	[tilespmem:v59+s23+$0x0] =	vst.idx.msk $0xffff, v7  }
0x3bb: {  	v5 =	vmov s9;
	[tilespmem:v60+s23+$0x0] =	vst.idx.msk $0xffff, v9  }
0x3bc: {  	[tilespmem:v4+s23+$0x0] =	vst.idx.msk $0xffff, v11;
	v4 =	vand.u32 $0x7F, v5  }
0x3bd: {  	v5 =	vld [tilespmem:s6+$0x40];
	v61 =	vadd.s32 v0, v4  }
0x3be: {  	v7 =	vld [tilespmem:s6+$0x50];
	v62 =	vadd.s32 v1, v4  }
0x3bf: {  	v9 =	vld [tilespmem:s6+$0x60];
	v63 =	vadd.s32 v2, v4  }
0x3c0: {  	v11 =	vld [tilespmem:s6+$0x70];
	v4 =	vadd.s32 v3, v4;
	_ =	sdelay $0x1  }
0x3c1: {  	[tilespmem:v61+s23+$0x0] =	vst.idx.msk $0xffff, v5  }
0x3c2: {  	[tilespmem:v62+s23+$0x0] =	vst.idx.msk $0xffff, v7  }
0x3c3: {  	s10 =	rddreg [dreg:$0x9];
	[tilespmem:v63+s23+$0x0] =	vst.idx.msk $0xffff, v9  }
0x3c4: {  	s7 =	sadd.s32 s2, s10;
	s11 =	simm.s32 $0x18600;
	[tilespmem:v4+s23+$0x0] =	vst.idx.msk $0xffff, v11  }
0x3c5: {  	[hbm4b:s7+s3] =	stream.linear.scatter [tilespmem:s11], [sflag:$0xA], $0x80, $0x38;
	[tilespmem:$0x1EC00] =	vst v63  }
0x3c6: {  	s8 =	simm.s32 $0x18688;
	s9 =	sadd.s32 $0x10, s7  }
0x3c7: {  	[hbm4b:s9+s3] =	stream.linear.scatter [tilespmem:s8], [sflag:$0xA], $0x80, $0x38;
	[tilespmem:$0x1EC00] =	vst v63  }
0x3c8: {  	s10 =	simm.s32 $0x18710;
	s11 =	sadd.s32 $0x20, s7  }
0x3c9: {  	[hbm4b:s11+s3] =	stream.linear.scatter [tilespmem:s10], [sflag:$0xA], $0x80, $0x38;
	[tilespmem:$0x1EC00] =	vst v63  }
0x3ca: {  	s8 =	simm.s32 $0x18798;
	s9 =	sadd.s32 $0x30, s7  }
0x3cb: {  	[hbm4b:s9+s3] =	stream.linear.scatter [tilespmem:s8], [sflag:$0xA], $0x80, $0x38;
	[tilespmem:$0x1EC00] =	vst v63  }
0x3cc: {  	s10 =	simm.s32 $0x18820;
	s11 =	sadd.s32 $0x40, s7  }
0x3cd: {  	[hbm4b:s11+s3] =	stream.linear.scatter [tilespmem:s10], [sflag:$0xA], $0x80, $0x38;
	[tilespmem:$0x1EC00] =	vst v63  }
0x3ce: {  	s6 =	simm.s32 $0x440;
	s8 =	simm.s32 $0x188A8;
	s9 =	sadd.s32 $0x50, s7  }
0x3cf: {  	[hbm4b:s9+s3] =	stream.linear.scatter [tilespmem:s8], [sflag:$0xA], $0x80, $0x38;
	[tilespmem:$0x1EC00] =	vst v63  }
0x3d0: {  	s10 =	simm.s32 $0x18930;
	s11 =	sadd.s32 $0x60, s7;
	s8 =	simm.s32 $0x2200  }
0x3d1: {  	[hbm4b:s11+s3] =	stream.linear.scatter [tilespmem:s10], [sflag:$0xA], $0x80, $0x38;
	[tilespmem:$0x1EC00] =	vst v63  }
0x3d2: {  	s9 =	simm.s32 $0x189B8;
	s10 =	sadd.s32 $0x70, s7;
	s7 =	sadd.s32 $0x1000, s7  }
.LBB2_37:
0x3d3: {  	[hbm4b:s10+s3] =	stream.linear.scatter [tilespmem:s9], [sflag:$0xA], $0x80, $0x38;
	[tilespmem:$0x1EC00] =	vst v63  }
0x3d4: {  	s9 =	smov.u32 s6;
	s6 =	smov.u32 s8  }
0x3d5: {  	s11 =	sadd.s32 $0x1100, s8;
	s6 =	sshra.s32 s6, $0x2;
	s10 =	sadd.s32 $0x18600, s9  }
0x3d6: {  	[hbm4b:s7+s3] =	stream.linear.scatter [tilespmem:s10], [sflag:$0xA], $0x80, $0x38;
	[tilespmem:$0x1EC00] =	vst v63  }
0x3d7: {  	p1 =	sne.s32 s8, $0x7700;
	s8 =	sadd.s32 $0x18688, s9;
	s10 =	sadd.s32 $0x10, s7  }
0x3d8: {  	[hbm4b:s10+s3] =	stream.linear.scatter [tilespmem:s8], [sflag:$0xA], $0x80, $0x38;
	[tilespmem:$0x1EC00] =	vst v63  }
0x3d9: {  	s8 =	sadd.s32 $0x18710, s9;
	s10 =	sadd.s32 $0x20, s7  }
0x3da: {  	[hbm4b:s10+s3] =	stream.linear.scatter [tilespmem:s8], [sflag:$0xA], $0x80, $0x38;
	[tilespmem:$0x1EC00] =	vst v63  }
0x3db: {  	s8 =	sadd.s32 $0x18798, s9;
	s10 =	sadd.s32 $0x30, s7  }
0x3dc: {  	[hbm4b:s10+s3] =	stream.linear.scatter [tilespmem:s8], [sflag:$0xA], $0x80, $0x38;
	[tilespmem:$0x1EC00] =	vst v63  }
0x3dd: {  	s8 =	sadd.s32 $0x18820, s9;
	s10 =	sadd.s32 $0x40, s7  }
0x3de: {  	[hbm4b:s10+s3] =	stream.linear.scatter [tilespmem:s8], [sflag:$0xA], $0x80, $0x38;
	[tilespmem:$0x1EC00] =	vst v63  }
.Ltmp22:
0x3df: {  	s8 =	sadd.s32 $0x188A8, s9;
	s10 =	sadd.s32 $0x50, s7;
	(pc) =	sbr.rel @p1 .LBB2_37-.Ltmp22, $4  }
0x3e0: {  	[hbm4b:s10+s3] =	stream.linear.scatter [tilespmem:s8], [sflag:$0xA], $0x80, $0x38;
	[tilespmem:$0x1EC00] =	vst v63  }
0x3e1: {  	s8 =	sadd.s32 $0x18930, s9;
	s10 =	sadd.s32 $0x60, s7;
	s9 =	sadd.s32 $0x189B8, s9  }
0x3e2: {  	[hbm4b:s10+s3] =	stream.linear.scatter [tilespmem:s8], [sflag:$0xA], $0x80, $0x38;
	[tilespmem:$0x1EC00] =	vst v63  }
0x3e3: {  	s10 =	sadd.s32 $0x70, s7;
	s7 =	sadd.s32 $0x1000, s7;
	s8 =	smov.u32 s11  }
0x3e4: {  	[hbm4b:s10+s3] =	stream.linear.scatter [tilespmem:s9], [sflag:$0xA], $0x80, $0x38;
	[tilespmem:$0x1EC00] =	vst v63  }
0x3e5: {  	s8 =	sadd.s32 $0x18600, s6  }
0x3e6: {  	[hbm4b:s7+s3] =	stream.linear.scatter [tilespmem:s8], [sflag:$0xA], $0x80, $0x38;
	[tilespmem:$0x1EC00] =	vst v63  }
0x3e7: {  	s10 =	sadd.s32 $0x18688, s6;
	s11 =	sadd.s32 $0x10, s7  }
0x3e8: {  	[hbm4b:s11+s3] =	stream.linear.scatter [tilespmem:s10], [sflag:$0xA], $0x80, $0x38;
	[tilespmem:$0x1EC00] =	vst v63  }
0x3e9: {  	s10 =	sadd.s32 $0x18710, s6;
	s11 =	sadd.s32 $0x20, s7  }
0x3ea: {  	[hbm4b:s11+s3] =	stream.linear.scatter [tilespmem:s10], [sflag:$0xA], $0x80, $0x38;
	[tilespmem:$0x1EC00] =	vst v63  }
0x3eb: {  	s10 =	sadd.s32 $0x18798, s6;
	s11 =	sadd.s32 $0x30, s7  }
0x3ec: {  	[hbm4b:s11+s3] =	stream.linear.scatter [tilespmem:s10], [sflag:$0xA], $0x80, $0x38;
	[tilespmem:$0x1EC00] =	vst v63  }
0x3ed: {  	s10 =	sadd.s32 $0x18820, s6;
	s11 =	sadd.s32 $0x40, s7  }
0x3ee: {  	[hbm4b:s11+s3] =	stream.linear.scatter [tilespmem:s10], [sflag:$0xA], $0x80, $0x38;
	[tilespmem:$0x1EC00] =	vst v63  }
0x3ef: {  	s10 =	sadd.s32 $0x188A8, s6;
	s11 =	sadd.s32 $0x50, s7  }
0x3f0: {  	[hbm4b:s11+s3] =	stream.linear.scatter [tilespmem:s10], [sflag:$0xA], $0x80, $0x38;
	[tilespmem:$0x1EC00] =	vst v63  }
0x3f1: {  	s10 =	sadd.s32 $0x18930, s6;
	s11 =	sadd.s32 $0x60, s7  }
0x3f2: {  	[hbm4b:s11+s3] =	stream.linear.scatter [tilespmem:s10], [sflag:$0xA], $0x80, $0x38;
	[tilespmem:$0x1EC00] =	vst v63  }
0x3f3: {  	s10 =	sadd.s32 $0x189B8, s6;
	s11 =	sadd.s32 $0x70, s7  }
0x3f4: {  	[hbm4b:s11+s3] =	stream.linear.scatter [tilespmem:s10], [sflag:$0xA], $0x80, $0x38;
	[tilespmem:$0x1EC00] =	vst v63  }
0x3f5: {  	s8 =	simm.s32 @!p0 $0x10400;
	s6 =	sadd.s32 @!p0 $0x680, s0;
	s7 =	simm.s32 @!p0 $0x80  }
0x3f6: {  	[tilespmem:s8], [sflag:$0x6] =	stream.indirect.gather @!p0 [hbm4b:s4+s7], $0x40, s6, s7, $0xb8;
	[tilespmem:$0x1EC00] =	vst v63  }
0x3f7: {  	_ =	swait.ge [sflag:s17], $0x2000  }
0x3f8: {  	[sflag:s17] =	ssyncset.done $0x0  }
0x3f9: {  	[sflag:s17] =	ssyncadd.s32 $0xFFFFE000  }
0x3fa: {  	s8 =	simm.s32 $0x0;
	_ =	swait.ge [sflag:s25], $0x2000  }
0x3fb: {  	v4 =	vmov s8;
	[sflag:s25] =	ssyncset.done $0x0  }
0x3fc: {  	s6 =	simm.s32 $0x12480;
	v4 =	vand.u32 $0x7C, v4;
	[sflag:s25] =	ssyncadd.s32 $0xFFFFE000  }
0x3fd: {  	v6 =	vadd.s32 v0, v4;
	v5 =	vld [tilespmem:s6+$0xFFFFFF80]  }
0x3fe: {  	v8 =	vadd.s32 v1, v4;
	v7 =	vld [tilespmem:s6+$0xFFFFFF90]  }
0x3ff: {  	v10 =	vadd.s32 v2, v4;
	v9 =	vld [tilespmem:s6+$0xFFFFFFA0]  }
0x400: {  	v4 =	vadd.s32 v3, v4;
	v11 =	vld [tilespmem:s6+$0xFFFFFFB0];
	_ =	sdelay $0x1  }
0x401: {  	[tilespmem:v6+s26+$0x0] =	vst.idx.msk $0xffff, v5  }
0x402: {  	s9 =	simm.s32 $0x1;
	[tilespmem:v8+s26+$0x0] =	vst.idx.msk $0xffff, v7  }
0x403: {  	v5 =	vmov s9;
	[tilespmem:v10+s26+$0x0] =	vst.idx.msk $0xffff, v9  }
0x404: {  	[tilespmem:v4+s26+$0x0] =	vst.idx.msk $0xffff, v11;
	v4 =	vand.u32 $0x7D, v5  }
0x405: {  	v5 =	vld [tilespmem:s6+$0xFFFFFFC0];
	v6 =	vadd.s32 v0, v4  }
0x406: {  	v7 =	vld [tilespmem:s6+$0xFFFFFFD0];
	v8 =	vadd.s32 v1, v4  }
0x407: {  	v9 =	vld [tilespmem:s6+$0xFFFFFFE0];
	v60 =	vadd.s32 v2, v4  }
0x408: {  	v11 =	vld [tilespmem:s6+$0xFFFFFFF0];
	v4 =	vadd.s32 v3, v4;
	_ =	sdelay $0x1  }
0x409: {  	[tilespmem:v6+s26+$0x0] =	vst.idx.msk $0xffff, v5  }
0x40a: {  	s10 =	simm.s32 $0x2;
	[tilespmem:v8+s26+$0x0] =	vst.idx.msk $0xffff, v7  }
0x40b: {  	v5 =	vmov s10;
	[tilespmem:v60+s26+$0x0] =	vst.idx.msk $0xffff, v9  }
0x40c: {  	[tilespmem:v4+s26+$0x0] =	vst.idx.msk $0xffff, v11;
	v4 =	vand.u32 $0x7E, v5  }
0x40d: {  	v5 =	vld [tilespmem:s6+$0x0];
	v6 =	vadd.s32 v0, v4  }
0x40e: {  	v7 =	vld [tilespmem:s6+$0x10];
	v8 =	vadd.s32 v1, v4  }
0x40f: {  	v9 =	vld [tilespmem:s6+$0x20];
	v61 =	vadd.s32 v2, v4  }
0x410: {  	v11 =	vld [tilespmem:s6+$0x30];
	v4 =	vadd.s32 v3, v4;
	_ =	sdelay $0x1  }
0x411: {  	[tilespmem:v6+s26+$0x0] =	vst.idx.msk $0xffff, v5  }
0x412: {  	s11 =	simm.s32 $0x3;
	[tilespmem:v8+s26+$0x0] =	vst.idx.msk $0xffff, v7  }
0x413: {  	v5 =	vmov s11;
	[tilespmem:v61+s26+$0x0] =	vst.idx.msk $0xffff, v9  }
0x414: {  	v5 =	vand.u32 $0x7F, v5;
	[tilespmem:v4+s26+$0x0] =	vst.idx.msk $0xffff, v11  }
0x415: {  	v7 =	vadd.s32 v0, v5;
	v6 =	vld [tilespmem:s6+$0x40]  }
0x416: {  	v62 =	vadd.s32 v1, v5;
	v8 =	vld [tilespmem:s6+$0x50]  }
0x417: {  	v63 =	vadd.s32 v2, v5;
	v10 =	vld [tilespmem:s6+$0x60];
	_ =	sdelay $0x1  }
0x418: {  	v5 =	vadd.s32 v3, v5;
	v4 =	vld [tilespmem:s6+$0x70]  }
0x419: {  	[tilespmem:v7+s26+$0x0] =	vst.idx.msk $0xffff, v6  }
0x41a: {  	s7 =	simm.s32 $0x4;
	[tilespmem:v62+s26+$0x0] =	vst.idx.msk $0xffff, v8  }
0x41b: {  	s8 =	simm.s32 $0x8;
	v6 =	vmov s7;
	[tilespmem:v63+s26+$0x0] =	vst.idx.msk $0xffff, v10  }
.LBB2_39:
0x41c: {  	p1 =	sne.s32 s8, $0x7C  }
0x41d: {  	v6 =	vand.u32 $0x7C, v6;
	[tilespmem:v5+s26+$0x0] =	vst.idx.msk $0xffff, v4;
	s6 =	sadd.s32 $0x100, s6;
	s9 =	smov.u32 s8;
	s8 =	sadd.s32 $0x4, s8  }
0x41e: {  	v4 =	vld [tilespmem:s6+$0xFFFFFF80];
	v5 =	vadd.s32 v0, v6  }
0x41f: {  	v8 =	vadd.s32 v1, v6;
	v7 =	vld [tilespmem:s6+$0xFFFFFF90]  }
0x420: {  	v10 =	vadd.s32 v2, v6;
	v9 =	vld [tilespmem:s6+$0xFFFFFFA0]  }
0x421: {  	v6 =	vadd.s32 v3, v6;
	v11 =	vld [tilespmem:s6+$0xFFFFFFB0];
	_ =	sdelay $0x1  }
0x422: {  	[tilespmem:v5+s26+$0x0] =	vst.idx.msk $0xffff, v4  }
0x423: {  	s10 =	sadd.s32 $0x1, s7;
	[tilespmem:v8+s26+$0x0] =	vst.idx.msk $0xffff, v7  }
0x424: {  	v4 =	vmov s10;
	[tilespmem:v10+s26+$0x0] =	vst.idx.msk $0xffff, v9  }
0x425: {  	v4 =	vand.u32 $0x7D, v4;
	[tilespmem:v6+s26+$0x0] =	vst.idx.msk $0xffff, v11  }
0x426: {  	v6 =	vadd.s32 v0, v4;
	v5 =	vld [tilespmem:s6+$0xFFFFFFC0]  }
0x427: {  	v8 =	vadd.s32 v1, v4;
	v7 =	vld [tilespmem:s6+$0xFFFFFFD0]  }
0x428: {  	v10 =	vadd.s32 v2, v4;
	v9 =	vld [tilespmem:s6+$0xFFFFFFE0]  }
0x429: {  	v4 =	vadd.s32 v3, v4;
	v11 =	vld [tilespmem:s6+$0xFFFFFFF0];
	_ =	sdelay $0x1  }
0x42a: {  	[tilespmem:v6+s26+$0x0] =	vst.idx.msk $0xffff, v5  }
0x42b: {  	s10 =	sadd.s32 $0x2, s7;
	[tilespmem:v8+s26+$0x0] =	vst.idx.msk $0xffff, v7  }
0x42c: {  	v5 =	vmov s10;
	[tilespmem:v10+s26+$0x0] =	vst.idx.msk $0xffff, v9  }
0x42d: {  	[tilespmem:v4+s26+$0x0] =	vst.idx.msk $0xffff, v11;
	v4 =	vand.u32 $0x7E, v5  }
0x42e: {  	v5 =	vld [tilespmem:s6+$0x0];
	v6 =	vadd.s32 v0, v4  }
0x42f: {  	v8 =	vadd.s32 v1, v4;
	v7 =	vld [tilespmem:s6+$0x10]  }
0x430: {  	v10 =	vadd.s32 v2, v4;
	v9 =	vld [tilespmem:s6+$0x20]  }
0x431: {  	v4 =	vadd.s32 v3, v4;
	v11 =	vld [tilespmem:s6+$0x30];
	_ =	sdelay $0x1  }
0x432: {  	[tilespmem:v6+s26+$0x0] =	vst.idx.msk $0xffff, v5  }
0x433: {  	s10 =	sadd.s32 $0x3, s7;
	s7 =	smov.u32 s9;
	[tilespmem:v8+s26+$0x0] =	vst.idx.msk $0xffff, v7  }
0x434: {  	v5 =	vmov s10;
	[tilespmem:v10+s26+$0x0] =	vst.idx.msk $0xffff, v9  }
0x435: {  	v5 =	vand.u32 $0x7F, v5;
	[tilespmem:v4+s26+$0x0] =	vst.idx.msk $0xffff, v11  }
0x436: {  	v7 =	vadd.s32 v0, v5;
	v6 =	vld [tilespmem:s6+$0x40]  }
0x437: {  	v9 =	vadd.s32 v1, v5;
	v8 =	vld [tilespmem:s6+$0x50]  }
0x438: {  	v11 =	vadd.s32 v2, v5;
	v10 =	vld [tilespmem:s6+$0x60]  }
.Ltmp23:
0x439: {  	v5 =	vadd.s32 v3, v5;
	v4 =	vld [tilespmem:s6+$0x70];
	(pc) =	sbr.rel @p1 .LBB2_39-.Ltmp23, $4  }
0x43a: {  	_ = 	snop  }
0x43b: {  	[tilespmem:v7+s26+$0x0] =	vst.idx.msk $0xffff, v6  }
0x43c: {  	[tilespmem:v9+s26+$0x0] =	vst.idx.msk $0xffff, v8  }
0x43d: {  	v6 =	vmov s7;
	[tilespmem:v11+s26+$0x0] =	vst.idx.msk $0xffff, v10  }
0x43e: {  	_ =	sdelay $0x3  }
0x43f: {  	v6 =	vand.u32 $0x7C, v6;
	[tilespmem:v5+s26+$0x0] =	vst.idx.msk $0xffff, v4;
	s6 =	sadd.s32 $0x100, s6  }
0x440: {  	v4 =	vld [tilespmem:s6+$0xFFFFFF80];
	v5 =	vadd.s32 v0, v6  }
0x441: {  	v7 =	vld [tilespmem:s6+$0xFFFFFF90];
	v8 =	vadd.s32 v1, v6  }
0x442: {  	v9 =	vld [tilespmem:s6+$0xFFFFFFA0];
	v10 =	vadd.s32 v2, v6  }
0x443: {  	v11 =	vld [tilespmem:s6+$0xFFFFFFB0];
	v6 =	vadd.s32 v3, v6;
	_ =	sdelay $0x1  }
0x444: {  	[tilespmem:v5+s26+$0x0] =	vst.idx.msk $0xffff, v4  }
0x445: {  	s8 =	sadd.s32 $0x1, s7;
	[tilespmem:v8+s26+$0x0] =	vst.idx.msk $0xffff, v7  }
0x446: {  	v4 =	vmov s8;
	[tilespmem:v10+s26+$0x0] =	vst.idx.msk $0xffff, v9  }
0x447: {  	v4 =	vand.u32 $0x7D, v4;
	[tilespmem:v6+s26+$0x0] =	vst.idx.msk $0xffff, v11  }
0x448: {  	v55 =	vadd.s32 v0, v4;
	v5 =	vld [tilespmem:s6+$0xFFFFFFC0]  }
0x449: {  	v56 =	vadd.s32 v1, v4;
	v7 =	vld [tilespmem:s6+$0xFFFFFFD0]  }
0x44a: {  	v57 =	vadd.s32 v2, v4;
	v9 =	vld [tilespmem:s6+$0xFFFFFFE0]  }
0x44b: {  	v4 =	vadd.s32 v3, v4;
	v11 =	vld [tilespmem:s6+$0xFFFFFFF0];
	_ =	sdelay $0x1  }
0x44c: {  	[tilespmem:v55+s26+$0x0] =	vst.idx.msk $0xffff, v5  }
0x44d: {  	s9 =	sadd.s32 $0x2, s7;
	[tilespmem:v56+s26+$0x0] =	vst.idx.msk $0xffff, v7  }
0x44e: {  	v5 =	vmov s9;
	[tilespmem:v57+s26+$0x0] =	vst.idx.msk $0xffff, v9  }
0x44f: {  	[tilespmem:v4+s26+$0x0] =	vst.idx.msk $0xffff, v11;
	v4 =	vand.u32 $0x7E, v5  }
0x450: {  	v5 =	vld [tilespmem:s6+$0x0];
	v58 =	vadd.s32 v0, v4  }
0x451: {  	v7 =	vld [tilespmem:s6+$0x10];
	v59 =	vadd.s32 v1, v4  }
0x452: {  	v9 =	vld [tilespmem:s6+$0x20];
	v60 =	vadd.s32 v2, v4  }
0x453: {  	v11 =	vld [tilespmem:s6+$0x30];
	v4 =	vadd.s32 v3, v4;
	_ =	sdelay $0x1  }
0x454: {  	[tilespmem:v58+s26+$0x0] =	vst.idx.msk $0xffff, v5  }
0x455: {  	s10 =	sadd.s32 $0x3, s7;
	[tilespmem:v59+s26+$0x0] =	vst.idx.msk $0xffff, v7  }
0x456: {  	v5 =	vmov s10;
	[tilespmem:v60+s26+$0x0] =	vst.idx.msk $0xffff, v9  }
0x457: {  	[tilespmem:v4+s26+$0x0] =	vst.idx.msk $0xffff, v11;
	v4 =	vand.u32 $0x7F, v5  }
0x458: {  	v5 =	vld [tilespmem:s6+$0x40];
	v61 =	vadd.s32 v0, v4  }
0x459: {  	v7 =	vld [tilespmem:s6+$0x50];
	v62 =	vadd.s32 v1, v4  }
0x45a: {  	v9 =	vld [tilespmem:s6+$0x60];
	v63 =	vadd.s32 v2, v4  }
0x45b: {  	v11 =	vld [tilespmem:s6+$0x70];
	v4 =	vadd.s32 v3, v4;
	_ =	sdelay $0x1  }
0x45c: {  	[tilespmem:v61+s26+$0x0] =	vst.idx.msk $0xffff, v5  }
0x45d: {  	[tilespmem:v62+s26+$0x0] =	vst.idx.msk $0xffff, v7  }
0x45e: {  	[tilespmem:v63+s26+$0x0] =	vst.idx.msk $0xffff, v9  }
0x45f: {  	s7 =	sadd.s32 s2, s12;
	s11 =	simm.s32 $0x1A800;
	[tilespmem:v4+s26+$0x0] =	vst.idx.msk $0xffff, v11  }
0x460: {  	[hbm4b:s7+s3] =	stream.linear.scatter [tilespmem:s11], [sflag:$0xB], $0x80, $0x38;
	[tilespmem:$0x1EC00] =	vst v63  }
0x461: {  	s8 =	simm.s32 $0x1A888;
	s9 =	sadd.s32 $0x10, s7  }
0x462: {  	[hbm4b:s9+s3] =	stream.linear.scatter [tilespmem:s8], [sflag:$0xB], $0x80, $0x38;
	[tilespmem:$0x1EC00] =	vst v63  }
0x463: {  	s10 =	simm.s32 $0x1A910;
	s11 =	sadd.s32 $0x20, s7  }
0x464: {  	[hbm4b:s11+s3] =	stream.linear.scatter [tilespmem:s10], [sflag:$0xB], $0x80, $0x38;
	[tilespmem:$0x1EC00] =	vst v63  }
0x465: {  	s8 =	simm.s32 $0x1A998;
	s9 =	sadd.s32 $0x30, s7  }
0x466: {  	[hbm4b:s9+s3] =	stream.linear.scatter [tilespmem:s8], [sflag:$0xB], $0x80, $0x38;
	[tilespmem:$0x1EC00] =	vst v63  }
0x467: {  	s10 =	simm.s32 $0x1AA20;
	s11 =	sadd.s32 $0x40, s7  }
0x468: {  	[hbm4b:s11+s3] =	stream.linear.scatter [tilespmem:s10], [sflag:$0xB], $0x80, $0x38;
	[tilespmem:$0x1EC00] =	vst v63  }
0x469: {  	s6 =	simm.s32 $0x440;
	s8 =	simm.s32 $0x1AAA8;
	s9 =	sadd.s32 $0x50, s7  }
0x46a: {  	[hbm4b:s9+s3] =	stream.linear.scatter [tilespmem:s8], [sflag:$0xB], $0x80, $0x38;
	[tilespmem:$0x1EC00] =	vst v63  }
0x46b: {  	s10 =	simm.s32 $0x1AB30;
	s11 =	sadd.s32 $0x60, s7;
	s8 =	simm.s32 $0x2200  }
0x46c: {  	[hbm4b:s11+s3] =	stream.linear.scatter [tilespmem:s10], [sflag:$0xB], $0x80, $0x38;
	[tilespmem:$0x1EC00] =	vst v63  }
0x46d: {  	s9 =	simm.s32 $0x1ABB8;
	s10 =	sadd.s32 $0x70, s7;
	s7 =	sadd.s32 $0x1000, s7  }
.LBB2_41:
0x46e: {  	[hbm4b:s10+s3] =	stream.linear.scatter [tilespmem:s9], [sflag:$0xB], $0x80, $0x38;
	[tilespmem:$0x1EC00] =	vst v63  }
0x46f: {  	s9 =	smov.u32 s6;
	s6 =	smov.u32 s8  }
0x470: {  	s11 =	sadd.s32 $0x1100, s8;
	s6 =	sshra.s32 s6, $0x2;
	s10 =	sadd.s32 $0x1A800, s9  }
0x471: {  	[hbm4b:s7+s3] =	stream.linear.scatter [tilespmem:s10], [sflag:$0xB], $0x80, $0x38;
	[tilespmem:$0x1EC00] =	vst v63  }
0x472: {  	p1 =	sne.s32 s8, $0x7700;
	s8 =	sadd.s32 $0x1A888, s9;
	s10 =	sadd.s32 $0x10, s7  }
0x473: {  	[hbm4b:s10+s3] =	stream.linear.scatter [tilespmem:s8], [sflag:$0xB], $0x80, $0x38;
	[tilespmem:$0x1EC00] =	vst v63  }
0x474: {  	s8 =	sadd.s32 $0x1A910, s9;
	s10 =	sadd.s32 $0x20, s7  }
0x475: {  	[hbm4b:s10+s3] =	stream.linear.scatter [tilespmem:s8], [sflag:$0xB], $0x80, $0x38;
	[tilespmem:$0x1EC00] =	vst v63  }
0x476: {  	s8 =	sadd.s32 $0x1A998, s9;
	s10 =	sadd.s32 $0x30, s7  }
0x477: {  	[hbm4b:s10+s3] =	stream.linear.scatter [tilespmem:s8], [sflag:$0xB], $0x80, $0x38;
	[tilespmem:$0x1EC00] =	vst v63  }
0x478: {  	s8 =	sadd.s32 $0x1AA20, s9;
	s10 =	sadd.s32 $0x40, s7  }
0x479: {  	[hbm4b:s10+s3] =	stream.linear.scatter [tilespmem:s8], [sflag:$0xB], $0x80, $0x38;
	[tilespmem:$0x1EC00] =	vst v63  }
.Ltmp24:
0x47a: {  	s8 =	sadd.s32 $0x1AAA8, s9;
	s10 =	sadd.s32 $0x50, s7;
	(pc) =	sbr.rel @p1 .LBB2_41-.Ltmp24, $4  }
0x47b: {  	[hbm4b:s10+s3] =	stream.linear.scatter [tilespmem:s8], [sflag:$0xB], $0x80, $0x38;
	[tilespmem:$0x1EC00] =	vst v63  }
0x47c: {  	s8 =	sadd.s32 $0x1AB30, s9;
	s10 =	sadd.s32 $0x60, s7;
	s9 =	sadd.s32 $0x1ABB8, s9  }
0x47d: {  	[hbm4b:s10+s3] =	stream.linear.scatter [tilespmem:s8], [sflag:$0xB], $0x80, $0x38;
	[tilespmem:$0x1EC00] =	vst v63  }
0x47e: {  	s10 =	sadd.s32 $0x70, s7;
	s7 =	sadd.s32 $0x1000, s7;
	s8 =	smov.u32 s11  }
0x47f: {  	[hbm4b:s10+s3] =	stream.linear.scatter [tilespmem:s9], [sflag:$0xB], $0x80, $0x38;
	[tilespmem:$0x1EC00] =	vst v63  }
0x480: {  	s8 =	sadd.s32 $0x1A800, s6  }
0x481: {  	[hbm4b:s7+s3] =	stream.linear.scatter [tilespmem:s8], [sflag:$0xB], $0x80, $0x38;
	[tilespmem:$0x1EC00] =	vst v63  }
0x482: {  	s10 =	sadd.s32 $0x1A888, s6;
	s11 =	sadd.s32 $0x10, s7  }
0x483: {  	[hbm4b:s11+s3] =	stream.linear.scatter [tilespmem:s10], [sflag:$0xB], $0x80, $0x38;
	[tilespmem:$0x1EC00] =	vst v63  }
0x484: {  	s10 =	sadd.s32 $0x1A910, s6;
	s11 =	sadd.s32 $0x20, s7  }
0x485: {  	[hbm4b:s11+s3] =	stream.linear.scatter [tilespmem:s10], [sflag:$0xB], $0x80, $0x38;
	[tilespmem:$0x1EC00] =	vst v63  }
0x486: {  	s10 =	sadd.s32 $0x1A998, s6;
	s11 =	sadd.s32 $0x30, s7  }
0x487: {  	[hbm4b:s11+s3] =	stream.linear.scatter [tilespmem:s10], [sflag:$0xB], $0x80, $0x38;
	[tilespmem:$0x1EC00] =	vst v63  }
0x488: {  	s10 =	sadd.s32 $0x1AA20, s6;
	s11 =	sadd.s32 $0x40, s7  }
0x489: {  	[hbm4b:s11+s3] =	stream.linear.scatter [tilespmem:s10], [sflag:$0xB], $0x80, $0x38;
	[tilespmem:$0x1EC00] =	vst v63  }
0x48a: {  	s10 =	sadd.s32 $0x1AAA8, s6;
	s11 =	sadd.s32 $0x50, s7  }
0x48b: {  	[hbm4b:s11+s3] =	stream.linear.scatter [tilespmem:s10], [sflag:$0xB], $0x80, $0x38;
	[tilespmem:$0x1EC00] =	vst v63  }
0x48c: {  	s10 =	sadd.s32 $0x1AB30, s6;
	s11 =	sadd.s32 $0x60, s7  }
0x48d: {  	[hbm4b:s11+s3] =	stream.linear.scatter [tilespmem:s10], [sflag:$0xB], $0x80, $0x38;
	[tilespmem:$0x1EC00] =	vst v63  }
0x48e: {  	s10 =	sadd.s32 $0x1ABB8, s6;
	s11 =	sadd.s32 $0x70, s7  }
0x48f: {  	[hbm4b:s11+s3] =	stream.linear.scatter [tilespmem:s10], [sflag:$0xB], $0x80, $0x38;
	[tilespmem:$0x1EC00] =	vst v63  }
0x490: {  	s0 =	sadd.s32 @!p0 $0x700, s0;
	s6 =	simm.s32 @!p0 $0x80;
	s7 =	simm.s32 @!p0 $0x12400  }
0x491: {  	[tilespmem:s7], [sflag:$0x7] =	stream.indirect.gather @!p0 [hbm4b:s4+s6], $0x40, s0, s6, $0xb8;
	[tilespmem:$0x1EC00] =	vst v63  }
0x492: {  	_ =	swait.ge [sflag:s18], $0x2000  }
0x493: {  	[sflag:s18] =	ssyncset.done $0x0  }
0x494: {  	[sflag:s18] =	ssyncadd.s32 $0xFFFFE000  }
0x495: {  	s8 =	simm.s32 $0x0;
	_ =	swait.ge [sflag:s29], $0x2000  }
0x496: {  	v4 =	vmov s8;
	[sflag:s29] =	ssyncset.done $0x0  }
0x497: {  	v4 =	vand.u32 $0x7C, v4;
	s0 =	simm.s32 $0x14480;
	[sflag:s29] =	ssyncadd.s32 $0xFFFFE000  }
0x498: {  	v6 =	vadd.s32 v0, v4;
	v5 =	vld [tilespmem:s0+$0xFFFFFF80]  }
0x499: {  	v8 =	vadd.s32 v1, v4;
	v7 =	vld [tilespmem:s0+$0xFFFFFF90]  }
0x49a: {  	v10 =	vadd.s32 v2, v4;
	v9 =	vld [tilespmem:s0+$0xFFFFFFA0]  }
0x49b: {  	v4 =	vadd.s32 v3, v4;
	v11 =	vld [tilespmem:s0+$0xFFFFFFB0];
	_ =	sdelay $0x1  }
0x49c: {  	[tilespmem:v6+s30+$0x0] =	vst.idx.msk $0xffff, v5  }
0x49d: {  	s9 =	simm.s32 $0x1;
	[tilespmem:v8+s30+$0x0] =	vst.idx.msk $0xffff, v7  }
0x49e: {  	v5 =	vmov s9;
	[tilespmem:v10+s30+$0x0] =	vst.idx.msk $0xffff, v9  }
0x49f: {  	[tilespmem:v4+s30+$0x0] =	vst.idx.msk $0xffff, v11;
	v4 =	vand.u32 $0x7D, v5  }
0x4a0: {  	v5 =	vld [tilespmem:s0+$0xFFFFFFC0];
	v6 =	vadd.s32 v0, v4  }
0x4a1: {  	v7 =	vld [tilespmem:s0+$0xFFFFFFD0];
	v8 =	vadd.s32 v1, v4  }
0x4a2: {  	v9 =	vld [tilespmem:s0+$0xFFFFFFE0];
	v60 =	vadd.s32 v2, v4  }
0x4a3: {  	v11 =	vld [tilespmem:s0+$0xFFFFFFF0];
	v4 =	vadd.s32 v3, v4;
	_ =	sdelay $0x1  }
0x4a4: {  	[tilespmem:v6+s30+$0x0] =	vst.idx.msk $0xffff, v5  }
0x4a5: {  	s10 =	simm.s32 $0x2;
	[tilespmem:v8+s30+$0x0] =	vst.idx.msk $0xffff, v7  }
0x4a6: {  	v5 =	vmov s10;
	[tilespmem:v60+s30+$0x0] =	vst.idx.msk $0xffff, v9  }
0x4a7: {  	[tilespmem:v4+s30+$0x0] =	vst.idx.msk $0xffff, v11;
	v4 =	vand.u32 $0x7E, v5  }
0x4a8: {  	v5 =	vld [tilespmem:s0+$0x0];
	v6 =	vadd.s32 v0, v4  }
0x4a9: {  	v7 =	vld [tilespmem:s0+$0x10];
	v8 =	vadd.s32 v1, v4  }
0x4aa: {  	v9 =	vld [tilespmem:s0+$0x20];
	v61 =	vadd.s32 v2, v4  }
0x4ab: {  	v11 =	vld [tilespmem:s0+$0x30];
	v4 =	vadd.s32 v3, v4;
	_ =	sdelay $0x1  }
0x4ac: {  	[tilespmem:v6+s30+$0x0] =	vst.idx.msk $0xffff, v5  }
0x4ad: {  	s11 =	simm.s32 $0x3;
	[tilespmem:v8+s30+$0x0] =	vst.idx.msk $0xffff, v7  }
0x4ae: {  	v5 =	vmov s11;
	[tilespmem:v61+s30+$0x0] =	vst.idx.msk $0xffff, v9  }
0x4af: {  	v5 =	vand.u32 $0x7F, v5;
	[tilespmem:v4+s30+$0x0] =	vst.idx.msk $0xffff, v11  }
0x4b0: {  	v7 =	vadd.s32 v0, v5;
	v6 =	vld [tilespmem:s0+$0x40]  }
0x4b1: {  	v62 =	vadd.s32 v1, v5;
	v8 =	vld [tilespmem:s0+$0x50]  }
0x4b2: {  	v63 =	vadd.s32 v2, v5;
	v10 =	vld [tilespmem:s0+$0x60];
	_ =	sdelay $0x1  }
0x4b3: {  	v5 =	vadd.s32 v3, v5;
	v4 =	vld [tilespmem:s0+$0x70]  }
0x4b4: {  	[tilespmem:v7+s30+$0x0] =	vst.idx.msk $0xffff, v6  }
0x4b5: {  	s6 =	simm.s32 $0x4;
	[tilespmem:v62+s30+$0x0] =	vst.idx.msk $0xffff, v8  }
0x4b6: {  	s7 =	simm.s32 $0x8;
	v6 =	vmov s6;
	[tilespmem:v63+s30+$0x0] =	vst.idx.msk $0xffff, v10  }
.LBB2_43:
0x4b7: {  	p1 =	sne.s32 s7, $0x7C  }
0x4b8: {  	v6 =	vand.u32 $0x7C, v6;
	[tilespmem:v5+s30+$0x0] =	vst.idx.msk $0xffff, v4;
	s0 =	sadd.s32 $0x100, s0;
	s8 =	smov.u32 s7;
	s7 =	sadd.s32 $0x4, s7  }
0x4b9: {  	v4 =	vld [tilespmem:s0+$0xFFFFFF80];
	v5 =	vadd.s32 v0, v6  }
0x4ba: {  	v8 =	vadd.s32 v1, v6;
	v7 =	vld [tilespmem:s0+$0xFFFFFF90]  }
0x4bb: {  	v10 =	vadd.s32 v2, v6;
	v9 =	vld [tilespmem:s0+$0xFFFFFFA0]  }
0x4bc: {  	v6 =	vadd.s32 v3, v6;
	v11 =	vld [tilespmem:s0+$0xFFFFFFB0];
	_ =	sdelay $0x1  }
0x4bd: {  	[tilespmem:v5+s30+$0x0] =	vst.idx.msk $0xffff, v4  }
0x4be: {  	s9 =	sadd.s32 $0x1, s6;
	[tilespmem:v8+s30+$0x0] =	vst.idx.msk $0xffff, v7  }
0x4bf: {  	v4 =	vmov s9;
	[tilespmem:v10+s30+$0x0] =	vst.idx.msk $0xffff, v9  }
0x4c0: {  	v4 =	vand.u32 $0x7D, v4;
	[tilespmem:v6+s30+$0x0] =	vst.idx.msk $0xffff, v11  }
0x4c1: {  	v6 =	vadd.s32 v0, v4;
	v5 =	vld [tilespmem:s0+$0xFFFFFFC0]  }
0x4c2: {  	v8 =	vadd.s32 v1, v4;
	v7 =	vld [tilespmem:s0+$0xFFFFFFD0]  }
0x4c3: {  	v10 =	vadd.s32 v2, v4;
	v9 =	vld [tilespmem:s0+$0xFFFFFFE0]  }
0x4c4: {  	v4 =	vadd.s32 v3, v4;
	v11 =	vld [tilespmem:s0+$0xFFFFFFF0];
	_ =	sdelay $0x1  }
0x4c5: {  	[tilespmem:v6+s30+$0x0] =	vst.idx.msk $0xffff, v5  }
0x4c6: {  	s9 =	sadd.s32 $0x2, s6;
	[tilespmem:v8+s30+$0x0] =	vst.idx.msk $0xffff, v7  }
0x4c7: {  	v5 =	vmov s9;
	[tilespmem:v10+s30+$0x0] =	vst.idx.msk $0xffff, v9  }
0x4c8: {  	[tilespmem:v4+s30+$0x0] =	vst.idx.msk $0xffff, v11;
	v4 =	vand.u32 $0x7E, v5  }
0x4c9: {  	v5 =	vld [tilespmem:s0+$0x0];
	v6 =	vadd.s32 v0, v4  }
0x4ca: {  	v8 =	vadd.s32 v1, v4;
	v7 =	vld [tilespmem:s0+$0x10]  }
0x4cb: {  	v10 =	vadd.s32 v2, v4;
	v9 =	vld [tilespmem:s0+$0x20]  }
0x4cc: {  	v4 =	vadd.s32 v3, v4;
	v11 =	vld [tilespmem:s0+$0x30];
	_ =	sdelay $0x1  }
0x4cd: {  	[tilespmem:v6+s30+$0x0] =	vst.idx.msk $0xffff, v5  }
0x4ce: {  	s9 =	sadd.s32 $0x3, s6;
	s6 =	smov.u32 s8;
	[tilespmem:v8+s30+$0x0] =	vst.idx.msk $0xffff, v7  }
0x4cf: {  	v5 =	vmov s9;
	[tilespmem:v10+s30+$0x0] =	vst.idx.msk $0xffff, v9  }
0x4d0: {  	v5 =	vand.u32 $0x7F, v5;
	[tilespmem:v4+s30+$0x0] =	vst.idx.msk $0xffff, v11  }
0x4d1: {  	v7 =	vadd.s32 v0, v5;
	v6 =	vld [tilespmem:s0+$0x40]  }
0x4d2: {  	v9 =	vadd.s32 v1, v5;
	v8 =	vld [tilespmem:s0+$0x50]  }
0x4d3: {  	v11 =	vadd.s32 v2, v5;
	v10 =	vld [tilespmem:s0+$0x60]  }
.Ltmp25:
0x4d4: {  	v5 =	vadd.s32 v3, v5;
	v4 =	vld [tilespmem:s0+$0x70];
	(pc) =	sbr.rel @p1 .LBB2_43-.Ltmp25, $4  }
0x4d5: {  	_ = 	snop  }
0x4d6: {  	[tilespmem:v7+s30+$0x0] =	vst.idx.msk $0xffff, v6  }
0x4d7: {  	[tilespmem:v9+s30+$0x0] =	vst.idx.msk $0xffff, v8  }
0x4d8: {  	v6 =	vmov s6;
	[tilespmem:v11+s30+$0x0] =	vst.idx.msk $0xffff, v10  }
0x4d9: {  	_ =	sdelay $0x3  }
0x4da: {  	v6 =	vand.u32 $0x7C, v6;
	[tilespmem:v5+s30+$0x0] =	vst.idx.msk $0xffff, v4;
	s0 =	sadd.s32 $0x100, s0  }
0x4db: {  	v4 =	vld [tilespmem:s0+$0xFFFFFF80];
	v5 =	vadd.s32 v0, v6  }
0x4dc: {  	v7 =	vld [tilespmem:s0+$0xFFFFFF90];
	v8 =	vadd.s32 v1, v6  }
0x4dd: {  	v9 =	vld [tilespmem:s0+$0xFFFFFFA0];
	v10 =	vadd.s32 v2, v6  }
0x4de: {  	v11 =	vld [tilespmem:s0+$0xFFFFFFB0];
	v6 =	vadd.s32 v3, v6;
	_ =	sdelay $0x1  }
0x4df: {  	[tilespmem:v5+s30+$0x0] =	vst.idx.msk $0xffff, v4  }
0x4e0: {  	s7 =	sadd.s32 $0x1, s6;
	[tilespmem:v8+s30+$0x0] =	vst.idx.msk $0xffff, v7  }
0x4e1: {  	v4 =	vmov s7;
	[tilespmem:v10+s30+$0x0] =	vst.idx.msk $0xffff, v9  }
0x4e2: {  	v4 =	vand.u32 $0x7D, v4;
	[tilespmem:v6+s30+$0x0] =	vst.idx.msk $0xffff, v11  }
0x4e3: {  	v55 =	vadd.s32 v0, v4;
	v5 =	vld [tilespmem:s0+$0xFFFFFFC0]  }
0x4e4: {  	v56 =	vadd.s32 v1, v4;
	v7 =	vld [tilespmem:s0+$0xFFFFFFD0]  }
0x4e5: {  	v57 =	vadd.s32 v2, v4;
	v9 =	vld [tilespmem:s0+$0xFFFFFFE0]  }
0x4e6: {  	v4 =	vadd.s32 v3, v4;
	v11 =	vld [tilespmem:s0+$0xFFFFFFF0];
	_ =	sdelay $0x1  }
0x4e7: {  	[tilespmem:v55+s30+$0x0] =	vst.idx.msk $0xffff, v5  }
0x4e8: {  	s9 =	sadd.s32 $0x2, s6;
	[tilespmem:v56+s30+$0x0] =	vst.idx.msk $0xffff, v7  }
0x4e9: {  	v5 =	vmov s9;
	[tilespmem:v57+s30+$0x0] =	vst.idx.msk $0xffff, v9  }
0x4ea: {  	[tilespmem:v4+s30+$0x0] =	vst.idx.msk $0xffff, v11;
	v4 =	vand.u32 $0x7E, v5  }
0x4eb: {  	v5 =	vld [tilespmem:s0+$0x0];
	v58 =	vadd.s32 v0, v4  }
0x4ec: {  	v7 =	vld [tilespmem:s0+$0x10];
	v59 =	vadd.s32 v1, v4  }
0x4ed: {  	v9 =	vld [tilespmem:s0+$0x20];
	v60 =	vadd.s32 v2, v4  }
0x4ee: {  	v11 =	vld [tilespmem:s0+$0x30];
	v4 =	vadd.s32 v3, v4;
	_ =	sdelay $0x1  }
0x4ef: {  	[tilespmem:v58+s30+$0x0] =	vst.idx.msk $0xffff, v5  }
0x4f0: {  	s10 =	sadd.s32 $0x3, s6;
	[tilespmem:v59+s30+$0x0] =	vst.idx.msk $0xffff, v7  }
0x4f1: {  	v5 =	vmov s10;
	[tilespmem:v60+s30+$0x0] =	vst.idx.msk $0xffff, v9  }
0x4f2: {  	[tilespmem:v4+s30+$0x0] =	vst.idx.msk $0xffff, v11;
	v4 =	vand.u32 $0x7F, v5  }
0x4f3: {  	v5 =	vld [tilespmem:s0+$0x40];
	v61 =	vadd.s32 v0, v4  }
0x4f4: {  	v7 =	vld [tilespmem:s0+$0x50];
	v62 =	vadd.s32 v1, v4  }
0x4f5: {  	v9 =	vld [tilespmem:s0+$0x60];
	v63 =	vadd.s32 v2, v4  }
0x4f6: {  	v11 =	vld [tilespmem:s0+$0x70];
	v4 =	vadd.s32 v3, v4;
	_ =	sdelay $0x1  }
0x4f7: {  	[tilespmem:v61+s30+$0x0] =	vst.idx.msk $0xffff, v5  }
0x4f8: {  	[tilespmem:v62+s30+$0x0] =	vst.idx.msk $0xffff, v7  }
0x4f9: {  	[tilespmem:v63+s30+$0x0] =	vst.idx.msk $0xffff, v9  }
0x4fa: {  	s2 =	sadd.s32 s2, s13;
	s11 =	simm.s32 $0x1CA00;
	[tilespmem:v4+s30+$0x0] =	vst.idx.msk $0xffff, v11  }
0x4fb: {  	[hbm4b:s2+s3] =	stream.linear.scatter [tilespmem:s11], [sflag:$0xC], $0x80, $0x38;
	[tilespmem:$0x1EC00] =	vst v63  }
0x4fc: {  	s6 =	simm.s32 $0x1CA88;
	s7 =	sadd.s32 $0x10, s2  }
0x4fd: {  	[hbm4b:s7+s3] =	stream.linear.scatter [tilespmem:s6], [sflag:$0xC], $0x80, $0x38;
	[tilespmem:$0x1EC00] =	vst v63  }
0x4fe: {  	s8 =	simm.s32 $0x1CB10;
	s9 =	sadd.s32 $0x20, s2;
	s10 =	simm.s32 $0x1CB98  }
0x4ff: {  	[hbm4b:s9+s3] =	stream.linear.scatter [tilespmem:s8], [sflag:$0xC], $0x80, $0x38;
	[tilespmem:$0x1EC00] =	vst v63  }
0x500: {  	s0 =	simm.s32 $0x440;
	s11 =	sadd.s32 $0x30, s2;
	s6 =	simm.s32 $0x1CC20  }
0x501: {  	[hbm4b:s11+s3] =	stream.linear.scatter [tilespmem:s10], [sflag:$0xC], $0x80, $0x38;
	[tilespmem:$0x1EC00] =	vst v63  }
0x502: {  	s7 =	sadd.s32 $0x40, s2;
	s8 =	simm.s32 $0x1CCA8;
	s9 =	sadd.s32 $0x50, s2  }
0x503: {  	[hbm4b:s7+s3] =	stream.linear.scatter [tilespmem:s6], [sflag:$0xC], $0x80, $0x38;
	[tilespmem:$0x1EC00] =	vst v63  }
0x504: {  	s10 =	simm.s32 $0x1CD30;
	s11 =	sadd.s32 $0x60, s2;
	s6 =	simm.s32 $0x2200  }
0x505: {  	[hbm4b:s9+s3] =	stream.linear.scatter [tilespmem:s8], [sflag:$0xC], $0x80, $0x38;
	[tilespmem:$0x1EC00] =	vst v63  }
0x506: {  	s7 =	simm.s32 $0x1CDB8;
	s8 =	sadd.s32 $0x70, s2;
	s2 =	sadd.s32 $0x1000, s2  }
0x507: {  	[hbm4b:s11+s3] =	stream.linear.scatter [tilespmem:s10], [sflag:$0xC], $0x80, $0x38;
	[tilespmem:$0x1EC00] =	vst v63  }
.LBB2_45:
0x508: {  	[hbm4b:s8+s3] =	stream.linear.scatter [tilespmem:s7], [sflag:$0xC], $0x80, $0x38;
	[tilespmem:$0x1EC00] =	vst v63  }
0x509: {  	s7 =	smov.u32 s0;
	s0 =	smov.u32 s6  }
0x50a: {  	s9 =	sadd.s32 $0x1100, s6;
	s0 =	sshra.s32 s0, $0x2;
	s8 =	sadd.s32 $0x1CA00, s7  }
0x50b: {  	[hbm4b:s2+s3] =	stream.linear.scatter [tilespmem:s8], [sflag:$0xC], $0x80, $0x38;
	[tilespmem:$0x1EC00] =	vst v63  }
0x50c: {  	p1 =	sne.s32 s6, $0x7700;
	s6 =	sadd.s32 $0x1CA88, s7;
	s8 =	sadd.s32 $0x10, s2  }
0x50d: {  	[hbm4b:s8+s3] =	stream.linear.scatter [tilespmem:s6], [sflag:$0xC], $0x80, $0x38;
	[tilespmem:$0x1EC00] =	vst v63  }
0x50e: {  	s6 =	sadd.s32 $0x1CB10, s7;
	s8 =	sadd.s32 $0x20, s2  }
0x50f: {  	[hbm4b:s8+s3] =	stream.linear.scatter [tilespmem:s6], [sflag:$0xC], $0x80, $0x38;
	[tilespmem:$0x1EC00] =	vst v63  }
0x510: {  	s6 =	sadd.s32 $0x1CB98, s7;
	s8 =	sadd.s32 $0x30, s2  }
0x511: {  	[hbm4b:s8+s3] =	stream.linear.scatter [tilespmem:s6], [sflag:$0xC], $0x80, $0x38;
	[tilespmem:$0x1EC00] =	vst v63  }
0x512: {  	s6 =	sadd.s32 $0x1CC20, s7;
	s8 =	sadd.s32 $0x40, s2  }
0x513: {  	[hbm4b:s8+s3] =	stream.linear.scatter [tilespmem:s6], [sflag:$0xC], $0x80, $0x38;
	[tilespmem:$0x1EC00] =	vst v63  }
.Ltmp26:
0x514: {  	s6 =	sadd.s32 $0x1CCA8, s7;
	s8 =	sadd.s32 $0x50, s2;
	(pc) =	sbr.rel @p1 .LBB2_45-.Ltmp26, $4  }
0x515: {  	[hbm4b:s8+s3] =	stream.linear.scatter [tilespmem:s6], [sflag:$0xC], $0x80, $0x38;
	[tilespmem:$0x1EC00] =	vst v63  }
0x516: {  	s6 =	sadd.s32 $0x1CD30, s7;
	s8 =	sadd.s32 $0x60, s2;
	s7 =	sadd.s32 $0x1CDB8, s7  }
0x517: {  	[hbm4b:s8+s3] =	stream.linear.scatter [tilespmem:s6], [sflag:$0xC], $0x80, $0x38;
	[tilespmem:$0x1EC00] =	vst v63  }
0x518: {  	s8 =	sadd.s32 $0x70, s2;
	s2 =	sadd.s32 $0x1000, s2;
	s6 =	smov.u32 s9  }
0x519: {  	[hbm4b:s8+s3] =	stream.linear.scatter [tilespmem:s7], [sflag:$0xC], $0x80, $0x38;
	[tilespmem:$0x1EC00] =	vst v63  }
0x51a: {  	s6 =	sadd.s32 $0x1CA00, s0  }
0x51b: {  	[hbm4b:s2+s3] =	stream.linear.scatter [tilespmem:s6], [sflag:$0xC], $0x80, $0x38;
	[tilespmem:$0x1EC00] =	vst v63  }
0x51c: {  	s10 =	sadd.s32 $0x1CA88, s0;
	s11 =	sadd.s32 $0x10, s2  }
0x51d: {  	[hbm4b:s11+s3] =	stream.linear.scatter [tilespmem:s10], [sflag:$0xC], $0x80, $0x38;
	[tilespmem:$0x1EC00] =	vst v63  }
0x51e: {  	s8 =	sadd.s32 $0x1CB10, s0;
	s9 =	sadd.s32 $0x20, s2  }
0x51f: {  	[hbm4b:s9+s3] =	stream.linear.scatter [tilespmem:s8], [sflag:$0xC], $0x80, $0x38;
	[tilespmem:$0x1EC00] =	vst v63  }
0x520: {  	s10 =	sadd.s32 $0x1CB98, s0;
	s11 =	sadd.s32 $0x30, s2  }
0x521: {  	[hbm4b:s11+s3] =	stream.linear.scatter [tilespmem:s10], [sflag:$0xC], $0x80, $0x38;
	[tilespmem:$0x1EC00] =	vst v63  }
0x522: {  	s8 =	sadd.s32 $0x1CC20, s0;
	s9 =	sadd.s32 $0x40, s2  }
0x523: {  	[hbm4b:s9+s3] =	stream.linear.scatter [tilespmem:s8], [sflag:$0xC], $0x80, $0x38;
	[tilespmem:$0x1EC00] =	vst v63  }
0x524: {  	s10 =	sadd.s32 $0x1CCA8, s0;
	s11 =	sadd.s32 $0x50, s2  }
0x525: {  	[hbm4b:s11+s3] =	stream.linear.scatter [tilespmem:s10], [sflag:$0xC], $0x80, $0x38;
	[tilespmem:$0x1EC00] =	vst v63  }
.Ltmp27:
0x526: {  	_ = 	snop;
	(pc) =	sbr.rel @p0 .LBB2_48-.Ltmp27, $4  }
0x527: {  	s8 =	sadd.s32 $0x1CD30, s0;
	s9 =	sadd.s32 $0x60, s2  }
0x528: {  	[hbm4b:s9+s3] =	stream.linear.scatter [tilespmem:s8], [sflag:$0xC], $0x80, $0x38;
	[tilespmem:$0x1EC00] =	vst v63  }
0x529: {  	s10 =	sadd.s32 $0x1CDB8, s0;
	s11 =	sadd.s32 $0x70, s2  }
0x52a: {  	[hbm4b:s11+s3] =	stream.linear.scatter [tilespmem:s10], [sflag:$0xC], $0x80, $0x38;
	[tilespmem:$0x1EC00] =	vst v63  }
.Ltmp28:
0x52b: {  	(pc) =	sbr.rel .LBB2_2-.Ltmp28, $4  }
0x52c: {  	_ = 	snop  }
0x52d: {  	s0 =	sshrl.u32 s21, $0x2  }
0x52e: {  	s2 =	simm.s32 $0x14400;
	s19 =	sadd.s32 $0x1, s19;
	s0 =	sadd.s32 $0x780, s0  }
0x52f: {  	[tilespmem:s2], [sflag:$0x8] =	stream.indirect.gather [hbm4b:s4+s15], $0x40, s0, s15, $0xb8;
	[tilespmem:$0x1EC00] =	vst v63  }
.LBB2_49:
0x530: {  	_ =	sfence.sel $0x180000  }
0x531: {  	[bflag:$0x0] =	sbarrier.arrive $0xFFFF  }
0x532: {  	_ =	strace $0x90000047  }
0x533: {  	s0 =	stileid.u32;
	[bflag:$0x2] =	sbarrier.arrive $0xFFFF  }
0x534: {  	p0 =	sne.s32 s0, $0x0;
	s0 =	rddreg [dreg:$0x2]  }
0x535: {  	s0 =	sadd.s32 @!p0 $0x100000, s0  }
0x536: {  	[sflag:s0] =	ssyncadd.tile.s32 @!p0 $0x1;
	_ =	shalt  }
.Lfunc_end2:
_tile_overlayer_lowered:
.L_overlay_start_2:
0x537: {  	(tag) =	ssettag $0x2  }
0x538: {  	s0 =	rddreg [dreg:$0x0];
	s2 =	stileid.u32  }
0x539: {  	s1 =	rddreg [dreg:$0x1];
	p0 =	sne.s32 s2, $0x0  }
0x53a: {  	s3 =	rddreg [dreg:$0x2];
	[bflag:$0x3] =	sbarrier.arrive $0xFFFF;
	s2 =	simm.s32 @!p0 $0x1C0D  }
0x53b: {  	[timem:s3], [sflag:s2] =	dma.local @!p0 [hbm:s0], s1  }
0x53c: {  	s0 =	simm.s32 @!p0 $0xD  }
0x53d: {  	_ =	swait.ge @!p0 [sflag:s0], s1  }
0x53e: {  	s1 =	ssub.s32 @!p0 $0x0, s1;
	[sflag:s0] =	ssyncset.done @!p0 $0x0  }
0x53f: {  	[sflag:s0] =	ssyncadd.s32 @!p0 s1  }
0x540: {  	[bflag:$0x3] =	sbarrier.arrive $0xFFFF  }
0x541: {  	_ =	shalt  }

</sc_bundles>
